<compile_context>
chip_gen: v7x
topology: tpu7x:2x2x1
jax: 0.10.2.dev20260603
libtpu: 0.0.44.dev20260713+nightly
codegen_flags: <defaults>
</compile_context>

<pallas_src>
import functools

import jax
import jax.numpy as jnp
import numpy as np
from jax import lax
from jax.experimental import pallas as pl
from jax.experimental.pallas import tpu as pltpu
from jax.experimental.pallas import tpu_sc as plsc

B, N, KNN, M = 8, 1024, 20, 8
EPS = 1e-5
INV_STD = np.float32(1.0 / np.sqrt(1.0 + EPS))
HI = jax.lax.Precision.HIGHEST

R = 256
NB = 256
NCORES, NSUBCORES = 2, 16
NW = NCORES * NSUBCORES
ROWS = B * N * KNN
RPW = ROWS // NW
CHUNK = 1280
NCHUNK = RPW // CHUNK


def _bf(v):
    return v.astype(jnp.bfloat16).astype(jnp.float32)


def _bfx(v):
    return lax.reduce_precision(v, exponent_bits=8, mantissa_bits=7)


def _knn_scores_kernel(xaug_row, xaug_full, xaug_t,
                       w1bd2, g12, b12, w2bd2, b22,
                       w1bd3, g13, b13, w2bd3, b23,
                       w1bd4, g14, b14, w2bd4, b24,
                       wconv, gc, bc, bdsum,
                       fidx_ref, s2_ref, s3_ref, s4_ref, h1_ref):
    b = pl.program_id(0)
    a_r = xaug_row[0]
    full = xaug_full[0]
    xt_t = xaug_t[0]

    acc = a_r[:, 0:1] * xt_t[0:1, :]
    for d in (1, 2):
        acc = acc + a_r[:, d:d + 1] * xt_t[d:d + 1, :]
    pd = (a_r[:, 9:10] + (acc + acc)) + xt_t[4:5, :]

    ctr = (a_r[:, 0:3] + a_r[:, 3:6]) + a_r[:, 6:9]

    iota = lax.broadcasted_iota(jnp.int32, (R, N), 1)

    cur = pd
    idx_cols = []
    xyz_cols = []
    for _ in range(KNN):
        v = jnp.max(cur, axis=1, keepdims=True)
        eqm = cur == v
        a = jnp.min(jnp.where(eqm, iota, jnp.int32(2**30)), axis=1,
                    keepdims=True)
        sel = iota == a
        onehot = sel.astype(jnp.float32)
        cur = jnp.where(sel, -jnp.inf, cur)
        idx_cols.append(a)
        nbrp = jnp.dot(onehot, full)
        nbr = (nbrp[:, 0:3] + nbrp[:, 3:6]) + nbrp[:, 6:9]
        diff = nbr - ctr
        xyz_cols.append(jnp.concatenate(
            [_bf(diff), _bf(nbr), jnp.zeros((R, 2), jnp.float32)], axis=1))

    fidx_ref[0] = jnp.concatenate(idx_cols, axis=1) + b * N
    xk = jnp.concatenate(xyz_cols, axis=1)
    for w1bd, g1, b1, w2bd, b2, s_out in (
        (w1bd2, g12, b12, w2bd2, b22, s2_ref),
        (w1bd3, g13, b13, w2bd3, b23, s3_ref),
        (w1bd4, g14, b14, w2bd4, b24, s4_ref),
    ):
        z = jnp.dot(xk, w1bd[...])
        act = jnp.maximum((z * INV_STD) * g1[...] + b1[...], 0.0)
        logits = jnp.dot(_bf(act), w2bd[...]) + b2[...]
        e = jnp.exp(logits)
        ehi = _bf(e)
        emid = _bf(e - ehi)
        denom = jnp.dot(ehi, bdsum[...]) + jnp.dot(emid, bdsum[...])
        s_out[0] = e / denom
    zc = jnp.dot(a_r, wconv[...])
    h1_ref[0] = _bf(jnp.maximum((zc * INV_STD) * gc[...] + bc[...], 0.0))


def _knn_scores(xaug, xaug_t, sn_params, conv1_params, bdsum):
    grid = (B, N // R)
    full_spec = pl.BlockSpec((1, N, 16), lambda b, r: (b, 0, 0))
    row_spec = pl.BlockSpec((1, R, 16), lambda b, r: (b, r, 0))
    t_spec = pl.BlockSpec((1, 16, N), lambda b, r: (b, 0, 0))

    def pspec(shape):
        return pl.BlockSpec(shape, lambda b, r: tuple(0 for _ in shape))

    in_specs = [row_spec, full_spec, t_spec]
    p_args = []
    for w1bd, g1, b1, w2bd, b2 in sn_params:
        p_args += [w1bd, g1, b1, w2bd, b2]
        in_specs += [pspec((8 * KNN, 16 * KNN)), pspec((1, 16 * KNN)),
                     pspec((1, 16 * KNN)), pspec((16 * KNN, M * KNN)),
                     pspec((1, M * KNN))]
    p_args += list(conv1_params)
    in_specs += [pspec((16, 64)), pspec((1, 64)), pspec((1, 64)),
                 pspec((M * KNN, M * KNN))]

    out_shape = [
        jax.ShapeDtypeStruct((B, N, KNN), jnp.int32),
        jax.ShapeDtypeStruct((B, N, KNN * M), jnp.float32),
        jax.ShapeDtypeStruct((B, N, KNN * M), jnp.float32),
        jax.ShapeDtypeStruct((B, N, KNN * M), jnp.float32),
        jax.ShapeDtypeStruct((B, N, 64), jnp.float32),
    ]
    out_specs = [
        pl.BlockSpec((1, R, KNN), lambda b, r: (b, r, 0)),
        pl.BlockSpec((1, R, KNN * M), lambda b, r: (b, r, 0)),
        pl.BlockSpec((1, R, KNN * M), lambda b, r: (b, r, 0)),
        pl.BlockSpec((1, R, KNN * M), lambda b, r: (b, r, 0)),
        pl.BlockSpec((1, R, 64), lambda b, r: (b, r, 0)),
    ]
    return pl.pallas_call(
        _knn_scores_kernel, grid=grid, in_specs=in_specs,
        out_specs=out_specs, out_shape=out_shape,
    )(xaug, xaug, xaug_t, *p_args, bdsum)


def _sc_gather(table, fidx):
    mesh = plsc.VectorSubcoreMesh(core_axis_name="c", subcore_axis_name="s")

    @functools.partial(
        pl.kernel, mesh=mesh,
        compiler_params=pltpu.CompilerParams(use_tc_tiling_on_sc=False),
        out_type=jax.ShapeDtypeStruct((ROWS, 64), jnp.float32),
        scratch_types=[
            pltpu.VMEM((CHUNK,), jnp.int32),
            pltpu.VMEM((CHUNK, 64), jnp.float32),
            pltpu.SemaphoreType.DMA,
        ],
    )
    def gather_k(table_hbm, idx_hbm, out_hbm, idx_v, rows_v, sem):
        wid = lax.axis_index("s") * NCORES + lax.axis_index("c")
        base = wid * RPW
        for c in range(NCHUNK):
            off = base + c * CHUNK
            pltpu.sync_copy(idx_hbm.at[pl.ds(off, CHUNK)], idx_v)
            pltpu.async_copy(table_hbm.at[idx_v], rows_v, sem).wait()
            pltpu.sync_copy(rows_v, out_hbm.at[pl.ds(off, CHUNK)])

    return gather_k(table, fidx)


def _combine(g, s, e8):
    sb = _bf(s)
    accs = [jnp.zeros((NB, 128), jnp.float32) for _ in range(M // 2)]
    for k in range(KNN):
        srep = jnp.dot(sb[:, k * M:(k + 1) * M], e8[...])
        gk = g[:, k * 64:(k + 1) * 64]
        g2 = jnp.concatenate([gk, gk], axis=1)
        for p2 in range(M // 2):
            accs[p2] = accs[p2] + srep[:, p2 * 128:(p2 + 1) * 128] * g2
    return jnp.concatenate(accs, axis=1)


def _dot_split(t, w):
    thi = _bf(t)
    tmid = _bf(t - thi)
    return jnp.dot(thi, w) + jnp.dot(tmid, w)


def _layer_kernel(g_ref, s_ref, wr, gv, bv, e8, out_ref):
    t = _combine(g_ref[0], s_ref[0], e8)
    z = _dot_split(t, wr[...])
    out_ref[0] = _bf(jnp.maximum((z * INV_STD) * gv[...] + bv[...], 0.0))


def _layer(g, s, wr, gv, bv, e8, cout):
    grid = (B, N // NB)
    return pl.pallas_call(
        _layer_kernel, grid=grid,
        in_specs=[
            pl.BlockSpec((1, NB, KNN * 64), lambda b, r: (b, r, 0)),
            pl.BlockSpec((1, NB, KNN * M), lambda b, r: (b, r, 0)),
            pl.BlockSpec((M * 64, cout), lambda b, r: (0, 0)),
            pl.BlockSpec((1, cout), lambda b, r: (0, 0)),
            pl.BlockSpec((1, cout), lambda b, r: (0, 0)),
            pl.BlockSpec((M, M * 64), lambda b, r: (0, 0)),
        ],
        out_specs=pl.BlockSpec((1, NB, cout), lambda b, r: (b, r, 0)),
        out_shape=jax.ShapeDtypeStruct((B, N, cout), jnp.float32),
    )(g, s, wr, gv, bv, e8)


def _layer4_pool_kernel(g_ref, s_ref, wr, gv, bv, w5, g5, b5, e8, out_ref):
    t = _combine(g_ref[0], s_ref[0], e8)
    z = _dot_split(t, wr[...])
    h4 = jnp.maximum((z * INV_STD) * gv[...] + bv[...], 0.0)
    z5 = jnp.dot(_bf(h4), w5[...])
    z5 = jnp.maximum((z5 * INV_STD) * g5[...] + b5[...], 0.0)
    pm = jnp.max(z5, axis=0, keepdims=True)

    @pl.when(pl.program_id(1) == 0)
    def _():
        out_ref[0] = pm

    @pl.when(pl.program_id(1) != 0)
    def _():
        out_ref[0] = jnp.maximum(out_ref[0], pm)


def _layer4_pool(g, s, wr, gv, bv, w5, g5, b5, e8):
    grid = (B, N // NB)
    return pl.pallas_call(
        _layer4_pool_kernel, grid=grid,
        in_specs=[
            pl.BlockSpec((1, NB, KNN * 64), lambda b, r: (b, r, 0)),
            pl.BlockSpec((1, NB, KNN * M), lambda b, r: (b, r, 0)),
            pl.BlockSpec((M * 64, 128), lambda b, r: (0, 0)),
            pl.BlockSpec((1, 128), lambda b, r: (0, 0)),
            pl.BlockSpec((1, 128), lambda b, r: (0, 0)),
            pl.BlockSpec((128, 1024), lambda b, r: (0, 0)),
            pl.BlockSpec((1, 1024), lambda b, r: (0, 0)),
            pl.BlockSpec((1, 1024), lambda b, r: (0, 0)),
            pl.BlockSpec((M, M * 64), lambda b, r: (0, 0)),
        ],
        out_specs=pl.BlockSpec((1, 1, 1024), lambda b, r: (b, 0, 0)),
        out_shape=jax.ShapeDtypeStruct((B, 1, 1024), jnp.float32),
    )(g, s, wr, gv, bv, w5, g5, b5, e8).reshape(B, 1024)


def _head_kernel(p_ref, w6, g6, b6, w7, b7, out_ref):
    z = jnp.dot(_bf(p_ref[...]), w6[...])
    h = jnp.maximum((z * INV_STD) * g6[...] + b6[...], 0.0)
    out_ref[...] = jnp.dot(_bf(h), w7[...]) + b7[...]


def _head(pooled, w6, g6, b6, w7, b7):
    return pl.pallas_call(
        _head_kernel,
        out_shape=jax.ShapeDtypeStruct((B, 40), jnp.float32),
    )(pooled, w6, g6, b6, w7, b7)


def _bank_reshape(kmat, cout):
    return kmat.reshape(64, M, cout).transpose(1, 0, 2).reshape(M * 64, cout)


def _split3(v):
    hi = _bfx(v)
    r1 = v - hi
    mid = _bfx(r1)
    lo = r1 - mid
    return hi, mid, lo


def _prep(x, params):
    p = params
    xt = jnp.transpose(x, (0, 2, 1))
    xhi, xmid, xlo = _split3(xt)
    xx = jnp.sum(x * x, axis=1)
    ones1 = jnp.ones((B, N, 1), jnp.float32)
    xaug = jnp.concatenate(
        [xhi, xmid, xlo, -xx[..., None], ones1,
         jnp.zeros((B, N, 5), jnp.float32)], axis=2)
    xaug_t = jnp.transpose(jnp.concatenate(
        [xhi, ones1, -xx[..., None], jnp.zeros((B, N, 11), jnp.float32)],
        axis=2), (0, 2, 1))

    eye20 = jnp.eye(KNN, dtype=jnp.float32)
    sn_params = []
    for nm in ("sn2", "sn3", "sn4"):
        w1t = jnp.pad(_bfx(p[nm + "_w1"]).T, ((0, 2), (0, 0)))
        w1bd = jnp.kron(eye20, w1t)
        w2bd = jnp.kron(eye20, _bfx(p[nm + "_w2"].T))
        sn_params.append((w1bd, jnp.tile(p[nm + "_g1"], KNN).reshape(1, -1),
                          jnp.tile(p[nm + "_b1"], KNN).reshape(1, -1),
                          w2bd, jnp.tile(p[nm + "_b2"], KNN).reshape(1, -1)))
    bdsum = jnp.kron(eye20, jnp.ones((M, M), jnp.float32))
    e8 = jnp.kron(jnp.eye(M, dtype=jnp.float32), jnp.ones((1, 64), jnp.float32))

    wconv = jnp.pad(_bfx(p["conv1_w"]).T, ((0, 13), (0, 0)))
    conv1_params = (wconv, p["bn1_g"].reshape(1, 64),
                    p["bn1_b"].reshape(1, 64))
    return xaug, xaug_t, sn_params, conv1_params, bdsum, e8


def kernel(x, params):
    p = params
    xaug, xaug_t, sn_params, conv1_params, bdsum, e8 = _prep(x, params)
    fidx, s2, s3, s4, h1 = _knn_scores(xaug, xaug_t, sn_params, conv1_params,
                                       bdsum)
    fidx_flat = fidx.reshape(-1)

    def bank(nm, bnm, cout):
        return (_bfx(_bank_reshape(p[nm], cout)),
                p[bnm + "_g"].reshape(1, cout), p[bnm + "_b"].reshape(1, cout))

    wr2, g2v, b2v = bank("matrice2", "bn2", 64)
    wr3, g3v, b3v = bank("matrice3", "bn3", 64)
    wr4, g4v, b4v = bank("matrice4", "bn4", 128)
    w5 = _bfx(p["conv5_w"].T)
    g5 = p["bn5_g"].reshape(1, 1024)
    b5 = p["bn5_b"].reshape(1, 1024)

    gat2 = _sc_gather(h1.reshape(B * N, 64), fidx_flat).reshape(B, N, KNN * 64)
    h2 = _layer(gat2, s2, wr2, g2v, b2v, e8, 64)
    gat3 = _sc_gather(h2.reshape(B * N, 64), fidx_flat).reshape(B, N, KNN * 64)
    h3 = _layer(gat3, s3, wr3, g3v, b3v, e8, 64)
    gat4 = _sc_gather(h3.reshape(B * N, 64), fidx_flat).reshape(B, N, KNN * 64)
    pooled = _layer4_pool(gat4, s4, wr4, g4v, b4v, w5, g5, b5, e8)

    w6 = _bfx(p["linear1_w"].T)
    g6 = p["bn6_g"].reshape(1, 512)
    b6 = p["bn6_b"].reshape(1, 512)
    w7 = _bfx(p["linear2_w"].T)
    b7 = p["linear2_b"].reshape(1, 40)
    return _head(pooled, w6, g6, b6, w7, b7)

# --- scband reference (transcript-rebuilt; emitter-appended) ---
"""Pipeline reference for scband-paconv-32263794328117 (READ-ONLY COPY).

The authoritative reference and input builder live on the scoring server;
editing this copy changes nothing except your own understanding.
"""

import jax, jax.numpy as jnp
import numpy as np

B, N, KNN_K, M = 8, 1024, 20, 8
EPS = 1e-5
INV_STD = 1.0 / np.sqrt(1.0 + EPS)


def setup_inputs(seed: int = 0):
    key = jax.random.key(seed)
    ks = jax.random.split(key, 20)
    x = jax.random.normal(ks[0], (B, 3, N), dtype=jnp.float32)

    def kaiming(k, shape, fan_in):
        return jax.random.normal(k, shape, dtype=jnp.float32) * np.sqrt(2.0 / fan_in)

    params = {
        'conv1_w': kaiming(ks[1], (64, 3), 3),
        'matrice2': kaiming(ks[2], (64, M * 64), 64),
        'matrice3': kaiming(ks[3], (64, M * 64), 64),
        'matrice4': kaiming(ks[4], (64, M * 128), 64),
        'conv5_w': kaiming(ks[5], (1024, 128), 128),
        'linear1_w': kaiming(ks[6], (512, 1024), 1024),
        'linear2_w': kaiming(ks[7], (40, 512), 512),
        'linear2_b': jnp.zeros((40,), jnp.float32),
    }
    for i, nm in enumerate(['sn2', 'sn3', 'sn4']):
        params[nm + '_w1'] = kaiming(ks[8 + 2 * i], (16, 6), 6)
        params[nm + '_g1'] = jnp.ones((16,), jnp.float32)
        params[nm + '_b1'] = jnp.zeros((16,), jnp.float32)
        params[nm + '_w2'] = kaiming(ks[9 + 2 * i], (M, 16), 16)
        params[nm + '_b2'] = jnp.zeros((M,), jnp.float32)
    for nm, c in [('bn1', 64), ('bn2', 64), ('bn3', 64), ('bn4', 128), ('bn5', 1024), ('bn6', 512)]:
        params[nm + '_g'] = jnp.ones((c,), jnp.float32)
        params[nm + '_b'] = jnp.zeros((c,), jnp.float32)
    return {'x': x, 'params': params}


def bn_eval(h, g, b):
    # eval-mode BatchNorm with freshly-initialized running stats (mean=0, var=1)
    shape = (1, -1) + (1,) * (h.ndim - 2)
    return h * INV_STD * g.reshape(shape) + b.reshape(shape)


def knn(x, k):
    # x: (B, 3, N); negative squared pairwise distance, top-k = nearest neighbors
    inner = -2.0 * jnp.einsum('bdn,bdm->bnm', x, x)
    xx = jnp.sum(x * x, axis=1)
    pd = -xx[:, :, None] - inner - xx[:, None, :]
    _, idx = jax.lax.top_k(pd, k)  # (B, N, k)
    return idx


def get_scorenet_input(x, idx):
    # x: (B, 3, N), idx: (B, N, k) -> (B, 6, N, k) = cat(neighbor-center, neighbor)
    xt = jnp.transpose(x, (0, 2, 1))  # B,N,3
    neighbor = jax.vmap(lambda pts, ii: pts[ii])(xt, idx)  # B,N,k,3
    center = jnp.broadcast_to(xt[:, :, None, :], neighbor.shape)
    xyz = jnp.concatenate([neighbor - center, neighbor], axis=3)  # B,N,k,6
    return jnp.transpose(xyz, (0, 3, 1, 2))


def scorenet(xyz, w1, g1, b1, w2, b2):
    # ScoreNet(6 -> 16 -> m): conv2d 1x1 (no bias) + BN + ReLU, conv2d 1x1 (bias), softmax over m
    h = jnp.einsum('bcnk,oc->bonk', xyz, w1)
    h = jax.nn.relu(bn_eval(h, g1, b1))
    s = jnp.einsum('bcnk,oc->bonk', h, w2) + b2[None, :, None, None]
    s = jax.nn.softmax(s, axis=1)  # + bias=0
    return jnp.transpose(s, (0, 2, 3, 1))  # B,N,k,m


def feat_trans(pi, kernel, m):
    # pi: (B, Cin, N), kernel: (Cin, m*Cout) -> (B, N, m, Cout)
    b, c, n = pi.shape
    return jnp.einsum('bcn,cd->bnd', pi, kernel).reshape(b, n, m, -1)


def assemble(score, point, idx):
    # assign_score_withk_halfkernel semantics:
    # out[b,o,n] = sum_k sum_m score[b,n,k,m] * point[b, idx[b,n,k], m, o]
    b, n, k, m = score.shape
    out = jnp.zeros((b, n, point.shape[-1]), dtype=point.dtype)
    for mm in range(m):
        gath = jax.vmap(lambda p, ii: p[ii])(point[:, :, mm, :], idx)  # B,N,k,O
        out = out + jnp.einsum('bnk,bnko->bno', score[:, :, :, mm], gath)
    return jnp.transpose(out, (0, 2, 1))  # B,O,N


def _forward(x, params, idx):
    xyz = get_scorenet_input(x, idx)
    h = jnp.einsum('bcn,oc->bon', x, params['conv1_w'])
    h = jax.nn.relu(bn_eval(h, params['bn1_g'], params['bn1_b']))
    h = feat_trans(h, params['matrice2'], M)
    s = scorenet(xyz, params['sn2_w1'], params['sn2_g1'], params['sn2_b1'], params['sn2_w2'], params['sn2_b2'])
    h = assemble(s, h, idx)
    h = jax.nn.relu(bn_eval(h, params['bn2_g'], params['bn2_b']))
    h = feat_trans(h, params['matrice3'], M)
    s = scorenet(xyz, params['sn3_w1'], params['sn3_g1'], params['sn3_b1'], params['sn3_w2'], params['sn3_b2'])
    h = assemble(s, h, idx)
    h = jax.nn.relu(bn_eval(h, params['bn3_g'], params['bn3_b']))
    h = feat_trans(h, params['matrice4'], M)
    s = scorenet(xyz, params['sn4_w1'], params['sn4_g1'], params['sn4_b1'], params['sn4_w2'], params['sn4_b2'])
    h = assemble(s, h, idx)
    h = jax.nn.relu(bn_eval(h, params['bn4_g'], params['bn4_b']))
    h = jnp.einsum('bcn,oc->bon', h, params['conv5_w'])
    h = jax.nn.relu(bn_eval(h, params['bn5_g'], params['bn5_b']))
    h = jnp.max(h, axis=2)  # adaptive_max_pool1d(., 1)
    h = jnp.einsum('bc,oc->bo', h, params['linear1_w'])
    h = jax.nn.relu(bn_eval(h, params['bn6_g'], params['bn6_b']))
    # dropout: identity in eval mode
    h = jnp.einsum('bc,oc->bo', h, params['linear2_w']) + params['linear2_b'][None, :]
    return h


def reference(x, params):
    idx = knn(x, KNN_K)
    return _forward(x, params, idx)

if __name__ == "__main__":
    import jax
    _d = setup_inputs()
    print(jax.jit(kernel)(*tuple(_d.values())))

</pallas_src>

<mosaic_0001>
#map = affine_map<(d0, d1) -> (0, 0)>
#map1 = affine_map<(d0, d1) -> (0)>
module attributes {stable_mosaic.version = 14 : i64} {
  func.func @gather_k(%arg0: i32, %arg1: i32, %arg2: memref<8192x64xf32, #tpu.memory_space<hbm>>, %arg3: memref<163840xi32, #tpu.memory_space<hbm>>, %arg4: memref<163840x64xf32, #tpu.memory_space<hbm>>, %arg5: memref<1280xi32, #tpu.memory_space<vmem>>, %arg6: memref<1280x64xf32, #tpu.memory_space<vmem>>, %arg7: memref<!tpu.dma_semaphore, #tpu.memory_space<semaphore_mem>>) attributes {dimension_semantics = [#tpu.dimension_semantics<core_parallel>, #tpu.dimension_semantics<subcore_parallel>], iteration_bounds = array<i64: 2, 16>, scalar_prefetch = 0 : i64, scratch_operands = 3 : i64, tpu.core_type = #tpu.core_type<sc_vector_subcore>, window_params = [{transform_indices = #map}, {transform_indices = #map1}, {transform_indices = #map}]} {
    %mul3A = arith.constant 2 : i32
    %mul3A_0 = arith.muli %arg1, %mul3A : i32
    %add3A = arith.addi %mul3A_0, %arg0 : i32
    %mul3A_1 = arith.constant 5120 : i32
    %mul3A_2 = arith.muli %add3A, %mul3A_1 : i32
    %add3A_3 = arith.constant 0 : i32
    %add3A_4 = arith.addi %mul3A_2, %add3A_3 : i32
    "tpu.region"() ({
      %run_scoped3A = tpu.sem_alloc : memref<!tpu.dma_semaphore, #tpu.memory_space<semaphore_mem>>
      %dma_start3A_33 = tpu.memref_slice %arg3[%add3A_4] : memref<163840xi32, #tpu.memory_space<hbm>> -> memref<1280xi32, #tpu.memory_space<hbm>>
      %dma_start3A_34 = tpu.memref_slice %arg3[%add3A_4] : memref<163840xi32, #tpu.memory_space<hbm>> -> memref<1280xi32, #tpu.memory_space<hbm>>
      tpu.enqueue_dma source(%dma_start3A_34 : memref<1280xi32, #tpu.memory_space<hbm>>) target(%arg5 : memref<1280xi32, #tpu.memory_space<vmem>>) target_semaphore(%run_scoped3A : memref<!tpu.dma_semaphore, #tpu.memory_space<semaphore_mem>>)
      %dma_wait3A_35 = tpu.memref_slice %arg3[%add3A_4] : memref<163840xi32, #tpu.memory_space<hbm>> -> memref<1280xi32, #tpu.memory_space<hbm>>
      %dma_wait3A_36 = tpu.memref_slice %arg3[%add3A_4] : memref<163840xi32, #tpu.memory_space<hbm>> -> memref<1280xi32, #tpu.memory_space<hbm>>
      tpu.wait_dma2 semaphore(%run_scoped3A : memref<!tpu.dma_semaphore, #tpu.memory_space<semaphore_mem>>) src(%dma_wait3A_36 : memref<1280xi32, #tpu.memory_space<hbm>>) dst(%arg5 : memref<1280xi32, #tpu.memory_space<vmem>>)
      tpu.yield
    }) : () -> ()
    %dma_start3A = arith.constant 0 : i32
    %dma_start3A_5 = arith.constant 0 : i32
    %dma_start3A_6 = tpu.memref_slice %arg2[%dma_start3A, %dma_start3A_5] : memref<8192x64xf32, #tpu.memory_space<hbm>> -> memref<8192x64xf32, #tpu.memory_space<hbm>>
    tpu.enqueue_indirect_dma source(%dma_start3A_6 : memref<8192x64xf32, #tpu.memory_space<hbm>>) target(%arg6 : memref<1280x64xf32, #tpu.memory_space<vmem>>) offsets(%arg5 : memref<1280xi32, #tpu.memory_space<vmem>>) semaphore(%arg7 : memref<!tpu.dma_semaphore, #tpu.memory_space<semaphore_mem>>)
    %dma_wait3A = arith.constant 0 : i32
    %dma_wait3A_7 = arith.constant 0 : i32
    %dma_wait3A_8 = tpu.memref_slice %arg2[%dma_wait3A, %dma_wait3A_7] : memref<8192x64xf32, #tpu.memory_space<hbm>> -> memref<8192x64xf32, #tpu.memory_space<hbm>>
    tpu.wait_indirect_dma semaphore(%arg7 : memref<!tpu.dma_semaphore, #tpu.memory_space<semaphore_mem>>) src(%dma_wait3A_8 : memref<8192x64xf32, #tpu.memory_space<hbm>>) dst(%arg6 : memref<1280x64xf32, #tpu.memory_space<vmem>>)
    "tpu.region"() ({
      %run_scoped3A = tpu.sem_alloc : memref<!tpu.dma_semaphore, #tpu.memory_space<semaphore_mem>>
      %dma_start3A_33 = arith.constant 0 : i32
      %dma_start3A_34 = tpu.memref_slice %arg4[%add3A_4, %dma_start3A_33] : memref<163840x64xf32, #tpu.memory_space<hbm>> -> memref<1280x64xf32, #tpu.memory_space<hbm>>
      %dma_start3A_35 = arith.constant 0 : i32
      %dma_start3A_36 = tpu.memref_slice %arg4[%add3A_4, %dma_start3A_35] : memref<163840x64xf32, #tpu.memory_space<hbm>> -> memref<1280x64xf32, #tpu.memory_space<hbm>>
      tpu.enqueue_dma source(%arg6 : memref<1280x64xf32, #tpu.memory_space<vmem>>) target(%dma_start3A_36 : memref<1280x64xf32, #tpu.memory_space<hbm>>) target_semaphore(%run_scoped3A : memref<!tpu.dma_semaphore, #tpu.memory_space<semaphore_mem>>)
      %dma_wait3A_37 = arith.constant 0 : i32
      %dma_wait3A_38 = tpu.memref_slice %arg4[%add3A_4, %dma_wait3A_37] : memref<163840x64xf32, #tpu.memory_space<hbm>> -> memref<1280x64xf32, #tpu.memory_space<hbm>>
      %dma_wait3A_39 = arith.constant 0 : i32
      %dma_wait3A_40 = tpu.memref_slice %arg4[%add3A_4, %dma_wait3A_39] : memref<163840x64xf32, #tpu.memory_space<hbm>> -> memref<1280x64xf32, #tpu.memory_space<hbm>>
      tpu.wait_dma2 semaphore(%run_scoped3A : memref<!tpu.dma_semaphore, #tpu.memory_space<semaphore_mem>>) src(%arg6 : memref<1280x64xf32, #tpu.memory_space<vmem>>) dst(%dma_wait3A_40 : memref<1280x64xf32, #tpu.memory_space<hbm>>)
      tpu.yield
    }) : () -> ()
    %add3A_9 = arith.constant 1280 : i32
    %add3A_10 = arith.addi %mul3A_2, %add3A_9 : i32
    "tpu.region"() ({
      %run_scoped3A = tpu.sem_alloc : memref<!tpu.dma_semaphore, #tpu.memory_space<semaphore_mem>>
      %dma_start3A_33 = tpu.memref_slice %arg3[%add3A_10] : memref<163840xi32, #tpu.memory_space<hbm>> -> memref<1280xi32, #tpu.memory_space<hbm>>
      %dma_start3A_34 = tpu.memref_slice %arg3[%add3A_10] : memref<163840xi32, #tpu.memory_space<hbm>> -> memref<1280xi32, #tpu.memory_space<hbm>>
      tpu.enqueue_dma source(%dma_start3A_34 : memref<1280xi32, #tpu.memory_space<hbm>>) target(%arg5 : memref<1280xi32, #tpu.memory_space<vmem>>) target_semaphore(%run_scoped3A : memref<!tpu.dma_semaphore, #tpu.memory_space<semaphore_mem>>)
      %dma_wait3A_35 = tpu.memref_slice %arg3[%add3A_10] : memref<163840xi32, #tpu.memory_space<hbm>> -> memref<1280xi32, #tpu.memory_space<hbm>>
      %dma_wait3A_36 = tpu.memref_slice %arg3[%add3A_10] : memref<163840xi32, #tpu.memory_space<hbm>> -> memref<1280xi32, #tpu.memory_space<hbm>>
      tpu.wait_dma2 semaphore(%run_scoped3A : memref<!tpu.dma_semaphore, #tpu.memory_space<semaphore_mem>>) src(%dma_wait3A_36 : memref<1280xi32, #tpu.memory_space<hbm>>) dst(%arg5 : memref<1280xi32, #tpu.memory_space<vmem>>)
      tpu.yield
    }) : () -> ()
    %dma_start3A_11 = arith.constant 0 : i32
    %dma_start3A_12 = arith.constant 0 : i32
    %dma_start3A_13 = tpu.memref_slice %arg2[%dma_start3A_11, %dma_start3A_12] : memref<8192x64xf32, #tpu.memory_space<hbm>> -> memref<8192x64xf32, #tpu.memory_space<hbm>>
    tpu.enqueue_indirect_dma source(%dma_start3A_13 : memref<8192x64xf32, #tpu.memory_space<hbm>>) target(%arg6 : memref<1280x64xf32, #tpu.memory_space<vmem>>) offsets(%arg5 : memref<1280xi32, #tpu.memory_space<vmem>>) semaphore(%arg7 : memref<!tpu.dma_semaphore, #tpu.memory_space<semaphore_mem>>)
    %dma_wait3A_14 = arith.constant 0 : i32
    %dma_wait3A_15 = arith.constant 0 : i32
    %dma_wait3A_16 = tpu.memref_slice %arg2[%dma_wait3A_14, %dma_wait3A_15] : memref<8192x64xf32, #tpu.memory_space<hbm>> -> memref<8192x64xf32, #tpu.memory_space<hbm>>
    tpu.wait_indirect_dma semaphore(%arg7 : memref<!tpu.dma_semaphore, #tpu.memory_space<semaphore_mem>>) src(%dma_wait3A_16 : memref<8192x64xf32, #tpu.memory_space<hbm>>) dst(%arg6 : memref<1280x64xf32, #tpu.memory_space<vmem>>)
    "tpu.region"() ({
      %run_scoped3A = tpu.sem_alloc : memref<!tpu.dma_semaphore, #tpu.memory_space<semaphore_mem>>
      %dma_start3A_33 = arith.constant 0 : i32
      %dma_start3A_34 = tpu.memref_slice %arg4[%add3A_10, %dma_start3A_33] : memref<163840x64xf32, #tpu.memory_space<hbm>> -> memref<1280x64xf32, #tpu.memory_space<hbm>>
      %dma_start3A_35 = arith.constant 0 : i32
      %dma_start3A_36 = tpu.memref_slice %arg4[%add3A_10, %dma_start3A_35] : memref<163840x64xf32, #tpu.memory_space<hbm>> -> memref<1280x64xf32, #tpu.memory_space<hbm>>
      tpu.enqueue_dma source(%arg6 : memref<1280x64xf32, #tpu.memory_space<vmem>>) target(%dma_start3A_36 : memref<1280x64xf32, #tpu.memory_space<hbm>>) target_semaphore(%run_scoped3A : memref<!tpu.dma_semaphore, #tpu.memory_space<semaphore_mem>>)
      %dma_wait3A_37 = arith.constant 0 : i32
      %dma_wait3A_38 = tpu.memref_slice %arg4[%add3A_10, %dma_wait3A_37] : memref<163840x64xf32, #tpu.memory_space<hbm>> -> memref<1280x64xf32, #tpu.memory_space<hbm>>
      %dma_wait3A_39 = arith.constant 0 : i32
      %dma_wait3A_40 = tpu.memref_slice %arg4[%add3A_10, %dma_wait3A_39] : memref<163840x64xf32, #tpu.memory_space<hbm>> -> memref<1280x64xf32, #tpu.memory_space<hbm>>
      tpu.wait_dma2 semaphore(%run_scoped3A : memref<!tpu.dma_semaphore, #tpu.memory_space<semaphore_mem>>) src(%arg6 : memref<1280x64xf32, #tpu.memory_space<vmem>>) dst(%dma_wait3A_40 : memref<1280x64xf32, #tpu.memory_space<hbm>>)
      tpu.yield
    }) : () -> ()
    %add3A_17 = arith.constant 2560 : i32
    %add3A_18 = arith.addi %mul3A_2, %add3A_17 : i32
    "tpu.region"() ({
      %run_scoped3A = tpu.sem_alloc : memref<!tpu.dma_semaphore, #tpu.memory_space<semaphore_mem>>
      %dma_start3A_33 = tpu.memref_slice %arg3[%add3A_18] : memref<163840xi32, #tpu.memory_space<hbm>> -> memref<1280xi32, #tpu.memory_space<hbm>>
      %dma_start3A_34 = tpu.memref_slice %arg3[%add3A_18] : memref<163840xi32, #tpu.memory_space<hbm>> -> memref<1280xi32, #tpu.memory_space<hbm>>
      tpu.enqueue_dma source(%dma_start3A_34 : memref<1280xi32, #tpu.memory_space<hbm>>) target(%arg5 : memref<1280xi32, #tpu.memory_space<vmem>>) target_semaphore(%run_scoped3A : memref<!tpu.dma_semaphore, #tpu.memory_space<semaphore_mem>>)
      %dma_wait3A_35 = tpu.memref_slice %arg3[%add3A_18] : memref<163840xi32, #tpu.memory_space<hbm>> -> memref<1280xi32, #tpu.memory_space<hbm>>
      %dma_wait3A_36 = tpu.memref_slice %arg3[%add3A_18] : memref<163840xi32, #tpu.memory_space<hbm>> -> memref<1280xi32, #tpu.memory_space<hbm>>
      tpu.wait_dma2 semaphore(%run_scoped3A : memref<!tpu.dma_semaphore, #tpu.memory_space<semaphore_mem>>) src(%dma_wait3A_36 : memref<1280xi32, #tpu.memory_space<hbm>>) dst(%arg5 : memref<1280xi32, #tpu.memory_space<vmem>>)
      tpu.yield
    }) : () -> ()
    %dma_start3A_19 = arith.constant 0 : i32
    %dma_start3A_20 = arith.constant 0 : i32
    %dma_start3A_21 = tpu.memref_slice %arg2[%dma_start3A_19, %dma_start3A_20] : memref<8192x64xf32, #tpu.memory_space<hbm>> -> memref<8192x64xf32, #tpu.memory_space<hbm>>
    tpu.enqueue_indirect_dma source(%dma_start3A_21 : memref<8192x64xf32, #tpu.memory_space<hbm>>) target(%arg6 : memref<1280x64xf32, #tpu.memory_space<vmem>>) offsets(%arg5 : memref<1280xi32, #tpu.memory_space<vmem>>) semaphore(%arg7 : memref<!tpu.dma_semaphore, #tpu.memory_space<semaphore_mem>>)
    %dma_wait3A_22 = arith.constant 0 : i32
    %dma_wait3A_23 = arith.constant 0 : i32
    %dma_wait3A_24 = tpu.memref_slice %arg2[%dma_wait3A_22, %dma_wait3A_23] : memref<8192x64xf32, #tpu.memory_space<hbm>> -> memref<8192x64xf32, #tpu.memory_space<hbm>>
    tpu.wait_indirect_dma semaphore(%arg7 : memref<!tpu.dma_semaphore, #tpu.memory_space<semaphore_mem>>) src(%dma_wait3A_24 : memref<8192x64xf32, #tpu.memory_space<hbm>>) dst(%arg6 : memref<1280x64xf32, #tpu.memory_space<vmem>>)
    "tpu.region"() ({
      %run_scoped3A = tpu.sem_alloc : memref<!tpu.dma_semaphore, #tpu.memory_space<semaphore_mem>>
      %dma_start3A_33 = arith.constant 0 : i32
      %dma_start3A_34 = tpu.memref_slice %arg4[%add3A_18, %dma_start3A_33] : memref<163840x64xf32, #tpu.memory_space<hbm>> -> memref<1280x64xf32, #tpu.memory_space<hbm>>
      %dma_start3A_35 = arith.constant 0 : i32
      %dma_start3A_36 = tpu.memref_slice %arg4[%add3A_18, %dma_start3A_35] : memref<163840x64xf32, #tpu.memory_space<hbm>> -> memref<1280x64xf32, #tpu.memory_space<hbm>>
      tpu.enqueue_dma source(%arg6 : memref<1280x64xf32, #tpu.memory_space<vmem>>) target(%dma_start3A_36 : memref<1280x64xf32, #tpu.memory_space<hbm>>) target_semaphore(%run_scoped3A : memref<!tpu.dma_semaphore, #tpu.memory_space<semaphore_mem>>)
      %dma_wait3A_37 = arith.constant 0 : i32
      %dma_wait3A_38 = tpu.memref_slice %arg4[%add3A_18, %dma_wait3A_37] : memref<163840x64xf32, #tpu.memory_space<hbm>> -> memref<1280x64xf32, #tpu.memory_space<hbm>>
      %dma_wait3A_39 = arith.constant 0 : i32
      %dma_wait3A_40 = tpu.memref_slice %arg4[%add3A_18, %dma_wait3A_39] : memref<163840x64xf32, #tpu.memory_space<hbm>> -> memref<1280x64xf32, #tpu.memory_space<hbm>>
      tpu.wait_dma2 semaphore(%run_scoped3A : memref<!tpu.dma_semaphore, #tpu.memory_space<semaphore_mem>>) src(%arg6 : memref<1280x64xf32, #tpu.memory_space<vmem>>) dst(%dma_wait3A_40 : memref<1280x64xf32, #tpu.memory_space<hbm>>)
      tpu.yield
    }) : () -> ()
    %add3A_25 = arith.constant 3840 : i32
    %add3A_26 = arith.addi %mul3A_2, %add3A_25 : i32
    "tpu.region"() ({
      %run_scoped3A = tpu.sem_alloc : memref<!tpu.dma_semaphore, #tpu.memory_space<semaphore_mem>>
      %dma_start3A_33 = tpu.memref_slice %arg3[%add3A_26] : memref<163840xi32, #tpu.memory_space<hbm>> -> memref<1280xi32, #tpu.memory_space<hbm>>
      %dma_start3A_34 = tpu.memref_slice %arg3[%add3A_26] : memref<163840xi32, #tpu.memory_space<hbm>> -> memref<1280xi32, #tpu.memory_space<hbm>>
      tpu.enqueue_dma source(%dma_start3A_34 : memref<1280xi32, #tpu.memory_space<hbm>>) target(%arg5 : memref<1280xi32, #tpu.memory_space<vmem>>) target_semaphore(%run_scoped3A : memref<!tpu.dma_semaphore, #tpu.memory_space<semaphore_mem>>)
      %dma_wait3A_35 = tpu.memref_slice %arg3[%add3A_26] : memref<163840xi32, #tpu.memory_space<hbm>> -> memref<1280xi32, #tpu.memory_space<hbm>>
      %dma_wait3A_36 = tpu.memref_slice %arg3[%add3A_26] : memref<163840xi32, #tpu.memory_space<hbm>> -> memref<1280xi32, #tpu.memory_space<hbm>>
      tpu.wait_dma2 semaphore(%run_scoped3A : memref<!tpu.dma_semaphore, #tpu.memory_space<semaphore_mem>>) src(%dma_wait3A_36 : memref<1280xi32, #tpu.memory_space<hbm>>) dst(%arg5 : memref<1280xi32, #tpu.memory_space<vmem>>)
      tpu.yield
    }) : () -> ()
    %dma_start3A_27 = arith.constant 0 : i32
    %dma_start3A_28 = arith.constant 0 : i32
    %dma_start3A_29 = tpu.memref_slice %arg2[%dma_start3A_27, %dma_start3A_28] : memref<8192x64xf32, #tpu.memory_space<hbm>> -> memref<8192x64xf32, #tpu.memory_space<hbm>>
    tpu.enqueue_indirect_dma source(%dma_start3A_29 : memref<8192x64xf32, #tpu.memory_space<hbm>>) target(%arg6 : memref<1280x64xf32, #tpu.memory_space<vmem>>) offsets(%arg5 : memref<1280xi32, #tpu.memory_space<vmem>>) semaphore(%arg7 : memref<!tpu.dma_semaphore, #tpu.memory_space<semaphore_mem>>)
    %dma_wait3A_30 = arith.constant 0 : i32
    %dma_wait3A_31 = arith.constant 0 : i32
    %dma_wait3A_32 = tpu.memref_slice %arg2[%dma_wait3A_30, %dma_wait3A_31] : memref<8192x64xf32, #tpu.memory_space<hbm>> -> memref<8192x64xf32, #tpu.memory_space<hbm>>
    tpu.wait_indirect_dma semaphore(%arg7 : memref<!tpu.dma_semaphore, #tpu.memory_space<semaphore_mem>>) src(%dma_wait3A_32 : memref<8192x64xf32, #tpu.memory_space<hbm>>) dst(%arg6 : memref<1280x64xf32, #tpu.memory_space<vmem>>)
    "tpu.region"() ({
      %run_scoped3A = tpu.sem_alloc : memref<!tpu.dma_semaphore, #tpu.memory_space<semaphore_mem>>
      %dma_start3A_33 = arith.constant 0 : i32
      %dma_start3A_34 = tpu.memref_slice %arg4[%add3A_26, %dma_start3A_33] : memref<163840x64xf32, #tpu.memory_space<hbm>> -> memref<1280x64xf32, #tpu.memory_space<hbm>>
      %dma_start3A_35 = arith.constant 0 : i32
      %dma_start3A_36 = tpu.memref_slice %arg4[%add3A_26, %dma_start3A_35] : memref<163840x64xf32, #tpu.memory_space<hbm>> -> memref<1280x64xf32, #tpu.memory_space<hbm>>
      tpu.enqueue_dma source(%arg6 : memref<1280x64xf32, #tpu.memory_space<vmem>>) target(%dma_start3A_36 : memref<1280x64xf32, #tpu.memory_space<hbm>>) target_semaphore(%run_scoped3A : memref<!tpu.dma_semaphore, #tpu.memory_space<semaphore_mem>>)
      %dma_wait3A_37 = arith.constant 0 : i32
      %dma_wait3A_38 = tpu.memref_slice %arg4[%add3A_26, %dma_wait3A_37] : memref<163840x64xf32, #tpu.memory_space<hbm>> -> memref<1280x64xf32, #tpu.memory_space<hbm>>
      %dma_wait3A_39 = arith.constant 0 : i32
      %dma_wait3A_40 = tpu.memref_slice %arg4[%add3A_26, %dma_wait3A_39] : memref<163840x64xf32, #tpu.memory_space<hbm>> -> memref<1280x64xf32, #tpu.memory_space<hbm>>
      tpu.wait_dma2 semaphore(%run_scoped3A : memref<!tpu.dma_semaphore, #tpu.memory_space<semaphore_mem>>) src(%arg6 : memref<1280x64xf32, #tpu.memory_space<vmem>>) dst(%dma_wait3A_40 : memref<1280x64xf32, #tpu.memory_space<hbm>>)
      tpu.yield
    }) : () -> ()
    return
  }
}

#map = affine_map<(d0, d1) -> (0, 0)>
#map1 = affine_map<(d0, d1) -> (0)>
module attributes {stable_mosaic.version = 14 : i64} {
  func.func @gather_k(%arg0: i32, %arg1: i32, %arg2: memref<8192x64xf32, #tpu.memory_space<hbm>>, %arg3: memref<163840xi32, #tpu.memory_space<hbm>>, %arg4: memref<163840x64xf32, #tpu.memory_space<hbm>>, %arg5: memref<1280xi32, #tpu.memory_space<vmem>>, %arg6: memref<1280x64xf32, #tpu.memory_space<vmem>>, %arg7: memref<!tpu.dma_semaphore, #tpu.memory_space<semaphore_mem>>) attributes {dimension_semantics = [#tpu.dimension_semantics<core_parallel>, #tpu.dimension_semantics<subcore_parallel>], iteration_bounds = array<i64: 2, 16>, scalar_prefetch = 0 : i64, scratch_operands = 3 : i64, tpu.core_type = #tpu.core_type<sc_vector_subcore>, window_params = [{transform_indices = #map}, {transform_indices = #map1}, {transform_indices = #map}]} {
    %mul3A = arith.constant 2 : i32
    %mul3A_0 = arith.muli %arg1, %mul3A : i32
    %add3A = arith.addi %mul3A_0, %arg0 : i32
    %mul3A_1 = arith.constant 5120 : i32
    %mul3A_2 = arith.muli %add3A, %mul3A_1 : i32
    %add3A_3 = arith.constant 0 : i32
    %add3A_4 = arith.addi %mul3A_2, %add3A_3 : i32
    "tpu.region"() ({
      %run_scoped3A = tpu.sem_alloc : memref<!tpu.dma_semaphore, #tpu.memory_space<semaphore_mem>>
      %dma_start3A_33 = tpu.memref_slice %arg3[%add3A_4] : memref<163840xi32, #tpu.memory_space<hbm>> -> memref<1280xi32, #tpu.memory_space<hbm>>
      %dma_start3A_34 = tpu.memref_slice %arg3[%add3A_4] : memref<163840xi32, #tpu.memory_space<hbm>> -> memref<1280xi32, #tpu.memory_space<hbm>>
      tpu.enqueue_dma source(%dma_start3A_34 : memref<1280xi32, #tpu.memory_space<hbm>>) target(%arg5 : memref<1280xi32, #tpu.memory_space<vmem>>) target_semaphore(%run_scoped3A : memref<!tpu.dma_semaphore, #tpu.memory_space<semaphore_mem>>)
      %dma_wait3A_35 = tpu.memref_slice %arg3[%add3A_4] : memref<163840xi32, #tpu.memory_space<hbm>> -> memref<1280xi32, #tpu.memory_space<hbm>>
      %dma_wait3A_36 = tpu.memref_slice %arg3[%add3A_4] : memref<163840xi32, #tpu.memory_space<hbm>> -> memref<1280xi32, #tpu.memory_space<hbm>>
      tpu.wait_dma2 semaphore(%run_scoped3A : memref<!tpu.dma_semaphore, #tpu.memory_space<semaphore_mem>>) src(%dma_wait3A_36 : memref<1280xi32, #tpu.memory_space<hbm>>) dst(%arg5 : memref<1280xi32, #tpu.memory_space<vmem>>)
      tpu.yield
    }) : () -> ()
    %dma_start3A = arith.constant 0 : i32
    %dma_start3A_5 = arith.constant 0 : i32
    %dma_start3A_6 = tpu.memref_slice %arg2[%dma_start3A, %dma_start3A_5] : memref<8192x64xf32, #tpu.memory_space<hbm>> -> memref<8192x64xf32, #tpu.memory_space<hbm>>
    tpu.enqueue_indirect_dma source(%dma_start3A_6 : memref<8192x64xf32, #tpu.memory_space<hbm>>) target(%arg6 : memref<1280x64xf32, #tpu.memory_space<vmem>>) offsets(%arg5 : memref<1280xi32, #tpu.memory_space<vmem>>) semaphore(%arg7 : memref<!tpu.dma_semaphore, #tpu.memory_space<semaphore_mem>>)
    %dma_wait3A = arith.constant 0 : i32
    %dma_wait3A_7 = arith.constant 0 : i32
    %dma_wait3A_8 = tpu.memref_slice %arg2[%dma_wait3A, %dma_wait3A_7] : memref<8192x64xf32, #tpu.memory_space<hbm>> -> memref<8192x64xf32, #tpu.memory_space<hbm>>
    tpu.wait_indirect_dma semaphore(%arg7 : memref<!tpu.dma_semaphore, #tpu.memory_space<semaphore_mem>>) src(%dma_wait3A_8 : memref<8192x64xf32, #tpu.memory_space<hbm>>) dst(%arg6 : memref<1280x64xf32, #tpu.memory_space<vmem>>)
    "tpu.region"() ({
      %run_scoped3A = tpu.sem_alloc : memref<!tpu.dma_semaphore, #tpu.memory_space<semaphore_mem>>
      %dma_start3A_33 = arith.constant 0 : i32
      %dma_start3A_34 = tpu.memref_slice %arg4[%add3A_4, %dma_start3A_33] : memref<163840x64xf32, #tpu.memory_space<hbm>> -> memref<1280x64xf32, #tpu.memory_space<hbm>>
      %dma_start3A_35 = arith.constant 0 : i32
      %dma_start3A_36 = tpu.memref_slice %arg4[%add3A_4, %dma_start3A_35] : memref<163840x64xf32, #tpu.memory_space<hbm>> -> memref<1280x64xf32, #tpu.memory_space<hbm>>
      tpu.enqueue_dma source(%arg6 : memref<1280x64xf32, #tpu.memory_space<vmem>>) target(%dma_start3A_36 : memref<1280x64xf32, #tpu.memory_space<hbm>>) target_semaphore(%run_scoped3A : memref<!tpu.dma_semaphore, #tpu.memory_space<semaphore_mem>>)
      %dma_wait3A_37 = arith.constant 0 : i32
      %dma_wait3A_38 = tpu.memref_slice %arg4[%add3A_4, %dma_wait3A_37] : memref<163840x64xf32, #tpu.memory_space<hbm>> -> memref<1280x64xf32, #tpu.memory_space<hbm>>
      %dma_wait3A_39 = arith.constant 0 : i32
      %dma_wait3A_40 = tpu.memref_slice %arg4[%add3A_4, %dma_wait3A_39] : memref<163840x64xf32, #tpu.memory_space<hbm>> -> memref<1280x64xf32, #tpu.memory_space<hbm>>
      tpu.wait_dma2 semaphore(%run_scoped3A : memref<!tpu.dma_semaphore, #tpu.memory_space<semaphore_mem>>) src(%arg6 : memref<1280x64xf32, #tpu.memory_space<vmem>>) dst(%dma_wait3A_40 : memref<1280x64xf32, #tpu.memory_space<hbm>>)
      tpu.yield
    }) : () -> ()
    %add3A_9 = arith.constant 1280 : i32
    %add3A_10 = arith.addi %mul3A_2, %add3A_9 : i32
    "tpu.region"() ({
      %run_scoped3A = tpu.sem_alloc : memref<!tpu.dma_semaphore, #tpu.memory_space<semaphore_mem>>
      %dma_start3A_33 = tpu.memref_slice %arg3[%add3A_10] : memref<163840xi32, #tpu.memory_space<hbm>> -> memref<1280xi32, #tpu.memory_space<hbm>>
      %dma_start3A_34 = tpu.memref_slice %arg3[%add3A_10] : memref<163840xi32, #tpu.memory_space<hbm>> -> memref<1280xi32, #tpu.memory_space<hbm>>
      tpu.enqueue_dma source(%dma_start3A_34 : memref<1280xi32, #tpu.memory_space<hbm>>) target(%arg5 : memref<1280xi32, #tpu.memory_space<vmem>>) target_semaphore(%run_scoped3A : memref<!tpu.dma_semaphore, #tpu.memory_space<semaphore_mem>>)
      %dma_wait3A_35 = tpu.memref_slice %arg3[%add3A_10] : memref<163840xi32, #tpu.memory_space<hbm>> -> memref<1280xi32, #tpu.memory_space<hbm>>
      %dma_wait3A_36 = tpu.memref_slice %arg3[%add3A_10] : memref<163840xi32, #tpu.memory_space<hbm>> -> memref<1280xi32, #tpu.memory_space<hbm>>
      tpu.wait_dma2 semaphore(%run_scoped3A : memref<!tpu.dma_semaphore, #tpu.memory_space<semaphore_mem>>) src(%dma_wait3A_36 : memref<1280xi32, #tpu.memory_space<hbm>>) dst(%arg5 : memref<1280xi32, #tpu.memory_space<vmem>>)
      tpu.yield
    }) : () -> ()
    %dma_start3A_11 = arith.constant 0 : i32
    %dma_start3A_12 = arith.constant 0 : i32
    %dma_start3A_13 = tpu.memref_slice %arg2[%dma_start3A_11, %dma_start3A_12] : memref<8192x64xf32, #tpu.memory_space<hbm>> -> memref<8192x64xf32, #tpu.memory_space<hbm>>
    tpu.enqueue_indirect_dma source(%dma_start3A_13 : memref<8192x64xf32, #tpu.memory_space<hbm>>) target(%arg6 : memref<1280x64xf32, #tpu.memory_space<vmem>>) offsets(%arg5 : memref<1280xi32, #tpu.memory_space<vmem>>) semaphore(%arg7 : memref<!tpu.dma_semaphore, #tpu.memory_space<semaphore_mem>>)
    %dma_wait3A_14 = arith.constant 0 : i32
    %dma_wait3A_15 = arith.constant 0 : i32
    %dma_wait3A_16 = tpu.memref_slice %arg2[%dma_wait3A_14, %dma_wait3A_15] : memref<8192x64xf32, #tpu.memory_space<hbm>> -> memref<8192x64xf32, #tpu.memory_space<hbm>>
    tpu.wait_indirect_dma semaphore(%arg7 : memref<!tpu.dma_semaphore, #tpu.memory_space<semaphore_mem>>) src(%dma_wait3A_16 : memref<8192x64xf32, #tpu.memory_space<hbm>>) dst(%arg6 : memref<1280x64xf32, #tpu.memory_space<vmem>>)
    "tpu.region"() ({
      %run_scoped3A = tpu.sem_alloc : memref<!tpu.dma_semaphore, #tpu.memory_space<semaphore_mem>>
      %dma_start3A_33 = arith.constant 0 : i32
      %dma_start3A_34 = tpu.memref_slice %arg4[%add3A_10, %dma_start3A_33] : memref<163840x64xf32, #tpu.memory_space<hbm>> -> memref<1280x64xf32, #tpu.memory_space<hbm>>
      %dma_start3A_35 = arith.constant 0 : i32
      %dma_start3A_36 = tpu.memref_slice %arg4[%add3A_10, %dma_start3A_35] : memref<163840x64xf32, #tpu.memory_space<hbm>> -> memref<1280x64xf32, #tpu.memory_space<hbm>>
      tpu.enqueue_dma source(%arg6 : memref<1280x64xf32, #tpu.memory_space<vmem>>) target(%dma_start3A_36 : memref<1280x64xf32, #tpu.memory_space<hbm>>) target_semaphore(%run_scoped3A : memref<!tpu.dma_semaphore, #tpu.memory_space<semaphore_mem>>)
      %dma_wait3A_37 = arith.constant 0 : i32
      %dma_wait3A_38 = tpu.memref_slice %arg4[%add3A_10, %dma_wait3A_37] : memref<163840x64xf32, #tpu.memory_space<hbm>> -> memref<1280x64xf32, #tpu.memory_space<hbm>>
      %dma_wait3A_39 = arith.constant 0 : i32
      %dma_wait3A_40 = tpu.memref_slice %arg4[%add3A_10, %dma_wait3A_39] : memref<163840x64xf32, #tpu.memory_space<hbm>> -> memref<1280x64xf32, #tpu.memory_space<hbm>>
      tpu.wait_dma2 semaphore(%run_scoped3A : memref<!tpu.dma_semaphore, #tpu.memory_space<semaphore_mem>>) src(%arg6 : memref<1280x64xf32, #tpu.memory_space<vmem>>) dst(%dma_wait3A_40 : memref<1280x64xf32, #tpu.memory_space<hbm>>)
      tpu.yield
    }) : () -> ()
    %add3A_17 = arith.constant 2560 : i32
    %add3A_18 = arith.addi %mul3A_2, %add3A_17 : i32
    "tpu.region"() ({
      %run_scoped3A = tpu.sem_alloc : memref<!tpu.dma_semaphore, #tpu.memory_space<semaphore_mem>>
      %dma_start3A_33 = tpu.memref_slice %arg3[%add3A_18] : memref<163840xi32, #tpu.memory_space<hbm>> -> memref<1280xi32, #tpu.memory_space<hbm>>
      %dma_start3A_34 = tpu.memref_slice %arg3[%add3A_18] : memref<163840xi32, #tpu.memory_space<hbm>> -> memref<1280xi32, #tpu.memory_space<hbm>>
      tpu.enqueue_dma source(%dma_start3A_34 : memref<1280xi32, #tpu.memory_space<hbm>>) target(%arg5 : memref<1280xi32, #tpu.memory_space<vmem>>) target_semaphore(%run_scoped3A : memref<!tpu.dma_semaphore, #tpu.memory_space<semaphore_mem>>)
      %dma_wait3A_35 = tpu.memref_slice %arg3[%add3A_18] : memref<163840xi32, #tpu.memory_space<hbm>> -> memref<1280xi32, #tpu.memory_space<hbm>>
      %dma_wait3A_36 = tpu.memref_slice %arg3[%add3A_18] : memref<163840xi32, #tpu.memory_space<hbm>> -> memref<1280xi32, #tpu.memory_space<hbm>>
      tpu.wait_dma2 semaphore(%run_scoped3A : memref<!tpu.dma_semaphore, #tpu.memory_space<semaphore_mem>>) src(%dma_wait3A_36 : memref<1280xi32, #tpu.memory_space<hbm>>) dst(%arg5 : memref<1280xi32, #tpu.memory_space<vmem>>)
      tpu.yield
    }) : () -> ()
    %dma_start3A_19 = arith.constant 0 : i32
    %dma_start3A_20 = arith.constant 0 : i32
    %dma_start3A_21 = tpu.memref_slice %arg2[%dma_start3A_19, %dma_start3A_20] : memref<8192x64xf32, #tpu.memory_space<hbm>> -> memref<8192x64xf32, #tpu.memory_space<hbm>>
    tpu.enqueue_indirect_dma source(%dma_start3A_21 : memref<8192x64xf32, #tpu.memory_space<hbm>>) target(%arg6 : memref<1280x64xf32, #tpu.memory_space<vmem>>) offsets(%arg5 : memref<1280xi32, #tpu.memory_space<vmem>>) semaphore(%arg7 : memref<!tpu.dma_semaphore, #tpu.memory_space<semaphore_mem>>)
    %dma_wait3A_22 = arith.constant 0 : i32
    %dma_wait3A_23 = arith.constant 0 : i32
    %dma_wait3A_24 = tpu.memref_slice %arg2[%dma_wait3A_22, %dma_wait3A_23] : memref<8192x64xf32, #tpu.memory_space<hbm>> -> memref<8192x64xf32, #tpu.memory_space<hbm>>
    tpu.wait_indirect_dma semaphore(%arg7 : memref<!tpu.dma_semaphore, #tpu.memory_space<semaphore_mem>>) src(%dma_wait3A_24 : memref<8192x64xf32, #tpu.memory_space<hbm>>) dst(%arg6 : memref<1280x64xf32, #tpu.memory_space<vmem>>)
    "tpu.region"() ({
      %run_scoped3A = tpu.sem_alloc : memref<!tpu.dma_semaphore, #tpu.memory_space<semaphore_mem>>
      %dma_start3A_33 = arith.constant 0 : i32
      %dma_start3A_34 = tpu.memref_slice %arg4[%add3A_18, %dma_start3A_33] : memref<163840x64xf32, #tpu.memory_space<hbm>> -> memref<1280x64xf32, #tpu.memory_space<hbm>>
      %dma_start3A_35 = arith.constant 0 : i32
      %dma_start3A_36 = tpu.memref_slice %arg4[%add3A_18, %dma_start3A_35] : memref<163840x64xf32, #tpu.memory_space<hbm>> -> memref<1280x64xf32, #tpu.memory_space<hbm>>
      tpu.enqueue_dma source(%arg6 : memref<1280x64xf32, #tpu.memory_space<vmem>>) target(%dma_start3A_36 : memref<1280x64xf32, #tpu.memory_space<hbm>>) target_semaphore(%run_scoped3A : memref<!tpu.dma_semaphore, #tpu.memory_space<semaphore_mem>>)
      %dma_wait3A_37 = arith.constant 0 : i32
      %dma_wait3A_38 = tpu.memref_slice %arg4[%add3A_18, %dma_wait3A_37] : memref<163840x64xf32, #tpu.memory_space<hbm>> -> memref<1280x64xf32, #tpu.memory_space<hbm>>
      %dma_wait3A_39 = arith.constant 0 : i32
      %dma_wait3A_40 = tpu.memref_slice %arg4[%add3A_18, %dma_wait3A_39] : memref<163840x64xf32, #tpu.memory_space<hbm>> -> memref<1280x64xf32, #tpu.memory_space<hbm>>
      tpu.wait_dma2 semaphore(%run_scoped3A : memref<!tpu.dma_semaphore, #tpu.memory_space<semaphore_mem>>) src(%arg6 : memref<1280x64xf32, #tpu.memory_space<vmem>>) dst(%dma_wait3A_40 : memref<1280x64xf32, #tpu.memory_space<hbm>>)
      tpu.yield
    }) : () -> ()
    %add3A_25 = arith.constant 3840 : i32
    %add3A_26 = arith.addi %mul3A_2, %add3A_25 : i32
    "tpu.region"() ({
      %run_scoped3A = tpu.sem_alloc : memref<!tpu.dma_semaphore, #tpu.memory_space<semaphore_mem>>
      %dma_start3A_33 = tpu.memref_slice %arg3[%add3A_26] : memref<163840xi32, #tpu.memory_space<hbm>> -> memref<1280xi32, #tpu.memory_space<hbm>>
      %dma_start3A_34 = tpu.memref_slice %arg3[%add3A_26] : memref<163840xi32, #tpu.memory_space<hbm>> -> memref<1280xi32, #tpu.memory_space<hbm>>
      tpu.enqueue_dma source(%dma_start3A_34 : memref<1280xi32, #tpu.memory_space<hbm>>) target(%arg5 : memref<1280xi32, #tpu.memory_space<vmem>>) target_semaphore(%run_scoped3A : memref<!tpu.dma_semaphore, #tpu.memory_space<semaphore_mem>>)
      %dma_wait3A_35 = tpu.memref_slice %arg3[%add3A_26] : memref<163840xi32, #tpu.memory_space<hbm>> -> memref<1280xi32, #tpu.memory_space<hbm>>
      %dma_wait3A_36 = tpu.memref_slice %arg3[%add3A_26] : memref<163840xi32, #tpu.memory_space<hbm>> -> memref<1280xi32, #tpu.memory_space<hbm>>
      tpu.wait_dma2 semaphore(%run_scoped3A : memref<!tpu.dma_semaphore, #tpu.memory_space<semaphore_mem>>) src(%dma_wait3A_36 : memref<1280xi32, #tpu.memory_space<hbm>>) dst(%arg5 : memref<1280xi32, #tpu.memory_space<vmem>>)
      tpu.yield
    }) : () -> ()
    %dma_start3A_27 = arith.constant 0 : i32
    %dma_start3A_28 = arith.constant 0 : i32
    %dma_start3A_29 = tpu.memref_slice %arg2[%dma_start3A_27, %dma_start3A_28] : memref<8192x64xf32, #tpu.memory_space<hbm>> -> memref<8192x64xf32, #tpu.memory_space<hbm>>
    tpu.enqueue_indirect_dma source(%dma_start3A_29 : memref<8192x64xf32, #tpu.memory_space<hbm>>) target(%arg6 : memref<1280x64xf32, #tpu.memory_space<vmem>>) offsets(%arg5 : memref<1280xi32, #tpu.memory_space<vmem>>) semaphore(%arg7 : memref<!tpu.dma_semaphore, #tpu.memory_space<semaphore_mem>>)
    %dma_wait3A_30 = arith.constant 0 : i32
    %dma_wait3A_31 = arith.constant 0 : i32
    %dma_wait3A_32 = tpu.memref_slice %arg2[%dma_wait3A_30, %dma_wait3A_31] : memref<8192x64xf32, #tpu.memory_space<hbm>> -> memref<8192x64xf32, #tpu.memory_space<hbm>>
    tpu.wait_indirect_dma semaphore(%arg7 : memref<!tpu.dma_semaphore, #tpu.memory_space<semaphore_mem>>) src(%dma_wait3A_32 : memref<8192x64xf32, #tpu.memory_space<hbm>>) dst(%arg6 : memref<1280x64xf32, #tpu.memory_space<vmem>>)
    "tpu.region"() ({
      %run_scoped3A = tpu.sem_alloc : memref<!tpu.dma_semaphore, #tpu.memory_space<semaphore_mem>>
      %dma_start3A_33 = arith.constant 0 : i32
      %dma_start3A_34 = tpu.memref_slice %arg4[%add3A_26, %dma_start3A_33] : memref<163840x64xf32, #tpu.memory_space<hbm>> -> memref<1280x64xf32, #tpu.memory_space<hbm>>
      %dma_start3A_35 = arith.constant 0 : i32
      %dma_start3A_36 = tpu.memref_slice %arg4[%add3A_26, %dma_start3A_35] : memref<163840x64xf32, #tpu.memory_space<hbm>> -> memref<1280x64xf32, #tpu.memory_space<hbm>>
      tpu.enqueue_dma source(%arg6 : memref<1280x64xf32, #tpu.memory_space<vmem>>) target(%dma_start3A_36 : memref<1280x64xf32, #tpu.memory_space<hbm>>) target_semaphore(%run_scoped3A : memref<!tpu.dma_semaphore, #tpu.memory_space<semaphore_mem>>)
      %dma_wait3A_37 = arith.constant 0 : i32
      %dma_wait3A_38 = tpu.memref_slice %arg4[%add3A_26, %dma_wait3A_37] : memref<163840x64xf32, #tpu.memory_space<hbm>> -> memref<1280x64xf32, #tpu.memory_space<hbm>>
      %dma_wait3A_39 = arith.constant 0 : i32
      %dma_wait3A_40 = tpu.memref_slice %arg4[%add3A_26, %dma_wait3A_39] : memref<163840x64xf32, #tpu.memory_space<hbm>> -> memref<1280x64xf32, #tpu.memory_space<hbm>>
      tpu.wait_dma2 semaphore(%run_scoped3A : memref<!tpu.dma_semaphore, #tpu.memory_space<semaphore_mem>>) src(%arg6 : memref<1280x64xf32, #tpu.memory_space<vmem>>) dst(%dma_wait3A_40 : memref<1280x64xf32, #tpu.memory_space<hbm>>)
      tpu.yield
    }) : () -> ()
    return
  }
}

#map = affine_map<(d0, d1) -> (0, 0)>
#map1 = affine_map<(d0, d1) -> (0)>
module attributes {stable_mosaic.version = 14 : i64} {
  func.func @gather_k(%arg0: i32, %arg1: i32, %arg2: memref<8192x64xf32, #tpu.memory_space<hbm>>, %arg3: memref<163840xi32, #tpu.memory_space<hbm>>, %arg4: memref<163840x64xf32, #tpu.memory_space<hbm>>, %arg5: memref<1280xi32, #tpu.memory_space<vmem>>, %arg6: memref<1280x64xf32, #tpu.memory_space<vmem>>, %arg7: memref<!tpu.dma_semaphore, #tpu.memory_space<semaphore_mem>>) attributes {dimension_semantics = [#tpu.dimension_semantics<core_parallel>, #tpu.dimension_semantics<subcore_parallel>], iteration_bounds = array<i64: 2, 16>, scalar_prefetch = 0 : i64, scratch_operands = 3 : i64, tpu.core_type = #tpu.core_type<sc_vector_subcore>, window_params = [{transform_indices = #map}, {transform_indices = #map1}, {transform_indices = #map}]} {
    %mul3A = arith.constant 2 : i32
    %mul3A_0 = arith.muli %arg1, %mul3A : i32
    %add3A = arith.addi %mul3A_0, %arg0 : i32
    %mul3A_1 = arith.constant 5120 : i32
    %mul3A_2 = arith.muli %add3A, %mul3A_1 : i32
    %add3A_3 = arith.constant 0 : i32
    %add3A_4 = arith.addi %mul3A_2, %add3A_3 : i32
    "tpu.region"() ({
      %run_scoped3A = tpu.sem_alloc : memref<!tpu.dma_semaphore, #tpu.memory_space<semaphore_mem>>
      %dma_start3A_33 = tpu.memref_slice %arg3[%add3A_4] : memref<163840xi32, #tpu.memory_space<hbm>> -> memref<1280xi32, #tpu.memory_space<hbm>>
      %dma_start3A_34 = tpu.memref_slice %arg3[%add3A_4] : memref<163840xi32, #tpu.memory_space<hbm>> -> memref<1280xi32, #tpu.memory_space<hbm>>
      tpu.enqueue_dma source(%dma_start3A_34 : memref<1280xi32, #tpu.memory_space<hbm>>) target(%arg5 : memref<1280xi32, #tpu.memory_space<vmem>>) target_semaphore(%run_scoped3A : memref<!tpu.dma_semaphore, #tpu.memory_space<semaphore_mem>>)
      %dma_wait3A_35 = tpu.memref_slice %arg3[%add3A_4] : memref<163840xi32, #tpu.memory_space<hbm>> -> memref<1280xi32, #tpu.memory_space<hbm>>
      %dma_wait3A_36 = tpu.memref_slice %arg3[%add3A_4] : memref<163840xi32, #tpu.memory_space<hbm>> -> memref<1280xi32, #tpu.memory_space<hbm>>
      tpu.wait_dma2 semaphore(%run_scoped3A : memref<!tpu.dma_semaphore, #tpu.memory_space<semaphore_mem>>) src(%dma_wait3A_36 : memref<1280xi32, #tpu.memory_space<hbm>>) dst(%arg5 : memref<1280xi32, #tpu.memory_space<vmem>>)
      tpu.yield
    }) : () -> ()
    %dma_start3A = arith.constant 0 : i32
    %dma_start3A_5 = arith.constant 0 : i32
    %dma_start3A_6 = tpu.memref_slice %arg2[%dma_start3A, %dma_start3A_5] : memref<8192x64xf32, #tpu.memory_space<hbm>> -> memref<8192x64xf32, #tpu.memory_space<hbm>>
    tpu.enqueue_indirect_dma source(%dma_start3A_6 : memref<8192x64xf32, #tpu.memory_space<hbm>>) target(%arg6 : memref<1280x64xf32, #tpu.memory_space<vmem>>) offsets(%arg5 : memref<1280xi32, #tpu.memory_space<vmem>>) semaphore(%arg7 : memref<!tpu.dma_semaphore, #tpu.memory_space<semaphore_mem>>)
    %dma_wait3A = arith.constant 0 : i32
    %dma_wait3A_7 = arith.constant 0 : i32
    %dma_wait3A_8 = tpu.memref_slice %arg2[%dma_wait3A, %dma_wait3A_7] : memref<8192x64xf32, #tpu.memory_space<hbm>> -> memref<8192x64xf32, #tpu.memory_space<hbm>>
    tpu.wait_indirect_dma semaphore(%arg7 : memref<!tpu.dma_semaphore, #tpu.memory_space<semaphore_mem>>) src(%dma_wait3A_8 : memref<8192x64xf32, #tpu.memory_space<hbm>>) dst(%arg6 : memref<1280x64xf32, #tpu.memory_space<vmem>>)
    "tpu.region"() ({
      %run_scoped3A = tpu.sem_alloc : memref<!tpu.dma_semaphore, #tpu.memory_space<semaphore_mem>>
      %dma_start3A_33 = arith.constant 0 : i32
      %dma_start3A_34 = tpu.memref_slice %arg4[%add3A_4, %dma_start3A_33] : memref<163840x64xf32, #tpu.memory_space<hbm>> -> memref<1280x64xf32, #tpu.memory_space<hbm>>
      %dma_start3A_35 = arith.constant 0 : i32
      %dma_start3A_36 = tpu.memref_slice %arg4[%add3A_4, %dma_start3A_35] : memref<163840x64xf32, #tpu.memory_space<hbm>> -> memref<1280x64xf32, #tpu.memory_space<hbm>>
      tpu.enqueue_dma source(%arg6 : memref<1280x64xf32, #tpu.memory_space<vmem>>) target(%dma_start3A_36 : memref<1280x64xf32, #tpu.memory_space<hbm>>) target_semaphore(%run_scoped3A : memref<!tpu.dma_semaphore, #tpu.memory_space<semaphore_mem>>)
      %dma_wait3A_37 = arith.constant 0 : i32
      %dma_wait3A_38 = tpu.memref_slice %arg4[%add3A_4, %dma_wait3A_37] : memref<163840x64xf32, #tpu.memory_space<hbm>> -> memref<1280x64xf32, #tpu.memory_space<hbm>>
      %dma_wait3A_39 = arith.constant 0 : i32
      %dma_wait3A_40 = tpu.memref_slice %arg4[%add3A_4, %dma_wait3A_39] : memref<163840x64xf32, #tpu.memory_space<hbm>> -> memref<1280x64xf32, #tpu.memory_space<hbm>>
      tpu.wait_dma2 semaphore(%run_scoped3A : memref<!tpu.dma_semaphore, #tpu.memory_space<semaphore_mem>>) src(%arg6 : memref<1280x64xf32, #tpu.memory_space<vmem>>) dst(%dma_wait3A_40 : memref<1280x64xf32, #tpu.memory_space<hbm>>)
      tpu.yield
    }) : () -> ()
    %add3A_9 = arith.constant 1280 : i32
    %add3A_10 = arith.addi %mul3A_2, %add3A_9 : i32
    "tpu.region"() ({
      %run_scoped3A = tpu.sem_alloc : memref<!tpu.dma_semaphore, #tpu.memory_space<semaphore_mem>>
      %dma_start3A_33 = tpu.memref_slice %arg3[%add3A_10] : memref<163840xi32, #tpu.memory_space<hbm>> -> memref<1280xi32, #tpu.memory_space<hbm>>
      %dma_start3A_34 = tpu.memref_slice %arg3[%add3A_10] : memref<163840xi32, #tpu.memory_space<hbm>> -> memref<1280xi32, #tpu.memory_space<hbm>>
      tpu.enqueue_dma source(%dma_start3A_34 : memref<1280xi32, #tpu.memory_space<hbm>>) target(%arg5 : memref<1280xi32, #tpu.memory_space<vmem>>) target_semaphore(%run_scoped3A : memref<!tpu.dma_semaphore, #tpu.memory_space<semaphore_mem>>)
      %dma_wait3A_35 = tpu.memref_slice %arg3[%add3A_10] : memref<163840xi32, #tpu.memory_space<hbm>> -> memref<1280xi32, #tpu.memory_space<hbm>>
      %dma_wait3A_36 = tpu.memref_slice %arg3[%add3A_10] : memref<163840xi32, #tpu.memory_space<hbm>> -> memref<1280xi32, #tpu.memory_space<hbm>>
      tpu.wait_dma2 semaphore(%run_scoped3A : memref<!tpu.dma_semaphore, #tpu.memory_space<semaphore_mem>>) src(%dma_wait3A_36 : memref<1280xi32, #tpu.memory_space<hbm>>) dst(%arg5 : memref<1280xi32, #tpu.memory_space<vmem>>)
      tpu.yield
    }) : () -> ()
    %dma_start3A_11 = arith.constant 0 : i32
    %dma_start3A_12 = arith.constant 0 : i32
    %dma_start3A_13 = tpu.memref_slice %arg2[%dma_start3A_11, %dma_start3A_12] : memref<8192x64xf32, #tpu.memory_space<hbm>> -> memref<8192x64xf32, #tpu.memory_space<hbm>>
    tpu.enqueue_indirect_dma source(%dma_start3A_13 : memref<8192x64xf32, #tpu.memory_space<hbm>>) target(%arg6 : memref<1280x64xf32, #tpu.memory_space<vmem>>) offsets(%arg5 : memref<1280xi32, #tpu.memory_space<vmem>>) semaphore(%arg7 : memref<!tpu.dma_semaphore, #tpu.memory_space<semaphore_mem>>)
    %dma_wait3A_14 = arith.constant 0 : i32
    %dma_wait3A_15 = arith.constant 0 : i32
    %dma_wait3A_16 = tpu.memref_slice %arg2[%dma_wait3A_14, %dma_wait3A_15] : memref<8192x64xf32, #tpu.memory_space<hbm>> -> memref<8192x64xf32, #tpu.memory_space<hbm>>
    tpu.wait_indirect_dma semaphore(%arg7 : memref<!tpu.dma_semaphore, #tpu.memory_space<semaphore_mem>>) src(%dma_wait3A_16 : memref<8192x64xf32, #tpu.memory_space<hbm>>) dst(%arg6 : memref<1280x64xf32, #tpu.memory_space<vmem>>)
    "tpu.region"() ({
      %run_scoped3A = tpu.sem_alloc : memref<!tpu.dma_semaphore, #tpu.memory_space<semaphore_mem>>
      %dma_start3A_33 = arith.constant 0 : i32
      %dma_start3A_34 = tpu.memref_slice %arg4[%add3A_10, %dma_start3A_33] : memref<163840x64xf32, #tpu.memory_space<hbm>> -> memref<1280x64xf32, #tpu.memory_space<hbm>>
      %dma_start3A_35 = arith.constant 0 : i32
      %dma_start3A_36 = tpu.memref_slice %arg4[%add3A_10, %dma_start3A_35] : memref<163840x64xf32, #tpu.memory_space<hbm>> -> memref<1280x64xf32, #tpu.memory_space<hbm>>
      tpu.enqueue_dma source(%arg6 : memref<1280x64xf32, #tpu.memory_space<vmem>>) target(%dma_start3A_36 : memref<1280x64xf32, #tpu.memory_space<hbm>>) target_semaphore(%run_scoped3A : memref<!tpu.dma_semaphore, #tpu.memory_space<semaphore_mem>>)
      %dma_wait3A_37 = arith.constant 0 : i32
      %dma_wait3A_38 = tpu.memref_slice %arg4[%add3A_10, %dma_wait3A_37] : memref<163840x64xf32, #tpu.memory_space<hbm>> -> memref<1280x64xf32, #tpu.memory_space<hbm>>
      %dma_wait3A_39 = arith.constant 0 : i32
      %dma_wait3A_40 = tpu.memref_slice %arg4[%add3A_10, %dma_wait3A_39] : memref<163840x64xf32, #tpu.memory_space<hbm>> -> memref<1280x64xf32, #tpu.memory_space<hbm>>
      tpu.wait_dma2 semaphore(%run_scoped3A : memref<!tpu.dma_semaphore, #tpu.memory_space<semaphore_mem>>) src(%arg6 : memref<1280x64xf32, #tpu.memory_space<vmem>>) dst(%dma_wait3A_40 : memref<1280x64xf32, #tpu.memory_space<hbm>>)
      tpu.yield
    }) : () -> ()
    %add3A_17 = arith.constant 2560 : i32
    %add3A_18 = arith.addi %mul3A_2, %add3A_17 : i32
    "tpu.region"() ({
      %run_scoped3A = tpu.sem_alloc : memref<!tpu.dma_semaphore, #tpu.memory_space<semaphore_mem>>
      %dma_start3A_33 = tpu.memref_slice %arg3[%add3A_18] : memref<163840xi32, #tpu.memory_space<hbm>> -> memref<1280xi32, #tpu.memory_space<hbm>>
      %dma_start3A_34 = tpu.memref_slice %arg3[%add3A_18] : memref<163840xi32, #tpu.memory_space<hbm>> -> memref<1280xi32, #tpu.memory_space<hbm>>
      tpu.enqueue_dma source(%dma_start3A_34 : memref<1280xi32, #tpu.memory_space<hbm>>) target(%arg5 : memref<1280xi32, #tpu.memory_space<vmem>>) target_semaphore(%run_scoped3A : memref<!tpu.dma_semaphore, #tpu.memory_space<semaphore_mem>>)
      %dma_wait3A_35 = tpu.memref_slice %arg3[%add3A_18] : memref<163840xi32, #tpu.memory_space<hbm>> -> memref<1280xi32, #tpu.memory_space<hbm>>
      %dma_wait3A_36 = tpu.memref_slice %arg3[%add3A_18] : memref<163840xi32, #tpu.memory_space<hbm>> -> memref<1280xi32, #tpu.memory_space<hbm>>
      tpu.wait_dma2 semaphore(%run_scoped3A : memref<!tpu.dma_semaphore, #tpu.memory_space<semaphore_mem>>) src(%dma_wait3A_36 : memref<1280xi32, #tpu.memory_space<hbm>>) dst(%arg5 : memref<1280xi32, #tpu.memory_space<vmem>>)
      tpu.yield
    }) : () -> ()
    %dma_start3A_19 = arith.constant 0 : i32
    %dma_start3A_20 = arith.constant 0 : i32
    %dma_start3A_21 = tpu.memref_slice %arg2[%dma_start3A_19, %dma_start3A_20] : memref<8192x64xf32, #tpu.memory_space<hbm>> -> memref<8192x64xf32, #tpu.memory_space<hbm>>
    tpu.enqueue_indirect_dma source(%dma_start3A_21 : memref<8192x64xf32, #tpu.memory_space<hbm>>) target(%arg6 : memref<1280x64xf32, #tpu.memory_space<vmem>>) offsets(%arg5 : memref<1280xi32, #tpu.memory_space<vmem>>) semaphore(%arg7 : memref<!tpu.dma_semaphore, #tpu.memory_space<semaphore_mem>>)
    %dma_wait3A_22 = arith.constant 0 : i32
    %dma_wait3A_23 = arith.constant 0 : i32
    %dma_wait3A_24 = tpu.memref_slice %arg2[%dma_wait3A_22, %dma_wait3A_23] : memref<8192x64xf32, #tpu.memory_space<hbm>> -> memref<8192x64xf32, #tpu.memory_space<hbm>>
    tpu.wait_indirect_dma semaphore(%arg7 : memref<!tpu.dma_semaphore, #tpu.memory_space<semaphore_mem>>) src(%dma_wait3A_24 : memref<8192x64xf32, #tpu.memory_space<hbm>>) dst(%arg6 : memref<1280x64xf32, #tpu.memory_space<vmem>>)
    "tpu.region"() ({
      %run_scoped3A = tpu.sem_alloc : memref<!tpu.dma_semaphore, #tpu.memory_space<semaphore_mem>>
      %dma_start3A_33 = arith.constant 0 : i32
      %dma_start3A_34 = tpu.memref_slice %arg4[%add3A_18, %dma_start3A_33] : memref<163840x64xf32, #tpu.memory_space<hbm>> -> memref<1280x64xf32, #tpu.memory_space<hbm>>
      %dma_start3A_35 = arith.constant 0 : i32
      %dma_start3A_36 = tpu.memref_slice %arg4[%add3A_18, %dma_start3A_35] : memref<163840x64xf32, #tpu.memory_space<hbm>> -> memref<1280x64xf32, #tpu.memory_space<hbm>>
      tpu.enqueue_dma source(%arg6 : memref<1280x64xf32, #tpu.memory_space<vmem>>) target(%dma_start3A_36 : memref<1280x64xf32, #tpu.memory_space<hbm>>) target_semaphore(%run_scoped3A : memref<!tpu.dma_semaphore, #tpu.memory_space<semaphore_mem>>)
      %dma_wait3A_37 = arith.constant 0 : i32
      %dma_wait3A_38 = tpu.memref_slice %arg4[%add3A_18, %dma_wait3A_37] : memref<163840x64xf32, #tpu.memory_space<hbm>> -> memref<1280x64xf32, #tpu.memory_space<hbm>>
      %dma_wait3A_39 = arith.constant 0 : i32
      %dma_wait3A_40 = tpu.memref_slice %arg4[%add3A_18, %dma_wait3A_39] : memref<163840x64xf32, #tpu.memory_space<hbm>> -> memref<1280x64xf32, #tpu.memory_space<hbm>>
      tpu.wait_dma2 semaphore(%run_scoped3A : memref<!tpu.dma_semaphore, #tpu.memory_space<semaphore_mem>>) src(%arg6 : memref<1280x64xf32, #tpu.memory_space<vmem>>) dst(%dma_wait3A_40 : memref<1280x64xf32, #tpu.memory_space<hbm>>)
      tpu.yield
    }) : () -> ()
    %add3A_25 = arith.constant 3840 : i32
    %add3A_26 = arith.addi %mul3A_2, %add3A_25 : i32
    "tpu.region"() ({
      %run_scoped3A = tpu.sem_alloc : memref<!tpu.dma_semaphore, #tpu.memory_space<semaphore_mem>>
      %dma_start3A_33 = tpu.memref_slice %arg3[%add3A_26] : memref<163840xi32, #tpu.memory_space<hbm>> -> memref<1280xi32, #tpu.memory_space<hbm>>
      %dma_start3A_34 = tpu.memref_slice %arg3[%add3A_26] : memref<163840xi32, #tpu.memory_space<hbm>> -> memref<1280xi32, #tpu.memory_space<hbm>>
      tpu.enqueue_dma source(%dma_start3A_34 : memref<1280xi32, #tpu.memory_space<hbm>>) target(%arg5 : memref<1280xi32, #tpu.memory_space<vmem>>) target_semaphore(%run_scoped3A : memref<!tpu.dma_semaphore, #tpu.memory_space<semaphore_mem>>)
      %dma_wait3A_35 = tpu.memref_slice %arg3[%add3A_26] : memref<163840xi32, #tpu.memory_space<hbm>> -> memref<1280xi32, #tpu.memory_space<hbm>>
      %dma_wait3A_36 = tpu.memref_slice %arg3[%add3A_26] : memref<163840xi32, #tpu.memory_space<hbm>> -> memref<1280xi32, #tpu.memory_space<hbm>>
      tpu.wait_dma2 semaphore(%run_scoped3A : memref<!tpu.dma_semaphore, #tpu.memory_space<semaphore_mem>>) src(%dma_wait3A_36 : memref<1280xi32, #tpu.memory_space<hbm>>) dst(%arg5 : memref<1280xi32, #tpu.memory_space<vmem>>)
      tpu.yield
    }) : () -> ()
    %dma_start3A_27 = arith.constant 0 : i32
    %dma_start3A_28 = arith.constant 0 : i32
    %dma_start3A_29 = tpu.memref_slice %arg2[%dma_start3A_27, %dma_start3A_28] : memref<8192x64xf32, #tpu.memory_space<hbm>> -> memref<8192x64xf32, #tpu.memory_space<hbm>>
    tpu.enqueue_indirect_dma source(%dma_start3A_29 : memref<8192x64xf32, #tpu.memory_space<hbm>>) target(%arg6 : memref<1280x64xf32, #tpu.memory_space<vmem>>) offsets(%arg5 : memref<1280xi32, #tpu.memory_space<vmem>>) semaphore(%arg7 : memref<!tpu.dma_semaphore, #tpu.memory_space<semaphore_mem>>)
    %dma_wait3A_30 = arith.constant 0 : i32
    %dma_wait3A_31 = arith.constant 0 : i32
    %dma_wait3A_32 = tpu.memref_slice %arg2[%dma_wait3A_30, %dma_wait3A_31] : memref<8192x64xf32, #tpu.memory_space<hbm>> -> memref<8192x64xf32, #tpu.memory_space<hbm>>
    tpu.wait_indirect_dma semaphore(%arg7 : memref<!tpu.dma_semaphore, #tpu.memory_space<semaphore_mem>>) src(%dma_wait3A_32 : memref<8192x64xf32, #tpu.memory_space<hbm>>) dst(%arg6 : memref<1280x64xf32, #tpu.memory_space<vmem>>)
    "tpu.region"() ({
      %run_scoped3A = tpu.sem_alloc : memref<!tpu.dma_semaphore, #tpu.memory_space<semaphore_mem>>
      %dma_start3A_33 = arith.constant 0 : i32
      %dma_start3A_34 = tpu.memref_slice %arg4[%add3A_26, %dma_start3A_33] : memref<163840x64xf32, #tpu.memory_space<hbm>> -> memref<1280x64xf32, #tpu.memory_space<hbm>>
      %dma_start3A_35 = arith.constant 0 : i32
      %dma_start3A_36 = tpu.memref_slice %arg4[%add3A_26, %dma_start3A_35] : memref<163840x64xf32, #tpu.memory_space<hbm>> -> memref<1280x64xf32, #tpu.memory_space<hbm>>
      tpu.enqueue_dma source(%arg6 : memref<1280x64xf32, #tpu.memory_space<vmem>>) target(%dma_start3A_36 : memref<1280x64xf32, #tpu.memory_space<hbm>>) target_semaphore(%run_scoped3A : memref<!tpu.dma_semaphore, #tpu.memory_space<semaphore_mem>>)
      %dma_wait3A_37 = arith.constant 0 : i32
      %dma_wait3A_38 = tpu.memref_slice %arg4[%add3A_26, %dma_wait3A_37] : memref<163840x64xf32, #tpu.memory_space<hbm>> -> memref<1280x64xf32, #tpu.memory_space<hbm>>
      %dma_wait3A_39 = arith.constant 0 : i32
      %dma_wait3A_40 = tpu.memref_slice %arg4[%add3A_26, %dma_wait3A_39] : memref<163840x64xf32, #tpu.memory_space<hbm>> -> memref<1280x64xf32, #tpu.memory_space<hbm>>
      tpu.wait_dma2 semaphore(%run_scoped3A : memref<!tpu.dma_semaphore, #tpu.memory_space<semaphore_mem>>) src(%arg6 : memref<1280x64xf32, #tpu.memory_space<vmem>>) dst(%dma_wait3A_40 : memref<1280x64xf32, #tpu.memory_space<hbm>>)
      tpu.yield
    }) : () -> ()
    return
  }
}

module attributes {stable_mosaic.version = 14 : i64} {
  func.func @_knn_scores_kernel(%arg0: i32, %arg1: i32, %arg2: memref<1x256x16xf32, #tpu.memory_space<vmem>>, %arg3: memref<1x1024x16xf32, #tpu.memory_space<vmem>>, %arg4: memref<1x16x1024xf32, #tpu.memory_space<vmem>>, %arg5: memref<160x320xf32, #tpu.memory_space<vmem>>, %arg6: memref<1x320xf32, #tpu.memory_space<vmem>>, %arg7: memref<1x320xf32, #tpu.memory_space<vmem>>, %arg8: memref<320x160xf32, #tpu.memory_space<vmem>>, %arg9: memref<1x160xf32, #tpu.memory_space<vmem>>, %arg10: memref<160x320xf32, #tpu.memory_space<vmem>>, %arg11: memref<1x320xf32, #tpu.memory_space<vmem>>, %arg12: memref<1x320xf32, #tpu.memory_space<vmem>>, %arg13: memref<320x160xf32, #tpu.memory_space<vmem>>, %arg14: memref<1x160xf32, #tpu.memory_space<vmem>>, %arg15: memref<160x320xf32, #tpu.memory_space<vmem>>, %arg16: memref<1x320xf32, #tpu.memory_space<vmem>>, %arg17: memref<1x320xf32, #tpu.memory_space<vmem>>, %arg18: memref<320x160xf32, #tpu.memory_space<vmem>>, %arg19: memref<1x160xf32, #tpu.memory_space<vmem>>, %arg20: memref<16x64xf32, #tpu.memory_space<vmem>>, %arg21: memref<1x64xf32, #tpu.memory_space<vmem>>, %arg22: memref<1x64xf32, #tpu.memory_space<vmem>>, %arg23: memref<160x160xf32, #tpu.memory_space<vmem>>, %arg24: memref<1x256x20xi32, #tpu.memory_space<vmem>>, %arg25: memref<1x256x160xf32, #tpu.memory_space<vmem>>, %arg26: memref<1x256x160xf32, #tpu.memory_space<vmem>>, %arg27: memref<1x256x160xf32, #tpu.memory_space<vmem>>, %arg28: memref<1x256x64xf32, #tpu.memory_space<vmem>>) attributes {dimension_semantics = [#tpu.dimension_semantics<arbitrary>, #tpu.dimension_semantics<arbitrary>], iteration_bounds = array<i64: 8, 4>, scalar_prefetch = 0 : i64, scratch_operands = 0 : i64, tpu.core_type = #tpu.core_type<tc>, window_params = [{transform_indices = @transform_0, window_bounds = array<i64: 1, 256, 16>}, {transform_indices = @transform_1, window_bounds = array<i64: 1, 1024, 16>}, {transform_indices = @transform_2, window_bounds = array<i64: 1, 16, 1024>}, {pipeline_mode = #tpu.pipeline_mode<synchronous>, transform_indices = @transform_3, window_bounds = array<i64: 160, 320>}, {pipeline_mode = #tpu.pipeline_mode<synchronous>, transform_indices = @transform_4, window_bounds = array<i64: 1, 320>}, {pipeline_mode = #tpu.pipeline_mode<synchronous>, transform_indices = @transform_5, window_bounds = array<i64: 1, 320>}, {pipeline_mode = #tpu.pipeline_mode<synchronous>, transform_indices = @transform_6, window_bounds = array<i64: 320, 160>}, {pipeline_mode = #tpu.pipeline_mode<synchronous>, transform_indices = @transform_7, window_bounds = array<i64: 1, 160>}, {pipeline_mode = #tpu.pipeline_mode<synchronous>, transform_indices = @transform_8, window_bounds = array<i64: 160, 320>}, {pipeline_mode = #tpu.pipeline_mode<synchronous>, transform_indices = @transform_9, window_bounds = array<i64: 1, 320>}, {pipeline_mode = #tpu.pipeline_mode<synchronous>, transform_indices = @transform_10, window_bounds = array<i64: 1, 320>}, {pipeline_mode = #tpu.pipeline_mode<synchronous>, transform_indices = @transform_11, window_bounds = array<i64: 320, 160>}, {pipeline_mode = #tpu.pipeline_mode<synchronous>, transform_indices = @transform_12, window_bounds = array<i64: 1, 160>}, {pipeline_mode = #tpu.pipeline_mode<synchronous>, transform_indices = @transform_13, window_bounds = array<i64: 160, 320>}, {pipeline_mode = #tpu.pipeline_mode<synchronous>, transform_indices = @transform_14, window_bounds = array<i64: 1, 320>}, {pipeline_mode = #tpu.pipeline_mode<synchronous>, transform_indices = @transform_15, window_bounds = array<i64: 1, 320>}, {pipeline_mode = #tpu.pipeline_mode<synchronous>, transform_indices = @transform_16, window_bounds = array<i64: 320, 160>}, {pipeline_mode = #tpu.pipeline_mode<synchronous>, transform_indices = @transform_17, window_bounds = array<i64: 1, 160>}, {pipeline_mode = #tpu.pipeline_mode<synchronous>, transform_indices = @transform_18, window_bounds = array<i64: 16, 64>}, {pipeline_mode = #tpu.pipeline_mode<synchronous>, transform_indices = @transform_19, window_bounds = array<i64: 1, 64>}, {pipeline_mode = #tpu.pipeline_mode<synchronous>, transform_indices = @transform_20, window_bounds = array<i64: 1, 64>}, {pipeline_mode = #tpu.pipeline_mode<synchronous>, transform_indices = @transform_21, window_bounds = array<i64: 160, 160>}, {transform_indices = @transform_22, window_bounds = array<i64: 1, 256, 20>}, {transform_indices = @transform_23, window_bounds = array<i64: 1, 256, 160>}, {transform_indices = @transform_24, window_bounds = array<i64: 1, 256, 160>}, {transform_indices = @transform_25, window_bounds = array<i64: 1, 256, 160>}, {transform_indices = @transform_26, window_bounds = array<i64: 1, 256, 64>}]} {
    %get3A = arith.constant 0 : index
    %get3A_0 = arith.constant 0 : index
    %get3A_1 = arith.constant 0 : index
    %get3A_2 = vector.load %arg2[%get3A, %get3A_0, %get3A_1] : memref<1x256x16xf32, #tpu.memory_space<vmem>>, vector<1x256x16xf32>
    %get3A_3 = vector.shape_cast %get3A_2 : vector<1x256x16xf32> to vector<256x16xf32>
    %get3A_4 = arith.constant 0 : index
    %get3A_5 = arith.constant 0 : index
    %get3A_6 = arith.constant 0 : index
    %get3A_7 = vector.load %arg3[%get3A_4, %get3A_5, %get3A_6] : memref<1x1024x16xf32, #tpu.memory_space<vmem>>, vector<1x1024x16xf32>
    %get3A_8 = vector.shape_cast %get3A_7 : vector<1x1024x16xf32> to vector<1024x16xf32>
    %get3A_9 = arith.constant 0 : index
    %get3A_10 = arith.constant 0 : index
    %get3A_11 = arith.constant 0 : index
    %get3A_12 = vector.load %arg4[%get3A_9, %get3A_10, %get3A_11] : memref<1x16x1024xf32, #tpu.memory_space<vmem>>, vector<1x16x1024xf32>
    %get3A_13 = vector.shape_cast %get3A_12 : vector<1x16x1024xf32> to vector<16x1024xf32>
    %slice3A = vector.extract_strided_slice %get3A_3 {offsets = [0, 0], sizes = [256, 1], strides = [1, 1]} : vector<256x16xf32> to vector<256x1xf32>
    %slice3A_14 = vector.extract_strided_slice %get3A_13 {offsets = [0, 0], sizes = [1, 1024], strides = [1, 1]} : vector<16x1024xf32> to vector<1x1024xf32>
    %mul3A = vector.broadcast %slice3A : vector<256x1xf32> to vector<256x1024xf32>
    %mul3A_15 = vector.broadcast %slice3A_14 : vector<1x1024xf32> to vector<256x1024xf32>
    %mul3A_16 = arith.mulf %mul3A, %mul3A_15 : vector<256x1024xf32>
    %slice3A_17 = vector.extract_strided_slice %get3A_3 {offsets = [0, 1], sizes = [256, 1], strides = [1, 1]} : vector<256x16xf32> to vector<256x1xf32>
    %slice3A_18 = vector.extract_strided_slice %get3A_13 {offsets = [1, 0], sizes = [1, 1024], strides = [1, 1]} : vector<16x1024xf32> to vector<1x1024xf32>
    %mul3A_19 = vector.broadcast %slice3A_17 : vector<256x1xf32> to vector<256x1024xf32>
    %mul3A_20 = vector.broadcast %slice3A_18 : vector<1x1024xf32> to vector<256x1024xf32>
    %mul3A_21 = arith.mulf %mul3A_19, %mul3A_20 : vector<256x1024xf32>
    %add3A = arith.addf %mul3A_16, %mul3A_21 : vector<256x1024xf32>
    %slice3A_22 = vector.extract_strided_slice %get3A_3 {offsets = [0, 2], sizes = [256, 1], strides = [1, 1]} : vector<256x16xf32> to vector<256x1xf32>
    %slice3A_23 = vector.extract_strided_slice %get3A_13 {offsets = [2, 0], sizes = [1, 1024], strides = [1, 1]} : vector<16x1024xf32> to vector<1x1024xf32>
    %mul3A_24 = vector.broadcast %slice3A_22 : vector<256x1xf32> to vector<256x1024xf32>
    %mul3A_25 = vector.broadcast %slice3A_23 : vector<1x1024xf32> to vector<256x1024xf32>
    %mul3A_26 = arith.mulf %mul3A_24, %mul3A_25 : vector<256x1024xf32>
    %add3A_27 = arith.addf %add3A, %mul3A_26 : vector<256x1024xf32>
    %slice3A_28 = vector.extract_strided_slice %get3A_3 {offsets = [0, 9], sizes = [256, 1], strides = [1, 1]} : vector<256x16xf32> to vector<256x1xf32>
    %add3A_29 = arith.addf %add3A_27, %add3A_27 : vector<256x1024xf32>
    %add3A_30 = vector.broadcast %slice3A_28 : vector<256x1xf32> to vector<256x1024xf32>
    %add3A_31 = arith.addf %add3A_30, %add3A_29 : vector<256x1024xf32>
    %slice3A_32 = vector.extract_strided_slice %get3A_13 {offsets = [4, 0], sizes = [1, 1024], strides = [1, 1]} : vector<16x1024xf32> to vector<1x1024xf32>
    %add3A_33 = vector.broadcast %slice3A_32 : vector<1x1024xf32> to vector<256x1024xf32>
    %add3A_34 = arith.addf %add3A_31, %add3A_33 : vector<256x1024xf32>
    %slice3A_35 = vector.extract_strided_slice %get3A_3 {offsets = [0, 0], sizes = [256, 3], strides = [1, 1]} : vector<256x16xf32> to vector<256x3xf32>
    %slice3A_36 = vector.extract_strided_slice %get3A_3 {offsets = [0, 3], sizes = [256, 3], strides = [1, 1]} : vector<256x16xf32> to vector<256x3xf32>
    %add3A_37 = arith.addf %slice3A_35, %slice3A_36 : vector<256x3xf32>
    %slice3A_38 = vector.extract_strided_slice %get3A_3 {offsets = [0, 6], sizes = [256, 3], strides = [1, 1]} : vector<256x16xf32> to vector<256x3xf32>
    %add3A_39 = arith.addf %add3A_37, %slice3A_38 : vector<256x3xf32>
    %iota3A = tpu.iota {dimensions = array<i32: 1>} : vector<256x1024xi32>
    %reduce_max3A = arith.constant dense<0xFF800000> : vector<256xf32>
    %reduce_max3A_40 = vector.multi_reduction <maximumf>, %add3A_34, %reduce_max3A [1] : vector<256x1024xf32> to vector<256xf32>
    %broadcast_in_dim3A = vector.shape_cast %reduce_max3A_40 : vector<256xf32> to vector<256x1xf32>
    %eq3A = vector.broadcast %broadcast_in_dim3A : vector<256x1xf32> to vector<256x1024xf32>
    %eq3A_41 = arith.cmpf oeq, %add3A_34, %eq3A : vector<256x1024xf32>
    %jit3A = arith.constant 1073741824 : i32
    %broadcast_in_dim3A_42 = vector.broadcast %jit3A : i32 to vector<256x1024xi32>
    %select_n3A = arith.select %eq3A_41, %iota3A, %broadcast_in_dim3A_42 : vector<256x1024xi1>, vector<256x1024xi32>
    %reduce_min3A = arith.constant dense<2147483647> : vector<256xi32>
    %reduce_min3A_43 = vector.multi_reduction <minsi>, %select_n3A, %reduce_min3A [1] : vector<256x1024xi32> to vector<256xi32>
    %broadcast_in_dim3A_44 = vector.shape_cast %reduce_min3A_43 : vector<256xi32> to vector<256x1xi32>
    %eq3A_45 = vector.broadcast %broadcast_in_dim3A_44 : vector<256x1xi32> to vector<256x1024xi32>
    %eq3A_46 = arith.cmpi eq, %iota3A, %eq3A_45 : vector<256x1024xi32>
    %convert_element_type3A = arith.extui %eq3A_46 : vector<256x1024xi1> to vector<256x1024xi32>
    %convert_element_type3A_47 = arith.sitofp %convert_element_type3A : vector<256x1024xi32> to vector<256x1024xf32>
    %jit3A_48 = arith.constant 0xFF800000 : f32
    %broadcast_in_dim3A_49 = vector.broadcast %jit3A_48 : f32 to vector<256x1024xf32>
    %select_n3A_50 = arith.select %eq3A_46, %broadcast_in_dim3A_49, %add3A_34 : vector<256x1024xi1>, vector<256x1024xf32>
    %dot_general3A = arith.constant dense<0.000000e+00> : vector<256x16xf32>
    %dot_general3A_51 = tpu.matmul %convert_element_type3A_47, %get3A_8, %dot_general3A {dimension_numbers = #tpu.dot_dimension_numbers<[1], [0], [0], [1], [0, 0, 1, 1], [], []>, transpose_lhs_hint = false} : vector<256x1024xf32>, vector<1024x16xf32>, vector<256x16xf32> -> vector<256x16xf32>
    %slice3A_52 = vector.extract_strided_slice %dot_general3A_51 {offsets = [0, 0], sizes = [256, 3], strides = [1, 1]} : vector<256x16xf32> to vector<256x3xf32>
    %slice3A_53 = vector.extract_strided_slice %dot_general3A_51 {offsets = [0, 3], sizes = [256, 3], strides = [1, 1]} : vector<256x16xf32> to vector<256x3xf32>
    %add3A_54 = arith.addf %slice3A_52, %slice3A_53 : vector<256x3xf32>
    %slice3A_55 = vector.extract_strided_slice %dot_general3A_51 {offsets = [0, 6], sizes = [256, 3], strides = [1, 1]} : vector<256x16xf32> to vector<256x3xf32>
    %add3A_56 = arith.addf %add3A_54, %slice3A_55 : vector<256x3xf32>
    %sub3A = arith.subf %add3A_56, %add3A_39 : vector<256x3xf32>
    %convert_element_type3A_57 = arith.truncf %sub3A : vector<256x3xf32> to vector<256x3xbf16>
    %convert_element_type3A_58 = arith.extf %convert_element_type3A_57 : vector<256x3xbf16> to vector<256x3xf32>
    %convert_element_type3A_59 = arith.truncf %add3A_56 : vector<256x3xf32> to vector<256x3xbf16>
    %convert_element_type3A_60 = arith.extf %convert_element_type3A_59 : vector<256x3xbf16> to vector<256x3xf32>
    %broadcast_in_dim3A_61 = arith.constant 0.000000e+00 : f32
    %broadcast_in_dim3A_62 = vector.broadcast %broadcast_in_dim3A_61 : f32 to vector<256x2xf32>
    %concatenate3A = tpu.concatenate %convert_element_type3A_58, %convert_element_type3A_60, %broadcast_in_dim3A_62 in 1 : vector<256x3xf32>, vector<256x3xf32>, vector<256x2xf32> -> vector<256x8xf32>
    %reduce_max3A_63 = arith.constant dense<0xFF800000> : vector<256xf32>
    %reduce_max3A_64 = vector.multi_reduction <maximumf>, %select_n3A_50, %reduce_max3A_63 [1] : vector<256x1024xf32> to vector<256xf32>
    %broadcast_in_dim3A_65 = vector.shape_cast %reduce_max3A_64 : vector<256xf32> to vector<256x1xf32>
    %eq3A_66 = vector.broadcast %broadcast_in_dim3A_65 : vector<256x1xf32> to vector<256x1024xf32>
    %eq3A_67 = arith.cmpf oeq, %select_n3A_50, %eq3A_66 : vector<256x1024xf32>
    %jit3A_68 = arith.constant 1073741824 : i32
    %broadcast_in_dim3A_69 = vector.broadcast %jit3A_68 : i32 to vector<256x1024xi32>
    %select_n3A_70 = arith.select %eq3A_67, %iota3A, %broadcast_in_dim3A_69 : vector<256x1024xi1>, vector<256x1024xi32>
    %reduce_min3A_71 = arith.constant dense<2147483647> : vector<256xi32>
    %reduce_min3A_72 = vector.multi_reduction <minsi>, %select_n3A_70, %reduce_min3A_71 [1] : vector<256x1024xi32> to vector<256xi32>
    %broadcast_in_dim3A_73 = vector.shape_cast %reduce_min3A_72 : vector<256xi32> to vector<256x1xi32>
    %eq3A_74 = vector.broadcast %broadcast_in_dim3A_73 : vector<256x1xi32> to vector<256x1024xi32>
    %eq3A_75 = arith.cmpi eq, %iota3A, %eq3A_74 : vector<256x1024xi32>
    %convert_element_type3A_76 = arith.extui %eq3A_75 : vector<256x1024xi1> to vector<256x1024xi32>
    %convert_element_type3A_77 = arith.sitofp %convert_element_type3A_76 : vector<256x1024xi32> to vector<256x1024xf32>
    %jit3A_78 = arith.constant 0xFF800000 : f32
    %broadcast_in_dim3A_79 = vector.broadcast %jit3A_78 : f32 to vector<256x1024xf32>
    %select_n3A_80 = arith.select %eq3A_75, %broadcast_in_dim3A_79, %select_n3A_50 : vector<256x1024xi1>, vector<256x1024xf32>
    %dot_general3A_81 = arith.constant dense<0.000000e+00> : vector<256x16xf32>
    %dot_general3A_82 = tpu.matmul %convert_element_type3A_77, %get3A_8, %dot_general3A_81 {dimension_numbers = #tpu.dot_dimension_numbers<[1], [0], [0], [1], [0, 0, 1, 1], [], []>, transpose_lhs_hint = false} : vector<256x1024xf32>, vector<1024x16xf32>, vector<256x16xf32> -> vector<256x16xf32>
    %slice3A_83 = vector.extract_strided_slice %dot_general3A_82 {offsets = [0, 0], sizes = [256, 3], strides = [1, 1]} : vector<256x16xf32> to vector<256x3xf32>
    %slice3A_84 = vector.extract_strided_slice %dot_general3A_82 {offsets = [0, 3], sizes = [256, 3], strides = [1, 1]} : vector<256x16xf32> to vector<256x3xf32>
    %add3A_85 = arith.addf %slice3A_83, %slice3A_84 : vector<256x3xf32>
    %slice3A_86 = vector.extract_strided_slice %dot_general3A_82 {offsets = [0, 6], sizes = [256, 3], strides = [1, 1]} : vector<256x16xf32> to vector<256x3xf32>
    %add3A_87 = arith.addf %add3A_85, %slice3A_86 : vector<256x3xf32>
    %sub3A_88 = arith.subf %add3A_87, %add3A_39 : vector<256x3xf32>
    %convert_element_type3A_89 = arith.truncf %sub3A_88 : vector<256x3xf32> to vector<256x3xbf16>
    %convert_element_type3A_90 = arith.extf %convert_element_type3A_89 : vector<256x3xbf16> to vector<256x3xf32>
    %convert_element_type3A_91 = arith.truncf %add3A_87 : vector<256x3xf32> to vector<256x3xbf16>
    %convert_element_type3A_92 = arith.extf %convert_element_type3A_91 : vector<256x3xbf16> to vector<256x3xf32>
    %broadcast_in_dim3A_93 = arith.constant 0.000000e+00 : f32
    %broadcast_in_dim3A_94 = vector.broadcast %broadcast_in_dim3A_93 : f32 to vector<256x2xf32>
    %concatenate3A_95 = tpu.concatenate %convert_element_type3A_90, %convert_element_type3A_92, %broadcast_in_dim3A_94 in 1 : vector<256x3xf32>, vector<256x3xf32>, vector<256x2xf32> -> vector<256x8xf32>
    %reduce_max3A_96 = arith.constant dense<0xFF800000> : vector<256xf32>
    %reduce_max3A_97 = vector.multi_reduction <maximumf>, %select_n3A_80, %reduce_max3A_96 [1] : vector<256x1024xf32> to vector<256xf32>
    %broadcast_in_dim3A_98 = vector.shape_cast %reduce_max3A_97 : vector<256xf32> to vector<256x1xf32>
    %eq3A_99 = vector.broadcast %broadcast_in_dim3A_98 : vector<256x1xf32> to vector<256x1024xf32>
    %eq3A_100 = arith.cmpf oeq, %select_n3A_80, %eq3A_99 : vector<256x1024xf32>
    %jit3A_101 = arith.constant 1073741824 : i32
    %broadcast_in_dim3A_102 = vector.broadcast %jit3A_101 : i32 to vector<256x1024xi32>
    %select_n3A_103 = arith.select %eq3A_100, %iota3A, %broadcast_in_dim3A_102 : vector<256x1024xi1>, vector<256x1024xi32>
    %reduce_min3A_104 = arith.constant dense<2147483647> : vector<256xi32>
    %reduce_min3A_105 = vector.multi_reduction <minsi>, %select_n3A_103, %reduce_min3A_104 [1] : vector<256x1024xi32> to vector<256xi32>
    %broadcast_in_dim3A_106 = vector.shape_cast %reduce_min3A_105 : vector<256xi32> to vector<256x1xi32>
    %eq3A_107 = vector.broadcast %broadcast_in_dim3A_106 : vector<256x1xi32> to vector<256x1024xi32>
    %eq3A_108 = arith.cmpi eq, %iota3A, %eq3A_107 : vector<256x1024xi32>
    %convert_element_type3A_109 = arith.extui %eq3A_108 : vector<256x1024xi1> to vector<256x1024xi32>
    %convert_element_type3A_110 = arith.sitofp %convert_element_type3A_109 : vector<256x1024xi32> to vector<256x1024xf32>
    %jit3A_111 = arith.constant 0xFF800000 : f32
    %broadcast_in_dim3A_112 = vector.broadcast %jit3A_111 : f32 to vector<256x1024xf32>
    %select_n3A_113 = arith.select %eq3A_108, %broadcast_in_dim3A_112, %select_n3A_80 : vector<256x1024xi1>, vector<256x1024xf32>
    %dot_general3A_114 = arith.constant dense<0.000000e+00> : vector<256x16xf32>
    %dot_general3A_115 = tpu.matmul %convert_element_type3A_110, %get3A_8, %dot_general3A_114 {dimension_numbers = #tpu.dot_dimension_numbers<[1], [0], [0], [1], [0, 0, 1, 1], [], []>, transpose_lhs_hint = false} : vector<256x1024xf32>, vector<1024x16xf32>, vector<256x16xf32> -> vector<256x16xf32>
    %slice3A_116 = vector.extract_strided_slice %dot_general3A_115 {offsets = [0, 0], sizes = [256, 3], strides = [1, 1]} : vector<256x16xf32> to vector<256x3xf32>
    %slice3A_117 = vector.extract_strided_slice %dot_general3A_115 {offsets = [0, 3], sizes = [256, 3], strides = [1, 1]} : vector<256x16xf32> to vector<256x3xf32>
    %add3A_118 = arith.addf %slice3A_116, %slice3A_117 : vector<256x3xf32>
    %slice3A_119 = vector.extract_strided_slice %dot_general3A_115 {offsets = [0, 6], sizes = [256, 3], strides = [1, 1]} : vector<256x16xf32> to vector<256x3xf32>
    %add3A_120 = arith.addf %add3A_118, %slice3A_119 : vector<256x3xf32>
    %sub3A_121 = arith.subf %add3A_120, %add3A_39 : vector<256x3xf32>
    %convert_element_type3A_122 = arith.truncf %sub3A_121 : vector<256x3xf32> to vector<256x3xbf16>
    %convert_element_type3A_123 = arith.extf %convert_element_type3A_122 : vector<256x3xbf16> to vector<256x3xf32>
    %convert_element_type3A_124 = arith.truncf %add3A_120 : vector<256x3xf32> to vector<256x3xbf16>
    %convert_element_type3A_125 = arith.extf %convert_element_type3A_124 : vector<256x3xbf16> to vector<256x3xf32>
    %broadcast_in_dim3A_126 = arith.constant 0.000000e+00 : f32
    %broadcast_in_dim3A_127 = vector.broadcast %broadcast_in_dim3A_126 : f32 to vector<256x2xf32>
    %concatenate3A_128 = tpu.concatenate %convert_element_type3A_123, %convert_element_type3A_125, %broadcast_in_dim3A_127 in 1 : vector<256x3xf32>, vector<256x3xf32>, vector<256x2xf32> -> vector<256x8xf32>
    %reduce_max3A_129 = arith.constant dense<0xFF800000> : vector<256xf32>
    %reduce_max3A_130 = vector.multi_reduction <maximumf>, %select_n3A_113, %reduce_max3A_129 [1] : vector<256x1024xf32> to vector<256xf32>
    %broadcast_in_dim3A_131 = vector.shape_cast %reduce_max3A_130 : vector<256xf32> to vector<256x1xf32>
    %eq3A_132 = vector.broadcast %broadcast_in_dim3A_131 : vector<256x1xf32> to vector<256x1024xf32>
    %eq3A_133 = arith.cmpf oeq, %select_n3A_113, %eq3A_132 : vector<256x1024xf32>
    %jit3A_134 = arith.constant 1073741824 : i32
    %broadcast_in_dim3A_135 = vector.broadcast %jit3A_134 : i32 to vector<256x1024xi32>
    %select_n3A_136 = arith.select %eq3A_133, %iota3A, %broadcast_in_dim3A_135 : vector<256x1024xi1>, vector<256x1024xi32>
    %reduce_min3A_137 = arith.constant dense<2147483647> : vector<256xi32>
    %reduce_min3A_138 = vector.multi_reduction <minsi>, %select_n3A_136, %reduce_min3A_137 [1] : vector<256x1024xi32> to vector<256xi32>
    %broadcast_in_dim3A_139 = vector.shape_cast %reduce_min3A_138 : vector<256xi32> to vector<256x1xi32>
    %eq3A_140 = vector.broadcast %broadcast_in_dim3A_139 : vector<256x1xi32> to vector<256x1024xi32>
    %eq3A_141 = arith.cmpi eq, %iota3A, %eq3A_140 : vector<256x1024xi32>
    %convert_element_type3A_142 = arith.extui %eq3A_141 : vector<256x1024xi1> to vector<256x1024xi32>
    %convert_element_type3A_143 = arith.sitofp %convert_element_type3A_142 : vector<256x1024xi32> to vector<256x1024xf32>
    %jit3A_144 = arith.constant 0xFF800000 : f32
    %broadcast_in_dim3A_145 = vector.broadcast %jit3A_144 : f32 to vector<256x1024xf32>
    %select_n3A_146 = arith.select %eq3A_141, %broadcast_in_dim3A_145, %select_n3A_113 : vector<256x1024xi1>, vector<256x1024xf32>
    %dot_general3A_147 = arith.constant dense<0.000000e+00> : vector<256x16xf32>
    %dot_general3A_148 = tpu.matmul %convert_element_type3A_143, %get3A_8, %dot_general3A_147 {dimension_numbers = #tpu.dot_dimension_numbers<[1], [0], [0], [1], [0, 0, 1, 1], [], []>, transpose_lhs_hint = false} : vector<256x1024xf32>, vector<1024x16xf32>, vector<256x16xf32> -> vector<256x16xf32>
    %slice3A_149 = vector.extract_strided_slice %dot_general3A_148 {offsets = [0, 0], sizes = [256, 3], strides = [1, 1]} : vector<256x16xf32> to vector<256x3xf32>
    %slice3A_150 = vector.extract_strided_slice %dot_general3A_148 {offsets = [0, 3], sizes = [256, 3], strides = [1, 1]} : vector<256x16xf32> to vector<256x3xf32>
    %add3A_151 = arith.addf %slice3A_149, %slice3A_150 : vector<256x3xf32>
    %slice3A_152 = vector.extract_strided_slice %dot_general3A_148 {offsets = [0, 6], sizes = [256, 3], strides = [1, 1]} : vector<256x16xf32> to vector<256x3xf32>
    %add3A_153 = arith.addf %add3A_151, %slice3A_152 : vector<256x3xf32>
    %sub3A_154 = arith.subf %add3A_153, %add3A_39 : vector<256x3xf32>
    %convert_element_type3A_155 = arith.truncf %sub3A_154 : vector<256x3xf32> to vector<256x3xbf16>
    %convert_element_type3A_156 = arith.extf %convert_element_type3A_155 : vector<256x3xbf16> to vector<256x3xf32>
    %convert_element_type3A_157 = arith.truncf %add3A_153 : vector<256x3xf32> to vector<256x3xbf16>
    %convert_element_type3A_158 = arith.extf %convert_element_type3A_157 : vector<256x3xbf16> to vector<256x3xf32>
    %broadcast_in_dim3A_159 = arith.constant 0.000000e+00 : f32
    %broadcast_in_dim3A_160 = vector.broadcast %broadcast_in_dim3A_159 : f32 to vector<256x2xf32>
    %concatenate3A_161 = tpu.concatenate %convert_element_type3A_156, %convert_element_type3A_158, %broadcast_in_dim3A_160 in 1 : vector<256x3xf32>, vector<256x3xf32>, vector<256x2xf32> -> vector<256x8xf32>
    %reduce_max3A_162 = arith.constant dense<0xFF800000> : vector<256xf32>
    %reduce_max3A_163 = vector.multi_reduction <maximumf>, %select_n3A_146, %reduce_max3A_162 [1] : vector<256x1024xf32> to vector<256xf32>
    %broadcast_in_dim3A_164 = vector.shape_cast %reduce_max3A_163 : vector<256xf32> to vector<256x1xf32>
    %eq3A_165 = vector.broadcast %broadcast_in_dim3A_164 : vector<256x1xf32> to vector<256x1024xf32>
    %eq3A_166 = arith.cmpf oeq, %select_n3A_146, %eq3A_165 : vector<256x1024xf32>
    %jit3A_167 = arith.constant 1073741824 : i32
    %broadcast_in_dim3A_168 = vector.broadcast %jit3A_167 : i32 to vector<256x1024xi32>
    %select_n3A_169 = arith.select %eq3A_166, %iota3A, %broadcast_in_dim3A_168 : vector<256x1024xi1>, vector<256x1024xi32>
    %reduce_min3A_170 = arith.constant dense<2147483647> : vector<256xi32>
    %reduce_min3A_171 = vector.multi_reduction <minsi>, %select_n3A_169, %reduce_min3A_170 [1] : vector<256x1024xi32> to vector<256xi32>
    %broadcast_in_dim3A_172 = vector.shape_cast %reduce_min3A_171 : vector<256xi32> to vector<256x1xi32>
    %eq3A_173 = vector.broadcast %broadcast_in_dim3A_172 : vector<256x1xi32> to vector<256x1024xi32>
    %eq3A_174 = arith.cmpi eq, %iota3A, %eq3A_173 : vector<256x1024xi32>
    %convert_element_type3A_175 = arith.extui %eq3A_174 : vector<256x1024xi1> to vector<256x1024xi32>
    %convert_element_type3A_176 = arith.sitofp %convert_element_type3A_175 : vector<256x1024xi32> to vector<256x1024xf32>
    %jit3A_177 = arith.constant 0xFF800000 : f32
    %broadcast_in_dim3A_178 = vector.broadcast %jit3A_177 : f32 to vector<256x1024xf32>
    %select_n3A_179 = arith.select %eq3A_174, %broadcast_in_dim3A_178, %select_n3A_146 : vector<256x1024xi1>, vector<256x1024xf32>
    %dot_general3A_180 = arith.constant dense<0.000000e+00> : vector<256x16xf32>
    %dot_general3A_181 = tpu.matmul %convert_element_type3A_176, %get3A_8, %dot_general3A_180 {dimension_numbers = #tpu.dot_dimension_numbers<[1], [0], [0], [1], [0, 0, 1, 1], [], []>, transpose_lhs_hint = false} : vector<256x1024xf32>, vector<1024x16xf32>, vector<256x16xf32> -> vector<256x16xf32>
    %slice3A_182 = vector.extract_strided_slice %dot_general3A_181 {offsets = [0, 0], sizes = [256, 3], strides = [1, 1]} : vector<256x16xf32> to vector<256x3xf32>
    %slice3A_183 = vector.extract_strided_slice %dot_general3A_181 {offsets = [0, 3], sizes = [256, 3], strides = [1, 1]} : vector<256x16xf32> to vector<256x3xf32>
    %add3A_184 = arith.addf %slice3A_182, %slice3A_183 : vector<256x3xf32>
    %slice3A_185 = vector.extract_strided_slice %dot_general3A_181 {offsets = [0, 6], sizes = [256, 3], strides = [1, 1]} : vector<256x16xf32> to vector<256x3xf32>
    %add3A_186 = arith.addf %add3A_184, %slice3A_185 : vector<256x3xf32>
    %sub3A_187 = arith.subf %add3A_186, %add3A_39 : vector<256x3xf32>
    %convert_element_type3A_188 = arith.truncf %sub3A_187 : vector<256x3xf32> to vector<256x3xbf16>
    %convert_element_type3A_189 = arith.extf %convert_element_type3A_188 : vector<256x3xbf16> to vector<256x3xf32>
    %convert_element_type3A_190 = arith.truncf %add3A_186 : vector<256x3xf32> to vector<256x3xbf16>
    %convert_element_type3A_191 = arith.extf %convert_element_type3A_190 : vector<256x3xbf16> to vector<256x3xf32>
    %broadcast_in_dim3A_192 = arith.constant 0.000000e+00 : f32
    %broadcast_in_dim3A_193 = vector.broadcast %broadcast_in_dim3A_192 : f32 to vector<256x2xf32>
    %concatenate3A_194 = tpu.concatenate %convert_element_type3A_189, %convert_element_type3A_191, %broadcast_in_dim3A_193 in 1 : vector<256x3xf32>, vector<256x3xf32>, vector<256x2xf32> -> vector<256x8xf32>
    %reduce_max3A_195 = arith.constant dense<0xFF800000> : vector<256xf32>
    %reduce_max3A_196 = vector.multi_reduction <maximumf>, %select_n3A_179, %reduce_max3A_195 [1] : vector<256x1024xf32> to vector<256xf32>
    %broadcast_in_dim3A_197 = vector.shape_cast %reduce_max3A_196 : vector<256xf32> to vector<256x1xf32>
    %eq3A_198 = vector.broadcast %broadcast_in_dim3A_197 : vector<256x1xf32> to vector<256x1024xf32>
    %eq3A_199 = arith.cmpf oeq, %select_n3A_179, %eq3A_198 : vector<256x1024xf32>
    %jit3A_200 = arith.constant 1073741824 : i32
    %broadcast_in_dim3A_201 = vector.broadcast %jit3A_200 : i32 to vector<256x1024xi32>
    %select_n3A_202 = arith.select %eq3A_199, %iota3A, %broadcast_in_dim3A_201 : vector<256x1024xi1>, vector<256x1024xi32>
    %reduce_min3A_203 = arith.constant dense<2147483647> : vector<256xi32>
    %reduce_min3A_204 = vector.multi_reduction <minsi>, %select_n3A_202, %reduce_min3A_203 [1] : vector<256x1024xi32> to vector<256xi32>
    %broadcast_in_dim3A_205 = vector.shape_cast %reduce_min3A_204 : vector<256xi32> to vector<256x1xi32>
    %eq3A_206 = vector.broadcast %broadcast_in_dim3A_205 : vector<256x1xi32> to vector<256x1024xi32>
    %eq3A_207 = arith.cmpi eq, %iota3A, %eq3A_206 : vector<256x1024xi32>
    %convert_element_type3A_208 = arith.extui %eq3A_207 : vector<256x1024xi1> to vector<256x1024xi32>
    %convert_element_type3A_209 = arith.sitofp %convert_element_type3A_208 : vector<256x1024xi32> to vector<256x1024xf32>
    %jit3A_210 = arith.constant 0xFF800000 : f32
    %broadcast_in_dim3A_211 = vector.broadcast %jit3A_210 : f32 to vector<256x1024xf32>
    %select_n3A_212 = arith.select %eq3A_207, %broadcast_in_dim3A_211, %select_n3A_179 : vector<256x1024xi1>, vector<256x1024xf32>
    %dot_general3A_213 = arith.constant dense<0.000000e+00> : vector<256x16xf32>
    %dot_general3A_214 = tpu.matmul %convert_element_type3A_209, %get3A_8, %dot_general3A_213 {dimension_numbers = #tpu.dot_dimension_numbers<[1], [0], [0], [1], [0, 0, 1, 1], [], []>, transpose_lhs_hint = false} : vector<256x1024xf32>, vector<1024x16xf32>, vector<256x16xf32> -> vector<256x16xf32>
    %slice3A_215 = vector.extract_strided_slice %dot_general3A_214 {offsets = [0, 0], sizes = [256, 3], strides = [1, 1]} : vector<256x16xf32> to vector<256x3xf32>
    %slice3A_216 = vector.extract_strided_slice %dot_general3A_214 {offsets = [0, 3], sizes = [256, 3], strides = [1, 1]} : vector<256x16xf32> to vector<256x3xf32>
    %add3A_217 = arith.addf %slice3A_215, %slice3A_216 : vector<256x3xf32>
    %slice3A_218 = vector.extract_strided_slice %dot_general3A_214 {offsets = [0, 6], sizes = [256, 3], strides = [1, 1]} : vector<256x16xf32> to vector<256x3xf32>
    %add3A_219 = arith.addf %add3A_217, %slice3A_218 : vector<256x3xf32>
    %sub3A_220 = arith.subf %add3A_219, %add3A_39 : vector<256x3xf32>
    %convert_element_type3A_221 = arith.truncf %sub3A_220 : vector<256x3xf32> to vector<256x3xbf16>
    %convert_element_type3A_222 = arith.extf %convert_element_type3A_221 : vector<256x3xbf16> to vector<256x3xf32>
    %convert_element_type3A_223 = arith.truncf %add3A_219 : vector<256x3xf32> to vector<256x3xbf16>
    %convert_element_type3A_224 = arith.extf %convert_element_type3A_223 : vector<256x3xbf16> to vector<256x3xf32>
    %broadcast_in_dim3A_225 = arith.constant 0.000000e+00 : f32
    %broadcast_in_dim3A_226 = vector.broadcast %broadcast_in_dim3A_225 : f32 to vector<256x2xf32>
    %concatenate3A_227 = tpu.concatenate %convert_element_type3A_222, %convert_element_type3A_224, %broadcast_in_dim3A_226 in 1 : vector<256x3xf32>, vector<256x3xf32>, vector<256x2xf32> -> vector<256x8xf32>
    %reduce_max3A_228 = arith.constant dense<0xFF800000> : vector<256xf32>
    %reduce_max3A_229 = vector.multi_reduction <maximumf>, %select_n3A_212, %reduce_max3A_228 [1] : vector<256x1024xf32> to vector<256xf32>
    %broadcast_in_dim3A_230 = vector.shape_cast %reduce_max3A_229 : vector<256xf32> to vector<256x1xf32>
    %eq3A_231 = vector.broadcast %broadcast_in_dim3A_230 : vector<256x1xf32> to vector<256x1024xf32>
    %eq3A_232 = arith.cmpf oeq, %select_n3A_212, %eq3A_231 : vector<256x1024xf32>
    %jit3A_233 = arith.constant 1073741824 : i32
    %broadcast_in_dim3A_234 = vector.broadcast %jit3A_233 : i32 to vector<256x1024xi32>
    %select_n3A_235 = arith.select %eq3A_232, %iota3A, %broadcast_in_dim3A_234 : vector<256x1024xi1>, vector<256x1024xi32>
    %reduce_min3A_236 = arith.constant dense<2147483647> : vector<256xi32>
    %reduce_min3A_237 = vector.multi_reduction <minsi>, %select_n3A_235, %reduce_min3A_236 [1] : vector<256x1024xi32> to vector<256xi32>
    %broadcast_in_dim3A_238 = vector.shape_cast %reduce_min3A_237 : vector<256xi32> to vector<256x1xi32>
    %eq3A_239 = vector.broadcast %broadcast_in_dim3A_238 : vector<256x1xi32> to vector<256x1024xi32>
    %eq3A_240 = arith.cmpi eq, %iota3A, %eq3A_239 : vector<256x1024xi32>
    %convert_element_type3A_241 = arith.extui %eq3A_240 : vector<256x1024xi1> to vector<256x1024xi32>
    %convert_element_type3A_242 = arith.sitofp %convert_element_type3A_241 : vector<256x1024xi32> to vector<256x1024xf32>
    %jit3A_243 = arith.constant 0xFF800000 : f32
    %broadcast_in_dim3A_244 = vector.broadcast %jit3A_243 : f32 to vector<256x1024xf32>
    %select_n3A_245 = arith.select %eq3A_240, %broadcast_in_dim3A_244, %select_n3A_212 : vector<256x1024xi1>, vector<256x1024xf32>
    %dot_general3A_246 = arith.constant dense<0.000000e+00> : vector<256x16xf32>
    %dot_general3A_247 = tpu.matmul %convert_element_type3A_242, %get3A_8, %dot_general3A_246 {dimension_numbers = #tpu.dot_dimension_numbers<[1], [0], [0], [1], [0, 0, 1, 1], [], []>, transpose_lhs_hint = false} : vector<256x1024xf32>, vector<1024x16xf32>, vector<256x16xf32> -> vector<256x16xf32>
    %slice3A_248 = vector.extract_strided_slice %dot_general3A_247 {offsets = [0, 0], sizes = [256, 3], strides = [1, 1]} : vector<256x16xf32> to vector<256x3xf32>
    %slice3A_249 = vector.extract_strided_slice %dot_general3A_247 {offsets = [0, 3], sizes = [256, 3], strides = [1, 1]} : vector<256x16xf32> to vector<256x3xf32>
    %add3A_250 = arith.addf %slice3A_248, %slice3A_249 : vector<256x3xf32>
    %slice3A_251 = vector.extract_strided_slice %dot_general3A_247 {offsets = [0, 6], sizes = [256, 3], strides = [1, 1]} : vector<256x16xf32> to vector<256x3xf32>
    %add3A_252 = arith.addf %add3A_250, %slice3A_251 : vector<256x3xf32>
    %sub3A_253 = arith.subf %add3A_252, %add3A_39 : vector<256x3xf32>
    %convert_element_type3A_254 = arith.truncf %sub3A_253 : vector<256x3xf32> to vector<256x3xbf16>
    %convert_element_type3A_255 = arith.extf %convert_element_type3A_254 : vector<256x3xbf16> to vector<256x3xf32>
    %convert_element_type3A_256 = arith.truncf %add3A_252 : vector<256x3xf32> to vector<256x3xbf16>
    %convert_element_type3A_257 = arith.extf %convert_element_type3A_256 : vector<256x3xbf16> to vector<256x3xf32>
    %broadcast_in_dim3A_258 = arith.constant 0.000000e+00 : f32
    %broadcast_in_dim3A_259 = vector.broadcast %broadcast_in_dim3A_258 : f32 to vector<256x2xf32>
    %concatenate3A_260 = tpu.concatenate %convert_element_type3A_255, %convert_element_type3A_257, %broadcast_in_dim3A_259 in 1 : vector<256x3xf32>, vector<256x3xf32>, vector<256x2xf32> -> vector<256x8xf32>
    %reduce_max3A_261 = arith.constant dense<0xFF800000> : vector<256xf32>
    %reduce_max3A_262 = vector.multi_reduction <maximumf>, %select_n3A_245, %reduce_max3A_261 [1] : vector<256x1024xf32> to vector<256xf32>
    %broadcast_in_dim3A_263 = vector.shape_cast %reduce_max3A_262 : vector<256xf32> to vector<256x1xf32>
    %eq3A_264 = vector.broadcast %broadcast_in_dim3A_263 : vector<256x1xf32> to vector<256x1024xf32>
    %eq3A_265 = arith.cmpf oeq, %select_n3A_245, %eq3A_264 : vector<256x1024xf32>
    %jit3A_266 = arith.constant 1073741824 : i32
    %broadcast_in_dim3A_267 = vector.broadcast %jit3A_266 : i32 to vector<256x1024xi32>
    %select_n3A_268 = arith.select %eq3A_265, %iota3A, %broadcast_in_dim3A_267 : vector<256x1024xi1>, vector<256x1024xi32>
    %reduce_min3A_269 = arith.constant dense<2147483647> : vector<256xi32>
    %reduce_min3A_270 = vector.multi_reduction <minsi>, %select_n3A_268, %reduce_min3A_269 [1] : vector<256x1024xi32> to vector<256xi32>
    %broadcast_in_dim3A_271 = vector.shape_cast %reduce_min3A_270 : vector<256xi32> to vector<256x1xi32>
    %eq3A_272 = vector.broadcast %broadcast_in_dim3A_271 : vector<256x1xi32> to vector<256x1024xi32>
    %eq3A_273 = arith.cmpi eq, %iota3A, %eq3A_272 : vector<256x1024xi32>
    %convert_element_type3A_274 = arith.extui %eq3A_273 : vector<256x1024xi1> to vector<256x1024xi32>
    %convert_element_type3A_275 = arith.sitofp %convert_element_type3A_274 : vector<256x1024xi32> to vector<256x1024xf32>
    %jit3A_276 = arith.constant 0xFF800000 : f32
    %broadcast_in_dim3A_277 = vector.broadcast %jit3A_276 : f32 to vector<256x1024xf32>
    %select_n3A_278 = arith.select %eq3A_273, %broadcast_in_dim3A_277, %select_n3A_245 : vector<256x1024xi1>, vector<256x1024xf32>
    %dot_general3A_279 = arith.constant dense<0.000000e+00> : vector<256x16xf32>
    %dot_general3A_280 = tpu.matmul %convert_element_type3A_275, %get3A_8, %dot_general3A_279 {dimension_numbers = #tpu.dot_dimension_numbers<[1], [0], [0], [1], [0, 0, 1, 1], [], []>, transpose_lhs_hint = false} : vector<256x1024xf32>, vector<1024x16xf32>, vector<256x16xf32> -> vector<256x16xf32>
    %slice3A_281 = vector.extract_strided_slice %dot_general3A_280 {offsets = [0, 0], sizes = [256, 3], strides = [1, 1]} : vector<256x16xf32> to vector<256x3xf32>
    %slice3A_282 = vector.extract_strided_slice %dot_general3A_280 {offsets = [0, 3], sizes = [256, 3], strides = [1, 1]} : vector<256x16xf32> to vector<256x3xf32>
    %add3A_283 = arith.addf %slice3A_281, %slice3A_282 : vector<256x3xf32>
    %slice3A_284 = vector.extract_strided_slice %dot_general3A_280 {offsets = [0, 6], sizes = [256, 3], strides = [1, 1]} : vector<256x16xf32> to vector<256x3xf32>
    %add3A_285 = arith.addf %add3A_283, %slice3A_284 : vector<256x3xf32>
    %sub3A_286 = arith.subf %add3A_285, %add3A_39 : vector<256x3xf32>
    %convert_element_type3A_287 = arith.truncf %sub3A_286 : vector<256x3xf32> to vector<256x3xbf16>
    %convert_element_type3A_288 = arith.extf %convert_element_type3A_287 : vector<256x3xbf16> to vector<256x3xf32>
    %convert_element_type3A_289 = arith.truncf %add3A_285 : vector<256x3xf32> to vector<256x3xbf16>
    %convert_element_type3A_290 = arith.extf %convert_element_type3A_289 : vector<256x3xbf16> to vector<256x3xf32>
    %broadcast_in_dim3A_291 = arith.constant 0.000000e+00 : f32
    %broadcast_in_dim3A_292 = vector.broadcast %broadcast_in_dim3A_291 : f32 to vector<256x2xf32>
    %concatenate3A_293 = tpu.concatenate %convert_element_type3A_288, %convert_element_type3A_290, %broadcast_in_dim3A_292 in 1 : vector<256x3xf32>, vector<256x3xf32>, vector<256x2xf32> -> vector<256x8xf32>
    %reduce_max3A_294 = arith.constant dense<0xFF800000> : vector<256xf32>
    %reduce_max3A_295 = vector.multi_reduction <maximumf>, %select_n3A_278, %reduce_max3A_294 [1] : vector<256x1024xf32> to vector<256xf32>
    %broadcast_in_dim3A_296 = vector.shape_cast %reduce_max3A_295 : vector<256xf32> to vector<256x1xf32>
    %eq3A_297 = vector.broadcast %broadcast_in_dim3A_296 : vector<256x1xf32> to vector<256x1024xf32>
    %eq3A_298 = arith.cmpf oeq, %select_n3A_278, %eq3A_297 : vector<256x1024xf32>
    %jit3A_299 = arith.constant 1073741824 : i32
    %broadcast_in_dim3A_300 = vector.broadcast %jit3A_299 : i32 to vector<256x1024xi32>
    %select_n3A_301 = arith.select %eq3A_298, %iota3A, %broadcast_in_dim3A_300 : vector<256x1024xi1>, vector<256x1024xi32>
    %reduce_min3A_302 = arith.constant dense<2147483647> : vector<256xi32>
    %reduce_min3A_303 = vector.multi_reduction <minsi>, %select_n3A_301, %reduce_min3A_302 [1] : vector<256x1024xi32> to vector<256xi32>
    %broadcast_in_dim3A_304 = vector.shape_cast %reduce_min3A_303 : vector<256xi32> to vector<256x1xi32>
    %eq3A_305 = vector.broadcast %broadcast_in_dim3A_304 : vector<256x1xi32> to vector<256x1024xi32>
    %eq3A_306 = arith.cmpi eq, %iota3A, %eq3A_305 : vector<256x1024xi32>
    %convert_element_type3A_307 = arith.extui %eq3A_306 : vector<256x1024xi1> to vector<256x1024xi32>
    %convert_element_type3A_308 = arith.sitofp %convert_element_type3A_307 : vector<256x1024xi32> to vector<256x1024xf32>
    %jit3A_309 = arith.constant 0xFF800000 : f32
    %broadcast_in_dim3A_310 = vector.broadcast %jit3A_309 : f32 to vector<256x1024xf32>
    %select_n3A_311 = arith.select %eq3A_306, %broadcast_in_dim3A_310, %select_n3A_278 : vector<256x1024xi1>, vector<256x1024xf32>
    %dot_general3A_312 = arith.constant dense<0.000000e+00> : vector<256x16xf32>
    %dot_general3A_313 = tpu.matmul %convert_element_type3A_308, %get3A_8, %dot_general3A_312 {dimension_numbers = #tpu.dot_dimension_numbers<[1], [0], [0], [1], [0, 0, 1, 1], [], []>, transpose_lhs_hint = false} : vector<256x1024xf32>, vector<1024x16xf32>, vector<256x16xf32> -> vector<256x16xf32>
    %slice3A_314 = vector.extract_strided_slice %dot_general3A_313 {offsets = [0, 0], sizes = [256, 3], strides = [1, 1]} : vector<256x16xf32> to vector<256x3xf32>
    %slice3A_315 = vector.extract_strided_slice %dot_general3A_313 {offsets = [0, 3], sizes = [256, 3], strides = [1, 1]} : vector<256x16xf32> to vector<256x3xf32>
    %add3A_316 = arith.addf %slice3A_314, %slice3A_315 : vector<256x3xf32>
    %slice3A_317 = vector.extract_strided_slice %dot_general3A_313 {offsets = [0, 6], sizes = [256, 3], strides = [1, 1]} : vector<256x16xf32> to vector<256x3xf32>
    %add3A_318 = arith.addf %add3A_316, %slice3A_317 : vector<256x3xf32>
    %sub3A_319 = arith.subf %add3A_318, %add3A_39 : vector<256x3xf32>
    %convert_element_type3A_320 = arith.truncf %sub3A_319 : vector<256x3xf32> to vector<256x3xbf16>
    %convert_element_type3A_321 = arith.extf %convert_element_type3A_320 : vector<256x3xbf16> to vector<256x3xf32>
    %convert_element_type3A_322 = arith.truncf %add3A_318 : vector<256x3xf32> to vector<256x3xbf16>
    %convert_element_type3A_323 = arith.extf %convert_element_type3A_322 : vector<256x3xbf16> to vector<256x3xf32>
    %broadcast_in_dim3A_324 = arith.constant 0.000000e+00 : f32
    %broadcast_in_dim3A_325 = vector.broadcast %broadcast_in_dim3A_324 : f32 to vector<256x2xf32>
    %concatenate3A_326 = tpu.concatenate %convert_element_type3A_321, %convert_element_type3A_323, %broadcast_in_dim3A_325 in 1 : vector<256x3xf32>, vector<256x3xf32>, vector<256x2xf32> -> vector<256x8xf32>
    %reduce_max3A_327 = arith.constant dense<0xFF800000> : vector<256xf32>
    %reduce_max3A_328 = vector.multi_reduction <maximumf>, %select_n3A_311, %reduce_max3A_327 [1] : vector<256x1024xf32> to vector<256xf32>
    %broadcast_in_dim3A_329 = vector.shape_cast %reduce_max3A_328 : vector<256xf32> to vector<256x1xf32>
    %eq3A_330 = vector.broadcast %broadcast_in_dim3A_329 : vector<256x1xf32> to vector<256x1024xf32>
    %eq3A_331 = arith.cmpf oeq, %select_n3A_311, %eq3A_330 : vector<256x1024xf32>
    %jit3A_332 = arith.constant 1073741824 : i32
    %broadcast_in_dim3A_333 = vector.broadcast %jit3A_332 : i32 to vector<256x1024xi32>
    %select_n3A_334 = arith.select %eq3A_331, %iota3A, %broadcast_in_dim3A_333 : vector<256x1024xi1>, vector<256x1024xi32>
    %reduce_min3A_335 = arith.constant dense<2147483647> : vector<256xi32>
    %reduce_min3A_336 = vector.multi_reduction <minsi>, %select_n3A_334, %reduce_min3A_335 [1] : vector<256x1024xi32> to vector<256xi32>
    %broadcast_in_dim3A_337 = vector.shape_cast %reduce_min3A_336 : vector<256xi32> to vector<256x1xi32>
    %eq3A_338 = vector.broadcast %broadcast_in_dim3A_337 : vector<256x1xi32> to vector<256x1024xi32>
    %eq3A_339 = arith.cmpi eq, %iota3A, %eq3A_338 : vector<256x1024xi32>
    %convert_element_type3A_340 = arith.extui %eq3A_339 : vector<256x1024xi1> to vector<256x1024xi32>
    %convert_element_type3A_341 = arith.sitofp %convert_element_type3A_340 : vector<256x1024xi32> to vector<256x1024xf32>
    %jit3A_342 = arith.constant 0xFF800000 : f32
    %broadcast_in_dim3A_343 = vector.broadcast %jit3A_342 : f32 to vector<256x1024xf32>
    %select_n3A_344 = arith.select %eq3A_339, %broadcast_in_dim3A_343, %select_n3A_311 : vector<256x1024xi1>, vector<256x1024xf32>
    %dot_general3A_345 = arith.constant dense<0.000000e+00> : vector<256x16xf32>
    %dot_general3A_346 = tpu.matmul %convert_element_type3A_341, %get3A_8, %dot_general3A_345 {dimension_numbers = #tpu.dot_dimension_numbers<[1], [0], [0], [1], [0, 0, 1, 1], [], []>, transpose_lhs_hint = false} : vector<256x1024xf32>, vector<1024x16xf32>, vector<256x16xf32> -> vector<256x16xf32>
    %slice3A_347 = vector.extract_strided_slice %dot_general3A_346 {offsets = [0, 0], sizes = [256, 3], strides = [1, 1]} : vector<256x16xf32> to vector<256x3xf32>
    %slice3A_348 = vector.extract_strided_slice %dot_general3A_346 {offsets = [0, 3], sizes = [256, 3], strides = [1, 1]} : vector<256x16xf32> to vector<256x3xf32>
    %add3A_349 = arith.addf %slice3A_347, %slice3A_348 : vector<256x3xf32>
    %slice3A_350 = vector.extract_strided_slice %dot_general3A_346 {offsets = [0, 6], sizes = [256, 3], strides = [1, 1]} : vector<256x16xf32> to vector<256x3xf32>
    %add3A_351 = arith.addf %add3A_349, %slice3A_350 : vector<256x3xf32>
    %sub3A_352 = arith.subf %add3A_351, %add3A_39 : vector<256x3xf32>
    %convert_element_type3A_353 = arith.truncf %sub3A_352 : vector<256x3xf32> to vector<256x3xbf16>
    %convert_element_type3A_354 = arith.extf %convert_element_type3A_353 : vector<256x3xbf16> to vector<256x3xf32>
    %convert_element_type3A_355 = arith.truncf %add3A_351 : vector<256x3xf32> to vector<256x3xbf16>
    %convert_element_type3A_356 = arith.extf %convert_element_type3A_355 : vector<256x3xbf16> to vector<256x3xf32>
    %broadcast_in_dim3A_357 = arith.constant 0.000000e+00 : f32
    %broadcast_in_dim3A_358 = vector.broadcast %broadcast_in_dim3A_357 : f32 to vector<256x2xf32>
    %concatenate3A_359 = tpu.concatenate %convert_element_type3A_354, %convert_element_type3A_356, %broadcast_in_dim3A_358 in 1 : vector<256x3xf32>, vector<256x3xf32>, vector<256x2xf32> -> vector<256x8xf32>
    %reduce_max3A_360 = arith.constant dense<0xFF800000> : vector<256xf32>
    %reduce_max3A_361 = vector.multi_reduction <maximumf>, %select_n3A_344, %reduce_max3A_360 [1] : vector<256x1024xf32> to vector<256xf32>
    %broadcast_in_dim3A_362 = vector.shape_cast %reduce_max3A_361 : vector<256xf32> to vector<256x1xf32>
    %eq3A_363 = vector.broadcast %broadcast_in_dim3A_362 : vector<256x1xf32> to vector<256x1024xf32>
    %eq3A_364 = arith.cmpf oeq, %select_n3A_344, %eq3A_363 : vector<256x1024xf32>
    %jit3A_365 = arith.constant 1073741824 : i32
    %broadcast_in_dim3A_366 = vector.broadcast %jit3A_365 : i32 to vector<256x1024xi32>
    %select_n3A_367 = arith.select %eq3A_364, %iota3A, %broadcast_in_dim3A_366 : vector<256x1024xi1>, vector<256x1024xi32>
    %reduce_min3A_368 = arith.constant dense<2147483647> : vector<256xi32>
    %reduce_min3A_369 = vector.multi_reduction <minsi>, %select_n3A_367, %reduce_min3A_368 [1] : vector<256x1024xi32> to vector<256xi32>
    %broadcast_in_dim3A_370 = vector.shape_cast %reduce_min3A_369 : vector<256xi32> to vector<256x1xi32>
    %eq3A_371 = vector.broadcast %broadcast_in_dim3A_370 : vector<256x1xi32> to vector<256x1024xi32>
    %eq3A_372 = arith.cmpi eq, %iota3A, %eq3A_371 : vector<256x1024xi32>
    %convert_element_type3A_373 = arith.extui %eq3A_372 : vector<256x1024xi1> to vector<256x1024xi32>
    %convert_element_type3A_374 = arith.sitofp %convert_element_type3A_373 : vector<256x1024xi32> to vector<256x1024xf32>
    %jit3A_375 = arith.constant 0xFF800000 : f32
    %broadcast_in_dim3A_376 = vector.broadcast %jit3A_375 : f32 to vector<256x1024xf32>
    %select_n3A_377 = arith.select %eq3A_372, %broadcast_in_dim3A_376, %select_n3A_344 : vector<256x1024xi1>, vector<256x1024xf32>
    %dot_general3A_378 = arith.constant dense<0.000000e+00> : vector<256x16xf32>
    %dot_general3A_379 = tpu.matmul %convert_element_type3A_374, %get3A_8, %dot_general3A_378 {dimension_numbers = #tpu.dot_dimension_numbers<[1], [0], [0], [1], [0, 0, 1, 1], [], []>, transpose_lhs_hint = false} : vector<256x1024xf32>, vector<1024x16xf32>, vector<256x16xf32> -> vector<256x16xf32>
    %slice3A_380 = vector.extract_strided_slice %dot_general3A_379 {offsets = [0, 0], sizes = [256, 3], strides = [1, 1]} : vector<256x16xf32> to vector<256x3xf32>
    %slice3A_381 = vector.extract_strided_slice %dot_general3A_379 {offsets = [0, 3], sizes = [256, 3], strides = [1, 1]} : vector<256x16xf32> to vector<256x3xf32>
    %add3A_382 = arith.addf %slice3A_380, %slice3A_381 : vector<256x3xf32>
    %slice3A_383 = vector.extract_strided_slice %dot_general3A_379 {offsets = [0, 6], sizes = [256, 3], strides = [1, 1]} : vector<256x16xf32> to vector<256x3xf32>
    %add3A_384 = arith.addf %add3A_382, %slice3A_383 : vector<256x3xf32>
    %sub3A_385 = arith.subf %add3A_384, %add3A_39 : vector<256x3xf32>
    %convert_element_type3A_386 = arith.truncf %sub3A_385 : vector<256x3xf32> to vector<256x3xbf16>
    %convert_element_type3A_387 = arith.extf %convert_element_type3A_386 : vector<256x3xbf16> to vector<256x3xf32>
    %convert_element_type3A_388 = arith.truncf %add3A_384 : vector<256x3xf32> to vector<256x3xbf16>
    %convert_element_type3A_389 = arith.extf %convert_element_type3A_388 : vector<256x3xbf16> to vector<256x3xf32>
    %broadcast_in_dim3A_390 = arith.constant 0.000000e+00 : f32
    %broadcast_in_dim3A_391 = vector.broadcast %broadcast_in_dim3A_390 : f32 to vector<256x2xf32>
    %concatenate3A_392 = tpu.concatenate %convert_element_type3A_387, %convert_element_type3A_389, %broadcast_in_dim3A_391 in 1 : vector<256x3xf32>, vector<256x3xf32>, vector<256x2xf32> -> vector<256x8xf32>
    %reduce_max3A_393 = arith.constant dense<0xFF800000> : vector<256xf32>
    %reduce_max3A_394 = vector.multi_reduction <maximumf>, %select_n3A_377, %reduce_max3A_393 [1] : vector<256x1024xf32> to vector<256xf32>
    %broadcast_in_dim3A_395 = vector.shape_cast %reduce_max3A_394 : vector<256xf32> to vector<256x1xf32>
    %eq3A_396 = vector.broadcast %broadcast_in_dim3A_395 : vector<256x1xf32> to vector<256x1024xf32>
    %eq3A_397 = arith.cmpf oeq, %select_n3A_377, %eq3A_396 : vector<256x1024xf32>
    %jit3A_398 = arith.constant 1073741824 : i32
    %broadcast_in_dim3A_399 = vector.broadcast %jit3A_398 : i32 to vector<256x1024xi32>
    %select_n3A_400 = arith.select %eq3A_397, %iota3A, %broadcast_in_dim3A_399 : vector<256x1024xi1>, vector<256x1024xi32>
    %reduce_min3A_401 = arith.constant dense<2147483647> : vector<256xi32>
    %reduce_min3A_402 = vector.multi_reduction <minsi>, %select_n3A_400, %reduce_min3A_401 [1] : vector<256x1024xi32> to vector<256xi32>
    %broadcast_in_dim3A_403 = vector.shape_cast %reduce_min3A_402 : vector<256xi32> to vector<256x1xi32>
    %eq3A_404 = vector.broadcast %broadcast_in_dim3A_403 : vector<256x1xi32> to vector<256x1024xi32>
    %eq3A_405 = arith.cmpi eq, %iota3A, %eq3A_404 : vector<256x1024xi32>
    %convert_element_type3A_406 = arith.extui %eq3A_405 : vector<256x1024xi1> to vector<256x1024xi32>
    %convert_element_type3A_407 = arith.sitofp %convert_element_type3A_406 : vector<256x1024xi32> to vector<256x1024xf32>
    %jit3A_408 = arith.constant 0xFF800000 : f32
    %broadcast_in_dim3A_409 = vector.broadcast %jit3A_408 : f32 to vector<256x1024xf32>
    %select_n3A_410 = arith.select %eq3A_405, %broadcast_in_dim3A_409, %select_n3A_377 : vector<256x1024xi1>, vector<256x1024xf32>
    %dot_general3A_411 = arith.constant dense<0.000000e+00> : vector<256x16xf32>
    %dot_general3A_412 = tpu.matmul %convert_element_type3A_407, %get3A_8, %dot_general3A_411 {dimension_numbers = #tpu.dot_dimension_numbers<[1], [0], [0], [1], [0, 0, 1, 1], [], []>, transpose_lhs_hint = false} : vector<256x1024xf32>, vector<1024x16xf32>, vector<256x16xf32> -> vector<256x16xf32>
    %slice3A_413 = vector.extract_strided_slice %dot_general3A_412 {offsets = [0, 0], sizes = [256, 3], strides = [1, 1]} : vector<256x16xf32> to vector<256x3xf32>
    %slice3A_414 = vector.extract_strided_slice %dot_general3A_412 {offsets = [0, 3], sizes = [256, 3], strides = [1, 1]} : vector<256x16xf32> to vector<256x3xf32>
    %add3A_415 = arith.addf %slice3A_413, %slice3A_414 : vector<256x3xf32>
    %slice3A_416 = vector.extract_strided_slice %dot_general3A_412 {offsets = [0, 6], sizes = [256, 3], strides = [1, 1]} : vector<256x16xf32> to vector<256x3xf32>
    %add3A_417 = arith.addf %add3A_415, %slice3A_416 : vector<256x3xf32>
    %sub3A_418 = arith.subf %add3A_417, %add3A_39 : vector<256x3xf32>
    %convert_element_type3A_419 = arith.truncf %sub3A_418 : vector<256x3xf32> to vector<256x3xbf16>
    %convert_element_type3A_420 = arith.extf %convert_element_type3A_419 : vector<256x3xbf16> to vector<256x3xf32>
    %convert_element_type3A_421 = arith.truncf %add3A_417 : vector<256x3xf32> to vector<256x3xbf16>
    %convert_element_type3A_422 = arith.extf %convert_element_type3A_421 : vector<256x3xbf16> to vector<256x3xf32>
    %broadcast_in_dim3A_423 = arith.constant 0.000000e+00 : f32
    %broadcast_in_dim3A_424 = vector.broadcast %broadcast_in_dim3A_423 : f32 to vector<256x2xf32>
    %concatenate3A_425 = tpu.concatenate %convert_element_type3A_420, %convert_element_type3A_422, %broadcast_in_dim3A_424 in 1 : vector<256x3xf32>, vector<256x3xf32>, vector<256x2xf32> -> vector<256x8xf32>
    %reduce_max3A_426 = arith.constant dense<0xFF800000> : vector<256xf32>
    %reduce_max3A_427 = vector.multi_reduction <maximumf>, %select_n3A_410, %reduce_max3A_426 [1] : vector<256x1024xf32> to vector<256xf32>
    %broadcast_in_dim3A_428 = vector.shape_cast %reduce_max3A_427 : vector<256xf32> to vector<256x1xf32>
    %eq3A_429 = vector.broadcast %broadcast_in_dim3A_428 : vector<256x1xf32> to vector<256x1024xf32>
    %eq3A_430 = arith.cmpf oeq, %select_n3A_410, %eq3A_429 : vector<256x1024xf32>
    %jit3A_431 = arith.constant 1073741824 : i32
    %broadcast_in_dim3A_432 = vector.broadcast %jit3A_431 : i32 to vector<256x1024xi32>
    %select_n3A_433 = arith.select %eq3A_430, %iota3A, %broadcast_in_dim3A_432 : vector<256x1024xi1>, vector<256x1024xi32>
    %reduce_min3A_434 = arith.constant dense<2147483647> : vector<256xi32>
    %reduce_min3A_435 = vector.multi_reduction <minsi>, %select_n3A_433, %reduce_min3A_434 [1] : vector<256x1024xi32> to vector<256xi32>
    %broadcast_in_dim3A_436 = vector.shape_cast %reduce_min3A_435 : vector<256xi32> to vector<256x1xi32>
    %eq3A_437 = vector.broadcast %broadcast_in_dim3A_436 : vector<256x1xi32> to vector<256x1024xi32>
    %eq3A_438 = arith.cmpi eq, %iota3A, %eq3A_437 : vector<256x1024xi32>
    %convert_element_type3A_439 = arith.extui %eq3A_438 : vector<256x1024xi1> to vector<256x1024xi32>
    %convert_element_type3A_440 = arith.sitofp %convert_element_type3A_439 : vector<256x1024xi32> to vector<256x1024xf32>
    %jit3A_441 = arith.constant 0xFF800000 : f32
    %broadcast_in_dim3A_442 = vector.broadcast %jit3A_441 : f32 to vector<256x1024xf32>
    %select_n3A_443 = arith.select %eq3A_438, %broadcast_in_dim3A_442, %select_n3A_410 : vector<256x1024xi1>, vector<256x1024xf32>
    %dot_general3A_444 = arith.constant dense<0.000000e+00> : vector<256x16xf32>
    %dot_general3A_445 = tpu.matmul %convert_element_type3A_440, %get3A_8, %dot_general3A_444 {dimension_numbers = #tpu.dot_dimension_numbers<[1], [0], [0], [1], [0, 0, 1, 1], [], []>, transpose_lhs_hint = false} : vector<256x1024xf32>, vector<1024x16xf32>, vector<256x16xf32> -> vector<256x16xf32>
    %slice3A_446 = vector.extract_strided_slice %dot_general3A_445 {offsets = [0, 0], sizes = [256, 3], strides = [1, 1]} : vector<256x16xf32> to vector<256x3xf32>
    %slice3A_447 = vector.extract_strided_slice %dot_general3A_445 {offsets = [0, 3], sizes = [256, 3], strides = [1, 1]} : vector<256x16xf32> to vector<256x3xf32>
    %add3A_448 = arith.addf %slice3A_446, %slice3A_447 : vector<256x3xf32>
    %slice3A_449 = vector.extract_strided_slice %dot_general3A_445 {offsets = [0, 6], sizes = [256, 3], strides = [1, 1]} : vector<256x16xf32> to vector<256x3xf32>
    %add3A_450 = arith.addf %add3A_448, %slice3A_449 : vector<256x3xf32>
    %sub3A_451 = arith.subf %add3A_450, %add3A_39 : vector<256x3xf32>
    %convert_element_type3A_452 = arith.truncf %sub3A_451 : vector<256x3xf32> to vector<256x3xbf16>
    %convert_element_type3A_453 = arith.extf %convert_element_type3A_452 : vector<256x3xbf16> to vector<256x3xf32>
    %convert_element_type3A_454 = arith.truncf %add3A_450 : vector<256x3xf32> to vector<256x3xbf16>
    %convert_element_type3A_455 = arith.extf %convert_element_type3A_454 : vector<256x3xbf16> to vector<256x3xf32>
    %broadcast_in_dim3A_456 = arith.constant 0.000000e+00 : f32
    %broadcast_in_dim3A_457 = vector.broadcast %broadcast_in_dim3A_456 : f32 to vector<256x2xf32>
    %concatenate3A_458 = tpu.concatenate %convert_element_type3A_453, %convert_element_type3A_455, %broadcast_in_dim3A_457 in 1 : vector<256x3xf32>, vector<256x3xf32>, vector<256x2xf32> -> vector<256x8xf32>
    %reduce_max3A_459 = arith.constant dense<0xFF800000> : vector<256xf32>
    %reduce_max3A_460 = vector.multi_reduction <maximumf>, %select_n3A_443, %reduce_max3A_459 [1] : vector<256x1024xf32> to vector<256xf32>
    %broadcast_in_dim3A_461 = vector.shape_cast %reduce_max3A_460 : vector<256xf32> to vector<256x1xf32>
    %eq3A_462 = vector.broadcast %broadcast_in_dim3A_461 : vector<256x1xf32> to vector<256x1024xf32>
    %eq3A_463 = arith.cmpf oeq, %select_n3A_443, %eq3A_462 : vector<256x1024xf32>
    %jit3A_464 = arith.constant 1073741824 : i32
    %broadcast_in_dim3A_465 = vector.broadcast %jit3A_464 : i32 to vector<256x1024xi32>
    %select_n3A_466 = arith.select %eq3A_463, %iota3A, %broadcast_in_dim3A_465 : vector<256x1024xi1>, vector<256x1024xi32>
    %reduce_min3A_467 = arith.constant dense<2147483647> : vector<256xi32>
    %reduce_min3A_468 = vector.multi_reduction <minsi>, %select_n3A_466, %reduce_min3A_467 [1] : vector<256x1024xi32> to vector<256xi32>
    %broadcast_in_dim3A_469 = vector.shape_cast %reduce_min3A_468 : vector<256xi32> to vector<256x1xi32>
    %eq3A_470 = vector.broadcast %broadcast_in_dim3A_469 : vector<256x1xi32> to vector<256x1024xi32>
    %eq3A_471 = arith.cmpi eq, %iota3A, %eq3A_470 : vector<256x1024xi32>
    %convert_element_type3A_472 = arith.extui %eq3A_471 : vector<256x1024xi1> to vector<256x1024xi32>
    %convert_element_type3A_473 = arith.sitofp %convert_element_type3A_472 : vector<256x1024xi32> to vector<256x1024xf32>
    %jit3A_474 = arith.constant 0xFF800000 : f32
    %broadcast_in_dim3A_475 = vector.broadcast %jit3A_474 : f32 to vector<256x1024xf32>
    %select_n3A_476 = arith.select %eq3A_471, %broadcast_in_dim3A_475, %select_n3A_443 : vector<256x1024xi1>, vector<256x1024xf32>
    %dot_general3A_477 = arith.constant dense<0.000000e+00> : vector<256x16xf32>
    %dot_general3A_478 = tpu.matmul %convert_element_type3A_473, %get3A_8, %dot_general3A_477 {dimension_numbers = #tpu.dot_dimension_numbers<[1], [0], [0], [1], [0, 0, 1, 1], [], []>, transpose_lhs_hint = false} : vector<256x1024xf32>, vector<1024x16xf32>, vector<256x16xf32> -> vector<256x16xf32>
    %slice3A_479 = vector.extract_strided_slice %dot_general3A_478 {offsets = [0, 0], sizes = [256, 3], strides = [1, 1]} : vector<256x16xf32> to vector<256x3xf32>
    %slice3A_480 = vector.extract_strided_slice %dot_general3A_478 {offsets = [0, 3], sizes = [256, 3], strides = [1, 1]} : vector<256x16xf32> to vector<256x3xf32>
    %add3A_481 = arith.addf %slice3A_479, %slice3A_480 : vector<256x3xf32>
    %slice3A_482 = vector.extract_strided_slice %dot_general3A_478 {offsets = [0, 6], sizes = [256, 3], strides = [1, 1]} : vector<256x16xf32> to vector<256x3xf32>
    %add3A_483 = arith.addf %add3A_481, %slice3A_482 : vector<256x3xf32>
    %sub3A_484 = arith.subf %add3A_483, %add3A_39 : vector<256x3xf32>
    %convert_element_type3A_485 = arith.truncf %sub3A_484 : vector<256x3xf32> to vector<256x3xbf16>
    %convert_element_type3A_486 = arith.extf %convert_element_type3A_485 : vector<256x3xbf16> to vector<256x3xf32>
    %convert_element_type3A_487 = arith.truncf %add3A_483 : vector<256x3xf32> to vector<256x3xbf16>
    %convert_element_type3A_488 = arith.extf %convert_element_type3A_487 : vector<256x3xbf16> to vector<256x3xf32>
    %broadcast_in_dim3A_489 = arith.constant 0.000000e+00 : f32
    %broadcast_in_dim3A_490 = vector.broadcast %broadcast_in_dim3A_489 : f32 to vector<256x2xf32>
    %concatenate3A_491 = tpu.concatenate %convert_element_type3A_486, %convert_element_type3A_488, %broadcast_in_dim3A_490 in 1 : vector<256x3xf32>, vector<256x3xf32>, vector<256x2xf32> -> vector<256x8xf32>
    %reduce_max3A_492 = arith.constant dense<0xFF800000> : vector<256xf32>
    %reduce_max3A_493 = vector.multi_reduction <maximumf>, %select_n3A_476, %reduce_max3A_492 [1] : vector<256x1024xf32> to vector<256xf32>
    %broadcast_in_dim3A_494 = vector.shape_cast %reduce_max3A_493 : vector<256xf32> to vector<256x1xf32>
    %eq3A_495 = vector.broadcast %broadcast_in_dim3A_494 : vector<256x1xf32> to vector<256x1024xf32>
    %eq3A_496 = arith.cmpf oeq, %select_n3A_476, %eq3A_495 : vector<256x1024xf32>
    %jit3A_497 = arith.constant 1073741824 : i32
    %broadcast_in_dim3A_498 = vector.broadcast %jit3A_497 : i32 to vector<256x1024xi32>
    %select_n3A_499 = arith.select %eq3A_496, %iota3A, %broadcast_in_dim3A_498 : vector<256x1024xi1>, vector<256x1024xi32>
    %reduce_min3A_500 = arith.constant dense<2147483647> : vector<256xi32>
    %reduce_min3A_501 = vector.multi_reduction <minsi>, %select_n3A_499, %reduce_min3A_500 [1] : vector<256x1024xi32> to vector<256xi32>
    %broadcast_in_dim3A_502 = vector.shape_cast %reduce_min3A_501 : vector<256xi32> to vector<256x1xi32>
    %eq3A_503 = vector.broadcast %broadcast_in_dim3A_502 : vector<256x1xi32> to vector<256x1024xi32>
    %eq3A_504 = arith.cmpi eq, %iota3A, %eq3A_503 : vector<256x1024xi32>
    %convert_element_type3A_505 = arith.extui %eq3A_504 : vector<256x1024xi1> to vector<256x1024xi32>
    %convert_element_type3A_506 = arith.sitofp %convert_element_type3A_505 : vector<256x1024xi32> to vector<256x1024xf32>
    %jit3A_507 = arith.constant 0xFF800000 : f32
    %broadcast_in_dim3A_508 = vector.broadcast %jit3A_507 : f32 to vector<256x1024xf32>
    %select_n3A_509 = arith.select %eq3A_504, %broadcast_in_dim3A_508, %select_n3A_476 : vector<256x1024xi1>, vector<256x1024xf32>
    %dot_general3A_510 = arith.constant dense<0.000000e+00> : vector<256x16xf32>
    %dot_general3A_511 = tpu.matmul %convert_element_type3A_506, %get3A_8, %dot_general3A_510 {dimension_numbers = #tpu.dot_dimension_numbers<[1], [0], [0], [1], [0, 0, 1, 1], [], []>, transpose_lhs_hint = false} : vector<256x1024xf32>, vector<1024x16xf32>, vector<256x16xf32> -> vector<256x16xf32>
    %slice3A_512 = vector.extract_strided_slice %dot_general3A_511 {offsets = [0, 0], sizes = [256, 3], strides = [1, 1]} : vector<256x16xf32> to vector<256x3xf32>
    %slice3A_513 = vector.extract_strided_slice %dot_general3A_511 {offsets = [0, 3], sizes = [256, 3], strides = [1, 1]} : vector<256x16xf32> to vector<256x3xf32>
    %add3A_514 = arith.addf %slice3A_512, %slice3A_513 : vector<256x3xf32>
    %slice3A_515 = vector.extract_strided_slice %dot_general3A_511 {offsets = [0, 6], sizes = [256, 3], strides = [1, 1]} : vector<256x16xf32> to vector<256x3xf32>
    %add3A_516 = arith.addf %add3A_514, %slice3A_515 : vector<256x3xf32>
    %sub3A_517 = arith.subf %add3A_516, %add3A_39 : vector<256x3xf32>
    %convert_element_type3A_518 = arith.truncf %sub3A_517 : vector<256x3xf32> to vector<256x3xbf16>
    %convert_element_type3A_519 = arith.extf %convert_element_type3A_518 : vector<256x3xbf16> to vector<256x3xf32>
    %convert_element_type3A_520 = arith.truncf %add3A_516 : vector<256x3xf32> to vector<256x3xbf16>
    %convert_element_type3A_521 = arith.extf %convert_element_type3A_520 : vector<256x3xbf16> to vector<256x3xf32>
    %broadcast_in_dim3A_522 = arith.constant 0.000000e+00 : f32
    %broadcast_in_dim3A_523 = vector.broadcast %broadcast_in_dim3A_522 : f32 to vector<256x2xf32>
    %concatenate3A_524 = tpu.concatenate %convert_element_type3A_519, %convert_element_type3A_521, %broadcast_in_dim3A_523 in 1 : vector<256x3xf32>, vector<256x3xf32>, vector<256x2xf32> -> vector<256x8xf32>
    %reduce_max3A_525 = arith.constant dense<0xFF800000> : vector<256xf32>
    %reduce_max3A_526 = vector.multi_reduction <maximumf>, %select_n3A_509, %reduce_max3A_525 [1] : vector<256x1024xf32> to vector<256xf32>
    %broadcast_in_dim3A_527 = vector.shape_cast %reduce_max3A_526 : vector<256xf32> to vector<256x1xf32>
    %eq3A_528 = vector.broadcast %broadcast_in_dim3A_527 : vector<256x1xf32> to vector<256x1024xf32>
    %eq3A_529 = arith.cmpf oeq, %select_n3A_509, %eq3A_528 : vector<256x1024xf32>
    %jit3A_530 = arith.constant 1073741824 : i32
    %broadcast_in_dim3A_531 = vector.broadcast %jit3A_530 : i32 to vector<256x1024xi32>
    %select_n3A_532 = arith.select %eq3A_529, %iota3A, %broadcast_in_dim3A_531 : vector<256x1024xi1>, vector<256x1024xi32>
    %reduce_min3A_533 = arith.constant dense<2147483647> : vector<256xi32>
    %reduce_min3A_534 = vector.multi_reduction <minsi>, %select_n3A_532, %reduce_min3A_533 [1] : vector<256x1024xi32> to vector<256xi32>
    %broadcast_in_dim3A_535 = vector.shape_cast %reduce_min3A_534 : vector<256xi32> to vector<256x1xi32>
    %eq3A_536 = vector.broadcast %broadcast_in_dim3A_535 : vector<256x1xi32> to vector<256x1024xi32>
    %eq3A_537 = arith.cmpi eq, %iota3A, %eq3A_536 : vector<256x1024xi32>
    %convert_element_type3A_538 = arith.extui %eq3A_537 : vector<256x1024xi1> to vector<256x1024xi32>
    %convert_element_type3A_539 = arith.sitofp %convert_element_type3A_538 : vector<256x1024xi32> to vector<256x1024xf32>
    %jit3A_540 = arith.constant 0xFF800000 : f32
    %broadcast_in_dim3A_541 = vector.broadcast %jit3A_540 : f32 to vector<256x1024xf32>
    %select_n3A_542 = arith.select %eq3A_537, %broadcast_in_dim3A_541, %select_n3A_509 : vector<256x1024xi1>, vector<256x1024xf32>
    %dot_general3A_543 = arith.constant dense<0.000000e+00> : vector<256x16xf32>
    %dot_general3A_544 = tpu.matmul %convert_element_type3A_539, %get3A_8, %dot_general3A_543 {dimension_numbers = #tpu.dot_dimension_numbers<[1], [0], [0], [1], [0, 0, 1, 1], [], []>, transpose_lhs_hint = false} : vector<256x1024xf32>, vector<1024x16xf32>, vector<256x16xf32> -> vector<256x16xf32>
    %slice3A_545 = vector.extract_strided_slice %dot_general3A_544 {offsets = [0, 0], sizes = [256, 3], strides = [1, 1]} : vector<256x16xf32> to vector<256x3xf32>
    %slice3A_546 = vector.extract_strided_slice %dot_general3A_544 {offsets = [0, 3], sizes = [256, 3], strides = [1, 1]} : vector<256x16xf32> to vector<256x3xf32>
    %add3A_547 = arith.addf %slice3A_545, %slice3A_546 : vector<256x3xf32>
    %slice3A_548 = vector.extract_strided_slice %dot_general3A_544 {offsets = [0, 6], sizes = [256, 3], strides = [1, 1]} : vector<256x16xf32> to vector<256x3xf32>
    %add3A_549 = arith.addf %add3A_547, %slice3A_548 : vector<256x3xf32>
    %sub3A_550 = arith.subf %add3A_549, %add3A_39 : vector<256x3xf32>
    %convert_element_type3A_551 = arith.truncf %sub3A_550 : vector<256x3xf32> to vector<256x3xbf16>
    %convert_element_type3A_552 = arith.extf %convert_element_type3A_551 : vector<256x3xbf16> to vector<256x3xf32>
    %convert_element_type3A_553 = arith.truncf %add3A_549 : vector<256x3xf32> to vector<256x3xbf16>
    %convert_element_type3A_554 = arith.extf %convert_element_type3A_553 : vector<256x3xbf16> to vector<256x3xf32>
    %broadcast_in_dim3A_555 = arith.constant 0.000000e+00 : f32
    %broadcast_in_dim3A_556 = vector.broadcast %broadcast_in_dim3A_555 : f32 to vector<256x2xf32>
    %concatenate3A_557 = tpu.concatenate %convert_element_type3A_552, %convert_element_type3A_554, %broadcast_in_dim3A_556 in 1 : vector<256x3xf32>, vector<256x3xf32>, vector<256x2xf32> -> vector<256x8xf32>
    %reduce_max3A_558 = arith.constant dense<0xFF800000> : vector<256xf32>
    %reduce_max3A_559 = vector.multi_reduction <maximumf>, %select_n3A_542, %reduce_max3A_558 [1] : vector<256x1024xf32> to vector<256xf32>
    %broadcast_in_dim3A_560 = vector.shape_cast %reduce_max3A_559 : vector<256xf32> to vector<256x1xf32>
    %eq3A_561 = vector.broadcast %broadcast_in_dim3A_560 : vector<256x1xf32> to vector<256x1024xf32>
    %eq3A_562 = arith.cmpf oeq, %select_n3A_542, %eq3A_561 : vector<256x1024xf32>
    %jit3A_563 = arith.constant 1073741824 : i32
    %broadcast_in_dim3A_564 = vector.broadcast %jit3A_563 : i32 to vector<256x1024xi32>
    %select_n3A_565 = arith.select %eq3A_562, %iota3A, %broadcast_in_dim3A_564 : vector<256x1024xi1>, vector<256x1024xi32>
    %reduce_min3A_566 = arith.constant dense<2147483647> : vector<256xi32>
    %reduce_min3A_567 = vector.multi_reduction <minsi>, %select_n3A_565, %reduce_min3A_566 [1] : vector<256x1024xi32> to vector<256xi32>
    %broadcast_in_dim3A_568 = vector.shape_cast %reduce_min3A_567 : vector<256xi32> to vector<256x1xi32>
    %eq3A_569 = vector.broadcast %broadcast_in_dim3A_568 : vector<256x1xi32> to vector<256x1024xi32>
    %eq3A_570 = arith.cmpi eq, %iota3A, %eq3A_569 : vector<256x1024xi32>
    %convert_element_type3A_571 = arith.extui %eq3A_570 : vector<256x1024xi1> to vector<256x1024xi32>
    %convert_element_type3A_572 = arith.sitofp %convert_element_type3A_571 : vector<256x1024xi32> to vector<256x1024xf32>
    %jit3A_573 = arith.constant 0xFF800000 : f32
    %broadcast_in_dim3A_574 = vector.broadcast %jit3A_573 : f32 to vector<256x1024xf32>
    %select_n3A_575 = arith.select %eq3A_570, %broadcast_in_dim3A_574, %select_n3A_542 : vector<256x1024xi1>, vector<256x1024xf32>
    %dot_general3A_576 = arith.constant dense<0.000000e+00> : vector<256x16xf32>
    %dot_general3A_577 = tpu.matmul %convert_element_type3A_572, %get3A_8, %dot_general3A_576 {dimension_numbers = #tpu.dot_dimension_numbers<[1], [0], [0], [1], [0, 0, 1, 1], [], []>, transpose_lhs_hint = false} : vector<256x1024xf32>, vector<1024x16xf32>, vector<256x16xf32> -> vector<256x16xf32>
    %slice3A_578 = vector.extract_strided_slice %dot_general3A_577 {offsets = [0, 0], sizes = [256, 3], strides = [1, 1]} : vector<256x16xf32> to vector<256x3xf32>
    %slice3A_579 = vector.extract_strided_slice %dot_general3A_577 {offsets = [0, 3], sizes = [256, 3], strides = [1, 1]} : vector<256x16xf32> to vector<256x3xf32>
    %add3A_580 = arith.addf %slice3A_578, %slice3A_579 : vector<256x3xf32>
    %slice3A_581 = vector.extract_strided_slice %dot_general3A_577 {offsets = [0, 6], sizes = [256, 3], strides = [1, 1]} : vector<256x16xf32> to vector<256x3xf32>
    %add3A_582 = arith.addf %add3A_580, %slice3A_581 : vector<256x3xf32>
    %sub3A_583 = arith.subf %add3A_582, %add3A_39 : vector<256x3xf32>
    %convert_element_type3A_584 = arith.truncf %sub3A_583 : vector<256x3xf32> to vector<256x3xbf16>
    %convert_element_type3A_585 = arith.extf %convert_element_type3A_584 : vector<256x3xbf16> to vector<256x3xf32>
    %convert_element_type3A_586 = arith.truncf %add3A_582 : vector<256x3xf32> to vector<256x3xbf16>
    %convert_element_type3A_587 = arith.extf %convert_element_type3A_586 : vector<256x3xbf16> to vector<256x3xf32>
    %broadcast_in_dim3A_588 = arith.constant 0.000000e+00 : f32
    %broadcast_in_dim3A_589 = vector.broadcast %broadcast_in_dim3A_588 : f32 to vector<256x2xf32>
    %concatenate3A_590 = tpu.concatenate %convert_element_type3A_585, %convert_element_type3A_587, %broadcast_in_dim3A_589 in 1 : vector<256x3xf32>, vector<256x3xf32>, vector<256x2xf32> -> vector<256x8xf32>
    %reduce_max3A_591 = arith.constant dense<0xFF800000> : vector<256xf32>
    %reduce_max3A_592 = vector.multi_reduction <maximumf>, %select_n3A_575, %reduce_max3A_591 [1] : vector<256x1024xf32> to vector<256xf32>
    %broadcast_in_dim3A_593 = vector.shape_cast %reduce_max3A_592 : vector<256xf32> to vector<256x1xf32>
    %eq3A_594 = vector.broadcast %broadcast_in_dim3A_593 : vector<256x1xf32> to vector<256x1024xf32>
    %eq3A_595 = arith.cmpf oeq, %select_n3A_575, %eq3A_594 : vector<256x1024xf32>
    %jit3A_596 = arith.constant 1073741824 : i32
    %broadcast_in_dim3A_597 = vector.broadcast %jit3A_596 : i32 to vector<256x1024xi32>
    %select_n3A_598 = arith.select %eq3A_595, %iota3A, %broadcast_in_dim3A_597 : vector<256x1024xi1>, vector<256x1024xi32>
    %reduce_min3A_599 = arith.constant dense<2147483647> : vector<256xi32>
    %reduce_min3A_600 = vector.multi_reduction <minsi>, %select_n3A_598, %reduce_min3A_599 [1] : vector<256x1024xi32> to vector<256xi32>
    %broadcast_in_dim3A_601 = vector.shape_cast %reduce_min3A_600 : vector<256xi32> to vector<256x1xi32>
    %eq3A_602 = vector.broadcast %broadcast_in_dim3A_601 : vector<256x1xi32> to vector<256x1024xi32>
    %eq3A_603 = arith.cmpi eq, %iota3A, %eq3A_602 : vector<256x1024xi32>
    %convert_element_type3A_604 = arith.extui %eq3A_603 : vector<256x1024xi1> to vector<256x1024xi32>
    %convert_element_type3A_605 = arith.sitofp %convert_element_type3A_604 : vector<256x1024xi32> to vector<256x1024xf32>
    %jit3A_606 = arith.constant 0xFF800000 : f32
    %broadcast_in_dim3A_607 = vector.broadcast %jit3A_606 : f32 to vector<256x1024xf32>
    %select_n3A_608 = arith.select %eq3A_603, %broadcast_in_dim3A_607, %select_n3A_575 : vector<256x1024xi1>, vector<256x1024xf32>
    %dot_general3A_609 = arith.constant dense<0.000000e+00> : vector<256x16xf32>
    %dot_general3A_610 = tpu.matmul %convert_element_type3A_605, %get3A_8, %dot_general3A_609 {dimension_numbers = #tpu.dot_dimension_numbers<[1], [0], [0], [1], [0, 0, 1, 1], [], []>, transpose_lhs_hint = false} : vector<256x1024xf32>, vector<1024x16xf32>, vector<256x16xf32> -> vector<256x16xf32>
    %slice3A_611 = vector.extract_strided_slice %dot_general3A_610 {offsets = [0, 0], sizes = [256, 3], strides = [1, 1]} : vector<256x16xf32> to vector<256x3xf32>
    %slice3A_612 = vector.extract_strided_slice %dot_general3A_610 {offsets = [0, 3], sizes = [256, 3], strides = [1, 1]} : vector<256x16xf32> to vector<256x3xf32>
    %add3A_613 = arith.addf %slice3A_611, %slice3A_612 : vector<256x3xf32>
    %slice3A_614 = vector.extract_strided_slice %dot_general3A_610 {offsets = [0, 6], sizes = [256, 3], strides = [1, 1]} : vector<256x16xf32> to vector<256x3xf32>
    %add3A_615 = arith.addf %add3A_613, %slice3A_614 : vector<256x3xf32>
    %sub3A_616 = arith.subf %add3A_615, %add3A_39 : vector<256x3xf32>
    %convert_element_type3A_617 = arith.truncf %sub3A_616 : vector<256x3xf32> to vector<256x3xbf16>
    %convert_element_type3A_618 = arith.extf %convert_element_type3A_617 : vector<256x3xbf16> to vector<256x3xf32>
    %convert_element_type3A_619 = arith.truncf %add3A_615 : vector<256x3xf32> to vector<256x3xbf16>
    %convert_element_type3A_620 = arith.extf %convert_element_type3A_619 : vector<256x3xbf16> to vector<256x3xf32>
    %broadcast_in_dim3A_621 = arith.constant 0.000000e+00 : f32
    %broadcast_in_dim3A_622 = vector.broadcast %broadcast_in_dim3A_621 : f32 to vector<256x2xf32>
    %concatenate3A_623 = tpu.concatenate %convert_element_type3A_618, %convert_element_type3A_620, %broadcast_in_dim3A_622 in 1 : vector<256x3xf32>, vector<256x3xf32>, vector<256x2xf32> -> vector<256x8xf32>
    %reduce_max3A_624 = arith.constant dense<0xFF800000> : vector<256xf32>
    %reduce_max3A_625 = vector.multi_reduction <maximumf>, %select_n3A_608, %reduce_max3A_624 [1] : vector<256x1024xf32> to vector<256xf32>
    %broadcast_in_dim3A_626 = vector.shape_cast %reduce_max3A_625 : vector<256xf32> to vector<256x1xf32>
    %eq3A_627 = vector.broadcast %broadcast_in_dim3A_626 : vector<256x1xf32> to vector<256x1024xf32>
    %eq3A_628 = arith.cmpf oeq, %select_n3A_608, %eq3A_627 : vector<256x1024xf32>
    %jit3A_629 = arith.constant 1073741824 : i32
    %broadcast_in_dim3A_630 = vector.broadcast %jit3A_629 : i32 to vector<256x1024xi32>
    %select_n3A_631 = arith.select %eq3A_628, %iota3A, %broadcast_in_dim3A_630 : vector<256x1024xi1>, vector<256x1024xi32>
    %reduce_min3A_632 = arith.constant dense<2147483647> : vector<256xi32>
    %reduce_min3A_633 = vector.multi_reduction <minsi>, %select_n3A_631, %reduce_min3A_632 [1] : vector<256x1024xi32> to vector<256xi32>
    %broadcast_in_dim3A_634 = vector.shape_cast %reduce_min3A_633 : vector<256xi32> to vector<256x1xi32>
    %eq3A_635 = vector.broadcast %broadcast_in_dim3A_634 : vector<256x1xi32> to vector<256x1024xi32>
    %eq3A_636 = arith.cmpi eq, %iota3A, %eq3A_635 : vector<256x1024xi32>
    %convert_element_type3A_637 = arith.extui %eq3A_636 : vector<256x1024xi1> to vector<256x1024xi32>
    %convert_element_type3A_638 = arith.sitofp %convert_element_type3A_637 : vector<256x1024xi32> to vector<256x1024xf32>
    %jit3A_639 = arith.constant 0xFF800000 : f32
    %broadcast_in_dim3A_640 = vector.broadcast %jit3A_639 : f32 to vector<256x1024xf32>
    %select_n3A_641 = arith.select %eq3A_636, %broadcast_in_dim3A_640, %select_n3A_608 : vector<256x1024xi1>, vector<256x1024xf32>
    %dot_general3A_642 = arith.constant dense<0.000000e+00> : vector<256x16xf32>
    %dot_general3A_643 = tpu.matmul %convert_element_type3A_638, %get3A_8, %dot_general3A_642 {dimension_numbers = #tpu.dot_dimension_numbers<[1], [0], [0], [1], [0, 0, 1, 1], [], []>, transpose_lhs_hint = false} : vector<256x1024xf32>, vector<1024x16xf32>, vector<256x16xf32> -> vector<256x16xf32>
    %slice3A_644 = vector.extract_strided_slice %dot_general3A_643 {offsets = [0, 0], sizes = [256, 3], strides = [1, 1]} : vector<256x16xf32> to vector<256x3xf32>
    %slice3A_645 = vector.extract_strided_slice %dot_general3A_643 {offsets = [0, 3], sizes = [256, 3], strides = [1, 1]} : vector<256x16xf32> to vector<256x3xf32>
    %add3A_646 = arith.addf %slice3A_644, %slice3A_645 : vector<256x3xf32>
    %slice3A_647 = vector.extract_strided_slice %dot_general3A_643 {offsets = [0, 6], sizes = [256, 3], strides = [1, 1]} : vector<256x16xf32> to vector<256x3xf32>
    %add3A_648 = arith.addf %add3A_646, %slice3A_647 : vector<256x3xf32>
    %sub3A_649 = arith.subf %add3A_648, %add3A_39 : vector<256x3xf32>
    %convert_element_type3A_650 = arith.truncf %sub3A_649 : vector<256x3xf32> to vector<256x3xbf16>
    %convert_element_type3A_651 = arith.extf %convert_element_type3A_650 : vector<256x3xbf16> to vector<256x3xf32>
    %convert_element_type3A_652 = arith.truncf %add3A_648 : vector<256x3xf32> to vector<256x3xbf16>
    %convert_element_type3A_653 = arith.extf %convert_element_type3A_652 : vector<256x3xbf16> to vector<256x3xf32>
    %broadcast_in_dim3A_654 = arith.constant 0.000000e+00 : f32
    %broadcast_in_dim3A_655 = vector.broadcast %broadcast_in_dim3A_654 : f32 to vector<256x2xf32>
    %concatenate3A_656 = tpu.concatenate %convert_element_type3A_651, %convert_element_type3A_653, %broadcast_in_dim3A_655 in 1 : vector<256x3xf32>, vector<256x3xf32>, vector<256x2xf32> -> vector<256x8xf32>
    %reduce_max3A_657 = arith.constant dense<0xFF800000> : vector<256xf32>
    %reduce_max3A_658 = vector.multi_reduction <maximumf>, %select_n3A_641, %reduce_max3A_657 [1] : vector<256x1024xf32> to vector<256xf32>
    %broadcast_in_dim3A_659 = vector.shape_cast %reduce_max3A_658 : vector<256xf32> to vector<256x1xf32>
    %eq3A_660 = vector.broadcast %broadcast_in_dim3A_659 : vector<256x1xf32> to vector<256x1024xf32>
    %eq3A_661 = arith.cmpf oeq, %select_n3A_641, %eq3A_660 : vector<256x1024xf32>
    %jit3A_662 = arith.constant 1073741824 : i32
    %broadcast_in_dim3A_663 = vector.broadcast %jit3A_662 : i32 to vector<256x1024xi32>
    %select_n3A_664 = arith.select %eq3A_661, %iota3A, %broadcast_in_dim3A_663 : vector<256x1024xi1>, vector<256x1024xi32>
    %reduce_min3A_665 = arith.constant dense<2147483647> : vector<256xi32>
    %reduce_min3A_666 = vector.multi_reduction <minsi>, %select_n3A_664, %reduce_min3A_665 [1] : vector<256x1024xi32> to vector<256xi32>
    %broadcast_in_dim3A_667 = vector.shape_cast %reduce_min3A_666 : vector<256xi32> to vector<256x1xi32>
    %eq3A_668 = vector.broadcast %broadcast_in_dim3A_667 : vector<256x1xi32> to vector<256x1024xi32>
    %eq3A_669 = arith.cmpi eq, %iota3A, %eq3A_668 : vector<256x1024xi32>
    %convert_element_type3A_670 = arith.extui %eq3A_669 : vector<256x1024xi1> to vector<256x1024xi32>
    %convert_element_type3A_671 = arith.sitofp %convert_element_type3A_670 : vector<256x1024xi32> to vector<256x1024xf32>
    %dot_general3A_672 = arith.constant dense<0.000000e+00> : vector<256x16xf32>
    %dot_general3A_673 = tpu.matmul %convert_element_type3A_671, %get3A_8, %dot_general3A_672 {dimension_numbers = #tpu.dot_dimension_numbers<[1], [0], [0], [1], [0, 0, 1, 1], [], []>, transpose_lhs_hint = false} : vector<256x1024xf32>, vector<1024x16xf32>, vector<256x16xf32> -> vector<256x16xf32>
    %slice3A_674 = vector.extract_strided_slice %dot_general3A_673 {offsets = [0, 0], sizes = [256, 3], strides = [1, 1]} : vector<256x16xf32> to vector<256x3xf32>
    %slice3A_675 = vector.extract_strided_slice %dot_general3A_673 {offsets = [0, 3], sizes = [256, 3], strides = [1, 1]} : vector<256x16xf32> to vector<256x3xf32>
    %add3A_676 = arith.addf %slice3A_674, %slice3A_675 : vector<256x3xf32>
    %slice3A_677 = vector.extract_strided_slice %dot_general3A_673 {offsets = [0, 6], sizes = [256, 3], strides = [1, 1]} : vector<256x16xf32> to vector<256x3xf32>
    %add3A_678 = arith.addf %add3A_676, %slice3A_677 : vector<256x3xf32>
    %sub3A_679 = arith.subf %add3A_678, %add3A_39 : vector<256x3xf32>
    %convert_element_type3A_680 = arith.truncf %sub3A_679 : vector<256x3xf32> to vector<256x3xbf16>
    %convert_element_type3A_681 = arith.extf %convert_element_type3A_680 : vector<256x3xbf16> to vector<256x3xf32>
    %convert_element_type3A_682 = arith.truncf %add3A_678 : vector<256x3xf32> to vector<256x3xbf16>
    %convert_element_type3A_683 = arith.extf %convert_element_type3A_682 : vector<256x3xbf16> to vector<256x3xf32>
    %broadcast_in_dim3A_684 = arith.constant 0.000000e+00 : f32
    %broadcast_in_dim3A_685 = vector.broadcast %broadcast_in_dim3A_684 : f32 to vector<256x2xf32>
    %concatenate3A_686 = tpu.concatenate %convert_element_type3A_681, %convert_element_type3A_683, %broadcast_in_dim3A_685 in 1 : vector<256x3xf32>, vector<256x3xf32>, vector<256x2xf32> -> vector<256x8xf32>
    %concatenate3A_687 = tpu.concatenate %broadcast_in_dim3A_44, %broadcast_in_dim3A_73, %broadcast_in_dim3A_106, %broadcast_in_dim3A_139, %broadcast_in_dim3A_172, %broadcast_in_dim3A_205, %broadcast_in_dim3A_238, %broadcast_in_dim3A_271, %broadcast_in_dim3A_304, %broadcast_in_dim3A_337, %broadcast_in_dim3A_370, %broadcast_in_dim3A_403, %broadcast_in_dim3A_436, %broadcast_in_dim3A_469, %broadcast_in_dim3A_502, %broadcast_in_dim3A_535, %broadcast_in_dim3A_568, %broadcast_in_dim3A_601, %broadcast_in_dim3A_634, %broadcast_in_dim3A_667 in 1 : vector<256x1xi32>, vector<256x1xi32>, vector<256x1xi32>, vector<256x1xi32>, vector<256x1xi32>, vector<256x1xi32>, vector<256x1xi32>, vector<256x1xi32>, vector<256x1xi32>, vector<256x1xi32>, vector<256x1xi32>, vector<256x1xi32>, vector<256x1xi32>, vector<256x1xi32>, vector<256x1xi32>, vector<256x1xi32>, vector<256x1xi32>, vector<256x1xi32>, vector<256x1xi32>, vector<256x1xi32> -> vector<256x20xi32>
    %mul3A_688 = arith.constant 1024 : i32
    %mul3A_689 = arith.muli %arg0, %mul3A_688 : i32
    %add3A_690 = vector.broadcast %mul3A_689 : i32 to vector<256x20xi32>
    %add3A_691 = arith.addi %concatenate3A_687, %add3A_690 : vector<256x20xi32>
    %swap3A = arith.constant 0 : index
    %swap3A_692 = arith.constant 0 : index
    %swap3A_693 = arith.constant 0 : index
    %swap3A_694 = vector.load %arg24[%swap3A, %swap3A_692, %swap3A_693] : memref<1x256x20xi32, #tpu.memory_space<vmem>>, vector<1x256x20xi32>
    %swap3A_695 = vector.shape_cast %swap3A_694 : vector<1x256x20xi32> to vector<256x20xi32>
    %swap3A_696 = vector.shape_cast %add3A_691 : vector<256x20xi32> to vector<1x256x20xi32>
    tpu.vector_store %arg24[%swap3A, %swap3A_692, %swap3A_693], %swap3A_696 {strides = array<i32>} : memref<1x256x20xi32, #tpu.memory_space<vmem>>, vector<1x256x20xi32>,
    %concatenate3A_697 = tpu.concatenate %concatenate3A, %concatenate3A_95, %concatenate3A_128, %concatenate3A_161, %concatenate3A_194, %concatenate3A_227, %concatenate3A_260, %concatenate3A_293, %concatenate3A_326, %concatenate3A_359, %concatenate3A_392, %concatenate3A_425, %concatenate3A_458, %concatenate3A_491, %concatenate3A_524, %concatenate3A_557, %concatenate3A_590, %concatenate3A_623, %concatenate3A_656, %concatenate3A_686 in 1 : vector<256x8xf32>, vector<256x8xf32>, vector<256x8xf32>, vector<256x8xf32>, vector<256x8xf32>, vector<256x8xf32>, vector<256x8xf32>, vector<256x8xf32>, vector<256x8xf32>, vector<256x8xf32>, vector<256x8xf32>, vector<256x8xf32>, vector<256x8xf32>, vector<256x8xf32>, vector<256x8xf32>, vector<256x8xf32>, vector<256x8xf32>, vector<256x8xf32>, vector<256x8xf32>, vector<256x8xf32> -> vector<256x160xf32>
    %get3A_698 = arith.constant 0 : index
    %get3A_699 = arith.constant 0 : index
    %get3A_700 = vector.load %arg5[%get3A_698, %get3A_699] : memref<160x320xf32, #tpu.memory_space<vmem>>, vector<160x320xf32>
    %dot_general3A_701 = arith.constant dense<0.000000e+00> : vector<256x320xf32>
    %dot_general3A_702 = tpu.matmul %concatenate3A_697, %get3A_700, %dot_general3A_701 {dimension_numbers = #tpu.dot_dimension_numbers<[1], [0], [0], [1], [0, 0, 1, 1], [], []>, transpose_lhs_hint = false} : vector<256x160xf32>, vector<160x320xf32>, vector<256x320xf32> -> vector<256x320xf32>
    %mul3A_703 = arith.constant 0.999994993 : f32
    %mul3A_704 = vector.broadcast %mul3A_703 : f32 to vector<256x320xf32>
    %mul3A_705 = arith.mulf %dot_general3A_702, %mul3A_704 : vector<256x320xf32>
    %get3A_706 = arith.constant 0 : index
    %get3A_707 = arith.constant 0 : index
    %get3A_708 = vector.load %arg6[%get3A_706, %get3A_707] : memref<1x320xf32, #tpu.memory_space<vmem>>, vector<1x320xf32>
    %mul3A_709 = vector.broadcast %get3A_708 : vector<1x320xf32> to vector<256x320xf32>
    %mul3A_710 = arith.mulf %mul3A_705, %mul3A_709 : vector<256x320xf32>
    %get3A_711 = arith.constant 0 : index
    %get3A_712 = arith.constant 0 : index
    %get3A_713 = vector.load %arg7[%get3A_711, %get3A_712] : memref<1x320xf32, #tpu.memory_space<vmem>>, vector<1x320xf32>
    %add3A_714 = vector.broadcast %get3A_713 : vector<1x320xf32> to vector<256x320xf32>
    %add3A_715 = arith.addf %mul3A_710, %add3A_714 : vector<256x320xf32>
    %max3A = arith.constant 0.000000e+00 : f32
    %max3A_716 = vector.broadcast %max3A : f32 to vector<256x320xf32>
    %max3A_717 = arith.maximumf %add3A_715, %max3A_716 : vector<256x320xf32>
    %convert_element_type3A_718 = arith.truncf %max3A_717 : vector<256x320xf32> to vector<256x320xbf16>
    %convert_element_type3A_719 = arith.extf %convert_element_type3A_718 : vector<256x320xbf16> to vector<256x320xf32>
    %get3A_720 = arith.constant 0 : index
    %get3A_721 = arith.constant 0 : index
    %get3A_722 = vector.load %arg8[%get3A_720, %get3A_721] : memref<320x160xf32, #tpu.memory_space<vmem>>, vector<320x160xf32>
    %dot_general3A_723 = arith.constant dense<0.000000e+00> : vector<256x160xf32>
    %dot_general3A_724 = tpu.matmul %convert_element_type3A_719, %get3A_722, %dot_general3A_723 {dimension_numbers = #tpu.dot_dimension_numbers<[1], [0], [0], [1], [0, 0, 1, 1], [], []>, transpose_lhs_hint = false} : vector<256x320xf32>, vector<320x160xf32>, vector<256x160xf32> -> vector<256x160xf32>
    %get3A_725 = arith.constant 0 : index
    %get3A_726 = arith.constant 0 : index
    %get3A_727 = vector.load %arg9[%get3A_725, %get3A_726] : memref<1x160xf32, #tpu.memory_space<vmem>>, vector<1x160xf32>
    %add3A_728 = vector.broadcast %get3A_727 : vector<1x160xf32> to vector<256x160xf32>
    %add3A_729 = arith.addf %dot_general3A_724, %add3A_728 : vector<256x160xf32>
    %exp3A = math.exp %add3A_729 : vector<256x160xf32>
    %convert_element_type3A_730 = arith.truncf %exp3A : vector<256x160xf32> to vector<256x160xbf16>
    %convert_element_type3A_731 = arith.extf %convert_element_type3A_730 : vector<256x160xbf16> to vector<256x160xf32>
    %sub3A_732 = arith.subf %exp3A, %convert_element_type3A_731 : vector<256x160xf32>
    %convert_element_type3A_733 = arith.truncf %sub3A_732 : vector<256x160xf32> to vector<256x160xbf16>
    %convert_element_type3A_734 = arith.extf %convert_element_type3A_733 : vector<256x160xbf16> to vector<256x160xf32>
    %get3A_735 = arith.constant 0 : index
    %get3A_736 = arith.constant 0 : index
    %get3A_737 = vector.load %arg23[%get3A_735, %get3A_736] : memref<160x160xf32, #tpu.memory_space<vmem>>, vector<160x160xf32>
    %dot_general3A_738 = arith.constant dense<0.000000e+00> : vector<256x160xf32>
    %dot_general3A_739 = tpu.matmul %convert_element_type3A_731, %get3A_737, %dot_general3A_738 {dimension_numbers = #tpu.dot_dimension_numbers<[1], [0], [0], [1], [0, 0, 1, 1], [], []>, transpose_lhs_hint = false} : vector<256x160xf32>, vector<160x160xf32>, vector<256x160xf32> -> vector<256x160xf32>
    %get3A_740 = arith.constant 0 : index
    %get3A_741 = arith.constant 0 : index
    %get3A_742 = vector.load %arg23[%get3A_740, %get3A_741] : memref<160x160xf32, #tpu.memory_space<vmem>>, vector<160x160xf32>
    %dot_general3A_743 = arith.constant dense<0.000000e+00> : vector<256x160xf32>
    %dot_general3A_744 = tpu.matmul %convert_element_type3A_734, %get3A_742, %dot_general3A_743 {dimension_numbers = #tpu.dot_dimension_numbers<[1], [0], [0], [1], [0, 0, 1, 1], [], []>, transpose_lhs_hint = false} : vector<256x160xf32>, vector<160x160xf32>, vector<256x160xf32> -> vector<256x160xf32>
    %add3A_745 = arith.addf %dot_general3A_739, %dot_general3A_744 : vector<256x160xf32>
    %div3A = arith.divf %exp3A, %add3A_745 : vector<256x160xf32>
    %swap3A_746 = arith.constant 0 : index
    %swap3A_747 = arith.constant 0 : index
    %swap3A_748 = arith.constant 0 : index
    %swap3A_749 = vector.load %arg25[%swap3A_746, %swap3A_747, %swap3A_748] : memref<1x256x160xf32, #tpu.memory_space<vmem>>, vector<1x256x160xf32>
    %swap3A_750 = vector.shape_cast %swap3A_749 : vector<1x256x160xf32> to vector<256x160xf32>
    %swap3A_751 = vector.shape_cast %div3A : vector<256x160xf32> to vector<1x256x160xf32>
    tpu.vector_store %arg25[%swap3A_746, %swap3A_747, %swap3A_748], %swap3A_751 {strides = array<i32>} : memref<1x256x160xf32, #tpu.memory_space<vmem>>, vector<1x256x160xf32>,
    %get3A_752 = arith.constant 0 : index
    %get3A_753 = arith.constant 0 : index
    %get3A_754 = vector.load %arg10[%get3A_752, %get3A_753] : memref<160x320xf32, #tpu.memory_space<vmem>>, vector<160x320xf32>
    %dot_general3A_755 = arith.constant dense<0.000000e+00> : vector<256x320xf32>
    %dot_general3A_756 = tpu.matmul %concatenate3A_697, %get3A_754, %dot_general3A_755 {dimension_numbers = #tpu.dot_dimension_numbers<[1], [0], [0], [1], [0, 0, 1, 1], [], []>, transpose_lhs_hint = false} : vector<256x160xf32>, vector<160x320xf32>, vector<256x320xf32> -> vector<256x320xf32>
    %mul3A_757 = arith.constant 0.999994993 : f32
    %mul3A_758 = vector.broadcast %mul3A_757 : f32 to vector<256x320xf32>
    %mul3A_759 = arith.mulf %dot_general3A_756, %mul3A_758 : vector<256x320xf32>
    %get3A_760 = arith.constant 0 : index
    %get3A_761 = arith.constant 0 : index
    %get3A_762 = vector.load %arg11[%get3A_760, %get3A_761] : memref<1x320xf32, #tpu.memory_space<vmem>>, vector<1x320xf32>
    %mul3A_763 = vector.broadcast %get3A_762 : vector<1x320xf32> to vector<256x320xf32>
    %mul3A_764 = arith.mulf %mul3A_759, %mul3A_763 : vector<256x320xf32>
    %get3A_765 = arith.constant 0 : index
    %get3A_766 = arith.constant 0 : index
    %get3A_767 = vector.load %arg12[%get3A_765, %get3A_766] : memref<1x320xf32, #tpu.memory_space<vmem>>, vector<1x320xf32>
    %add3A_768 = vector.broadcast %get3A_767 : vector<1x320xf32> to vector<256x320xf32>
    %add3A_769 = arith.addf %mul3A_764, %add3A_768 : vector<256x320xf32>
    %max3A_770 = arith.constant 0.000000e+00 : f32
    %max3A_771 = vector.broadcast %max3A_770 : f32 to vector<256x320xf32>
    %max3A_772 = arith.maximumf %add3A_769, %max3A_771 : vector<256x320xf32>
    %convert_element_type3A_773 = arith.truncf %max3A_772 : vector<256x320xf32> to vector<256x320xbf16>
    %convert_element_type3A_774 = arith.extf %convert_element_type3A_773 : vector<256x320xbf16> to vector<256x320xf32>
    %get3A_775 = arith.constant 0 : index
    %get3A_776 = arith.constant 0 : index
    %get3A_777 = vector.load %arg13[%get3A_775, %get3A_776] : memref<320x160xf32, #tpu.memory_space<vmem>>, vector<320x160xf32>
    %dot_general3A_778 = arith.constant dense<0.000000e+00> : vector<256x160xf32>
    %dot_general3A_779 = tpu.matmul %convert_element_type3A_774, %get3A_777, %dot_general3A_778 {dimension_numbers = #tpu.dot_dimension_numbers<[1], [0], [0], [1], [0, 0, 1, 1], [], []>, transpose_lhs_hint = false} : vector<256x320xf32>, vector<320x160xf32>, vector<256x160xf32> -> vector<256x160xf32>
    %get3A_780 = arith.constant 0 : index
    %get3A_781 = arith.constant 0 : index
    %get3A_782 = vector.load %arg14[%get3A_780, %get3A_781] : memref<1x160xf32, #tpu.memory_space<vmem>>, vector<1x160xf32>
    %add3A_783 = vector.broadcast %get3A_782 : vector<1x160xf32> to vector<256x160xf32>
    %add3A_784 = arith.addf %dot_general3A_779, %add3A_783 : vector<256x160xf32>
    %exp3A_785 = math.exp %add3A_784 : vector<256x160xf32>
    %convert_element_type3A_786 = arith.truncf %exp3A_785 : vector<256x160xf32> to vector<256x160xbf16>
    %convert_element_type3A_787 = arith.extf %convert_element_type3A_786 : vector<256x160xbf16> to vector<256x160xf32>
    %sub3A_788 = arith.subf %exp3A_785, %convert_element_type3A_787 : vector<256x160xf32>
    %convert_element_type3A_789 = arith.truncf %sub3A_788 : vector<256x160xf32> to vector<256x160xbf16>
    %convert_element_type3A_790 = arith.extf %convert_element_type3A_789 : vector<256x160xbf16> to vector<256x160xf32>
    %get3A_791 = arith.constant 0 : index
    %get3A_792 = arith.constant 0 : index
    %get3A_793 = vector.load %arg23[%get3A_791, %get3A_792] : memref<160x160xf32, #tpu.memory_space<vmem>>, vector<160x160xf32>
    %dot_general3A_794 = arith.constant dense<0.000000e+00> : vector<256x160xf32>
    %dot_general3A_795 = tpu.matmul %convert_element_type3A_787, %get3A_793, %dot_general3A_794 {dimension_numbers = #tpu.dot_dimension_numbers<[1], [0], [0], [1], [0, 0, 1, 1], [], []>, transpose_lhs_hint = false} : vector<256x160xf32>, vector<160x160xf32>, vector<256x160xf32> -> vector<256x160xf32>
    %get3A_796 = arith.constant 0 : index
    %get3A_797 = arith.constant 0 : index
    %get3A_798 = vector.load %arg23[%get3A_796, %get3A_797] : memref<160x160xf32, #tpu.memory_space<vmem>>, vector<160x160xf32>
    %dot_general3A_799 = arith.constant dense<0.000000e+00> : vector<256x160xf32>
    %dot_general3A_800 = tpu.matmul %convert_element_type3A_790, %get3A_798, %dot_general3A_799 {dimension_numbers = #tpu.dot_dimension_numbers<[1], [0], [0], [1], [0, 0, 1, 1], [], []>, transpose_lhs_hint = false} : vector<256x160xf32>, vector<160x160xf32>, vector<256x160xf32> -> vector<256x160xf32>
    %add3A_801 = arith.addf %dot_general3A_795, %dot_general3A_800 : vector<256x160xf32>
    %div3A_802 = arith.divf %exp3A_785, %add3A_801 : vector<256x160xf32>
    %swap3A_803 = arith.constant 0 : index
    %swap3A_804 = arith.constant 0 : index
    %swap3A_805 = arith.constant 0 : index
    %swap3A_806 = vector.load %arg26[%swap3A_803, %swap3A_804, %swap3A_805] : memref<1x256x160xf32, #tpu.memory_space<vmem>>, vector<1x256x160xf32>
    %swap3A_807 = vector.shape_cast %swap3A_806 : vector<1x256x160xf32> to vector<256x160xf32>
    %swap3A_808 = vector.shape_cast %div3A_802 : vector<256x160xf32> to vector<1x256x160xf32>
    tpu.vector_store %arg26[%swap3A_803, %swap3A_804, %swap3A_805], %swap3A_808 {strides = array<i32>} : memref<1x256x160xf32, #tpu.memory_space<vmem>>, vector<1x256x160xf32>,
    %get3A_809 = arith.constant 0 : index
    %get3A_810 = arith.constant 0 : index
    %get3A_811 = vector.load %arg15[%get3A_809, %get3A_810] : memref<160x320xf32, #tpu.memory_space<vmem>>, vector<160x320xf32>
    %dot_general3A_812 = arith.constant dense<0.000000e+00> : vector<256x320xf32>
    %dot_general3A_813 = tpu.matmul %concatenate3A_697, %get3A_811, %dot_general3A_812 {dimension_numbers = #tpu.dot_dimension_numbers<[1], [0], [0], [1], [0, 0, 1, 1], [], []>, transpose_lhs_hint = false} : vector<256x160xf32>, vector<160x320xf32>, vector<256x320xf32> -> vector<256x320xf32>
    %mul3A_814 = arith.constant 0.999994993 : f32
    %mul3A_815 = vector.broadcast %mul3A_814 : f32 to vector<256x320xf32>
    %mul3A_816 = arith.mulf %dot_general3A_813, %mul3A_815 : vector<256x320xf32>
    %get3A_817 = arith.constant 0 : index
    %get3A_818 = arith.constant 0 : index
    %get3A_819 = vector.load %arg16[%get3A_817, %get3A_818] : memref<1x320xf32, #tpu.memory_space<vmem>>, vector<1x320xf32>
    %mul3A_820 = vector.broadcast %get3A_819 : vector<1x320xf32> to vector<256x320xf32>
    %mul3A_821 = arith.mulf %mul3A_816, %mul3A_820 : vector<256x320xf32>
    %get3A_822 = arith.constant 0 : index
    %get3A_823 = arith.constant 0 : index
    %get3A_824 = vector.load %arg17[%get3A_822, %get3A_823] : memref<1x320xf32, #tpu.memory_space<vmem>>, vector<1x320xf32>
    %add3A_825 = vector.broadcast %get3A_824 : vector<1x320xf32> to vector<256x320xf32>
    %add3A_826 = arith.addf %mul3A_821, %add3A_825 : vector<256x320xf32>
    %max3A_827 = arith.constant 0.000000e+00 : f32
    %max3A_828 = vector.broadcast %max3A_827 : f32 to vector<256x320xf32>
    %max3A_829 = arith.maximumf %add3A_826, %max3A_828 : vector<256x320xf32>
    %convert_element_type3A_830 = arith.truncf %max3A_829 : vector<256x320xf32> to vector<256x320xbf16>
    %convert_element_type3A_831 = arith.extf %convert_element_type3A_830 : vector<256x320xbf16> to vector<256x320xf32>
    %get3A_832 = arith.constant 0 : index
    %get3A_833 = arith.constant 0 : index
    %get3A_834 = vector.load %arg18[%get3A_832, %get3A_833] : memref<320x160xf32, #tpu.memory_space<vmem>>, vector<320x160xf32>
    %dot_general3A_835 = arith.constant dense<0.000000e+00> : vector<256x160xf32>
    %dot_general3A_836 = tpu.matmul %convert_element_type3A_831, %get3A_834, %dot_general3A_835 {dimension_numbers = #tpu.dot_dimension_numbers<[1], [0], [0], [1], [0, 0, 1, 1], [], []>, transpose_lhs_hint = false} : vector<256x320xf32>, vector<320x160xf32>, vector<256x160xf32> -> vector<256x160xf32>
    %get3A_837 = arith.constant 0 : index
    %get3A_838 = arith.constant 0 : index
    %get3A_839 = vector.load %arg19[%get3A_837, %get3A_838] : memref<1x160xf32, #tpu.memory_space<vmem>>, vector<1x160xf32>
    %add3A_840 = vector.broadcast %get3A_839 : vector<1x160xf32> to vector<256x160xf32>
    %add3A_841 = arith.addf %dot_general3A_836, %add3A_840 : vector<256x160xf32>
    %exp3A_842 = math.exp %add3A_841 : vector<256x160xf32>
    %convert_element_type3A_843 = arith.truncf %exp3A_842 : vector<256x160xf32> to vector<256x160xbf16>
    %convert_element_type3A_844 = arith.extf %convert_element_type3A_843 : vector<256x160xbf16> to vector<256x160xf32>
    %sub3A_845 = arith.subf %exp3A_842, %convert_element_type3A_844 : vector<256x160xf32>
    %convert_element_type3A_846 = arith.truncf %sub3A_845 : vector<256x160xf32> to vector<256x160xbf16>
    %convert_element_type3A_847 = arith.extf %convert_element_type3A_846 : vector<256x160xbf16> to vector<256x160xf32>
    %get3A_848 = arith.constant 0 : index
    %get3A_849 = arith.constant 0 : index
    %get3A_850 = vector.load %arg23[%get3A_848, %get3A_849] : memref<160x160xf32, #tpu.memory_space<vmem>>, vector<160x160xf32>
    %dot_general3A_851 = arith.constant dense<0.000000e+00> : vector<256x160xf32>
    %dot_general3A_852 = tpu.matmul %convert_element_type3A_844, %get3A_850, %dot_general3A_851 {dimension_numbers = #tpu.dot_dimension_numbers<[1], [0], [0], [1], [0, 0, 1, 1], [], []>, transpose_lhs_hint = false} : vector<256x160xf32>, vector<160x160xf32>, vector<256x160xf32> -> vector<256x160xf32>
    %get3A_853 = arith.constant 0 : index
    %get3A_854 = arith.constant 0 : index
    %get3A_855 = vector.load %arg23[%get3A_853, %get3A_854] : memref<160x160xf32, #tpu.memory_space<vmem>>, vector<160x160xf32>
    %dot_general3A_856 = arith.constant dense<0.000000e+00> : vector<256x160xf32>
    %dot_general3A_857 = tpu.matmul %convert_element_type3A_847, %get3A_855, %dot_general3A_856 {dimension_numbers = #tpu.dot_dimension_numbers<[1], [0], [0], [1], [0, 0, 1, 1], [], []>, transpose_lhs_hint = false} : vector<256x160xf32>, vector<160x160xf32>, vector<256x160xf32> -> vector<256x160xf32>
    %add3A_858 = arith.addf %dot_general3A_852, %dot_general3A_857 : vector<256x160xf32>
    %div3A_859 = arith.divf %exp3A_842, %add3A_858 : vector<256x160xf32>
    %swap3A_860 = arith.constant 0 : index
    %swap3A_861 = arith.constant 0 : index
    %swap3A_862 = arith.constant 0 : index
    %swap3A_863 = vector.load %arg27[%swap3A_860, %swap3A_861, %swap3A_862] : memref<1x256x160xf32, #tpu.memory_space<vmem>>, vector<1x256x160xf32>
    %swap3A_864 = vector.shape_cast %swap3A_863 : vector<1x256x160xf32> to vector<256x160xf32>
    %swap3A_865 = vector.shape_cast %div3A_859 : vector<256x160xf32> to vector<1x256x160xf32>
    tpu.vector_store %arg27[%swap3A_860, %swap3A_861, %swap3A_862], %swap3A_865 {strides = array<i32>} : memref<1x256x160xf32, #tpu.memory_space<vmem>>, vector<1x256x160xf32>,
    %get3A_866 = arith.constant 0 : index
    %get3A_867 = arith.constant 0 : index
    %get3A_868 = vector.load %arg20[%get3A_866, %get3A_867] : memref<16x64xf32, #tpu.memory_space<vmem>>, vector<16x64xf32>
    %dot_general3A_869 = arith.constant dense<0.000000e+00> : vector<256x64xf32>
    %dot_general3A_870 = tpu.matmul %get3A_3, %get3A_868, %dot_general3A_869 {dimension_numbers = #tpu.dot_dimension_numbers<[1], [0], [0], [1], [0, 0, 1, 1], [], []>, transpose_lhs_hint = false} : vector<256x16xf32>, vector<16x64xf32>, vector<256x64xf32> -> vector<256x64xf32>
    %mul3A_871 = arith.constant 0.999994993 : f32
    %mul3A_872 = vector.broadcast %mul3A_871 : f32 to vector<256x64xf32>
    %mul3A_873 = arith.mulf %dot_general3A_870, %mul3A_872 : vector<256x64xf32>
    %get3A_874 = arith.constant 0 : index
    %get3A_875 = arith.constant 0 : index
    %get3A_876 = vector.load %arg21[%get3A_874, %get3A_875] : memref<1x64xf32, #tpu.memory_space<vmem>>, vector<1x64xf32>
    %mul3A_877 = vector.broadcast %get3A_876 : vector<1x64xf32> to vector<256x64xf32>
    %mul3A_878 = arith.mulf %mul3A_873, %mul3A_877 : vector<256x64xf32>
    %get3A_879 = arith.constant 0 : index
    %get3A_880 = arith.constant 0 : index
    %get3A_881 = vector.load %arg22[%get3A_879, %get3A_880] : memref<1x64xf32, #tpu.memory_space<vmem>>, vector<1x64xf32>
    %add3A_882 = vector.broadcast %get3A_881 : vector<1x64xf32> to vector<256x64xf32>
    %add3A_883 = arith.addf %mul3A_878, %add3A_882 : vector<256x64xf32>
    %max3A_884 = arith.constant 0.000000e+00 : f32
    %max3A_885 = vector.broadcast %max3A_884 : f32 to vector<256x64xf32>
    %max3A_886 = arith.maximumf %add3A_883, %max3A_885 : vector<256x64xf32>
    %convert_element_type3A_887 = arith.truncf %max3A_886 : vector<256x64xf32> to vector<256x64xbf16>
    %convert_element_type3A_888 = arith.extf %convert_element_type3A_887 : vector<256x64xbf16> to vector<256x64xf32>
    %swap3A_889 = arith.constant 0 : index
    %swap3A_890 = arith.constant 0 : index
    %swap3A_891 = arith.constant 0 : index
    %swap3A_892 = vector.load %arg28[%swap3A_889, %swap3A_890, %swap3A_891] : memref<1x256x64xf32, #tpu.memory_space<vmem>>, vector<1x256x64xf32>
    %swap3A_893 = vector.shape_cast %swap3A_892 : vector<1x256x64xf32> to vector<256x64xf32>
    %swap3A_894 = vector.shape_cast %convert_element_type3A_888 : vector<256x64xf32> to vector<1x256x64xf32>
    tpu.vector_store %arg28[%swap3A_889, %swap3A_890, %swap3A_891], %swap3A_894 {strides = array<i32>} : memref<1x256x64xf32, #tpu.memory_space<vmem>>, vector<1x256x64xf32>,
    return
  }
  func.func @transform_0(%arg0: i32, %arg1: i32) -> (i32, i32, i32) {
    %c0_i32 = arith.constant 0 : i32
    %c0_i32_0 = arith.constant 0 : i32
    return %arg0, %arg1, %c0_i32 : i32, i32, i32
  }
  func.func @transform_1(%arg0: i32, %arg1: i32) -> (i32, i32, i32) {
    %c0_i32 = arith.constant 0 : i32
    %c0_i32_0 = arith.constant 0 : i32
    %c0_i32_1 = arith.constant 0 : i32
    return %arg0, %c0_i32, %c0_i32_0 : i32, i32, i32
  }
  func.func @transform_2(%arg0: i32, %arg1: i32) -> (i32, i32, i32) {
    %c0_i32 = arith.constant 0 : i32
    %c0_i32_0 = arith.constant 0 : i32
    %c0_i32_1 = arith.constant 0 : i32
    return %arg0, %c0_i32, %c0_i32_0 : i32, i32, i32
  }
  func.func @transform_3(%arg0: i32, %arg1: i32) -> (i32, i32) {
    %c0_i32 = arith.constant 0 : i32
    %c0_i32_0 = arith.constant 0 : i32
    %c0_i32_1 = arith.constant 0 : i32
    return %c0_i32, %c0_i32_0 : i32, i32
  }
  func.func @transform_4(%arg0: i32, %arg1: i32) -> (i32, i32) {
    %c0_i32 = arith.constant 0 : i32
    %c0_i32_0 = arith.constant 0 : i32
    %c0_i32_1 = arith.constant 0 : i32
    return %c0_i32, %c0_i32_0 : i32, i32
  }
  func.func @transform_5(%arg0: i32, %arg1: i32) -> (i32, i32) {
    %c0_i32 = arith.constant 0 : i32
    %c0_i32_0 = arith.constant 0 : i32
    %c0_i32_1 = arith.constant 0 : i32
    return %c0_i32, %c0_i32_0 : i32, i32
  }
  func.func @transform_6(%arg0: i32, %arg1: i32) -> (i32, i32) {
    %c0_i32 = arith.constant 0 : i32
    %c0_i32_0 = arith.constant 0 : i32
    %c0_i32_1 = arith.constant 0 : i32
    return %c0_i32, %c0_i32_0 : i32, i32
  }
  func.func @transform_7(%arg0: i32, %arg1: i32) -> (i32, i32) {
    %c0_i32 = arith.constant 0 : i32
    %c0_i32_0 = arith.constant 0 : i32
    %c0_i32_1 = arith.constant 0 : i32
    return %c0_i32, %c0_i32_0 : i32, i32
  }
  func.func @transform_8(%arg0: i32, %arg1: i32) -> (i32, i32) {
    %c0_i32 = arith.constant 0 : i32
    %c0_i32_0 = arith.constant 0 : i32
    %c0_i32_1 = arith.constant 0 : i32
    return %c0_i32, %c0_i32_0 : i32, i32
  }
  func.func @transform_9(%arg0: i32, %arg1: i32) -> (i32, i32) {
    %c0_i32 = arith.constant 0 : i32
    %c0_i32_0 = arith.constant 0 : i32
    %c0_i32_1 = arith.constant 0 : i32
    return %c0_i32, %c0_i32_0 : i32, i32
  }
  func.func @transform_10(%arg0: i32, %arg1: i32) -> (i32, i32) {
    %c0_i32 = arith.constant 0 : i32
    %c0_i32_0 = arith.constant 0 : i32
    %c0_i32_1 = arith.constant 0 : i32
    return %c0_i32, %c0_i32_0 : i32, i32
  }
  func.func @transform_11(%arg0: i32, %arg1: i32) -> (i32, i32) {
    %c0_i32 = arith.constant 0 : i32
    %c0_i32_0 = arith.constant 0 : i32
    %c0_i32_1 = arith.constant 0 : i32
    return %c0_i32, %c0_i32_0 : i32, i32
  }
  func.func @transform_12(%arg0: i32, %arg1: i32) -> (i32, i32) {
    %c0_i32 = arith.constant 0 : i32
    %c0_i32_0 = arith.constant 0 : i32
    %c0_i32_1 = arith.constant 0 : i32
    return %c0_i32, %c0_i32_0 : i32, i32
  }
  func.func @transform_13(%arg0: i32, %arg1: i32) -> (i32, i32) {
    %c0_i32 = arith.constant 0 : i32
    %c0_i32_0 = arith.constant 0 : i32
    %c0_i32_1 = arith.constant 0 : i32
    return %c0_i32, %c0_i32_0 : i32, i32
  }
  func.func @transform_14(%arg0: i32, %arg1: i32) -> (i32, i32) {
    %c0_i32 = arith.constant 0 : i32
    %c0_i32_0 = arith.constant 0 : i32
    %c0_i32_1 = arith.constant 0 : i32
    return %c0_i32, %c0_i32_0 : i32, i32
  }
  func.func @transform_15(%arg0: i32, %arg1: i32) -> (i32, i32) {
    %c0_i32 = arith.constant 0 : i32
    %c0_i32_0 = arith.constant 0 : i32
    %c0_i32_1 = arith.constant 0 : i32
    return %c0_i32, %c0_i32_0 : i32, i32
  }
  func.func @transform_16(%arg0: i32, %arg1: i32) -> (i32, i32) {
    %c0_i32 = arith.constant 0 : i32
    %c0_i32_0 = arith.constant 0 : i32
    %c0_i32_1 = arith.constant 0 : i32
    return %c0_i32, %c0_i32_0 : i32, i32
  }
  func.func @transform_17(%arg0: i32, %arg1: i32) -> (i32, i32) {
    %c0_i32 = arith.constant 0 : i32
    %c0_i32_0 = arith.constant 0 : i32
    %c0_i32_1 = arith.constant 0 : i32
    return %c0_i32, %c0_i32_0 : i32, i32
  }
  func.func @transform_18(%arg0: i32, %arg1: i32) -> (i32, i32) {
    %c0_i32 = arith.constant 0 : i32
    %c0_i32_0 = arith.constant 0 : i32
    %c0_i32_1 = arith.constant 0 : i32
    return %c0_i32, %c0_i32_0 : i32, i32
  }
  func.func @transform_19(%arg0: i32, %arg1: i32) -> (i32, i32) {
    %c0_i32 = arith.constant 0 : i32
    %c0_i32_0 = arith.constant 0 : i32
    %c0_i32_1 = arith.constant 0 : i32
    return %c0_i32, %c0_i32_0 : i32, i32
  }
  func.func @transform_20(%arg0: i32, %arg1: i32) -> (i32, i32) {
    %c0_i32 = arith.constant 0 : i32
    %c0_i32_0 = arith.constant 0 : i32
    %c0_i32_1 = arith.constant 0 : i32
    return %c0_i32, %c0_i32_0 : i32, i32
  }
  func.func @transform_21(%arg0: i32, %arg1: i32) -> (i32, i32) {
    %c0_i32 = arith.constant 0 : i32
    %c0_i32_0 = arith.constant 0 : i32
    %c0_i32_1 = arith.constant 0 : i32
    return %c0_i32, %c0_i32_0 : i32, i32
  }
  func.func @transform_22(%arg0: i32, %arg1: i32) -> (i32, i32, i32) {
    %c0_i32 = arith.constant 0 : i32
    %c0_i32_0 = arith.constant 0 : i32
    return %arg0, %arg1, %c0_i32 : i32, i32, i32
  }
  func.func @transform_23(%arg0: i32, %arg1: i32) -> (i32, i32, i32) {
    %c0_i32 = arith.constant 0 : i32
    %c0_i32_0 = arith.constant 0 : i32
    return %arg0, %arg1, %c0_i32 : i32, i32, i32
  }
  func.func @transform_24(%arg0: i32, %arg1: i32) -> (i32, i32, i32) {
    %c0_i32 = arith.constant 0 : i32
    %c0_i32_0 = arith.constant 0 : i32
    return %arg0, %arg1, %c0_i32 : i32, i32, i32
  }
  func.func @transform_25(%arg0: i32, %arg1: i32) -> (i32, i32, i32) {
    %c0_i32 = arith.constant 0 : i32
    %c0_i32_0 = arith.constant 0 : i32
    return %arg0, %arg1, %c0_i32 : i32, i32, i32
  }
  func.func @transform_26(%arg0: i32, %arg1: i32) -> (i32, i32, i32) {
    %c0_i32 = arith.constant 0 : i32
    %c0_i32_0 = arith.constant 0 : i32
    return %arg0, %arg1, %c0_i32 : i32, i32, i32
  }
}

module attributes {stable_mosaic.version = 14 : i64} {
  func.func @_layer_kernel(%arg0: i32, %arg1: i32, %arg2: memref<1x256x1280xf32, #tpu.memory_space<vmem>>, %arg3: memref<1x256x160xf32, #tpu.memory_space<vmem>>, %arg4: memref<512x64xf32, #tpu.memory_space<vmem>>, %arg5: memref<1x64xf32, #tpu.memory_space<vmem>>, %arg6: memref<1x64xf32, #tpu.memory_space<vmem>>, %arg7: memref<8x512xf32, #tpu.memory_space<vmem>>, %arg8: memref<1x256x64xf32, #tpu.memory_space<vmem>>) attributes {dimension_semantics = [#tpu.dimension_semantics<arbitrary>, #tpu.dimension_semantics<arbitrary>], iteration_bounds = array<i64: 8, 4>, scalar_prefetch = 0 : i64, scratch_operands = 0 : i64, tpu.core_type = #tpu.core_type<tc>, window_params = [{transform_indices = @transform_0, window_bounds = array<i64: 1, 256, 1280>}, {transform_indices = @transform_1, window_bounds = array<i64: 1, 256, 160>}, {pipeline_mode = #tpu.pipeline_mode<synchronous>, transform_indices = @transform_2, window_bounds = array<i64: 512, 64>}, {pipeline_mode = #tpu.pipeline_mode<synchronous>, transform_indices = @transform_3, window_bounds = array<i64: 1, 64>}, {pipeline_mode = #tpu.pipeline_mode<synchronous>, transform_indices = @transform_4, window_bounds = array<i64: 1, 64>}, {pipeline_mode = #tpu.pipeline_mode<synchronous>, transform_indices = @transform_5, window_bounds = array<i64: 8, 512>}, {transform_indices = @transform_6, window_bounds = array<i64: 1, 256, 64>}]} {
    %get3A = arith.constant 0 : index
    %get3A_0 = arith.constant 0 : index
    %get3A_1 = arith.constant 0 : index
    %get3A_2 = vector.load %arg2[%get3A, %get3A_0, %get3A_1] : memref<1x256x1280xf32, #tpu.memory_space<vmem>>, vector<1x256x1280xf32>
    %get3A_3 = vector.shape_cast %get3A_2 : vector<1x256x1280xf32> to vector<256x1280xf32>
    %get3A_4 = arith.constant 0 : index
    %get3A_5 = arith.constant 0 : index
    %get3A_6 = arith.constant 0 : index
    %get3A_7 = vector.load %arg3[%get3A_4, %get3A_5, %get3A_6] : memref<1x256x160xf32, #tpu.memory_space<vmem>>, vector<1x256x160xf32>
    %get3A_8 = vector.shape_cast %get3A_7 : vector<1x256x160xf32> to vector<256x160xf32>
    %convert_element_type3A = arith.truncf %get3A_8 : vector<256x160xf32> to vector<256x160xbf16>
    %convert_element_type3A_9 = arith.extf %convert_element_type3A : vector<256x160xbf16> to vector<256x160xf32>
    %broadcast_in_dim3A = arith.constant 0.000000e+00 : f32
    %broadcast_in_dim3A_10 = vector.broadcast %broadcast_in_dim3A : f32 to vector<256x128xf32>
    %broadcast_in_dim3A_11 = arith.constant 0.000000e+00 : f32
    %broadcast_in_dim3A_12 = vector.broadcast %broadcast_in_dim3A_11 : f32 to vector<256x128xf32>
    %broadcast_in_dim3A_13 = arith.constant 0.000000e+00 : f32
    %broadcast_in_dim3A_14 = vector.broadcast %broadcast_in_dim3A_13 : f32 to vector<256x128xf32>
    %broadcast_in_dim3A_15 = arith.constant 0.000000e+00 : f32
    %broadcast_in_dim3A_16 = vector.broadcast %broadcast_in_dim3A_15 : f32 to vector<256x128xf32>
    %slice3A = vector.extract_strided_slice %convert_element_type3A_9 {offsets = [0, 0], sizes = [256, 8], strides = [1, 1]} : vector<256x160xf32> to vector<256x8xf32>
    %get3A_17 = arith.constant 0 : index
    %get3A_18 = arith.constant 0 : index
    %get3A_19 = vector.load %arg7[%get3A_17, %get3A_18] : memref<8x512xf32, #tpu.memory_space<vmem>>, vector<8x512xf32>
    %dot_general3A = arith.constant dense<0.000000e+00> : vector<256x512xf32>
    %dot_general3A_20 = tpu.matmul %slice3A, %get3A_19, %dot_general3A {dimension_numbers = #tpu.dot_dimension_numbers<[1], [0], [0], [1], [0, 0, 1, 1], [], []>, transpose_lhs_hint = false} : vector<256x8xf32>, vector<8x512xf32>, vector<256x512xf32> -> vector<256x512xf32>
    %slice3A_21 = vector.extract_strided_slice %get3A_3 {offsets = [0, 0], sizes = [256, 64], strides = [1, 1]} : vector<256x1280xf32> to vector<256x64xf32>
    %concatenate3A = tpu.concatenate %slice3A_21, %slice3A_21 in 1 : vector<256x64xf32>, vector<256x64xf32> -> vector<256x128xf32>
    %slice3A_22 = vector.extract_strided_slice %dot_general3A_20 {offsets = [0, 0], sizes = [256, 128], strides = [1, 1]} : vector<256x512xf32> to vector<256x128xf32>
    %mul3A = arith.mulf %slice3A_22, %concatenate3A : vector<256x128xf32>
    %add3A = arith.addf %broadcast_in_dim3A_10, %mul3A : vector<256x128xf32>
    %slice3A_23 = vector.extract_strided_slice %dot_general3A_20 {offsets = [0, 128], sizes = [256, 128], strides = [1, 1]} : vector<256x512xf32> to vector<256x128xf32>
    %mul3A_24 = arith.mulf %slice3A_23, %concatenate3A : vector<256x128xf32>
    %add3A_25 = arith.addf %broadcast_in_dim3A_12, %mul3A_24 : vector<256x128xf32>
    %slice3A_26 = vector.extract_strided_slice %dot_general3A_20 {offsets = [0, 256], sizes = [256, 128], strides = [1, 1]} : vector<256x512xf32> to vector<256x128xf32>
    %mul3A_27 = arith.mulf %slice3A_26, %concatenate3A : vector<256x128xf32>
    %add3A_28 = arith.addf %broadcast_in_dim3A_14, %mul3A_27 : vector<256x128xf32>
    %slice3A_29 = vector.extract_strided_slice %dot_general3A_20 {offsets = [0, 384], sizes = [256, 128], strides = [1, 1]} : vector<256x512xf32> to vector<256x128xf32>
    %mul3A_30 = arith.mulf %slice3A_29, %concatenate3A : vector<256x128xf32>
    %add3A_31 = arith.addf %broadcast_in_dim3A_16, %mul3A_30 : vector<256x128xf32>
    %slice3A_32 = vector.extract_strided_slice %convert_element_type3A_9 {offsets = [0, 8], sizes = [256, 8], strides = [1, 1]} : vector<256x160xf32> to vector<256x8xf32>
    %get3A_33 = arith.constant 0 : index
    %get3A_34 = arith.constant 0 : index
    %get3A_35 = vector.load %arg7[%get3A_33, %get3A_34] : memref<8x512xf32, #tpu.memory_space<vmem>>, vector<8x512xf32>
    %dot_general3A_36 = arith.constant dense<0.000000e+00> : vector<256x512xf32>
    %dot_general3A_37 = tpu.matmul %slice3A_32, %get3A_35, %dot_general3A_36 {dimension_numbers = #tpu.dot_dimension_numbers<[1], [0], [0], [1], [0, 0, 1, 1], [], []>, transpose_lhs_hint = false} : vector<256x8xf32>, vector<8x512xf32>, vector<256x512xf32> -> vector<256x512xf32>
    %slice3A_38 = vector.extract_strided_slice %get3A_3 {offsets = [0, 64], sizes = [256, 64], strides = [1, 1]} : vector<256x1280xf32> to vector<256x64xf32>
    %concatenate3A_39 = tpu.concatenate %slice3A_38, %slice3A_38 in 1 : vector<256x64xf32>, vector<256x64xf32> -> vector<256x128xf32>
    %slice3A_40 = vector.extract_strided_slice %dot_general3A_37 {offsets = [0, 0], sizes = [256, 128], strides = [1, 1]} : vector<256x512xf32> to vector<256x128xf32>
    %mul3A_41 = arith.mulf %slice3A_40, %concatenate3A_39 : vector<256x128xf32>
    %add3A_42 = arith.addf %add3A, %mul3A_41 : vector<256x128xf32>
    %slice3A_43 = vector.extract_strided_slice %dot_general3A_37 {offsets = [0, 128], sizes = [256, 128], strides = [1, 1]} : vector<256x512xf32> to vector<256x128xf32>
    %mul3A_44 = arith.mulf %slice3A_43, %concatenate3A_39 : vector<256x128xf32>
    %add3A_45 = arith.addf %add3A_25, %mul3A_44 : vector<256x128xf32>
    %slice3A_46 = vector.extract_strided_slice %dot_general3A_37 {offsets = [0, 256], sizes = [256, 128], strides = [1, 1]} : vector<256x512xf32> to vector<256x128xf32>
    %mul3A_47 = arith.mulf %slice3A_46, %concatenate3A_39 : vector<256x128xf32>
    %add3A_48 = arith.addf %add3A_28, %mul3A_47 : vector<256x128xf32>
    %slice3A_49 = vector.extract_strided_slice %dot_general3A_37 {offsets = [0, 384], sizes = [256, 128], strides = [1, 1]} : vector<256x512xf32> to vector<256x128xf32>
    %mul3A_50 = arith.mulf %slice3A_49, %concatenate3A_39 : vector<256x128xf32>
    %add3A_51 = arith.addf %add3A_31, %mul3A_50 : vector<256x128xf32>
    %slice3A_52 = vector.extract_strided_slice %convert_element_type3A_9 {offsets = [0, 16], sizes = [256, 8], strides = [1, 1]} : vector<256x160xf32> to vector<256x8xf32>
    %get3A_53 = arith.constant 0 : index
    %get3A_54 = arith.constant 0 : index
    %get3A_55 = vector.load %arg7[%get3A_53, %get3A_54] : memref<8x512xf32, #tpu.memory_space<vmem>>, vector<8x512xf32>
    %dot_general3A_56 = arith.constant dense<0.000000e+00> : vector<256x512xf32>
    %dot_general3A_57 = tpu.matmul %slice3A_52, %get3A_55, %dot_general3A_56 {dimension_numbers = #tpu.dot_dimension_numbers<[1], [0], [0], [1], [0, 0, 1, 1], [], []>, transpose_lhs_hint = false} : vector<256x8xf32>, vector<8x512xf32>, vector<256x512xf32> -> vector<256x512xf32>
    %slice3A_58 = vector.extract_strided_slice %get3A_3 {offsets = [0, 128], sizes = [256, 64], strides = [1, 1]} : vector<256x1280xf32> to vector<256x64xf32>
    %concatenate3A_59 = tpu.concatenate %slice3A_58, %slice3A_58 in 1 : vector<256x64xf32>, vector<256x64xf32> -> vector<256x128xf32>
    %slice3A_60 = vector.extract_strided_slice %dot_general3A_57 {offsets = [0, 0], sizes = [256, 128], strides = [1, 1]} : vector<256x512xf32> to vector<256x128xf32>
    %mul3A_61 = arith.mulf %slice3A_60, %concatenate3A_59 : vector<256x128xf32>
    %add3A_62 = arith.addf %add3A_42, %mul3A_61 : vector<256x128xf32>
    %slice3A_63 = vector.extract_strided_slice %dot_general3A_57 {offsets = [0, 128], sizes = [256, 128], strides = [1, 1]} : vector<256x512xf32> to vector<256x128xf32>
    %mul3A_64 = arith.mulf %slice3A_63, %concatenate3A_59 : vector<256x128xf32>
    %add3A_65 = arith.addf %add3A_45, %mul3A_64 : vector<256x128xf32>
    %slice3A_66 = vector.extract_strided_slice %dot_general3A_57 {offsets = [0, 256], sizes = [256, 128], strides = [1, 1]} : vector<256x512xf32> to vector<256x128xf32>
    %mul3A_67 = arith.mulf %slice3A_66, %concatenate3A_59 : vector<256x128xf32>
    %add3A_68 = arith.addf %add3A_48, %mul3A_67 : vector<256x128xf32>
    %slice3A_69 = vector.extract_strided_slice %dot_general3A_57 {offsets = [0, 384], sizes = [256, 128], strides = [1, 1]} : vector<256x512xf32> to vector<256x128xf32>
    %mul3A_70 = arith.mulf %slice3A_69, %concatenate3A_59 : vector<256x128xf32>
    %add3A_71 = arith.addf %add3A_51, %mul3A_70 : vector<256x128xf32>
    %slice3A_72 = vector.extract_strided_slice %convert_element_type3A_9 {offsets = [0, 24], sizes = [256, 8], strides = [1, 1]} : vector<256x160xf32> to vector<256x8xf32>
    %get3A_73 = arith.constant 0 : index
    %get3A_74 = arith.constant 0 : index
    %get3A_75 = vector.load %arg7[%get3A_73, %get3A_74] : memref<8x512xf32, #tpu.memory_space<vmem>>, vector<8x512xf32>
    %dot_general3A_76 = arith.constant dense<0.000000e+00> : vector<256x512xf32>
    %dot_general3A_77 = tpu.matmul %slice3A_72, %get3A_75, %dot_general3A_76 {dimension_numbers = #tpu.dot_dimension_numbers<[1], [0], [0], [1], [0, 0, 1, 1], [], []>, transpose_lhs_hint = false} : vector<256x8xf32>, vector<8x512xf32>, vector<256x512xf32> -> vector<256x512xf32>
    %slice3A_78 = vector.extract_strided_slice %get3A_3 {offsets = [0, 192], sizes = [256, 64], strides = [1, 1]} : vector<256x1280xf32> to vector<256x64xf32>
    %concatenate3A_79 = tpu.concatenate %slice3A_78, %slice3A_78 in 1 : vector<256x64xf32>, vector<256x64xf32> -> vector<256x128xf32>
    %slice3A_80 = vector.extract_strided_slice %dot_general3A_77 {offsets = [0, 0], sizes = [256, 128], strides = [1, 1]} : vector<256x512xf32> to vector<256x128xf32>
    %mul3A_81 = arith.mulf %slice3A_80, %concatenate3A_79 : vector<256x128xf32>
    %add3A_82 = arith.addf %add3A_62, %mul3A_81 : vector<256x128xf32>
    %slice3A_83 = vector.extract_strided_slice %dot_general3A_77 {offsets = [0, 128], sizes = [256, 128], strides = [1, 1]} : vector<256x512xf32> to vector<256x128xf32>
    %mul3A_84 = arith.mulf %slice3A_83, %concatenate3A_79 : vector<256x128xf32>
    %add3A_85 = arith.addf %add3A_65, %mul3A_84 : vector<256x128xf32>
    %slice3A_86 = vector.extract_strided_slice %dot_general3A_77 {offsets = [0, 256], sizes = [256, 128], strides = [1, 1]} : vector<256x512xf32> to vector<256x128xf32>
    %mul3A_87 = arith.mulf %slice3A_86, %concatenate3A_79 : vector<256x128xf32>
    %add3A_88 = arith.addf %add3A_68, %mul3A_87 : vector<256x128xf32>
    %slice3A_89 = vector.extract_strided_slice %dot_general3A_77 {offsets = [0, 384], sizes = [256, 128], strides = [1, 1]} : vector<256x512xf32> to vector<256x128xf32>
    %mul3A_90 = arith.mulf %slice3A_89, %concatenate3A_79 : vector<256x128xf32>
    %add3A_91 = arith.addf %add3A_71, %mul3A_90 : vector<256x128xf32>
    %slice3A_92 = vector.extract_strided_slice %convert_element_type3A_9 {offsets = [0, 32], sizes = [256, 8], strides = [1, 1]} : vector<256x160xf32> to vector<256x8xf32>
    %get3A_93 = arith.constant 0 : index
    %get3A_94 = arith.constant 0 : index
    %get3A_95 = vector.load %arg7[%get3A_93, %get3A_94] : memref<8x512xf32, #tpu.memory_space<vmem>>, vector<8x512xf32>
    %dot_general3A_96 = arith.constant dense<0.000000e+00> : vector<256x512xf32>
    %dot_general3A_97 = tpu.matmul %slice3A_92, %get3A_95, %dot_general3A_96 {dimension_numbers = #tpu.dot_dimension_numbers<[1], [0], [0], [1], [0, 0, 1, 1], [], []>, transpose_lhs_hint = false} : vector<256x8xf32>, vector<8x512xf32>, vector<256x512xf32> -> vector<256x512xf32>
    %slice3A_98 = vector.extract_strided_slice %get3A_3 {offsets = [0, 256], sizes = [256, 64], strides = [1, 1]} : vector<256x1280xf32> to vector<256x64xf32>
    %concatenate3A_99 = tpu.concatenate %slice3A_98, %slice3A_98 in 1 : vector<256x64xf32>, vector<256x64xf32> -> vector<256x128xf32>
    %slice3A_100 = vector.extract_strided_slice %dot_general3A_97 {offsets = [0, 0], sizes = [256, 128], strides = [1, 1]} : vector<256x512xf32> to vector<256x128xf32>
    %mul3A_101 = arith.mulf %slice3A_100, %concatenate3A_99 : vector<256x128xf32>
    %add3A_102 = arith.addf %add3A_82, %mul3A_101 : vector<256x128xf32>
    %slice3A_103 = vector.extract_strided_slice %dot_general3A_97 {offsets = [0, 128], sizes = [256, 128], strides = [1, 1]} : vector<256x512xf32> to vector<256x128xf32>
    %mul3A_104 = arith.mulf %slice3A_103, %concatenate3A_99 : vector<256x128xf32>
    %add3A_105 = arith.addf %add3A_85, %mul3A_104 : vector<256x128xf32>
    %slice3A_106 = vector.extract_strided_slice %dot_general3A_97 {offsets = [0, 256], sizes = [256, 128], strides = [1, 1]} : vector<256x512xf32> to vector<256x128xf32>
    %mul3A_107 = arith.mulf %slice3A_106, %concatenate3A_99 : vector<256x128xf32>
    %add3A_108 = arith.addf %add3A_88, %mul3A_107 : vector<256x128xf32>
    %slice3A_109 = vector.extract_strided_slice %dot_general3A_97 {offsets = [0, 384], sizes = [256, 128], strides = [1, 1]} : vector<256x512xf32> to vector<256x128xf32>
    %mul3A_110 = arith.mulf %slice3A_109, %concatenate3A_99 : vector<256x128xf32>
    %add3A_111 = arith.addf %add3A_91, %mul3A_110 : vector<256x128xf32>
    %slice3A_112 = vector.extract_strided_slice %convert_element_type3A_9 {offsets = [0, 40], sizes = [256, 8], strides = [1, 1]} : vector<256x160xf32> to vector<256x8xf32>
    %get3A_113 = arith.constant 0 : index
    %get3A_114 = arith.constant 0 : index
    %get3A_115 = vector.load %arg7[%get3A_113, %get3A_114] : memref<8x512xf32, #tpu.memory_space<vmem>>, vector<8x512xf32>
    %dot_general3A_116 = arith.constant dense<0.000000e+00> : vector<256x512xf32>
    %dot_general3A_117 = tpu.matmul %slice3A_112, %get3A_115, %dot_general3A_116 {dimension_numbers = #tpu.dot_dimension_numbers<[1], [0], [0], [1], [0, 0, 1, 1], [], []>, transpose_lhs_hint = false} : vector<256x8xf32>, vector<8x512xf32>, vector<256x512xf32> -> vector<256x512xf32>
    %slice3A_118 = vector.extract_strided_slice %get3A_3 {offsets = [0, 320], sizes = [256, 64], strides = [1, 1]} : vector<256x1280xf32> to vector<256x64xf32>
    %concatenate3A_119 = tpu.concatenate %slice3A_118, %slice3A_118 in 1 : vector<256x64xf32>, vector<256x64xf32> -> vector<256x128xf32>
    %slice3A_120 = vector.extract_strided_slice %dot_general3A_117 {offsets = [0, 0], sizes = [256, 128], strides = [1, 1]} : vector<256x512xf32> to vector<256x128xf32>
    %mul3A_121 = arith.mulf %slice3A_120, %concatenate3A_119 : vector<256x128xf32>
    %add3A_122 = arith.addf %add3A_102, %mul3A_121 : vector<256x128xf32>
    %slice3A_123 = vector.extract_strided_slice %dot_general3A_117 {offsets = [0, 128], sizes = [256, 128], strides = [1, 1]} : vector<256x512xf32> to vector<256x128xf32>
    %mul3A_124 = arith.mulf %slice3A_123, %concatenate3A_119 : vector<256x128xf32>
    %add3A_125 = arith.addf %add3A_105, %mul3A_124 : vector<256x128xf32>
    %slice3A_126 = vector.extract_strided_slice %dot_general3A_117 {offsets = [0, 256], sizes = [256, 128], strides = [1, 1]} : vector<256x512xf32> to vector<256x128xf32>
    %mul3A_127 = arith.mulf %slice3A_126, %concatenate3A_119 : vector<256x128xf32>
    %add3A_128 = arith.addf %add3A_108, %mul3A_127 : vector<256x128xf32>
    %slice3A_129 = vector.extract_strided_slice %dot_general3A_117 {offsets = [0, 384], sizes = [256, 128], strides = [1, 1]} : vector<256x512xf32> to vector<256x128xf32>
    %mul3A_130 = arith.mulf %slice3A_129, %concatenate3A_119 : vector<256x128xf32>
    %add3A_131 = arith.addf %add3A_111, %mul3A_130 : vector<256x128xf32>
    %slice3A_132 = vector.extract_strided_slice %convert_element_type3A_9 {offsets = [0, 48], sizes = [256, 8], strides = [1, 1]} : vector<256x160xf32> to vector<256x8xf32>
    %get3A_133 = arith.constant 0 : index
    %get3A_134 = arith.constant 0 : index
    %get3A_135 = vector.load %arg7[%get3A_133, %get3A_134] : memref<8x512xf32, #tpu.memory_space<vmem>>, vector<8x512xf32>
    %dot_general3A_136 = arith.constant dense<0.000000e+00> : vector<256x512xf32>
    %dot_general3A_137 = tpu.matmul %slice3A_132, %get3A_135, %dot_general3A_136 {dimension_numbers = #tpu.dot_dimension_numbers<[1], [0], [0], [1], [0, 0, 1, 1], [], []>, transpose_lhs_hint = false} : vector<256x8xf32>, vector<8x512xf32>, vector<256x512xf32> -> vector<256x512xf32>
    %slice3A_138 = vector.extract_strided_slice %get3A_3 {offsets = [0, 384], sizes = [256, 64], strides = [1, 1]} : vector<256x1280xf32> to vector<256x64xf32>
    %concatenate3A_139 = tpu.concatenate %slice3A_138, %slice3A_138 in 1 : vector<256x64xf32>, vector<256x64xf32> -> vector<256x128xf32>
    %slice3A_140 = vector.extract_strided_slice %dot_general3A_137 {offsets = [0, 0], sizes = [256, 128], strides = [1, 1]} : vector<256x512xf32> to vector<256x128xf32>
    %mul3A_141 = arith.mulf %slice3A_140, %concatenate3A_139 : vector<256x128xf32>
    %add3A_142 = arith.addf %add3A_122, %mul3A_141 : vector<256x128xf32>
    %slice3A_143 = vector.extract_strided_slice %dot_general3A_137 {offsets = [0, 128], sizes = [256, 128], strides = [1, 1]} : vector<256x512xf32> to vector<256x128xf32>
    %mul3A_144 = arith.mulf %slice3A_143, %concatenate3A_139 : vector<256x128xf32>
    %add3A_145 = arith.addf %add3A_125, %mul3A_144 : vector<256x128xf32>
    %slice3A_146 = vector.extract_strided_slice %dot_general3A_137 {offsets = [0, 256], sizes = [256, 128], strides = [1, 1]} : vector<256x512xf32> to vector<256x128xf32>
    %mul3A_147 = arith.mulf %slice3A_146, %concatenate3A_139 : vector<256x128xf32>
    %add3A_148 = arith.addf %add3A_128, %mul3A_147 : vector<256x128xf32>
    %slice3A_149 = vector.extract_strided_slice %dot_general3A_137 {offsets = [0, 384], sizes = [256, 128], strides = [1, 1]} : vector<256x512xf32> to vector<256x128xf32>
    %mul3A_150 = arith.mulf %slice3A_149, %concatenate3A_139 : vector<256x128xf32>
    %add3A_151 = arith.addf %add3A_131, %mul3A_150 : vector<256x128xf32>
    %slice3A_152 = vector.extract_strided_slice %convert_element_type3A_9 {offsets = [0, 56], sizes = [256, 8], strides = [1, 1]} : vector<256x160xf32> to vector<256x8xf32>
    %get3A_153 = arith.constant 0 : index
    %get3A_154 = arith.constant 0 : index
    %get3A_155 = vector.load %arg7[%get3A_153, %get3A_154] : memref<8x512xf32, #tpu.memory_space<vmem>>, vector<8x512xf32>
    %dot_general3A_156 = arith.constant dense<0.000000e+00> : vector<256x512xf32>
    %dot_general3A_157 = tpu.matmul %slice3A_152, %get3A_155, %dot_general3A_156 {dimension_numbers = #tpu.dot_dimension_numbers<[1], [0], [0], [1], [0, 0, 1, 1], [], []>, transpose_lhs_hint = false} : vector<256x8xf32>, vector<8x512xf32>, vector<256x512xf32> -> vector<256x512xf32>
    %slice3A_158 = vector.extract_strided_slice %get3A_3 {offsets = [0, 448], sizes = [256, 64], strides = [1, 1]} : vector<256x1280xf32> to vector<256x64xf32>
    %concatenate3A_159 = tpu.concatenate %slice3A_158, %slice3A_158 in 1 : vector<256x64xf32>, vector<256x64xf32> -> vector<256x128xf32>
    %slice3A_160 = vector.extract_strided_slice %dot_general3A_157 {offsets = [0, 0], sizes = [256, 128], strides = [1, 1]} : vector<256x512xf32> to vector<256x128xf32>
    %mul3A_161 = arith.mulf %slice3A_160, %concatenate3A_159 : vector<256x128xf32>
    %add3A_162 = arith.addf %add3A_142, %mul3A_161 : vector<256x128xf32>
    %slice3A_163 = vector.extract_strided_slice %dot_general3A_157 {offsets = [0, 128], sizes = [256, 128], strides = [1, 1]} : vector<256x512xf32> to vector<256x128xf32>
    %mul3A_164 = arith.mulf %slice3A_163, %concatenate3A_159 : vector<256x128xf32>
    %add3A_165 = arith.addf %add3A_145, %mul3A_164 : vector<256x128xf32>
    %slice3A_166 = vector.extract_strided_slice %dot_general3A_157 {offsets = [0, 256], sizes = [256, 128], strides = [1, 1]} : vector<256x512xf32> to vector<256x128xf32>
    %mul3A_167 = arith.mulf %slice3A_166, %concatenate3A_159 : vector<256x128xf32>
    %add3A_168 = arith.addf %add3A_148, %mul3A_167 : vector<256x128xf32>
    %slice3A_169 = vector.extract_strided_slice %dot_general3A_157 {offsets = [0, 384], sizes = [256, 128], strides = [1, 1]} : vector<256x512xf32> to vector<256x128xf32>
    %mul3A_170 = arith.mulf %slice3A_169, %concatenate3A_159 : vector<256x128xf32>
    %add3A_171 = arith.addf %add3A_151, %mul3A_170 : vector<256x128xf32>
    %slice3A_172 = vector.extract_strided_slice %convert_element_type3A_9 {offsets = [0, 64], sizes = [256, 8], strides = [1, 1]} : vector<256x160xf32> to vector<256x8xf32>
    %get3A_173 = arith.constant 0 : index
    %get3A_174 = arith.constant 0 : index
    %get3A_175 = vector.load %arg7[%get3A_173, %get3A_174] : memref<8x512xf32, #tpu.memory_space<vmem>>, vector<8x512xf32>
    %dot_general3A_176 = arith.constant dense<0.000000e+00> : vector<256x512xf32>
    %dot_general3A_177 = tpu.matmul %slice3A_172, %get3A_175, %dot_general3A_176 {dimension_numbers = #tpu.dot_dimension_numbers<[1], [0], [0], [1], [0, 0, 1, 1], [], []>, transpose_lhs_hint = false} : vector<256x8xf32>, vector<8x512xf32>, vector<256x512xf32> -> vector<256x512xf32>
    %slice3A_178 = vector.extract_strided_slice %get3A_3 {offsets = [0, 512], sizes = [256, 64], strides = [1, 1]} : vector<256x1280xf32> to vector<256x64xf32>
    %concatenate3A_179 = tpu.concatenate %slice3A_178, %slice3A_178 in 1 : vector<256x64xf32>, vector<256x64xf32> -> vector<256x128xf32>
    %slice3A_180 = vector.extract_strided_slice %dot_general3A_177 {offsets = [0, 0], sizes = [256, 128], strides = [1, 1]} : vector<256x512xf32> to vector<256x128xf32>
    %mul3A_181 = arith.mulf %slice3A_180, %concatenate3A_179 : vector<256x128xf32>
    %add3A_182 = arith.addf %add3A_162, %mul3A_181 : vector<256x128xf32>
    %slice3A_183 = vector.extract_strided_slice %dot_general3A_177 {offsets = [0, 128], sizes = [256, 128], strides = [1, 1]} : vector<256x512xf32> to vector<256x128xf32>
    %mul3A_184 = arith.mulf %slice3A_183, %concatenate3A_179 : vector<256x128xf32>
    %add3A_185 = arith.addf %add3A_165, %mul3A_184 : vector<256x128xf32>
    %slice3A_186 = vector.extract_strided_slice %dot_general3A_177 {offsets = [0, 256], sizes = [256, 128], strides = [1, 1]} : vector<256x512xf32> to vector<256x128xf32>
    %mul3A_187 = arith.mulf %slice3A_186, %concatenate3A_179 : vector<256x128xf32>
    %add3A_188 = arith.addf %add3A_168, %mul3A_187 : vector<256x128xf32>
    %slice3A_189 = vector.extract_strided_slice %dot_general3A_177 {offsets = [0, 384], sizes = [256, 128], strides = [1, 1]} : vector<256x512xf32> to vector<256x128xf32>
    %mul3A_190 = arith.mulf %slice3A_189, %concatenate3A_179 : vector<256x128xf32>
    %add3A_191 = arith.addf %add3A_171, %mul3A_190 : vector<256x128xf32>
    %slice3A_192 = vector.extract_strided_slice %convert_element_type3A_9 {offsets = [0, 72], sizes = [256, 8], strides = [1, 1]} : vector<256x160xf32> to vector<256x8xf32>
    %get3A_193 = arith.constant 0 : index
    %get3A_194 = arith.constant 0 : index
    %get3A_195 = vector.load %arg7[%get3A_193, %get3A_194] : memref<8x512xf32, #tpu.memory_space<vmem>>, vector<8x512xf32>
    %dot_general3A_196 = arith.constant dense<0.000000e+00> : vector<256x512xf32>
    %dot_general3A_197 = tpu.matmul %slice3A_192, %get3A_195, %dot_general3A_196 {dimension_numbers = #tpu.dot_dimension_numbers<[1], [0], [0], [1], [0, 0, 1, 1], [], []>, transpose_lhs_hint = false} : vector<256x8xf32>, vector<8x512xf32>, vector<256x512xf32> -> vector<256x512xf32>
    %slice3A_198 = vector.extract_strided_slice %get3A_3 {offsets = [0, 576], sizes = [256, 64], strides = [1, 1]} : vector<256x1280xf32> to vector<256x64xf32>
    %concatenate3A_199 = tpu.concatenate %slice3A_198, %slice3A_198 in 1 : vector<256x64xf32>, vector<256x64xf32> -> vector<256x128xf32>
    %slice3A_200 = vector.extract_strided_slice %dot_general3A_197 {offsets = [0, 0], sizes = [256, 128], strides = [1, 1]} : vector<256x512xf32> to vector<256x128xf32>
    %mul3A_201 = arith.mulf %slice3A_200, %concatenate3A_199 : vector<256x128xf32>
    %add3A_202 = arith.addf %add3A_182, %mul3A_201 : vector<256x128xf32>
    %slice3A_203 = vector.extract_strided_slice %dot_general3A_197 {offsets = [0, 128], sizes = [256, 128], strides = [1, 1]} : vector<256x512xf32> to vector<256x128xf32>
    %mul3A_204 = arith.mulf %slice3A_203, %concatenate3A_199 : vector<256x128xf32>
    %add3A_205 = arith.addf %add3A_185, %mul3A_204 : vector<256x128xf32>
    %slice3A_206 = vector.extract_strided_slice %dot_general3A_197 {offsets = [0, 256], sizes = [256, 128], strides = [1, 1]} : vector<256x512xf32> to vector<256x128xf32>
    %mul3A_207 = arith.mulf %slice3A_206, %concatenate3A_199 : vector<256x128xf32>
    %add3A_208 = arith.addf %add3A_188, %mul3A_207 : vector<256x128xf32>
    %slice3A_209 = vector.extract_strided_slice %dot_general3A_197 {offsets = [0, 384], sizes = [256, 128], strides = [1, 1]} : vector<256x512xf32> to vector<256x128xf32>
    %mul3A_210 = arith.mulf %slice3A_209, %concatenate3A_199 : vector<256x128xf32>
    %add3A_211 = arith.addf %add3A_191, %mul3A_210 : vector<256x128xf32>
    %slice3A_212 = vector.extract_strided_slice %convert_element_type3A_9 {offsets = [0, 80], sizes = [256, 8], strides = [1, 1]} : vector<256x160xf32> to vector<256x8xf32>
    %get3A_213 = arith.constant 0 : index
    %get3A_214 = arith.constant 0 : index
    %get3A_215 = vector.load %arg7[%get3A_213, %get3A_214] : memref<8x512xf32, #tpu.memory_space<vmem>>, vector<8x512xf32>
    %dot_general3A_216 = arith.constant dense<0.000000e+00> : vector<256x512xf32>
    %dot_general3A_217 = tpu.matmul %slice3A_212, %get3A_215, %dot_general3A_216 {dimension_numbers = #tpu.dot_dimension_numbers<[1], [0], [0], [1], [0, 0, 1, 1], [], []>, transpose_lhs_hint = false} : vector<256x8xf32>, vector<8x512xf32>, vector<256x512xf32> -> vector<256x512xf32>
    %slice3A_218 = vector.extract_strided_slice %get3A_3 {offsets = [0, 640], sizes = [256, 64], strides = [1, 1]} : vector<256x1280xf32> to vector<256x64xf32>
    %concatenate3A_219 = tpu.concatenate %slice3A_218, %slice3A_218 in 1 : vector<256x64xf32>, vector<256x64xf32> -> vector<256x128xf32>
    %slice3A_220 = vector.extract_strided_slice %dot_general3A_217 {offsets = [0, 0], sizes = [256, 128], strides = [1, 1]} : vector<256x512xf32> to vector<256x128xf32>
    %mul3A_221 = arith.mulf %slice3A_220, %concatenate3A_219 : vector<256x128xf32>
    %add3A_222 = arith.addf %add3A_202, %mul3A_221 : vector<256x128xf32>
    %slice3A_223 = vector.extract_strided_slice %dot_general3A_217 {offsets = [0, 128], sizes = [256, 128], strides = [1, 1]} : vector<256x512xf32> to vector<256x128xf32>
    %mul3A_224 = arith.mulf %slice3A_223, %concatenate3A_219 : vector<256x128xf32>
    %add3A_225 = arith.addf %add3A_205, %mul3A_224 : vector<256x128xf32>
    %slice3A_226 = vector.extract_strided_slice %dot_general3A_217 {offsets = [0, 256], sizes = [256, 128], strides = [1, 1]} : vector<256x512xf32> to vector<256x128xf32>
    %mul3A_227 = arith.mulf %slice3A_226, %concatenate3A_219 : vector<256x128xf32>
    %add3A_228 = arith.addf %add3A_208, %mul3A_227 : vector<256x128xf32>
    %slice3A_229 = vector.extract_strided_slice %dot_general3A_217 {offsets = [0, 384], sizes = [256, 128], strides = [1, 1]} : vector<256x512xf32> to vector<256x128xf32>
    %mul3A_230 = arith.mulf %slice3A_229, %concatenate3A_219 : vector<256x128xf32>
    %add3A_231 = arith.addf %add3A_211, %mul3A_230 : vector<256x128xf32>
    %slice3A_232 = vector.extract_strided_slice %convert_element_type3A_9 {offsets = [0, 88], sizes = [256, 8], strides = [1, 1]} : vector<256x160xf32> to vector<256x8xf32>
    %get3A_233 = arith.constant 0 : index
    %get3A_234 = arith.constant 0 : index
    %get3A_235 = vector.load %arg7[%get3A_233, %get3A_234] : memref<8x512xf32, #tpu.memory_space<vmem>>, vector<8x512xf32>
    %dot_general3A_236 = arith.constant dense<0.000000e+00> : vector<256x512xf32>
    %dot_general3A_237 = tpu.matmul %slice3A_232, %get3A_235, %dot_general3A_236 {dimension_numbers = #tpu.dot_dimension_numbers<[1], [0], [0], [1], [0, 0, 1, 1], [], []>, transpose_lhs_hint = false} : vector<256x8xf32>, vector<8x512xf32>, vector<256x512xf32> -> vector<256x512xf32>
    %slice3A_238 = vector.extract_strided_slice %get3A_3 {offsets = [0, 704], sizes = [256, 64], strides = [1, 1]} : vector<256x1280xf32> to vector<256x64xf32>
    %concatenate3A_239 = tpu.concatenate %slice3A_238, %slice3A_238 in 1 : vector<256x64xf32>, vector<256x64xf32> -> vector<256x128xf32>
    %slice3A_240 = vector.extract_strided_slice %dot_general3A_237 {offsets = [0, 0], sizes = [256, 128], strides = [1, 1]} : vector<256x512xf32> to vector<256x128xf32>
    %mul3A_241 = arith.mulf %slice3A_240, %concatenate3A_239 : vector<256x128xf32>
    %add3A_242 = arith.addf %add3A_222, %mul3A_241 : vector<256x128xf32>
    %slice3A_243 = vector.extract_strided_slice %dot_general3A_237 {offsets = [0, 128], sizes = [256, 128], strides = [1, 1]} : vector<256x512xf32> to vector<256x128xf32>
    %mul3A_244 = arith.mulf %slice3A_243, %concatenate3A_239 : vector<256x128xf32>
    %add3A_245 = arith.addf %add3A_225, %mul3A_244 : vector<256x128xf32>
    %slice3A_246 = vector.extract_strided_slice %dot_general3A_237 {offsets = [0, 256], sizes = [256, 128], strides = [1, 1]} : vector<256x512xf32> to vector<256x128xf32>
    %mul3A_247 = arith.mulf %slice3A_246, %concatenate3A_239 : vector<256x128xf32>
    %add3A_248 = arith.addf %add3A_228, %mul3A_247 : vector<256x128xf32>
    %slice3A_249 = vector.extract_strided_slice %dot_general3A_237 {offsets = [0, 384], sizes = [256, 128], strides = [1, 1]} : vector<256x512xf32> to vector<256x128xf32>
    %mul3A_250 = arith.mulf %slice3A_249, %concatenate3A_239 : vector<256x128xf32>
    %add3A_251 = arith.addf %add3A_231, %mul3A_250 : vector<256x128xf32>
    %slice3A_252 = vector.extract_strided_slice %convert_element_type3A_9 {offsets = [0, 96], sizes = [256, 8], strides = [1, 1]} : vector<256x160xf32> to vector<256x8xf32>
    %get3A_253 = arith.constant 0 : index
    %get3A_254 = arith.constant 0 : index
    %get3A_255 = vector.load %arg7[%get3A_253, %get3A_254] : memref<8x512xf32, #tpu.memory_space<vmem>>, vector<8x512xf32>
    %dot_general3A_256 = arith.constant dense<0.000000e+00> : vector<256x512xf32>
    %dot_general3A_257 = tpu.matmul %slice3A_252, %get3A_255, %dot_general3A_256 {dimension_numbers = #tpu.dot_dimension_numbers<[1], [0], [0], [1], [0, 0, 1, 1], [], []>, transpose_lhs_hint = false} : vector<256x8xf32>, vector<8x512xf32>, vector<256x512xf32> -> vector<256x512xf32>
    %slice3A_258 = vector.extract_strided_slice %get3A_3 {offsets = [0, 768], sizes = [256, 64], strides = [1, 1]} : vector<256x1280xf32> to vector<256x64xf32>
    %concatenate3A_259 = tpu.concatenate %slice3A_258, %slice3A_258 in 1 : vector<256x64xf32>, vector<256x64xf32> -> vector<256x128xf32>
    %slice3A_260 = vector.extract_strided_slice %dot_general3A_257 {offsets = [0, 0], sizes = [256, 128], strides = [1, 1]} : vector<256x512xf32> to vector<256x128xf32>
    %mul3A_261 = arith.mulf %slice3A_260, %concatenate3A_259 : vector<256x128xf32>
    %add3A_262 = arith.addf %add3A_242, %mul3A_261 : vector<256x128xf32>
    %slice3A_263 = vector.extract_strided_slice %dot_general3A_257 {offsets = [0, 128], sizes = [256, 128], strides = [1, 1]} : vector<256x512xf32> to vector<256x128xf32>
    %mul3A_264 = arith.mulf %slice3A_263, %concatenate3A_259 : vector<256x128xf32>
    %add3A_265 = arith.addf %add3A_245, %mul3A_264 : vector<256x128xf32>
    %slice3A_266 = vector.extract_strided_slice %dot_general3A_257 {offsets = [0, 256], sizes = [256, 128], strides = [1, 1]} : vector<256x512xf32> to vector<256x128xf32>
    %mul3A_267 = arith.mulf %slice3A_266, %concatenate3A_259 : vector<256x128xf32>
    %add3A_268 = arith.addf %add3A_248, %mul3A_267 : vector<256x128xf32>
    %slice3A_269 = vector.extract_strided_slice %dot_general3A_257 {offsets = [0, 384], sizes = [256, 128], strides = [1, 1]} : vector<256x512xf32> to vector<256x128xf32>
    %mul3A_270 = arith.mulf %slice3A_269, %concatenate3A_259 : vector<256x128xf32>
    %add3A_271 = arith.addf %add3A_251, %mul3A_270 : vector<256x128xf32>
    %slice3A_272 = vector.extract_strided_slice %convert_element_type3A_9 {offsets = [0, 104], sizes = [256, 8], strides = [1, 1]} : vector<256x160xf32> to vector<256x8xf32>
    %get3A_273 = arith.constant 0 : index
    %get3A_274 = arith.constant 0 : index
    %get3A_275 = vector.load %arg7[%get3A_273, %get3A_274] : memref<8x512xf32, #tpu.memory_space<vmem>>, vector<8x512xf32>
    %dot_general3A_276 = arith.constant dense<0.000000e+00> : vector<256x512xf32>
    %dot_general3A_277 = tpu.matmul %slice3A_272, %get3A_275, %dot_general3A_276 {dimension_numbers = #tpu.dot_dimension_numbers<[1], [0], [0], [1], [0, 0, 1, 1], [], []>, transpose_lhs_hint = false} : vector<256x8xf32>, vector<8x512xf32>, vector<256x512xf32> -> vector<256x512xf32>
    %slice3A_278 = vector.extract_strided_slice %get3A_3 {offsets = [0, 832], sizes = [256, 64], strides = [1, 1]} : vector<256x1280xf32> to vector<256x64xf32>
    %concatenate3A_279 = tpu.concatenate %slice3A_278, %slice3A_278 in 1 : vector<256x64xf32>, vector<256x64xf32> -> vector<256x128xf32>
    %slice3A_280 = vector.extract_strided_slice %dot_general3A_277 {offsets = [0, 0], sizes = [256, 128], strides = [1, 1]} : vector<256x512xf32> to vector<256x128xf32>
    %mul3A_281 = arith.mulf %slice3A_280, %concatenate3A_279 : vector<256x128xf32>
    %add3A_282 = arith.addf %add3A_262, %mul3A_281 : vector<256x128xf32>
    %slice3A_283 = vector.extract_strided_slice %dot_general3A_277 {offsets = [0, 128], sizes = [256, 128], strides = [1, 1]} : vector<256x512xf32> to vector<256x128xf32>
    %mul3A_284 = arith.mulf %slice3A_283, %concatenate3A_279 : vector<256x128xf32>
    %add3A_285 = arith.addf %add3A_265, %mul3A_284 : vector<256x128xf32>
    %slice3A_286 = vector.extract_strided_slice %dot_general3A_277 {offsets = [0, 256], sizes = [256, 128], strides = [1, 1]} : vector<256x512xf32> to vector<256x128xf32>
    %mul3A_287 = arith.mulf %slice3A_286, %concatenate3A_279 : vector<256x128xf32>
    %add3A_288 = arith.addf %add3A_268, %mul3A_287 : vector<256x128xf32>
    %slice3A_289 = vector.extract_strided_slice %dot_general3A_277 {offsets = [0, 384], sizes = [256, 128], strides = [1, 1]} : vector<256x512xf32> to vector<256x128xf32>
    %mul3A_290 = arith.mulf %slice3A_289, %concatenate3A_279 : vector<256x128xf32>
    %add3A_291 = arith.addf %add3A_271, %mul3A_290 : vector<256x128xf32>
    %slice3A_292 = vector.extract_strided_slice %convert_element_type3A_9 {offsets = [0, 112], sizes = [256, 8], strides = [1, 1]} : vector<256x160xf32> to vector<256x8xf32>
    %get3A_293 = arith.constant 0 : index
    %get3A_294 = arith.constant 0 : index
    %get3A_295 = vector.load %arg7[%get3A_293, %get3A_294] : memref<8x512xf32, #tpu.memory_space<vmem>>, vector<8x512xf32>
    %dot_general3A_296 = arith.constant dense<0.000000e+00> : vector<256x512xf32>
    %dot_general3A_297 = tpu.matmul %slice3A_292, %get3A_295, %dot_general3A_296 {dimension_numbers = #tpu.dot_dimension_numbers<[1], [0], [0], [1], [0, 0, 1, 1], [], []>, transpose_lhs_hint = false} : vector<256x8xf32>, vector<8x512xf32>, vector<256x512xf32> -> vector<256x512xf32>
    %slice3A_298 = vector.extract_strided_slice %get3A_3 {offsets = [0, 896], sizes = [256, 64], strides = [1, 1]} : vector<256x1280xf32> to vector<256x64xf32>
    %concatenate3A_299 = tpu.concatenate %slice3A_298, %slice3A_298 in 1 : vector<256x64xf32>, vector<256x64xf32> -> vector<256x128xf32>
    %slice3A_300 = vector.extract_strided_slice %dot_general3A_297 {offsets = [0, 0], sizes = [256, 128], strides = [1, 1]} : vector<256x512xf32> to vector<256x128xf32>
    %mul3A_301 = arith.mulf %slice3A_300, %concatenate3A_299 : vector<256x128xf32>
    %add3A_302 = arith.addf %add3A_282, %mul3A_301 : vector<256x128xf32>
    %slice3A_303 = vector.extract_strided_slice %dot_general3A_297 {offsets = [0, 128], sizes = [256, 128], strides = [1, 1]} : vector<256x512xf32> to vector<256x128xf32>
    %mul3A_304 = arith.mulf %slice3A_303, %concatenate3A_299 : vector<256x128xf32>
    %add3A_305 = arith.addf %add3A_285, %mul3A_304 : vector<256x128xf32>
    %slice3A_306 = vector.extract_strided_slice %dot_general3A_297 {offsets = [0, 256], sizes = [256, 128], strides = [1, 1]} : vector<256x512xf32> to vector<256x128xf32>
    %mul3A_307 = arith.mulf %slice3A_306, %concatenate3A_299 : vector<256x128xf32>
    %add3A_308 = arith.addf %add3A_288, %mul3A_307 : vector<256x128xf32>
    %slice3A_309 = vector.extract_strided_slice %dot_general3A_297 {offsets = [0, 384], sizes = [256, 128], strides = [1, 1]} : vector<256x512xf32> to vector<256x128xf32>
    %mul3A_310 = arith.mulf %slice3A_309, %concatenate3A_299 : vector<256x128xf32>
    %add3A_311 = arith.addf %add3A_291, %mul3A_310 : vector<256x128xf32>
    %slice3A_312 = vector.extract_strided_slice %convert_element_type3A_9 {offsets = [0, 120], sizes = [256, 8], strides = [1, 1]} : vector<256x160xf32> to vector<256x8xf32>
    %get3A_313 = arith.constant 0 : index
    %get3A_314 = arith.constant 0 : index
    %get3A_315 = vector.load %arg7[%get3A_313, %get3A_314] : memref<8x512xf32, #tpu.memory_space<vmem>>, vector<8x512xf32>
    %dot_general3A_316 = arith.constant dense<0.000000e+00> : vector<256x512xf32>
    %dot_general3A_317 = tpu.matmul %slice3A_312, %get3A_315, %dot_general3A_316 {dimension_numbers = #tpu.dot_dimension_numbers<[1], [0], [0], [1], [0, 0, 1, 1], [], []>, transpose_lhs_hint = false} : vector<256x8xf32>, vector<8x512xf32>, vector<256x512xf32> -> vector<256x512xf32>
    %slice3A_318 = vector.extract_strided_slice %get3A_3 {offsets = [0, 960], sizes = [256, 64], strides = [1, 1]} : vector<256x1280xf32> to vector<256x64xf32>
    %concatenate3A_319 = tpu.concatenate %slice3A_318, %slice3A_318 in 1 : vector<256x64xf32>, vector<256x64xf32> -> vector<256x128xf32>
    %slice3A_320 = vector.extract_strided_slice %dot_general3A_317 {offsets = [0, 0], sizes = [256, 128], strides = [1, 1]} : vector<256x512xf32> to vector<256x128xf32>
    %mul3A_321 = arith.mulf %slice3A_320, %concatenate3A_319 : vector<256x128xf32>
    %add3A_322 = arith.addf %add3A_302, %mul3A_321 : vector<256x128xf32>
    %slice3A_323 = vector.extract_strided_slice %dot_general3A_317 {offsets = [0, 128], sizes = [256, 128], strides = [1, 1]} : vector<256x512xf32> to vector<256x128xf32>
    %mul3A_324 = arith.mulf %slice3A_323, %concatenate3A_319 : vector<256x128xf32>
    %add3A_325 = arith.addf %add3A_305, %mul3A_324 : vector<256x128xf32>
    %slice3A_326 = vector.extract_strided_slice %dot_general3A_317 {offsets = [0, 256], sizes = [256, 128], strides = [1, 1]} : vector<256x512xf32> to vector<256x128xf32>
    %mul3A_327 = arith.mulf %slice3A_326, %concatenate3A_319 : vector<256x128xf32>
    %add3A_328 = arith.addf %add3A_308, %mul3A_327 : vector<256x128xf32>
    %slice3A_329 = vector.extract_strided_slice %dot_general3A_317 {offsets = [0, 384], sizes = [256, 128], strides = [1, 1]} : vector<256x512xf32> to vector<256x128xf32>
    %mul3A_330 = arith.mulf %slice3A_329, %concatenate3A_319 : vector<256x128xf32>
    %add3A_331 = arith.addf %add3A_311, %mul3A_330 : vector<256x128xf32>
    %slice3A_332 = vector.extract_strided_slice %convert_element_type3A_9 {offsets = [0, 128], sizes = [256, 8], strides = [1, 1]} : vector<256x160xf32> to vector<256x8xf32>
    %get3A_333 = arith.constant 0 : index
    %get3A_334 = arith.constant 0 : index
    %get3A_335 = vector.load %arg7[%get3A_333, %get3A_334] : memref<8x512xf32, #tpu.memory_space<vmem>>, vector<8x512xf32>
    %dot_general3A_336 = arith.constant dense<0.000000e+00> : vector<256x512xf32>
    %dot_general3A_337 = tpu.matmul %slice3A_332, %get3A_335, %dot_general3A_336 {dimension_numbers = #tpu.dot_dimension_numbers<[1], [0], [0], [1], [0, 0, 1, 1], [], []>, transpose_lhs_hint = false} : vector<256x8xf32>, vector<8x512xf32>, vector<256x512xf32> -> vector<256x512xf32>
    %slice3A_338 = vector.extract_strided_slice %get3A_3 {offsets = [0, 1024], sizes = [256, 64], strides = [1, 1]} : vector<256x1280xf32> to vector<256x64xf32>
    %concatenate3A_339 = tpu.concatenate %slice3A_338, %slice3A_338 in 1 : vector<256x64xf32>, vector<256x64xf32> -> vector<256x128xf32>
    %slice3A_340 = vector.extract_strided_slice %dot_general3A_337 {offsets = [0, 0], sizes = [256, 128], strides = [1, 1]} : vector<256x512xf32> to vector<256x128xf32>
    %mul3A_341 = arith.mulf %slice3A_340, %concatenate3A_339 : vector<256x128xf32>
    %add3A_342 = arith.addf %add3A_322, %mul3A_341 : vector<256x128xf32>
    %slice3A_343 = vector.extract_strided_slice %dot_general3A_337 {offsets = [0, 128], sizes = [256, 128], strides = [1, 1]} : vector<256x512xf32> to vector<256x128xf32>
    %mul3A_344 = arith.mulf %slice3A_343, %concatenate3A_339 : vector<256x128xf32>
    %add3A_345 = arith.addf %add3A_325, %mul3A_344 : vector<256x128xf32>
    %slice3A_346 = vector.extract_strided_slice %dot_general3A_337 {offsets = [0, 256], sizes = [256, 128], strides = [1, 1]} : vector<256x512xf32> to vector<256x128xf32>
    %mul3A_347 = arith.mulf %slice3A_346, %concatenate3A_339 : vector<256x128xf32>
    %add3A_348 = arith.addf %add3A_328, %mul3A_347 : vector<256x128xf32>
    %slice3A_349 = vector.extract_strided_slice %dot_general3A_337 {offsets = [0, 384], sizes = [256, 128], strides = [1, 1]} : vector<256x512xf32> to vector<256x128xf32>
    %mul3A_350 = arith.mulf %slice3A_349, %concatenate3A_339 : vector<256x128xf32>
    %add3A_351 = arith.addf %add3A_331, %mul3A_350 : vector<256x128xf32>
    %slice3A_352 = vector.extract_strided_slice %convert_element_type3A_9 {offsets = [0, 136], sizes = [256, 8], strides = [1, 1]} : vector<256x160xf32> to vector<256x8xf32>
    %get3A_353 = arith.constant 0 : index
    %get3A_354 = arith.constant 0 : index
    %get3A_355 = vector.load %arg7[%get3A_353, %get3A_354] : memref<8x512xf32, #tpu.memory_space<vmem>>, vector<8x512xf32>
    %dot_general3A_356 = arith.constant dense<0.000000e+00> : vector<256x512xf32>
    %dot_general3A_357 = tpu.matmul %slice3A_352, %get3A_355, %dot_general3A_356 {dimension_numbers = #tpu.dot_dimension_numbers<[1], [0], [0], [1], [0, 0, 1, 1], [], []>, transpose_lhs_hint = false} : vector<256x8xf32>, vector<8x512xf32>, vector<256x512xf32> -> vector<256x512xf32>
    %slice3A_358 = vector.extract_strided_slice %get3A_3 {offsets = [0, 1088], sizes = [256, 64], strides = [1, 1]} : vector<256x1280xf32> to vector<256x64xf32>
    %concatenate3A_359 = tpu.concatenate %slice3A_358, %slice3A_358 in 1 : vector<256x64xf32>, vector<256x64xf32> -> vector<256x128xf32>
    %slice3A_360 = vector.extract_strided_slice %dot_general3A_357 {offsets = [0, 0], sizes = [256, 128], strides = [1, 1]} : vector<256x512xf32> to vector<256x128xf32>
    %mul3A_361 = arith.mulf %slice3A_360, %concatenate3A_359 : vector<256x128xf32>
    %add3A_362 = arith.addf %add3A_342, %mul3A_361 : vector<256x128xf32>
    %slice3A_363 = vector.extract_strided_slice %dot_general3A_357 {offsets = [0, 128], sizes = [256, 128], strides = [1, 1]} : vector<256x512xf32> to vector<256x128xf32>
    %mul3A_364 = arith.mulf %slice3A_363, %concatenate3A_359 : vector<256x128xf32>
    %add3A_365 = arith.addf %add3A_345, %mul3A_364 : vector<256x128xf32>
    %slice3A_366 = vector.extract_strided_slice %dot_general3A_357 {offsets = [0, 256], sizes = [256, 128], strides = [1, 1]} : vector<256x512xf32> to vector<256x128xf32>
    %mul3A_367 = arith.mulf %slice3A_366, %concatenate3A_359 : vector<256x128xf32>
    %add3A_368 = arith.addf %add3A_348, %mul3A_367 : vector<256x128xf32>
    %slice3A_369 = vector.extract_strided_slice %dot_general3A_357 {offsets = [0, 384], sizes = [256, 128], strides = [1, 1]} : vector<256x512xf32> to vector<256x128xf32>
    %mul3A_370 = arith.mulf %slice3A_369, %concatenate3A_359 : vector<256x128xf32>
    %add3A_371 = arith.addf %add3A_351, %mul3A_370 : vector<256x128xf32>
    %slice3A_372 = vector.extract_strided_slice %convert_element_type3A_9 {offsets = [0, 144], sizes = [256, 8], strides = [1, 1]} : vector<256x160xf32> to vector<256x8xf32>
    %get3A_373 = arith.constant 0 : index
    %get3A_374 = arith.constant 0 : index
    %get3A_375 = vector.load %arg7[%get3A_373, %get3A_374] : memref<8x512xf32, #tpu.memory_space<vmem>>, vector<8x512xf32>
    %dot_general3A_376 = arith.constant dense<0.000000e+00> : vector<256x512xf32>
    %dot_general3A_377 = tpu.matmul %slice3A_372, %get3A_375, %dot_general3A_376 {dimension_numbers = #tpu.dot_dimension_numbers<[1], [0], [0], [1], [0, 0, 1, 1], [], []>, transpose_lhs_hint = false} : vector<256x8xf32>, vector<8x512xf32>, vector<256x512xf32> -> vector<256x512xf32>
    %slice3A_378 = vector.extract_strided_slice %get3A_3 {offsets = [0, 1152], sizes = [256, 64], strides = [1, 1]} : vector<256x1280xf32> to vector<256x64xf32>
    %concatenate3A_379 = tpu.concatenate %slice3A_378, %slice3A_378 in 1 : vector<256x64xf32>, vector<256x64xf32> -> vector<256x128xf32>
    %slice3A_380 = vector.extract_strided_slice %dot_general3A_377 {offsets = [0, 0], sizes = [256, 128], strides = [1, 1]} : vector<256x512xf32> to vector<256x128xf32>
    %mul3A_381 = arith.mulf %slice3A_380, %concatenate3A_379 : vector<256x128xf32>
    %add3A_382 = arith.addf %add3A_362, %mul3A_381 : vector<256x128xf32>
    %slice3A_383 = vector.extract_strided_slice %dot_general3A_377 {offsets = [0, 128], sizes = [256, 128], strides = [1, 1]} : vector<256x512xf32> to vector<256x128xf32>
    %mul3A_384 = arith.mulf %slice3A_383, %concatenate3A_379 : vector<256x128xf32>
    %add3A_385 = arith.addf %add3A_365, %mul3A_384 : vector<256x128xf32>
    %slice3A_386 = vector.extract_strided_slice %dot_general3A_377 {offsets = [0, 256], sizes = [256, 128], strides = [1, 1]} : vector<256x512xf32> to vector<256x128xf32>
    %mul3A_387 = arith.mulf %slice3A_386, %concatenate3A_379 : vector<256x128xf32>
    %add3A_388 = arith.addf %add3A_368, %mul3A_387 : vector<256x128xf32>
    %slice3A_389 = vector.extract_strided_slice %dot_general3A_377 {offsets = [0, 384], sizes = [256, 128], strides = [1, 1]} : vector<256x512xf32> to vector<256x128xf32>
    %mul3A_390 = arith.mulf %slice3A_389, %concatenate3A_379 : vector<256x128xf32>
    %add3A_391 = arith.addf %add3A_371, %mul3A_390 : vector<256x128xf32>
    %slice3A_392 = vector.extract_strided_slice %convert_element_type3A_9 {offsets = [0, 152], sizes = [256, 8], strides = [1, 1]} : vector<256x160xf32> to vector<256x8xf32>
    %get3A_393 = arith.constant 0 : index
    %get3A_394 = arith.constant 0 : index
    %get3A_395 = vector.load %arg7[%get3A_393, %get3A_394] : memref<8x512xf32, #tpu.memory_space<vmem>>, vector<8x512xf32>
    %dot_general3A_396 = arith.constant dense<0.000000e+00> : vector<256x512xf32>
    %dot_general3A_397 = tpu.matmul %slice3A_392, %get3A_395, %dot_general3A_396 {dimension_numbers = #tpu.dot_dimension_numbers<[1], [0], [0], [1], [0, 0, 1, 1], [], []>, transpose_lhs_hint = false} : vector<256x8xf32>, vector<8x512xf32>, vector<256x512xf32> -> vector<256x512xf32>
    %slice3A_398 = vector.extract_strided_slice %get3A_3 {offsets = [0, 1216], sizes = [256, 64], strides = [1, 1]} : vector<256x1280xf32> to vector<256x64xf32>
    %concatenate3A_399 = tpu.concatenate %slice3A_398, %slice3A_398 in 1 : vector<256x64xf32>, vector<256x64xf32> -> vector<256x128xf32>
    %slice3A_400 = vector.extract_strided_slice %dot_general3A_397 {offsets = [0, 0], sizes = [256, 128], strides = [1, 1]} : vector<256x512xf32> to vector<256x128xf32>
    %mul3A_401 = arith.mulf %slice3A_400, %concatenate3A_399 : vector<256x128xf32>
    %add3A_402 = arith.addf %add3A_382, %mul3A_401 : vector<256x128xf32>
    %slice3A_403 = vector.extract_strided_slice %dot_general3A_397 {offsets = [0, 128], sizes = [256, 128], strides = [1, 1]} : vector<256x512xf32> to vector<256x128xf32>
    %mul3A_404 = arith.mulf %slice3A_403, %concatenate3A_399 : vector<256x128xf32>
    %add3A_405 = arith.addf %add3A_385, %mul3A_404 : vector<256x128xf32>
    %slice3A_406 = vector.extract_strided_slice %dot_general3A_397 {offsets = [0, 256], sizes = [256, 128], strides = [1, 1]} : vector<256x512xf32> to vector<256x128xf32>
    %mul3A_407 = arith.mulf %slice3A_406, %concatenate3A_399 : vector<256x128xf32>
    %add3A_408 = arith.addf %add3A_388, %mul3A_407 : vector<256x128xf32>
    %slice3A_409 = vector.extract_strided_slice %dot_general3A_397 {offsets = [0, 384], sizes = [256, 128], strides = [1, 1]} : vector<256x512xf32> to vector<256x128xf32>
    %mul3A_410 = arith.mulf %slice3A_409, %concatenate3A_399 : vector<256x128xf32>
    %add3A_411 = arith.addf %add3A_391, %mul3A_410 : vector<256x128xf32>
    %concatenate3A_412 = tpu.concatenate %add3A_402, %add3A_405, %add3A_408, %add3A_411 in 1 : vector<256x128xf32>, vector<256x128xf32>, vector<256x128xf32>, vector<256x128xf32> -> vector<256x512xf32>
    %get3A_413 = arith.constant 0 : index
    %get3A_414 = arith.constant 0 : index
    %get3A_415 = vector.load %arg4[%get3A_413, %get3A_414] : memref<512x64xf32, #tpu.memory_space<vmem>>, vector<512x64xf32>
    %convert_element_type3A_416 = arith.truncf %concatenate3A_412 : vector<256x512xf32> to vector<256x512xbf16>
    %convert_element_type3A_417 = arith.extf %convert_element_type3A_416 : vector<256x512xbf16> to vector<256x512xf32>
    %sub3A = arith.subf %concatenate3A_412, %convert_element_type3A_417 : vector<256x512xf32>
    %convert_element_type3A_418 = arith.truncf %sub3A : vector<256x512xf32> to vector<256x512xbf16>
    %convert_element_type3A_419 = arith.extf %convert_element_type3A_418 : vector<256x512xbf16> to vector<256x512xf32>
    %dot_general3A_420 = arith.constant dense<0.000000e+00> : vector<256x64xf32>
    %dot_general3A_421 = tpu.matmul %convert_element_type3A_417, %get3A_415, %dot_general3A_420 {dimension_numbers = #tpu.dot_dimension_numbers<[1], [0], [0], [1], [0, 0, 1, 1], [], []>, transpose_lhs_hint = false} : vector<256x512xf32>, vector<512x64xf32>, vector<256x64xf32> -> vector<256x64xf32>
    %dot_general3A_422 = arith.constant dense<0.000000e+00> : vector<256x64xf32>
    %dot_general3A_423 = tpu.matmul %convert_element_type3A_419, %get3A_415, %dot_general3A_422 {dimension_numbers = #tpu.dot_dimension_numbers<[1], [0], [0], [1], [0, 0, 1, 1], [], []>, transpose_lhs_hint = false} : vector<256x512xf32>, vector<512x64xf32>, vector<256x64xf32> -> vector<256x64xf32>
    %add3A_424 = arith.addf %dot_general3A_421, %dot_general3A_423 : vector<256x64xf32>
    %mul3A_425 = arith.constant 0.999994993 : f32
    %mul3A_426 = vector.broadcast %mul3A_425 : f32 to vector<256x64xf32>
    %mul3A_427 = arith.mulf %add3A_424, %mul3A_426 : vector<256x64xf32>
    %get3A_428 = arith.constant 0 : index
    %get3A_429 = arith.constant 0 : index
    %get3A_430 = vector.load %arg5[%get3A_428, %get3A_429] : memref<1x64xf32, #tpu.memory_space<vmem>>, vector<1x64xf32>
    %mul3A_431 = vector.broadcast %get3A_430 : vector<1x64xf32> to vector<256x64xf32>
    %mul3A_432 = arith.mulf %mul3A_427, %mul3A_431 : vector<256x64xf32>
    %get3A_433 = arith.constant 0 : index
    %get3A_434 = arith.constant 0 : index
    %get3A_435 = vector.load %arg6[%get3A_433, %get3A_434] : memref<1x64xf32, #tpu.memory_space<vmem>>, vector<1x64xf32>
    %add3A_436 = vector.broadcast %get3A_435 : vector<1x64xf32> to vector<256x64xf32>
    %add3A_437 = arith.addf %mul3A_432, %add3A_436 : vector<256x64xf32>
    %max3A = arith.constant 0.000000e+00 : f32
    %max3A_438 = vector.broadcast %max3A : f32 to vector<256x64xf32>
    %max3A_439 = arith.maximumf %add3A_437, %max3A_438 : vector<256x64xf32>
    %convert_element_type3A_440 = arith.truncf %max3A_439 : vector<256x64xf32> to vector<256x64xbf16>
    %convert_element_type3A_441 = arith.extf %convert_element_type3A_440 : vector<256x64xbf16> to vector<256x64xf32>
    %swap3A = arith.constant 0 : index
    %swap3A_442 = arith.constant 0 : index
    %swap3A_443 = arith.constant 0 : index
    %swap3A_444 = vector.load %arg8[%swap3A, %swap3A_442, %swap3A_443] : memref<1x256x64xf32, #tpu.memory_space<vmem>>, vector<1x256x64xf32>
    %swap3A_445 = vector.shape_cast %swap3A_444 : vector<1x256x64xf32> to vector<256x64xf32>
    %swap3A_446 = vector.shape_cast %convert_element_type3A_441 : vector<256x64xf32> to vector<1x256x64xf32>
    tpu.vector_store %arg8[%swap3A, %swap3A_442, %swap3A_443], %swap3A_446 {strides = array<i32>} : memref<1x256x64xf32, #tpu.memory_space<vmem>>, vector<1x256x64xf32>,
    return
  }
  func.func @transform_0(%arg0: i32, %arg1: i32) -> (i32, i32, i32) {
    %c0_i32 = arith.constant 0 : i32
    %c0_i32_0 = arith.constant 0 : i32
    return %arg0, %arg1, %c0_i32 : i32, i32, i32
  }
  func.func @transform_1(%arg0: i32, %arg1: i32) -> (i32, i32, i32) {
    %c0_i32 = arith.constant 0 : i32
    %c0_i32_0 = arith.constant 0 : i32
    return %arg0, %arg1, %c0_i32 : i32, i32, i32
  }
  func.func @transform_2(%arg0: i32, %arg1: i32) -> (i32, i32) {
    %c0_i32 = arith.constant 0 : i32
    %c0_i32_0 = arith.constant 0 : i32
    %c0_i32_1 = arith.constant 0 : i32
    return %c0_i32, %c0_i32_0 : i32, i32
  }
  func.func @transform_3(%arg0: i32, %arg1: i32) -> (i32, i32) {
    %c0_i32 = arith.constant 0 : i32
    %c0_i32_0 = arith.constant 0 : i32
    %c0_i32_1 = arith.constant 0 : i32
    return %c0_i32, %c0_i32_0 : i32, i32
  }
  func.func @transform_4(%arg0: i32, %arg1: i32) -> (i32, i32) {
    %c0_i32 = arith.constant 0 : i32
    %c0_i32_0 = arith.constant 0 : i32
    %c0_i32_1 = arith.constant 0 : i32
    return %c0_i32, %c0_i32_0 : i32, i32
  }
  func.func @transform_5(%arg0: i32, %arg1: i32) -> (i32, i32) {
    %c0_i32 = arith.constant 0 : i32
    %c0_i32_0 = arith.constant 0 : i32
    %c0_i32_1 = arith.constant 0 : i32
    return %c0_i32, %c0_i32_0 : i32, i32
  }
  func.func @transform_6(%arg0: i32, %arg1: i32) -> (i32, i32, i32) {
    %c0_i32 = arith.constant 0 : i32
    %c0_i32_0 = arith.constant 0 : i32
    return %arg0, %arg1, %c0_i32 : i32, i32, i32
  }
}

module attributes {stable_mosaic.version = 14 : i64} {
  func.func @_layer4_pool_kernel(%arg0: i32, %arg1: i32, %arg2: memref<1x256x1280xf32, #tpu.memory_space<vmem>>, %arg3: memref<1x256x160xf32, #tpu.memory_space<vmem>>, %arg4: memref<512x128xf32, #tpu.memory_space<vmem>>, %arg5: memref<1x128xf32, #tpu.memory_space<vmem>>, %arg6: memref<1x128xf32, #tpu.memory_space<vmem>>, %arg7: memref<128x1024xf32, #tpu.memory_space<vmem>>, %arg8: memref<1x1024xf32, #tpu.memory_space<vmem>>, %arg9: memref<1x1024xf32, #tpu.memory_space<vmem>>, %arg10: memref<8x512xf32, #tpu.memory_space<vmem>>, %arg11: memref<1x1x1024xf32, #tpu.memory_space<vmem>>) attributes {dimension_semantics = [#tpu.dimension_semantics<arbitrary>, #tpu.dimension_semantics<arbitrary>], iteration_bounds = array<i64: 8, 4>, scalar_prefetch = 0 : i64, scratch_operands = 0 : i64, tpu.core_type = #tpu.core_type<tc>, window_params = [{transform_indices = @transform_0, window_bounds = array<i64: 1, 256, 1280>}, {transform_indices = @transform_1, window_bounds = array<i64: 1, 256, 160>}, {pipeline_mode = #tpu.pipeline_mode<synchronous>, transform_indices = @transform_2, window_bounds = array<i64: 512, 128>}, {pipeline_mode = #tpu.pipeline_mode<synchronous>, transform_indices = @transform_3, window_bounds = array<i64: 1, 128>}, {pipeline_mode = #tpu.pipeline_mode<synchronous>, transform_indices = @transform_4, window_bounds = array<i64: 1, 128>}, {pipeline_mode = #tpu.pipeline_mode<synchronous>, transform_indices = @transform_5, window_bounds = array<i64: 128, 1024>}, {pipeline_mode = #tpu.pipeline_mode<synchronous>, transform_indices = @transform_6, window_bounds = array<i64: 1, 1024>}, {pipeline_mode = #tpu.pipeline_mode<synchronous>, transform_indices = @transform_7, window_bounds = array<i64: 1, 1024>}, {pipeline_mode = #tpu.pipeline_mode<synchronous>, transform_indices = @transform_8, window_bounds = array<i64: 8, 512>}, {transform_indices = @transform_9, window_bounds = array<i64: 1, 1, 1024>}]} {
    %get3A = arith.constant 0 : index
    %get3A_0 = arith.constant 0 : index
    %get3A_1 = arith.constant 0 : index
    %get3A_2 = vector.load %arg2[%get3A, %get3A_0, %get3A_1] : memref<1x256x1280xf32, #tpu.memory_space<vmem>>, vector<1x256x1280xf32>
    %get3A_3 = vector.shape_cast %get3A_2 : vector<1x256x1280xf32> to vector<256x1280xf32>
    %get3A_4 = arith.constant 0 : index
    %get3A_5 = arith.constant 0 : index
    %get3A_6 = arith.constant 0 : index
    %get3A_7 = vector.load %arg3[%get3A_4, %get3A_5, %get3A_6] : memref<1x256x160xf32, #tpu.memory_space<vmem>>, vector<1x256x160xf32>
    %get3A_8 = vector.shape_cast %get3A_7 : vector<1x256x160xf32> to vector<256x160xf32>
    %convert_element_type3A = arith.truncf %get3A_8 : vector<256x160xf32> to vector<256x160xbf16>
    %convert_element_type3A_9 = arith.extf %convert_element_type3A : vector<256x160xbf16> to vector<256x160xf32>
    %broadcast_in_dim3A = arith.constant 0.000000e+00 : f32
    %broadcast_in_dim3A_10 = vector.broadcast %broadcast_in_dim3A : f32 to vector<256x128xf32>
    %broadcast_in_dim3A_11 = arith.constant 0.000000e+00 : f32
    %broadcast_in_dim3A_12 = vector.broadcast %broadcast_in_dim3A_11 : f32 to vector<256x128xf32>
    %broadcast_in_dim3A_13 = arith.constant 0.000000e+00 : f32
    %broadcast_in_dim3A_14 = vector.broadcast %broadcast_in_dim3A_13 : f32 to vector<256x128xf32>
    %broadcast_in_dim3A_15 = arith.constant 0.000000e+00 : f32
    %broadcast_in_dim3A_16 = vector.broadcast %broadcast_in_dim3A_15 : f32 to vector<256x128xf32>
    %slice3A = vector.extract_strided_slice %convert_element_type3A_9 {offsets = [0, 0], sizes = [256, 8], strides = [1, 1]} : vector<256x160xf32> to vector<256x8xf32>
    %get3A_17 = arith.constant 0 : index
    %get3A_18 = arith.constant 0 : index
    %get3A_19 = vector.load %arg10[%get3A_17, %get3A_18] : memref<8x512xf32, #tpu.memory_space<vmem>>, vector<8x512xf32>
    %dot_general3A = arith.constant dense<0.000000e+00> : vector<256x512xf32>
    %dot_general3A_20 = tpu.matmul %slice3A, %get3A_19, %dot_general3A {dimension_numbers = #tpu.dot_dimension_numbers<[1], [0], [0], [1], [0, 0, 1, 1], [], []>, transpose_lhs_hint = false} : vector<256x8xf32>, vector<8x512xf32>, vector<256x512xf32> -> vector<256x512xf32>
    %slice3A_21 = vector.extract_strided_slice %get3A_3 {offsets = [0, 0], sizes = [256, 64], strides = [1, 1]} : vector<256x1280xf32> to vector<256x64xf32>
    %concatenate3A = tpu.concatenate %slice3A_21, %slice3A_21 in 1 : vector<256x64xf32>, vector<256x64xf32> -> vector<256x128xf32>
    %slice3A_22 = vector.extract_strided_slice %dot_general3A_20 {offsets = [0, 0], sizes = [256, 128], strides = [1, 1]} : vector<256x512xf32> to vector<256x128xf32>
    %mul3A = arith.mulf %slice3A_22, %concatenate3A : vector<256x128xf32>
    %add3A = arith.addf %broadcast_in_dim3A_10, %mul3A : vector<256x128xf32>
    %slice3A_23 = vector.extract_strided_slice %dot_general3A_20 {offsets = [0, 128], sizes = [256, 128], strides = [1, 1]} : vector<256x512xf32> to vector<256x128xf32>
    %mul3A_24 = arith.mulf %slice3A_23, %concatenate3A : vector<256x128xf32>
    %add3A_25 = arith.addf %broadcast_in_dim3A_12, %mul3A_24 : vector<256x128xf32>
    %slice3A_26 = vector.extract_strided_slice %dot_general3A_20 {offsets = [0, 256], sizes = [256, 128], strides = [1, 1]} : vector<256x512xf32> to vector<256x128xf32>
    %mul3A_27 = arith.mulf %slice3A_26, %concatenate3A : vector<256x128xf32>
    %add3A_28 = arith.addf %broadcast_in_dim3A_14, %mul3A_27 : vector<256x128xf32>
    %slice3A_29 = vector.extract_strided_slice %dot_general3A_20 {offsets = [0, 384], sizes = [256, 128], strides = [1, 1]} : vector<256x512xf32> to vector<256x128xf32>
    %mul3A_30 = arith.mulf %slice3A_29, %concatenate3A : vector<256x128xf32>
    %add3A_31 = arith.addf %broadcast_in_dim3A_16, %mul3A_30 : vector<256x128xf32>
    %slice3A_32 = vector.extract_strided_slice %convert_element_type3A_9 {offsets = [0, 8], sizes = [256, 8], strides = [1, 1]} : vector<256x160xf32> to vector<256x8xf32>
    %get3A_33 = arith.constant 0 : index
    %get3A_34 = arith.constant 0 : index
    %get3A_35 = vector.load %arg10[%get3A_33, %get3A_34] : memref<8x512xf32, #tpu.memory_space<vmem>>, vector<8x512xf32>
    %dot_general3A_36 = arith.constant dense<0.000000e+00> : vector<256x512xf32>
    %dot_general3A_37 = tpu.matmul %slice3A_32, %get3A_35, %dot_general3A_36 {dimension_numbers = #tpu.dot_dimension_numbers<[1], [0], [0], [1], [0, 0, 1, 1], [], []>, transpose_lhs_hint = false} : vector<256x8xf32>, vector<8x512xf32>, vector<256x512xf32> -> vector<256x512xf32>
    %slice3A_38 = vector.extract_strided_slice %get3A_3 {offsets = [0, 64], sizes = [256, 64], strides = [1, 1]} : vector<256x1280xf32> to vector<256x64xf32>
    %concatenate3A_39 = tpu.concatenate %slice3A_38, %slice3A_38 in 1 : vector<256x64xf32>, vector<256x64xf32> -> vector<256x128xf32>
    %slice3A_40 = vector.extract_strided_slice %dot_general3A_37 {offsets = [0, 0], sizes = [256, 128], strides = [1, 1]} : vector<256x512xf32> to vector<256x128xf32>
    %mul3A_41 = arith.mulf %slice3A_40, %concatenate3A_39 : vector<256x128xf32>
    %add3A_42 = arith.addf %add3A, %mul3A_41 : vector<256x128xf32>
    %slice3A_43 = vector.extract_strided_slice %dot_general3A_37 {offsets = [0, 128], sizes = [256, 128], strides = [1, 1]} : vector<256x512xf32> to vector<256x128xf32>
    %mul3A_44 = arith.mulf %slice3A_43, %concatenate3A_39 : vector<256x128xf32>
    %add3A_45 = arith.addf %add3A_25, %mul3A_44 : vector<256x128xf32>
    %slice3A_46 = vector.extract_strided_slice %dot_general3A_37 {offsets = [0, 256], sizes = [256, 128], strides = [1, 1]} : vector<256x512xf32> to vector<256x128xf32>
    %mul3A_47 = arith.mulf %slice3A_46, %concatenate3A_39 : vector<256x128xf32>
    %add3A_48 = arith.addf %add3A_28, %mul3A_47 : vector<256x128xf32>
    %slice3A_49 = vector.extract_strided_slice %dot_general3A_37 {offsets = [0, 384], sizes = [256, 128], strides = [1, 1]} : vector<256x512xf32> to vector<256x128xf32>
    %mul3A_50 = arith.mulf %slice3A_49, %concatenate3A_39 : vector<256x128xf32>
    %add3A_51 = arith.addf %add3A_31, %mul3A_50 : vector<256x128xf32>
    %slice3A_52 = vector.extract_strided_slice %convert_element_type3A_9 {offsets = [0, 16], sizes = [256, 8], strides = [1, 1]} : vector<256x160xf32> to vector<256x8xf32>
    %get3A_53 = arith.constant 0 : index
    %get3A_54 = arith.constant 0 : index
    %get3A_55 = vector.load %arg10[%get3A_53, %get3A_54] : memref<8x512xf32, #tpu.memory_space<vmem>>, vector<8x512xf32>
    %dot_general3A_56 = arith.constant dense<0.000000e+00> : vector<256x512xf32>
    %dot_general3A_57 = tpu.matmul %slice3A_52, %get3A_55, %dot_general3A_56 {dimension_numbers = #tpu.dot_dimension_numbers<[1], [0], [0], [1], [0, 0, 1, 1], [], []>, transpose_lhs_hint = false} : vector<256x8xf32>, vector<8x512xf32>, vector<256x512xf32> -> vector<256x512xf32>
    %slice3A_58 = vector.extract_strided_slice %get3A_3 {offsets = [0, 128], sizes = [256, 64], strides = [1, 1]} : vector<256x1280xf32> to vector<256x64xf32>
    %concatenate3A_59 = tpu.concatenate %slice3A_58, %slice3A_58 in 1 : vector<256x64xf32>, vector<256x64xf32> -> vector<256x128xf32>
    %slice3A_60 = vector.extract_strided_slice %dot_general3A_57 {offsets = [0, 0], sizes = [256, 128], strides = [1, 1]} : vector<256x512xf32> to vector<256x128xf32>
    %mul3A_61 = arith.mulf %slice3A_60, %concatenate3A_59 : vector<256x128xf32>
    %add3A_62 = arith.addf %add3A_42, %mul3A_61 : vector<256x128xf32>
    %slice3A_63 = vector.extract_strided_slice %dot_general3A_57 {offsets = [0, 128], sizes = [256, 128], strides = [1, 1]} : vector<256x512xf32> to vector<256x128xf32>
    %mul3A_64 = arith.mulf %slice3A_63, %concatenate3A_59 : vector<256x128xf32>
    %add3A_65 = arith.addf %add3A_45, %mul3A_64 : vector<256x128xf32>
    %slice3A_66 = vector.extract_strided_slice %dot_general3A_57 {offsets = [0, 256], sizes = [256, 128], strides = [1, 1]} : vector<256x512xf32> to vector<256x128xf32>
    %mul3A_67 = arith.mulf %slice3A_66, %concatenate3A_59 : vector<256x128xf32>
    %add3A_68 = arith.addf %add3A_48, %mul3A_67 : vector<256x128xf32>
    %slice3A_69 = vector.extract_strided_slice %dot_general3A_57 {offsets = [0, 384], sizes = [256, 128], strides = [1, 1]} : vector<256x512xf32> to vector<256x128xf32>
    %mul3A_70 = arith.mulf %slice3A_69, %concatenate3A_59 : vector<256x128xf32>
    %add3A_71 = arith.addf %add3A_51, %mul3A_70 : vector<256x128xf32>
    %slice3A_72 = vector.extract_strided_slice %convert_element_type3A_9 {offsets = [0, 24], sizes = [256, 8], strides = [1, 1]} : vector<256x160xf32> to vector<256x8xf32>
    %get3A_73 = arith.constant 0 : index
    %get3A_74 = arith.constant 0 : index
    %get3A_75 = vector.load %arg10[%get3A_73, %get3A_74] : memref<8x512xf32, #tpu.memory_space<vmem>>, vector<8x512xf32>
    %dot_general3A_76 = arith.constant dense<0.000000e+00> : vector<256x512xf32>
    %dot_general3A_77 = tpu.matmul %slice3A_72, %get3A_75, %dot_general3A_76 {dimension_numbers = #tpu.dot_dimension_numbers<[1], [0], [0], [1], [0, 0, 1, 1], [], []>, transpose_lhs_hint = false} : vector<256x8xf32>, vector<8x512xf32>, vector<256x512xf32> -> vector<256x512xf32>
    %slice3A_78 = vector.extract_strided_slice %get3A_3 {offsets = [0, 192], sizes = [256, 64], strides = [1, 1]} : vector<256x1280xf32> to vector<256x64xf32>
    %concatenate3A_79 = tpu.concatenate %slice3A_78, %slice3A_78 in 1 : vector<256x64xf32>, vector<256x64xf32> -> vector<256x128xf32>
    %slice3A_80 = vector.extract_strided_slice %dot_general3A_77 {offsets = [0, 0], sizes = [256, 128], strides = [1, 1]} : vector<256x512xf32> to vector<256x128xf32>
    %mul3A_81 = arith.mulf %slice3A_80, %concatenate3A_79 : vector<256x128xf32>
    %add3A_82 = arith.addf %add3A_62, %mul3A_81 : vector<256x128xf32>
    %slice3A_83 = vector.extract_strided_slice %dot_general3A_77 {offsets = [0, 128], sizes = [256, 128], strides = [1, 1]} : vector<256x512xf32> to vector<256x128xf32>
    %mul3A_84 = arith.mulf %slice3A_83, %concatenate3A_79 : vector<256x128xf32>
    %add3A_85 = arith.addf %add3A_65, %mul3A_84 : vector<256x128xf32>
    %slice3A_86 = vector.extract_strided_slice %dot_general3A_77 {offsets = [0, 256], sizes = [256, 128], strides = [1, 1]} : vector<256x512xf32> to vector<256x128xf32>
    %mul3A_87 = arith.mulf %slice3A_86, %concatenate3A_79 : vector<256x128xf32>
    %add3A_88 = arith.addf %add3A_68, %mul3A_87 : vector<256x128xf32>
    %slice3A_89 = vector.extract_strided_slice %dot_general3A_77 {offsets = [0, 384], sizes = [256, 128], strides = [1, 1]} : vector<256x512xf32> to vector<256x128xf32>
    %mul3A_90 = arith.mulf %slice3A_89, %concatenate3A_79 : vector<256x128xf32>
    %add3A_91 = arith.addf %add3A_71, %mul3A_90 : vector<256x128xf32>
    %slice3A_92 = vector.extract_strided_slice %convert_element_type3A_9 {offsets = [0, 32], sizes = [256, 8], strides = [1, 1]} : vector<256x160xf32> to vector<256x8xf32>
    %get3A_93 = arith.constant 0 : index
    %get3A_94 = arith.constant 0 : index
    %get3A_95 = vector.load %arg10[%get3A_93, %get3A_94] : memref<8x512xf32, #tpu.memory_space<vmem>>, vector<8x512xf32>
    %dot_general3A_96 = arith.constant dense<0.000000e+00> : vector<256x512xf32>
    %dot_general3A_97 = tpu.matmul %slice3A_92, %get3A_95, %dot_general3A_96 {dimension_numbers = #tpu.dot_dimension_numbers<[1], [0], [0], [1], [0, 0, 1, 1], [], []>, transpose_lhs_hint = false} : vector<256x8xf32>, vector<8x512xf32>, vector<256x512xf32> -> vector<256x512xf32>
    %slice3A_98 = vector.extract_strided_slice %get3A_3 {offsets = [0, 256], sizes = [256, 64], strides = [1, 1]} : vector<256x1280xf32> to vector<256x64xf32>
    %concatenate3A_99 = tpu.concatenate %slice3A_98, %slice3A_98 in 1 : vector<256x64xf32>, vector<256x64xf32> -> vector<256x128xf32>
    %slice3A_100 = vector.extract_strided_slice %dot_general3A_97 {offsets = [0, 0], sizes = [256, 128], strides = [1, 1]} : vector<256x512xf32> to vector<256x128xf32>
    %mul3A_101 = arith.mulf %slice3A_100, %concatenate3A_99 : vector<256x128xf32>
    %add3A_102 = arith.addf %add3A_82, %mul3A_101 : vector<256x128xf32>
    %slice3A_103 = vector.extract_strided_slice %dot_general3A_97 {offsets = [0, 128], sizes = [256, 128], strides = [1, 1]} : vector<256x512xf32> to vector<256x128xf32>
    %mul3A_104 = arith.mulf %slice3A_103, %concatenate3A_99 : vector<256x128xf32>
    %add3A_105 = arith.addf %add3A_85, %mul3A_104 : vector<256x128xf32>
    %slice3A_106 = vector.extract_strided_slice %dot_general3A_97 {offsets = [0, 256], sizes = [256, 128], strides = [1, 1]} : vector<256x512xf32> to vector<256x128xf32>
    %mul3A_107 = arith.mulf %slice3A_106, %concatenate3A_99 : vector<256x128xf32>
    %add3A_108 = arith.addf %add3A_88, %mul3A_107 : vector<256x128xf32>
    %slice3A_109 = vector.extract_strided_slice %dot_general3A_97 {offsets = [0, 384], sizes = [256, 128], strides = [1, 1]} : vector<256x512xf32> to vector<256x128xf32>
    %mul3A_110 = arith.mulf %slice3A_109, %concatenate3A_99 : vector<256x128xf32>
    %add3A_111 = arith.addf %add3A_91, %mul3A_110 : vector<256x128xf32>
    %slice3A_112 = vector.extract_strided_slice %convert_element_type3A_9 {offsets = [0, 40], sizes = [256, 8], strides = [1, 1]} : vector<256x160xf32> to vector<256x8xf32>
    %get3A_113 = arith.constant 0 : index
    %get3A_114 = arith.constant 0 : index
    %get3A_115 = vector.load %arg10[%get3A_113, %get3A_114] : memref<8x512xf32, #tpu.memory_space<vmem>>, vector<8x512xf32>
    %dot_general3A_116 = arith.constant dense<0.000000e+00> : vector<256x512xf32>
    %dot_general3A_117 = tpu.matmul %slice3A_112, %get3A_115, %dot_general3A_116 {dimension_numbers = #tpu.dot_dimension_numbers<[1], [0], [0], [1], [0, 0, 1, 1], [], []>, transpose_lhs_hint = false} : vector<256x8xf32>, vector<8x512xf32>, vector<256x512xf32> -> vector<256x512xf32>
    %slice3A_118 = vector.extract_strided_slice %get3A_3 {offsets = [0, 320], sizes = [256, 64], strides = [1, 1]} : vector<256x1280xf32> to vector<256x64xf32>
    %concatenate3A_119 = tpu.concatenate %slice3A_118, %slice3A_118 in 1 : vector<256x64xf32>, vector<256x64xf32> -> vector<256x128xf32>
    %slice3A_120 = vector.extract_strided_slice %dot_general3A_117 {offsets = [0, 0], sizes = [256, 128], strides = [1, 1]} : vector<256x512xf32> to vector<256x128xf32>
    %mul3A_121 = arith.mulf %slice3A_120, %concatenate3A_119 : vector<256x128xf32>
    %add3A_122 = arith.addf %add3A_102, %mul3A_121 : vector<256x128xf32>
    %slice3A_123 = vector.extract_strided_slice %dot_general3A_117 {offsets = [0, 128], sizes = [256, 128], strides = [1, 1]} : vector<256x512xf32> to vector<256x128xf32>
    %mul3A_124 = arith.mulf %slice3A_123, %concatenate3A_119 : vector<256x128xf32>
    %add3A_125 = arith.addf %add3A_105, %mul3A_124 : vector<256x128xf32>
    %slice3A_126 = vector.extract_strided_slice %dot_general3A_117 {offsets = [0, 256], sizes = [256, 128], strides = [1, 1]} : vector<256x512xf32> to vector<256x128xf32>
    %mul3A_127 = arith.mulf %slice3A_126, %concatenate3A_119 : vector<256x128xf32>
    %add3A_128 = arith.addf %add3A_108, %mul3A_127 : vector<256x128xf32>
    %slice3A_129 = vector.extract_strided_slice %dot_general3A_117 {offsets = [0, 384], sizes = [256, 128], strides = [1, 1]} : vector<256x512xf32> to vector<256x128xf32>
    %mul3A_130 = arith.mulf %slice3A_129, %concatenate3A_119 : vector<256x128xf32>
    %add3A_131 = arith.addf %add3A_111, %mul3A_130 : vector<256x128xf32>
    %slice3A_132 = vector.extract_strided_slice %convert_element_type3A_9 {offsets = [0, 48], sizes = [256, 8], strides = [1, 1]} : vector<256x160xf32> to vector<256x8xf32>
    %get3A_133 = arith.constant 0 : index
    %get3A_134 = arith.constant 0 : index
    %get3A_135 = vector.load %arg10[%get3A_133, %get3A_134] : memref<8x512xf32, #tpu.memory_space<vmem>>, vector<8x512xf32>
    %dot_general3A_136 = arith.constant dense<0.000000e+00> : vector<256x512xf32>
    %dot_general3A_137 = tpu.matmul %slice3A_132, %get3A_135, %dot_general3A_136 {dimension_numbers = #tpu.dot_dimension_numbers<[1], [0], [0], [1], [0, 0, 1, 1], [], []>, transpose_lhs_hint = false} : vector<256x8xf32>, vector<8x512xf32>, vector<256x512xf32> -> vector<256x512xf32>
    %slice3A_138 = vector.extract_strided_slice %get3A_3 {offsets = [0, 384], sizes = [256, 64], strides = [1, 1]} : vector<256x1280xf32> to vector<256x64xf32>
    %concatenate3A_139 = tpu.concatenate %slice3A_138, %slice3A_138 in 1 : vector<256x64xf32>, vector<256x64xf32> -> vector<256x128xf32>
    %slice3A_140 = vector.extract_strided_slice %dot_general3A_137 {offsets = [0, 0], sizes = [256, 128], strides = [1, 1]} : vector<256x512xf32> to vector<256x128xf32>
    %mul3A_141 = arith.mulf %slice3A_140, %concatenate3A_139 : vector<256x128xf32>
    %add3A_142 = arith.addf %add3A_122, %mul3A_141 : vector<256x128xf32>
    %slice3A_143 = vector.extract_strided_slice %dot_general3A_137 {offsets = [0, 128], sizes = [256, 128], strides = [1, 1]} : vector<256x512xf32> to vector<256x128xf32>
    %mul3A_144 = arith.mulf %slice3A_143, %concatenate3A_139 : vector<256x128xf32>
    %add3A_145 = arith.addf %add3A_125, %mul3A_144 : vector<256x128xf32>
    %slice3A_146 = vector.extract_strided_slice %dot_general3A_137 {offsets = [0, 256], sizes = [256, 128], strides = [1, 1]} : vector<256x512xf32> to vector<256x128xf32>
    %mul3A_147 = arith.mulf %slice3A_146, %concatenate3A_139 : vector<256x128xf32>
    %add3A_148 = arith.addf %add3A_128, %mul3A_147 : vector<256x128xf32>
    %slice3A_149 = vector.extract_strided_slice %dot_general3A_137 {offsets = [0, 384], sizes = [256, 128], strides = [1, 1]} : vector<256x512xf32> to vector<256x128xf32>
    %mul3A_150 = arith.mulf %slice3A_149, %concatenate3A_139 : vector<256x128xf32>
    %add3A_151 = arith.addf %add3A_131, %mul3A_150 : vector<256x128xf32>
    %slice3A_152 = vector.extract_strided_slice %convert_element_type3A_9 {offsets = [0, 56], sizes = [256, 8], strides = [1, 1]} : vector<256x160xf32> to vector<256x8xf32>
    %get3A_153 = arith.constant 0 : index
    %get3A_154 = arith.constant 0 : index
    %get3A_155 = vector.load %arg10[%get3A_153, %get3A_154] : memref<8x512xf32, #tpu.memory_space<vmem>>, vector<8x512xf32>
    %dot_general3A_156 = arith.constant dense<0.000000e+00> : vector<256x512xf32>
    %dot_general3A_157 = tpu.matmul %slice3A_152, %get3A_155, %dot_general3A_156 {dimension_numbers = #tpu.dot_dimension_numbers<[1], [0], [0], [1], [0, 0, 1, 1], [], []>, transpose_lhs_hint = false} : vector<256x8xf32>, vector<8x512xf32>, vector<256x512xf32> -> vector<256x512xf32>
    %slice3A_158 = vector.extract_strided_slice %get3A_3 {offsets = [0, 448], sizes = [256, 64], strides = [1, 1]} : vector<256x1280xf32> to vector<256x64xf32>
    %concatenate3A_159 = tpu.concatenate %slice3A_158, %slice3A_158 in 1 : vector<256x64xf32>, vector<256x64xf32> -> vector<256x128xf32>
    %slice3A_160 = vector.extract_strided_slice %dot_general3A_157 {offsets = [0, 0], sizes = [256, 128], strides = [1, 1]} : vector<256x512xf32> to vector<256x128xf32>
    %mul3A_161 = arith.mulf %slice3A_160, %concatenate3A_159 : vector<256x128xf32>
    %add3A_162 = arith.addf %add3A_142, %mul3A_161 : vector<256x128xf32>
    %slice3A_163 = vector.extract_strided_slice %dot_general3A_157 {offsets = [0, 128], sizes = [256, 128], strides = [1, 1]} : vector<256x512xf32> to vector<256x128xf32>
    %mul3A_164 = arith.mulf %slice3A_163, %concatenate3A_159 : vector<256x128xf32>
    %add3A_165 = arith.addf %add3A_145, %mul3A_164 : vector<256x128xf32>
    %slice3A_166 = vector.extract_strided_slice %dot_general3A_157 {offsets = [0, 256], sizes = [256, 128], strides = [1, 1]} : vector<256x512xf32> to vector<256x128xf32>
    %mul3A_167 = arith.mulf %slice3A_166, %concatenate3A_159 : vector<256x128xf32>
    %add3A_168 = arith.addf %add3A_148, %mul3A_167 : vector<256x128xf32>
    %slice3A_169 = vector.extract_strided_slice %dot_general3A_157 {offsets = [0, 384], sizes = [256, 128], strides = [1, 1]} : vector<256x512xf32> to vector<256x128xf32>
    %mul3A_170 = arith.mulf %slice3A_169, %concatenate3A_159 : vector<256x128xf32>
    %add3A_171 = arith.addf %add3A_151, %mul3A_170 : vector<256x128xf32>
    %slice3A_172 = vector.extract_strided_slice %convert_element_type3A_9 {offsets = [0, 64], sizes = [256, 8], strides = [1, 1]} : vector<256x160xf32> to vector<256x8xf32>
    %get3A_173 = arith.constant 0 : index
    %get3A_174 = arith.constant 0 : index
    %get3A_175 = vector.load %arg10[%get3A_173, %get3A_174] : memref<8x512xf32, #tpu.memory_space<vmem>>, vector<8x512xf32>
    %dot_general3A_176 = arith.constant dense<0.000000e+00> : vector<256x512xf32>
    %dot_general3A_177 = tpu.matmul %slice3A_172, %get3A_175, %dot_general3A_176 {dimension_numbers = #tpu.dot_dimension_numbers<[1], [0], [0], [1], [0, 0, 1, 1], [], []>, transpose_lhs_hint = false} : vector<256x8xf32>, vector<8x512xf32>, vector<256x512xf32> -> vector<256x512xf32>
    %slice3A_178 = vector.extract_strided_slice %get3A_3 {offsets = [0, 512], sizes = [256, 64], strides = [1, 1]} : vector<256x1280xf32> to vector<256x64xf32>
    %concatenate3A_179 = tpu.concatenate %slice3A_178, %slice3A_178 in 1 : vector<256x64xf32>, vector<256x64xf32> -> vector<256x128xf32>
    %slice3A_180 = vector.extract_strided_slice %dot_general3A_177 {offsets = [0, 0], sizes = [256, 128], strides = [1, 1]} : vector<256x512xf32> to vector<256x128xf32>
    %mul3A_181 = arith.mulf %slice3A_180, %concatenate3A_179 : vector<256x128xf32>
    %add3A_182 = arith.addf %add3A_162, %mul3A_181 : vector<256x128xf32>
    %slice3A_183 = vector.extract_strided_slice %dot_general3A_177 {offsets = [0, 128], sizes = [256, 128], strides = [1, 1]} : vector<256x512xf32> to vector<256x128xf32>
    %mul3A_184 = arith.mulf %slice3A_183, %concatenate3A_179 : vector<256x128xf32>
    %add3A_185 = arith.addf %add3A_165, %mul3A_184 : vector<256x128xf32>
    %slice3A_186 = vector.extract_strided_slice %dot_general3A_177 {offsets = [0, 256], sizes = [256, 128], strides = [1, 1]} : vector<256x512xf32> to vector<256x128xf32>
    %mul3A_187 = arith.mulf %slice3A_186, %concatenate3A_179 : vector<256x128xf32>
    %add3A_188 = arith.addf %add3A_168, %mul3A_187 : vector<256x128xf32>
    %slice3A_189 = vector.extract_strided_slice %dot_general3A_177 {offsets = [0, 384], sizes = [256, 128], strides = [1, 1]} : vector<256x512xf32> to vector<256x128xf32>
    %mul3A_190 = arith.mulf %slice3A_189, %concatenate3A_179 : vector<256x128xf32>
    %add3A_191 = arith.addf %add3A_171, %mul3A_190 : vector<256x128xf32>
    %slice3A_192 = vector.extract_strided_slice %convert_element_type3A_9 {offsets = [0, 72], sizes = [256, 8], strides = [1, 1]} : vector<256x160xf32> to vector<256x8xf32>
    %get3A_193 = arith.constant 0 : index
    %get3A_194 = arith.constant 0 : index
    %get3A_195 = vector.load %arg10[%get3A_193, %get3A_194] : memref<8x512xf32, #tpu.memory_space<vmem>>, vector<8x512xf32>
    %dot_general3A_196 = arith.constant dense<0.000000e+00> : vector<256x512xf32>
    %dot_general3A_197 = tpu.matmul %slice3A_192, %get3A_195, %dot_general3A_196 {dimension_numbers = #tpu.dot_dimension_numbers<[1], [0], [0], [1], [0, 0, 1, 1], [], []>, transpose_lhs_hint = false} : vector<256x8xf32>, vector<8x512xf32>, vector<256x512xf32> -> vector<256x512xf32>
    %slice3A_198 = vector.extract_strided_slice %get3A_3 {offsets = [0, 576], sizes = [256, 64], strides = [1, 1]} : vector<256x1280xf32> to vector<256x64xf32>
    %concatenate3A_199 = tpu.concatenate %slice3A_198, %slice3A_198 in 1 : vector<256x64xf32>, vector<256x64xf32> -> vector<256x128xf32>
    %slice3A_200 = vector.extract_strided_slice %dot_general3A_197 {offsets = [0, 0], sizes = [256, 128], strides = [1, 1]} : vector<256x512xf32> to vector<256x128xf32>
    %mul3A_201 = arith.mulf %slice3A_200, %concatenate3A_199 : vector<256x128xf32>
    %add3A_202 = arith.addf %add3A_182, %mul3A_201 : vector<256x128xf32>
    %slice3A_203 = vector.extract_strided_slice %dot_general3A_197 {offsets = [0, 128], sizes = [256, 128], strides = [1, 1]} : vector<256x512xf32> to vector<256x128xf32>
    %mul3A_204 = arith.mulf %slice3A_203, %concatenate3A_199 : vector<256x128xf32>
    %add3A_205 = arith.addf %add3A_185, %mul3A_204 : vector<256x128xf32>
    %slice3A_206 = vector.extract_strided_slice %dot_general3A_197 {offsets = [0, 256], sizes = [256, 128], strides = [1, 1]} : vector<256x512xf32> to vector<256x128xf32>
    %mul3A_207 = arith.mulf %slice3A_206, %concatenate3A_199 : vector<256x128xf32>
    %add3A_208 = arith.addf %add3A_188, %mul3A_207 : vector<256x128xf32>
    %slice3A_209 = vector.extract_strided_slice %dot_general3A_197 {offsets = [0, 384], sizes = [256, 128], strides = [1, 1]} : vector<256x512xf32> to vector<256x128xf32>
    %mul3A_210 = arith.mulf %slice3A_209, %concatenate3A_199 : vector<256x128xf32>
    %add3A_211 = arith.addf %add3A_191, %mul3A_210 : vector<256x128xf32>
    %slice3A_212 = vector.extract_strided_slice %convert_element_type3A_9 {offsets = [0, 80], sizes = [256, 8], strides = [1, 1]} : vector<256x160xf32> to vector<256x8xf32>
    %get3A_213 = arith.constant 0 : index
    %get3A_214 = arith.constant 0 : index
    %get3A_215 = vector.load %arg10[%get3A_213, %get3A_214] : memref<8x512xf32, #tpu.memory_space<vmem>>, vector<8x512xf32>
    %dot_general3A_216 = arith.constant dense<0.000000e+00> : vector<256x512xf32>
    %dot_general3A_217 = tpu.matmul %slice3A_212, %get3A_215, %dot_general3A_216 {dimension_numbers = #tpu.dot_dimension_numbers<[1], [0], [0], [1], [0, 0, 1, 1], [], []>, transpose_lhs_hint = false} : vector<256x8xf32>, vector<8x512xf32>, vector<256x512xf32> -> vector<256x512xf32>
    %slice3A_218 = vector.extract_strided_slice %get3A_3 {offsets = [0, 640], sizes = [256, 64], strides = [1, 1]} : vector<256x1280xf32> to vector<256x64xf32>
    %concatenate3A_219 = tpu.concatenate %slice3A_218, %slice3A_218 in 1 : vector<256x64xf32>, vector<256x64xf32> -> vector<256x128xf32>
    %slice3A_220 = vector.extract_strided_slice %dot_general3A_217 {offsets = [0, 0], sizes = [256, 128], strides = [1, 1]} : vector<256x512xf32> to vector<256x128xf32>
    %mul3A_221 = arith.mulf %slice3A_220, %concatenate3A_219 : vector<256x128xf32>
    %add3A_222 = arith.addf %add3A_202, %mul3A_221 : vector<256x128xf32>
    %slice3A_223 = vector.extract_strided_slice %dot_general3A_217 {offsets = [0, 128], sizes = [256, 128], strides = [1, 1]} : vector<256x512xf32> to vector<256x128xf32>
    %mul3A_224 = arith.mulf %slice3A_223, %concatenate3A_219 : vector<256x128xf32>
    %add3A_225 = arith.addf %add3A_205, %mul3A_224 : vector<256x128xf32>
    %slice3A_226 = vector.extract_strided_slice %dot_general3A_217 {offsets = [0, 256], sizes = [256, 128], strides = [1, 1]} : vector<256x512xf32> to vector<256x128xf32>
    %mul3A_227 = arith.mulf %slice3A_226, %concatenate3A_219 : vector<256x128xf32>
    %add3A_228 = arith.addf %add3A_208, %mul3A_227 : vector<256x128xf32>
    %slice3A_229 = vector.extract_strided_slice %dot_general3A_217 {offsets = [0, 384], sizes = [256, 128], strides = [1, 1]} : vector<256x512xf32> to vector<256x128xf32>
    %mul3A_230 = arith.mulf %slice3A_229, %concatenate3A_219 : vector<256x128xf32>
    %add3A_231 = arith.addf %add3A_211, %mul3A_230 : vector<256x128xf32>
    %slice3A_232 = vector.extract_strided_slice %convert_element_type3A_9 {offsets = [0, 88], sizes = [256, 8], strides = [1, 1]} : vector<256x160xf32> to vector<256x8xf32>
    %get3A_233 = arith.constant 0 : index
    %get3A_234 = arith.constant 0 : index
    %get3A_235 = vector.load %arg10[%get3A_233, %get3A_234] : memref<8x512xf32, #tpu.memory_space<vmem>>, vector<8x512xf32>
    %dot_general3A_236 = arith.constant dense<0.000000e+00> : vector<256x512xf32>
    %dot_general3A_237 = tpu.matmul %slice3A_232, %get3A_235, %dot_general3A_236 {dimension_numbers = #tpu.dot_dimension_numbers<[1], [0], [0], [1], [0, 0, 1, 1], [], []>, transpose_lhs_hint = false} : vector<256x8xf32>, vector<8x512xf32>, vector<256x512xf32> -> vector<256x512xf32>
    %slice3A_238 = vector.extract_strided_slice %get3A_3 {offsets = [0, 704], sizes = [256, 64], strides = [1, 1]} : vector<256x1280xf32> to vector<256x64xf32>
    %concatenate3A_239 = tpu.concatenate %slice3A_238, %slice3A_238 in 1 : vector<256x64xf32>, vector<256x64xf32> -> vector<256x128xf32>
    %slice3A_240 = vector.extract_strided_slice %dot_general3A_237 {offsets = [0, 0], sizes = [256, 128], strides = [1, 1]} : vector<256x512xf32> to vector<256x128xf32>
    %mul3A_241 = arith.mulf %slice3A_240, %concatenate3A_239 : vector<256x128xf32>
    %add3A_242 = arith.addf %add3A_222, %mul3A_241 : vector<256x128xf32>
    %slice3A_243 = vector.extract_strided_slice %dot_general3A_237 {offsets = [0, 128], sizes = [256, 128], strides = [1, 1]} : vector<256x512xf32> to vector<256x128xf32>
    %mul3A_244 = arith.mulf %slice3A_243, %concatenate3A_239 : vector<256x128xf32>
    %add3A_245 = arith.addf %add3A_225, %mul3A_244 : vector<256x128xf32>
    %slice3A_246 = vector.extract_strided_slice %dot_general3A_237 {offsets = [0, 256], sizes = [256, 128], strides = [1, 1]} : vector<256x512xf32> to vector<256x128xf32>
    %mul3A_247 = arith.mulf %slice3A_246, %concatenate3A_239 : vector<256x128xf32>
    %add3A_248 = arith.addf %add3A_228, %mul3A_247 : vector<256x128xf32>
    %slice3A_249 = vector.extract_strided_slice %dot_general3A_237 {offsets = [0, 384], sizes = [256, 128], strides = [1, 1]} : vector<256x512xf32> to vector<256x128xf32>
    %mul3A_250 = arith.mulf %slice3A_249, %concatenate3A_239 : vector<256x128xf32>
    %add3A_251 = arith.addf %add3A_231, %mul3A_250 : vector<256x128xf32>
    %slice3A_252 = vector.extract_strided_slice %convert_element_type3A_9 {offsets = [0, 96], sizes = [256, 8], strides = [1, 1]} : vector<256x160xf32> to vector<256x8xf32>
    %get3A_253 = arith.constant 0 : index
    %get3A_254 = arith.constant 0 : index
    %get3A_255 = vector.load %arg10[%get3A_253, %get3A_254] : memref<8x512xf32, #tpu.memory_space<vmem>>, vector<8x512xf32>
    %dot_general3A_256 = arith.constant dense<0.000000e+00> : vector<256x512xf32>
    %dot_general3A_257 = tpu.matmul %slice3A_252, %get3A_255, %dot_general3A_256 {dimension_numbers = #tpu.dot_dimension_numbers<[1], [0], [0], [1], [0, 0, 1, 1], [], []>, transpose_lhs_hint = false} : vector<256x8xf32>, vector<8x512xf32>, vector<256x512xf32> -> vector<256x512xf32>
    %slice3A_258 = vector.extract_strided_slice %get3A_3 {offsets = [0, 768], sizes = [256, 64], strides = [1, 1]} : vector<256x1280xf32> to vector<256x64xf32>
    %concatenate3A_259 = tpu.concatenate %slice3A_258, %slice3A_258 in 1 : vector<256x64xf32>, vector<256x64xf32> -> vector<256x128xf32>
    %slice3A_260 = vector.extract_strided_slice %dot_general3A_257 {offsets = [0, 0], sizes = [256, 128], strides = [1, 1]} : vector<256x512xf32> to vector<256x128xf32>
    %mul3A_261 = arith.mulf %slice3A_260, %concatenate3A_259 : vector<256x128xf32>
    %add3A_262 = arith.addf %add3A_242, %mul3A_261 : vector<256x128xf32>
    %slice3A_263 = vector.extract_strided_slice %dot_general3A_257 {offsets = [0, 128], sizes = [256, 128], strides = [1, 1]} : vector<256x512xf32> to vector<256x128xf32>
    %mul3A_264 = arith.mulf %slice3A_263, %concatenate3A_259 : vector<256x128xf32>
    %add3A_265 = arith.addf %add3A_245, %mul3A_264 : vector<256x128xf32>
    %slice3A_266 = vector.extract_strided_slice %dot_general3A_257 {offsets = [0, 256], sizes = [256, 128], strides = [1, 1]} : vector<256x512xf32> to vector<256x128xf32>
    %mul3A_267 = arith.mulf %slice3A_266, %concatenate3A_259 : vector<256x128xf32>
    %add3A_268 = arith.addf %add3A_248, %mul3A_267 : vector<256x128xf32>
    %slice3A_269 = vector.extract_strided_slice %dot_general3A_257 {offsets = [0, 384], sizes = [256, 128], strides = [1, 1]} : vector<256x512xf32> to vector<256x128xf32>
    %mul3A_270 = arith.mulf %slice3A_269, %concatenate3A_259 : vector<256x128xf32>
    %add3A_271 = arith.addf %add3A_251, %mul3A_270 : vector<256x128xf32>
    %slice3A_272 = vector.extract_strided_slice %convert_element_type3A_9 {offsets = [0, 104], sizes = [256, 8], strides = [1, 1]} : vector<256x160xf32> to vector<256x8xf32>
    %get3A_273 = arith.constant 0 : index
    %get3A_274 = arith.constant 0 : index
    %get3A_275 = vector.load %arg10[%get3A_273, %get3A_274] : memref<8x512xf32, #tpu.memory_space<vmem>>, vector<8x512xf32>
    %dot_general3A_276 = arith.constant dense<0.000000e+00> : vector<256x512xf32>
    %dot_general3A_277 = tpu.matmul %slice3A_272, %get3A_275, %dot_general3A_276 {dimension_numbers = #tpu.dot_dimension_numbers<[1], [0], [0], [1], [0, 0, 1, 1], [], []>, transpose_lhs_hint = false} : vector<256x8xf32>, vector<8x512xf32>, vector<256x512xf32> -> vector<256x512xf32>
    %slice3A_278 = vector.extract_strided_slice %get3A_3 {offsets = [0, 832], sizes = [256, 64], strides = [1, 1]} : vector<256x1280xf32> to vector<256x64xf32>
    %concatenate3A_279 = tpu.concatenate %slice3A_278, %slice3A_278 in 1 : vector<256x64xf32>, vector<256x64xf32> -> vector<256x128xf32>
    %slice3A_280 = vector.extract_strided_slice %dot_general3A_277 {offsets = [0, 0], sizes = [256, 128], strides = [1, 1]} : vector<256x512xf32> to vector<256x128xf32>
    %mul3A_281 = arith.mulf %slice3A_280, %concatenate3A_279 : vector<256x128xf32>
    %add3A_282 = arith.addf %add3A_262, %mul3A_281 : vector<256x128xf32>
    %slice3A_283 = vector.extract_strided_slice %dot_general3A_277 {offsets = [0, 128], sizes = [256, 128], strides = [1, 1]} : vector<256x512xf32> to vector<256x128xf32>
    %mul3A_284 = arith.mulf %slice3A_283, %concatenate3A_279 : vector<256x128xf32>
    %add3A_285 = arith.addf %add3A_265, %mul3A_284 : vector<256x128xf32>
    %slice3A_286 = vector.extract_strided_slice %dot_general3A_277 {offsets = [0, 256], sizes = [256, 128], strides = [1, 1]} : vector<256x512xf32> to vector<256x128xf32>
    %mul3A_287 = arith.mulf %slice3A_286, %concatenate3A_279 : vector<256x128xf32>
    %add3A_288 = arith.addf %add3A_268, %mul3A_287 : vector<256x128xf32>
    %slice3A_289 = vector.extract_strided_slice %dot_general3A_277 {offsets = [0, 384], sizes = [256, 128], strides = [1, 1]} : vector<256x512xf32> to vector<256x128xf32>
    %mul3A_290 = arith.mulf %slice3A_289, %concatenate3A_279 : vector<256x128xf32>
    %add3A_291 = arith.addf %add3A_271, %mul3A_290 : vector<256x128xf32>
    %slice3A_292 = vector.extract_strided_slice %convert_element_type3A_9 {offsets = [0, 112], sizes = [256, 8], strides = [1, 1]} : vector<256x160xf32> to vector<256x8xf32>
    %get3A_293 = arith.constant 0 : index
    %get3A_294 = arith.constant 0 : index
    %get3A_295 = vector.load %arg10[%get3A_293, %get3A_294] : memref<8x512xf32, #tpu.memory_space<vmem>>, vector<8x512xf32>
    %dot_general3A_296 = arith.constant dense<0.000000e+00> : vector<256x512xf32>
    %dot_general3A_297 = tpu.matmul %slice3A_292, %get3A_295, %dot_general3A_296 {dimension_numbers = #tpu.dot_dimension_numbers<[1], [0], [0], [1], [0, 0, 1, 1], [], []>, transpose_lhs_hint = false} : vector<256x8xf32>, vector<8x512xf32>, vector<256x512xf32> -> vector<256x512xf32>
    %slice3A_298 = vector.extract_strided_slice %get3A_3 {offsets = [0, 896], sizes = [256, 64], strides = [1, 1]} : vector<256x1280xf32> to vector<256x64xf32>
    %concatenate3A_299 = tpu.concatenate %slice3A_298, %slice3A_298 in 1 : vector<256x64xf32>, vector<256x64xf32> -> vector<256x128xf32>
    %slice3A_300 = vector.extract_strided_slice %dot_general3A_297 {offsets = [0, 0], sizes = [256, 128], strides = [1, 1]} : vector<256x512xf32> to vector<256x128xf32>
    %mul3A_301 = arith.mulf %slice3A_300, %concatenate3A_299 : vector<256x128xf32>
    %add3A_302 = arith.addf %add3A_282, %mul3A_301 : vector<256x128xf32>
    %slice3A_303 = vector.extract_strided_slice %dot_general3A_297 {offsets = [0, 128], sizes = [256, 128], strides = [1, 1]} : vector<256x512xf32> to vector<256x128xf32>
    %mul3A_304 = arith.mulf %slice3A_303, %concatenate3A_299 : vector<256x128xf32>
    %add3A_305 = arith.addf %add3A_285, %mul3A_304 : vector<256x128xf32>
    %slice3A_306 = vector.extract_strided_slice %dot_general3A_297 {offsets = [0, 256], sizes = [256, 128], strides = [1, 1]} : vector<256x512xf32> to vector<256x128xf32>
    %mul3A_307 = arith.mulf %slice3A_306, %concatenate3A_299 : vector<256x128xf32>
    %add3A_308 = arith.addf %add3A_288, %mul3A_307 : vector<256x128xf32>
    %slice3A_309 = vector.extract_strided_slice %dot_general3A_297 {offsets = [0, 384], sizes = [256, 128], strides = [1, 1]} : vector<256x512xf32> to vector<256x128xf32>
    %mul3A_310 = arith.mulf %slice3A_309, %concatenate3A_299 : vector<256x128xf32>
    %add3A_311 = arith.addf %add3A_291, %mul3A_310 : vector<256x128xf32>
    %slice3A_312 = vector.extract_strided_slice %convert_element_type3A_9 {offsets = [0, 120], sizes = [256, 8], strides = [1, 1]} : vector<256x160xf32> to vector<256x8xf32>
    %get3A_313 = arith.constant 0 : index
    %get3A_314 = arith.constant 0 : index
    %get3A_315 = vector.load %arg10[%get3A_313, %get3A_314] : memref<8x512xf32, #tpu.memory_space<vmem>>, vector<8x512xf32>
    %dot_general3A_316 = arith.constant dense<0.000000e+00> : vector<256x512xf32>
    %dot_general3A_317 = tpu.matmul %slice3A_312, %get3A_315, %dot_general3A_316 {dimension_numbers = #tpu.dot_dimension_numbers<[1], [0], [0], [1], [0, 0, 1, 1], [], []>, transpose_lhs_hint = false} : vector<256x8xf32>, vector<8x512xf32>, vector<256x512xf32> -> vector<256x512xf32>
    %slice3A_318 = vector.extract_strided_slice %get3A_3 {offsets = [0, 960], sizes = [256, 64], strides = [1, 1]} : vector<256x1280xf32> to vector<256x64xf32>
    %concatenate3A_319 = tpu.concatenate %slice3A_318, %slice3A_318 in 1 : vector<256x64xf32>, vector<256x64xf32> -> vector<256x128xf32>
    %slice3A_320 = vector.extract_strided_slice %dot_general3A_317 {offsets = [0, 0], sizes = [256, 128], strides = [1, 1]} : vector<256x512xf32> to vector<256x128xf32>
    %mul3A_321 = arith.mulf %slice3A_320, %concatenate3A_319 : vector<256x128xf32>
    %add3A_322 = arith.addf %add3A_302, %mul3A_321 : vector<256x128xf32>
    %slice3A_323 = vector.extract_strided_slice %dot_general3A_317 {offsets = [0, 128], sizes = [256, 128], strides = [1, 1]} : vector<256x512xf32> to vector<256x128xf32>
    %mul3A_324 = arith.mulf %slice3A_323, %concatenate3A_319 : vector<256x128xf32>
    %add3A_325 = arith.addf %add3A_305, %mul3A_324 : vector<256x128xf32>
    %slice3A_326 = vector.extract_strided_slice %dot_general3A_317 {offsets = [0, 256], sizes = [256, 128], strides = [1, 1]} : vector<256x512xf32> to vector<256x128xf32>
    %mul3A_327 = arith.mulf %slice3A_326, %concatenate3A_319 : vector<256x128xf32>
    %add3A_328 = arith.addf %add3A_308, %mul3A_327 : vector<256x128xf32>
    %slice3A_329 = vector.extract_strided_slice %dot_general3A_317 {offsets = [0, 384], sizes = [256, 128], strides = [1, 1]} : vector<256x512xf32> to vector<256x128xf32>
    %mul3A_330 = arith.mulf %slice3A_329, %concatenate3A_319 : vector<256x128xf32>
    %add3A_331 = arith.addf %add3A_311, %mul3A_330 : vector<256x128xf32>
    %slice3A_332 = vector.extract_strided_slice %convert_element_type3A_9 {offsets = [0, 128], sizes = [256, 8], strides = [1, 1]} : vector<256x160xf32> to vector<256x8xf32>
    %get3A_333 = arith.constant 0 : index
    %get3A_334 = arith.constant 0 : index
    %get3A_335 = vector.load %arg10[%get3A_333, %get3A_334] : memref<8x512xf32, #tpu.memory_space<vmem>>, vector<8x512xf32>
    %dot_general3A_336 = arith.constant dense<0.000000e+00> : vector<256x512xf32>
    %dot_general3A_337 = tpu.matmul %slice3A_332, %get3A_335, %dot_general3A_336 {dimension_numbers = #tpu.dot_dimension_numbers<[1], [0], [0], [1], [0, 0, 1, 1], [], []>, transpose_lhs_hint = false} : vector<256x8xf32>, vector<8x512xf32>, vector<256x512xf32> -> vector<256x512xf32>
    %slice3A_338 = vector.extract_strided_slice %get3A_3 {offsets = [0, 1024], sizes = [256, 64], strides = [1, 1]} : vector<256x1280xf32> to vector<256x64xf32>
    %concatenate3A_339 = tpu.concatenate %slice3A_338, %slice3A_338 in 1 : vector<256x64xf32>, vector<256x64xf32> -> vector<256x128xf32>
    %slice3A_340 = vector.extract_strided_slice %dot_general3A_337 {offsets = [0, 0], sizes = [256, 128], strides = [1, 1]} : vector<256x512xf32> to vector<256x128xf32>
    %mul3A_341 = arith.mulf %slice3A_340, %concatenate3A_339 : vector<256x128xf32>
    %add3A_342 = arith.addf %add3A_322, %mul3A_341 : vector<256x128xf32>
    %slice3A_343 = vector.extract_strided_slice %dot_general3A_337 {offsets = [0, 128], sizes = [256, 128], strides = [1, 1]} : vector<256x512xf32> to vector<256x128xf32>
    %mul3A_344 = arith.mulf %slice3A_343, %concatenate3A_339 : vector<256x128xf32>
    %add3A_345 = arith.addf %add3A_325, %mul3A_344 : vector<256x128xf32>
    %slice3A_346 = vector.extract_strided_slice %dot_general3A_337 {offsets = [0, 256], sizes = [256, 128], strides = [1, 1]} : vector<256x512xf32> to vector<256x128xf32>
    %mul3A_347 = arith.mulf %slice3A_346, %concatenate3A_339 : vector<256x128xf32>
    %add3A_348 = arith.addf %add3A_328, %mul3A_347 : vector<256x128xf32>
    %slice3A_349 = vector.extract_strided_slice %dot_general3A_337 {offsets = [0, 384], sizes = [256, 128], strides = [1, 1]} : vector<256x512xf32> to vector<256x128xf32>
    %mul3A_350 = arith.mulf %slice3A_349, %concatenate3A_339 : vector<256x128xf32>
    %add3A_351 = arith.addf %add3A_331, %mul3A_350 : vector<256x128xf32>
    %slice3A_352 = vector.extract_strided_slice %convert_element_type3A_9 {offsets = [0, 136], sizes = [256, 8], strides = [1, 1]} : vector<256x160xf32> to vector<256x8xf32>
    %get3A_353 = arith.constant 0 : index
    %get3A_354 = arith.constant 0 : index
    %get3A_355 = vector.load %arg10[%get3A_353, %get3A_354] : memref<8x512xf32, #tpu.memory_space<vmem>>, vector<8x512xf32>
    %dot_general3A_356 = arith.constant dense<0.000000e+00> : vector<256x512xf32>
    %dot_general3A_357 = tpu.matmul %slice3A_352, %get3A_355, %dot_general3A_356 {dimension_numbers = #tpu.dot_dimension_numbers<[1], [0], [0], [1], [0, 0, 1, 1], [], []>, transpose_lhs_hint = false} : vector<256x8xf32>, vector<8x512xf32>, vector<256x512xf32> -> vector<256x512xf32>
    %slice3A_358 = vector.extract_strided_slice %get3A_3 {offsets = [0, 1088], sizes = [256, 64], strides = [1, 1]} : vector<256x1280xf32> to vector<256x64xf32>
    %concatenate3A_359 = tpu.concatenate %slice3A_358, %slice3A_358 in 1 : vector<256x64xf32>, vector<256x64xf32> -> vector<256x128xf32>
    %slice3A_360 = vector.extract_strided_slice %dot_general3A_357 {offsets = [0, 0], sizes = [256, 128], strides = [1, 1]} : vector<256x512xf32> to vector<256x128xf32>
    %mul3A_361 = arith.mulf %slice3A_360, %concatenate3A_359 : vector<256x128xf32>
    %add3A_362 = arith.addf %add3A_342, %mul3A_361 : vector<256x128xf32>
    %slice3A_363 = vector.extract_strided_slice %dot_general3A_357 {offsets = [0, 128], sizes = [256, 128], strides = [1, 1]} : vector<256x512xf32> to vector<256x128xf32>
    %mul3A_364 = arith.mulf %slice3A_363, %concatenate3A_359 : vector<256x128xf32>
    %add3A_365 = arith.addf %add3A_345, %mul3A_364 : vector<256x128xf32>
    %slice3A_366 = vector.extract_strided_slice %dot_general3A_357 {offsets = [0, 256], sizes = [256, 128], strides = [1, 1]} : vector<256x512xf32> to vector<256x128xf32>
    %mul3A_367 = arith.mulf %slice3A_366, %concatenate3A_359 : vector<256x128xf32>
    %add3A_368 = arith.addf %add3A_348, %mul3A_367 : vector<256x128xf32>
    %slice3A_369 = vector.extract_strided_slice %dot_general3A_357 {offsets = [0, 384], sizes = [256, 128], strides = [1, 1]} : vector<256x512xf32> to vector<256x128xf32>
    %mul3A_370 = arith.mulf %slice3A_369, %concatenate3A_359 : vector<256x128xf32>
    %add3A_371 = arith.addf %add3A_351, %mul3A_370 : vector<256x128xf32>
    %slice3A_372 = vector.extract_strided_slice %convert_element_type3A_9 {offsets = [0, 144], sizes = [256, 8], strides = [1, 1]} : vector<256x160xf32> to vector<256x8xf32>
    %get3A_373 = arith.constant 0 : index
    %get3A_374 = arith.constant 0 : index
    %get3A_375 = vector.load %arg10[%get3A_373, %get3A_374] : memref<8x512xf32, #tpu.memory_space<vmem>>, vector<8x512xf32>
    %dot_general3A_376 = arith.constant dense<0.000000e+00> : vector<256x512xf32>
    %dot_general3A_377 = tpu.matmul %slice3A_372, %get3A_375, %dot_general3A_376 {dimension_numbers = #tpu.dot_dimension_numbers<[1], [0], [0], [1], [0, 0, 1, 1], [], []>, transpose_lhs_hint = false} : vector<256x8xf32>, vector<8x512xf32>, vector<256x512xf32> -> vector<256x512xf32>
    %slice3A_378 = vector.extract_strided_slice %get3A_3 {offsets = [0, 1152], sizes = [256, 64], strides = [1, 1]} : vector<256x1280xf32> to vector<256x64xf32>
    %concatenate3A_379 = tpu.concatenate %slice3A_378, %slice3A_378 in 1 : vector<256x64xf32>, vector<256x64xf32> -> vector<256x128xf32>
    %slice3A_380 = vector.extract_strided_slice %dot_general3A_377 {offsets = [0, 0], sizes = [256, 128], strides = [1, 1]} : vector<256x512xf32> to vector<256x128xf32>
    %mul3A_381 = arith.mulf %slice3A_380, %concatenate3A_379 : vector<256x128xf32>
    %add3A_382 = arith.addf %add3A_362, %mul3A_381 : vector<256x128xf32>
    %slice3A_383 = vector.extract_strided_slice %dot_general3A_377 {offsets = [0, 128], sizes = [256, 128], strides = [1, 1]} : vector<256x512xf32> to vector<256x128xf32>
    %mul3A_384 = arith.mulf %slice3A_383, %concatenate3A_379 : vector<256x128xf32>
    %add3A_385 = arith.addf %add3A_365, %mul3A_384 : vector<256x128xf32>
    %slice3A_386 = vector.extract_strided_slice %dot_general3A_377 {offsets = [0, 256], sizes = [256, 128], strides = [1, 1]} : vector<256x512xf32> to vector<256x128xf32>
    %mul3A_387 = arith.mulf %slice3A_386, %concatenate3A_379 : vector<256x128xf32>
    %add3A_388 = arith.addf %add3A_368, %mul3A_387 : vector<256x128xf32>
    %slice3A_389 = vector.extract_strided_slice %dot_general3A_377 {offsets = [0, 384], sizes = [256, 128], strides = [1, 1]} : vector<256x512xf32> to vector<256x128xf32>
    %mul3A_390 = arith.mulf %slice3A_389, %concatenate3A_379 : vector<256x128xf32>
    %add3A_391 = arith.addf %add3A_371, %mul3A_390 : vector<256x128xf32>
    %slice3A_392 = vector.extract_strided_slice %convert_element_type3A_9 {offsets = [0, 152], sizes = [256, 8], strides = [1, 1]} : vector<256x160xf32> to vector<256x8xf32>
    %get3A_393 = arith.constant 0 : index
    %get3A_394 = arith.constant 0 : index
    %get3A_395 = vector.load %arg10[%get3A_393, %get3A_394] : memref<8x512xf32, #tpu.memory_space<vmem>>, vector<8x512xf32>
    %dot_general3A_396 = arith.constant dense<0.000000e+00> : vector<256x512xf32>
    %dot_general3A_397 = tpu.matmul %slice3A_392, %get3A_395, %dot_general3A_396 {dimension_numbers = #tpu.dot_dimension_numbers<[1], [0], [0], [1], [0, 0, 1, 1], [], []>, transpose_lhs_hint = false} : vector<256x8xf32>, vector<8x512xf32>, vector<256x512xf32> -> vector<256x512xf32>
    %slice3A_398 = vector.extract_strided_slice %get3A_3 {offsets = [0, 1216], sizes = [256, 64], strides = [1, 1]} : vector<256x1280xf32> to vector<256x64xf32>
    %concatenate3A_399 = tpu.concatenate %slice3A_398, %slice3A_398 in 1 : vector<256x64xf32>, vector<256x64xf32> -> vector<256x128xf32>
    %slice3A_400 = vector.extract_strided_slice %dot_general3A_397 {offsets = [0, 0], sizes = [256, 128], strides = [1, 1]} : vector<256x512xf32> to vector<256x128xf32>
    %mul3A_401 = arith.mulf %slice3A_400, %concatenate3A_399 : vector<256x128xf32>
    %add3A_402 = arith.addf %add3A_382, %mul3A_401 : vector<256x128xf32>
    %slice3A_403 = vector.extract_strided_slice %dot_general3A_397 {offsets = [0, 128], sizes = [256, 128], strides = [1, 1]} : vector<256x512xf32> to vector<256x128xf32>
    %mul3A_404 = arith.mulf %slice3A_403, %concatenate3A_399 : vector<256x128xf32>
    %add3A_405 = arith.addf %add3A_385, %mul3A_404 : vector<256x128xf32>
    %slice3A_406 = vector.extract_strided_slice %dot_general3A_397 {offsets = [0, 256], sizes = [256, 128], strides = [1, 1]} : vector<256x512xf32> to vector<256x128xf32>
    %mul3A_407 = arith.mulf %slice3A_406, %concatenate3A_399 : vector<256x128xf32>
    %add3A_408 = arith.addf %add3A_388, %mul3A_407 : vector<256x128xf32>
    %slice3A_409 = vector.extract_strided_slice %dot_general3A_397 {offsets = [0, 384], sizes = [256, 128], strides = [1, 1]} : vector<256x512xf32> to vector<256x128xf32>
    %mul3A_410 = arith.mulf %slice3A_409, %concatenate3A_399 : vector<256x128xf32>
    %add3A_411 = arith.addf %add3A_391, %mul3A_410 : vector<256x128xf32>
    %concatenate3A_412 = tpu.concatenate %add3A_402, %add3A_405, %add3A_408, %add3A_411 in 1 : vector<256x128xf32>, vector<256x128xf32>, vector<256x128xf32>, vector<256x128xf32> -> vector<256x512xf32>
    %get3A_413 = arith.constant 0 : index
    %get3A_414 = arith.constant 0 : index
    %get3A_415 = vector.load %arg4[%get3A_413, %get3A_414] : memref<512x128xf32, #tpu.memory_space<vmem>>, vector<512x128xf32>
    %convert_element_type3A_416 = arith.truncf %concatenate3A_412 : vector<256x512xf32> to vector<256x512xbf16>
    %convert_element_type3A_417 = arith.extf %convert_element_type3A_416 : vector<256x512xbf16> to vector<256x512xf32>
    %sub3A = arith.subf %concatenate3A_412, %convert_element_type3A_417 : vector<256x512xf32>
    %convert_element_type3A_418 = arith.truncf %sub3A : vector<256x512xf32> to vector<256x512xbf16>
    %convert_element_type3A_419 = arith.extf %convert_element_type3A_418 : vector<256x512xbf16> to vector<256x512xf32>
    %dot_general3A_420 = arith.constant dense<0.000000e+00> : vector<256x128xf32>
    %dot_general3A_421 = tpu.matmul %convert_element_type3A_417, %get3A_415, %dot_general3A_420 {dimension_numbers = #tpu.dot_dimension_numbers<[1], [0], [0], [1], [0, 0, 1, 1], [], []>, transpose_lhs_hint = false} : vector<256x512xf32>, vector<512x128xf32>, vector<256x128xf32> -> vector<256x128xf32>
    %dot_general3A_422 = arith.constant dense<0.000000e+00> : vector<256x128xf32>
    %dot_general3A_423 = tpu.matmul %convert_element_type3A_419, %get3A_415, %dot_general3A_422 {dimension_numbers = #tpu.dot_dimension_numbers<[1], [0], [0], [1], [0, 0, 1, 1], [], []>, transpose_lhs_hint = false} : vector<256x512xf32>, vector<512x128xf32>, vector<256x128xf32> -> vector<256x128xf32>
    %add3A_424 = arith.addf %dot_general3A_421, %dot_general3A_423 : vector<256x128xf32>
    %mul3A_425 = arith.constant 0.999994993 : f32
    %mul3A_426 = vector.broadcast %mul3A_425 : f32 to vector<256x128xf32>
    %mul3A_427 = arith.mulf %add3A_424, %mul3A_426 : vector<256x128xf32>
    %get3A_428 = arith.constant 0 : index
    %get3A_429 = arith.constant 0 : index
    %get3A_430 = vector.load %arg5[%get3A_428, %get3A_429] : memref<1x128xf32, #tpu.memory_space<vmem>>, vector<1x128xf32>
    %mul3A_431 = vector.broadcast %get3A_430 : vector<1x128xf32> to vector<256x128xf32>
    %mul3A_432 = arith.mulf %mul3A_427, %mul3A_431 : vector<256x128xf32>
    %get3A_433 = arith.constant 0 : index
    %get3A_434 = arith.constant 0 : index
    %get3A_435 = vector.load %arg6[%get3A_433, %get3A_434] : memref<1x128xf32, #tpu.memory_space<vmem>>, vector<1x128xf32>
    %add3A_436 = vector.broadcast %get3A_435 : vector<1x128xf32> to vector<256x128xf32>
    %add3A_437 = arith.addf %mul3A_432, %add3A_436 : vector<256x128xf32>
    %max3A = arith.constant 0.000000e+00 : f32
    %max3A_438 = vector.broadcast %max3A : f32 to vector<256x128xf32>
    %max3A_439 = arith.maximumf %add3A_437, %max3A_438 : vector<256x128xf32>
    %convert_element_type3A_440 = arith.truncf %max3A_439 : vector<256x128xf32> to vector<256x128xbf16>
    %convert_element_type3A_441 = arith.extf %convert_element_type3A_440 : vector<256x128xbf16> to vector<256x128xf32>
    %get3A_442 = arith.constant 0 : index
    %get3A_443 = arith.constant 0 : index
    %get3A_444 = vector.load %arg7[%get3A_442, %get3A_443] : memref<128x1024xf32, #tpu.memory_space<vmem>>, vector<128x1024xf32>
    %dot_general3A_445 = arith.constant dense<0.000000e+00> : vector<256x1024xf32>
    %dot_general3A_446 = tpu.matmul %convert_element_type3A_441, %get3A_444, %dot_general3A_445 {dimension_numbers = #tpu.dot_dimension_numbers<[1], [0], [0], [1], [0, 0, 1, 1], [], []>, transpose_lhs_hint = false} : vector<256x128xf32>, vector<128x1024xf32>, vector<256x1024xf32> -> vector<256x1024xf32>
    %mul3A_447 = arith.constant 0.999994993 : f32
    %mul3A_448 = vector.broadcast %mul3A_447 : f32 to vector<256x1024xf32>
    %mul3A_449 = arith.mulf %dot_general3A_446, %mul3A_448 : vector<256x1024xf32>
    %get3A_450 = arith.constant 0 : index
    %get3A_451 = arith.constant 0 : index
    %get3A_452 = vector.load %arg8[%get3A_450, %get3A_451] : memref<1x1024xf32, #tpu.memory_space<vmem>>, vector<1x1024xf32>
    %mul3A_453 = vector.broadcast %get3A_452 : vector<1x1024xf32> to vector<256x1024xf32>
    %mul3A_454 = arith.mulf %mul3A_449, %mul3A_453 : vector<256x1024xf32>
    %get3A_455 = arith.constant 0 : index
    %get3A_456 = arith.constant 0 : index
    %get3A_457 = vector.load %arg9[%get3A_455, %get3A_456] : memref<1x1024xf32, #tpu.memory_space<vmem>>, vector<1x1024xf32>
    %add3A_458 = vector.broadcast %get3A_457 : vector<1x1024xf32> to vector<256x1024xf32>
    %add3A_459 = arith.addf %mul3A_454, %add3A_458 : vector<256x1024xf32>
    %max3A_460 = arith.constant 0.000000e+00 : f32
    %max3A_461 = vector.broadcast %max3A_460 : f32 to vector<256x1024xf32>
    %max3A_462 = arith.maximumf %add3A_459, %max3A_461 : vector<256x1024xf32>
    %reduce_max3A = arith.constant dense<0xFF800000> : vector<1024xf32>
    %reduce_max3A_463 = vector.multi_reduction <maximumf>, %max3A_462, %reduce_max3A [0] : vector<256x1024xf32> to vector<1024xf32>
    %broadcast_in_dim3A_464 = vector.shape_cast %reduce_max3A_463 : vector<1024xf32> to vector<1x1024xf32>
    %eq3A = arith.constant 0 : i32
    %eq3A_465 = arith.cmpi eq, %arg1, %eq3A : i32
    %convert_element_type3A_466 = arith.extui %eq3A_465 : i1 to i32
    %cond3A = arith.constant 0 : i32
    %cond3A_467 = arith.cmpi ne, %convert_element_type3A_466, %cond3A : i32
    scf.if %cond3A_467 {
      %swap3A = arith.constant 0 : index
      %swap3A_472 = arith.constant 0 : index
      %swap3A_473 = arith.constant 0 : index
      %swap3A_474 = vector.load %arg11[%swap3A, %swap3A_472, %swap3A_473] : memref<1x1x1024xf32, #tpu.memory_space<vmem>>, vector<1x1x1024xf32>
      %swap3A_475 = vector.shape_cast %swap3A_474 : vector<1x1x1024xf32> to vector<1x1024xf32>
      %swap3A_476 = vector.shape_cast %broadcast_in_dim3A_464 : vector<1x1024xf32> to vector<1x1x1024xf32>
      tpu.vector_store %arg11[%swap3A, %swap3A_472, %swap3A_473], %swap3A_476 {strides = array<i32>} : memref<1x1x1024xf32, #tpu.memory_space<vmem>>, vector<1x1x1024xf32>,
    } else {
    }
    %ne3A = arith.constant 0 : i32
    %ne3A_468 = arith.cmpi ne, %arg1, %ne3A : i32
    %convert_element_type3A_469 = arith.extui %ne3A_468 : i1 to i32
    %cond3A_470 = arith.constant 0 : i32
    %cond3A_471 = arith.cmpi ne, %convert_element_type3A_469, %cond3A_470 : i32
    scf.if %cond3A_471 {
      %get3A_472 = arith.constant 0 : index
      %get3A_473 = arith.constant 0 : index
      %get3A_474 = arith.constant 0 : index
      %get3A_475 = vector.load %arg11[%get3A_472, %get3A_473, %get3A_474] : memref<1x1x1024xf32, #tpu.memory_space<vmem>>, vector<1x1x1024xf32>
      %get3A_476 = vector.shape_cast %get3A_475 : vector<1x1x1024xf32> to vector<1x1024xf32>
      %max3A_477 = arith.maximumf %get3A_476, %broadcast_in_dim3A_464 : vector<1x1024xf32>
      %swap3A = arith.constant 0 : index
      %swap3A_478 = arith.constant 0 : index
      %swap3A_479 = arith.constant 0 : index
      %swap3A_480 = vector.load %arg11[%swap3A, %swap3A_478, %swap3A_479] : memref<1x1x1024xf32, #tpu.memory_space<vmem>>, vector<1x1x1024xf32>
      %swap3A_481 = vector.shape_cast %swap3A_480 : vector<1x1x1024xf32> to vector<1x1024xf32>
      %swap3A_482 = vector.shape_cast %max3A_477 : vector<1x1024xf32> to vector<1x1x1024xf32>
      tpu.vector_store %arg11[%swap3A, %swap3A_478, %swap3A_479], %swap3A_482 {strides = array<i32>} : memref<1x1x1024xf32, #tpu.memory_space<vmem>>, vector<1x1x1024xf32>,
    } else {
    }
    return
  }
  func.func @transform_0(%arg0: i32, %arg1: i32) -> (i32, i32, i32) {
    %c0_i32 = arith.constant 0 : i32
    %c0_i32_0 = arith.constant 0 : i32
    return %arg0, %arg1, %c0_i32 : i32, i32, i32
  }
  func.func @transform_1(%arg0: i32, %arg1: i32) -> (i32, i32, i32) {
    %c0_i32 = arith.constant 0 : i32
    %c0_i32_0 = arith.constant 0 : i32
    return %arg0, %arg1, %c0_i32 : i32, i32, i32
  }
  func.func @transform_2(%arg0: i32, %arg1: i32) -> (i32, i32) {
    %c0_i32 = arith.constant 0 : i32
    %c0_i32_0 = arith.constant 0 : i32
    %c0_i32_1 = arith.constant 0 : i32
    return %c0_i32, %c0_i32_0 : i32, i32
  }
  func.func @transform_3(%arg0: i32, %arg1: i32) -> (i32, i32) {
    %c0_i32 = arith.constant 0 : i32
    %c0_i32_0 = arith.constant 0 : i32
    %c0_i32_1 = arith.constant 0 : i32
    return %c0_i32, %c0_i32_0 : i32, i32
  }
  func.func @transform_4(%arg0: i32, %arg1: i32) -> (i32, i32) {
    %c0_i32 = arith.constant 0 : i32
    %c0_i32_0 = arith.constant 0 : i32
    %c0_i32_1 = arith.constant 0 : i32
    return %c0_i32, %c0_i32_0 : i32, i32
  }
  func.func @transform_5(%arg0: i32, %arg1: i32) -> (i32, i32) {
    %c0_i32 = arith.constant 0 : i32
    %c0_i32_0 = arith.constant 0 : i32
    %c0_i32_1 = arith.constant 0 : i32
    return %c0_i32, %c0_i32_0 : i32, i32
  }
  func.func @transform_6(%arg0: i32, %arg1: i32) -> (i32, i32) {
    %c0_i32 = arith.constant 0 : i32
    %c0_i32_0 = arith.constant 0 : i32
    %c0_i32_1 = arith.constant 0 : i32
    return %c0_i32, %c0_i32_0 : i32, i32
  }
  func.func @transform_7(%arg0: i32, %arg1: i32) -> (i32, i32) {
    %c0_i32 = arith.constant 0 : i32
    %c0_i32_0 = arith.constant 0 : i32
    %c0_i32_1 = arith.constant 0 : i32
    return %c0_i32, %c0_i32_0 : i32, i32
  }
  func.func @transform_8(%arg0: i32, %arg1: i32) -> (i32, i32) {
    %c0_i32 = arith.constant 0 : i32
    %c0_i32_0 = arith.constant 0 : i32
    %c0_i32_1 = arith.constant 0 : i32
    return %c0_i32, %c0_i32_0 : i32, i32
  }
  func.func @transform_9(%arg0: i32, %arg1: i32) -> (i32, i32, i32) {
    %c0_i32 = arith.constant 0 : i32
    %c0_i32_0 = arith.constant 0 : i32
    %c0_i32_1 = arith.constant 0 : i32
    return %arg0, %c0_i32, %c0_i32_0 : i32, i32, i32
  }
}

module attributes {stable_mosaic.version = 14 : i64} {
  func.func @_head_kernel(%arg0: memref<8x1024xf32, #tpu.memory_space<vmem>>, %arg1: memref<1024x512xf32, #tpu.memory_space<vmem>>, %arg2: memref<1x512xf32, #tpu.memory_space<vmem>>, %arg3: memref<1x512xf32, #tpu.memory_space<vmem>>, %arg4: memref<512x40xf32, #tpu.memory_space<vmem>>, %arg5: memref<1x40xf32, #tpu.memory_space<vmem>>, %arg6: memref<8x40xf32, #tpu.memory_space<vmem>>) attributes {dimension_semantics = [], scalar_prefetch = 0 : i64, scratch_operands = 0 : i64, tpu.core_type = #tpu.core_type<tc>} {
    %get3A = arith.constant 0 : index
    %get3A_0 = arith.constant 0 : index
    %get3A_1 = vector.load %arg0[%get3A, %get3A_0] : memref<8x1024xf32, #tpu.memory_space<vmem>>, vector<8x1024xf32>
    %convert_element_type3A = arith.truncf %get3A_1 : vector<8x1024xf32> to vector<8x1024xbf16>
    %convert_element_type3A_2 = arith.extf %convert_element_type3A : vector<8x1024xbf16> to vector<8x1024xf32>
    %get3A_3 = arith.constant 0 : index
    %get3A_4 = arith.constant 0 : index
    %get3A_5 = vector.load %arg1[%get3A_3, %get3A_4] : memref<1024x512xf32, #tpu.memory_space<vmem>>, vector<1024x512xf32>
    %dot_general3A = arith.constant dense<0.000000e+00> : vector<8x512xf32>
    %dot_general3A_6 = tpu.matmul %convert_element_type3A_2, %get3A_5, %dot_general3A {dimension_numbers = #tpu.dot_dimension_numbers<[1], [0], [0], [1], [0, 0, 1, 1], [], []>, transpose_lhs_hint = false} : vector<8x1024xf32>, vector<1024x512xf32>, vector<8x512xf32> -> vector<8x512xf32>
    %mul3A = arith.constant 0.999994993 : f32
    %mul3A_7 = vector.broadcast %mul3A : f32 to vector<8x512xf32>
    %mul3A_8 = arith.mulf %dot_general3A_6, %mul3A_7 : vector<8x512xf32>
    %get3A_9 = arith.constant 0 : index
    %get3A_10 = arith.constant 0 : index
    %get3A_11 = vector.load %arg2[%get3A_9, %get3A_10] : memref<1x512xf32, #tpu.memory_space<vmem>>, vector<1x512xf32>
    %mul3A_12 = vector.broadcast %get3A_11 : vector<1x512xf32> to vector<8x512xf32>
    %mul3A_13 = arith.mulf %mul3A_8, %mul3A_12 : vector<8x512xf32>
    %get3A_14 = arith.constant 0 : index
    %get3A_15 = arith.constant 0 : index
    %get3A_16 = vector.load %arg3[%get3A_14, %get3A_15] : memref<1x512xf32, #tpu.memory_space<vmem>>, vector<1x512xf32>
    %add3A = vector.broadcast %get3A_16 : vector<1x512xf32> to vector<8x512xf32>
    %add3A_17 = arith.addf %mul3A_13, %add3A : vector<8x512xf32>
    %max3A = arith.constant 0.000000e+00 : f32
    %max3A_18 = vector.broadcast %max3A : f32 to vector<8x512xf32>
    %max3A_19 = arith.maximumf %add3A_17, %max3A_18 : vector<8x512xf32>
    %convert_element_type3A_20 = arith.truncf %max3A_19 : vector<8x512xf32> to vector<8x512xbf16>
    %convert_element_type3A_21 = arith.extf %convert_element_type3A_20 : vector<8x512xbf16> to vector<8x512xf32>
    %get3A_22 = arith.constant 0 : index
    %get3A_23 = arith.constant 0 : index
    %get3A_24 = vector.load %arg4[%get3A_22, %get3A_23] : memref<512x40xf32, #tpu.memory_space<vmem>>, vector<512x40xf32>
    %dot_general3A_25 = arith.constant dense<0.000000e+00> : vector<8x40xf32>
    %dot_general3A_26 = tpu.matmul %convert_element_type3A_21, %get3A_24, %dot_general3A_25 {dimension_numbers = #tpu.dot_dimension_numbers<[1], [0], [0], [1], [0, 0, 1, 1], [], []>, transpose_lhs_hint = false} : vector<8x512xf32>, vector<512x40xf32>, vector<8x40xf32> -> vector<8x40xf32>
    %get3A_27 = arith.constant 0 : index
    %get3A_28 = arith.constant 0 : index
    %get3A_29 = vector.load %arg5[%get3A_27, %get3A_28] : memref<1x40xf32, #tpu.memory_space<vmem>>, vector<1x40xf32>
    %add3A_30 = vector.broadcast %get3A_29 : vector<1x40xf32> to vector<8x40xf32>
    %add3A_31 = arith.addf %dot_general3A_26, %add3A_30 : vector<8x40xf32>
    %swap3A = arith.constant 0 : index
    %swap3A_32 = arith.constant 0 : index
    %swap3A_33 = vector.load %arg6[%swap3A, %swap3A_32] : memref<8x40xf32, #tpu.memory_space<vmem>>, vector<8x40xf32>
    tpu.vector_store %arg6[%swap3A, %swap3A_32], %add3A_31 {strides = array<i32>} : memref<8x40xf32, #tpu.memory_space<vmem>>, vector<8x40xf32>,
    return
  }
}

</mosaic_0001>

<sc_bundles>
// kernel: kernel.10.cloned.1.call-start
scs
__scs_entry_jumppad:
0x0: {  	(pc) =	sbr.rel $0x88, $3  }
0x1: {  	(tag) =	ssettag $0x0;
	lr =	simm.s32 $0x1  }
0x2: {  	[smem:$0x3F7D] =	sst lr;
	_ =	strace $0xD0000000  }
0x3: {  	_ = 	snop  }
0x4: {  	_ = 	snop  }
0x5: {  	_ = 	snop  }
0x6: {  	_ = 	snop  }
0x7: {  	_ = 	snop  }
__scs_overlays_trampoline_lowered:
0x8: {  	[smem:$0x3F8C] =	sst s0  }
0x9: {  	[smem:$0x3F8D] =	sst s1  }
0xa: {  	[smem:$0x3F8E] =	sst s2  }
0xb: {  	[smem:$0x3F8F] =	sst s3  }
0xc: {  	[smem:$0x3F90] =	sst s4  }
0xd: {  	[smem:$0x3F91] =	sst s5  }
0xe: {  	[smem:$0x3F92] =	sst s6  }
0xf: {  	[smem:$0x3F93] =	sst s7  }
0x10: {  	[smem:$0x3F94] =	sst s8  }
0x11: {  	[smem:$0x3F95] =	sst s9;
	s0 =	simm.s32 @!p0 $0x0  }
0x12: {  	s1 =	sld [smem:$0x3F7B];
	s0 =	simm.s32 @p0 $0x1  }
0x13: {  	[smem:$0x3F96] =	sst s0;
	s0 =	simm.s32 @!p1 $0x0  }
0x14: {  	s2 =	sld [smem:$0x3F7A];
	s0 =	simm.s32 @p1 $0x1  }
0x15: {  	[smem:$0x3F97] =	sst s0;
	s0 =	simm.s32 @!p2 $0x0  }
0x16: {  	s3 =	sld [smem:$0x3FDB];
	s0 =	simm.s32 @p2 $0x1  }
0x17: {  	s4 =	simm.s32 $0x1BF5;
	[smem:$0x3F99] =	sst s0  }
0x18: {  	s0 =	sld [smem:$0x3F7C];
	_ =	swait.ge [sflag:s4], $0x0  }
0x19: {  	s7 =	sld [smem:$0x3F7D]  }
0x1a: {  	s8 =	sadd.s32 $0xFFFFE003, lr  }
0x1b: {  	s9 =	sadd.s32 $0xFFFFFEF7, lr;
	s5 =	simm.s32 $0xFFFFFFFF;
	p2 =	slt.u32 s8, $0xFFFFF086  }
0x1c: {  	p1 =	slt.u32 s9, $0xF7A;
	s5 =	simm.s32 @!p2 $0x0  }
0x1d: {  	s5 =	simm.s32 @p1 $0x1;
	p0 =	seq.s32 s7, s2  }
0x1e: {  	s7 =	smul.u32 @!p0 $0xF7A, s2;
	p2 =	seq.s32 @!p0 s5, $0x0  }
0x1f: {  	s9 =	smul.u32 $0xF7A, s1;
	s8 =	simm.s32 @!p0 $0x1BF5;
	p2 =	por !p2, p0  }
0x20: {  	[sflag:s8] =	ssyncset.s32 @!p0 $0xFFFFF086;
	s6 =	sadd.s32 @!p0 s3, s7;
	s7 =	simm.s32 @!p0 $0x108  }
0x21: {  	s3 =	sadd.s32 s3, s9;
	s6 =	sadd.s32 @!p0 $0x88, s6;
	s7 =	simm.s32 @p2 $0x1082  }
0x22: {  	[simem:s7], [sflag:s8] =	dma.local @!p0 [hbm:s6], $0xF7A  }
0x23: {  	s9 =	sor.u32 $0xD0000000, s2;
	s6 =	simm.s32 $0x108;
	_ =	swait.ge @!p0 [sflag:s8], $0x0  }
0x24: {  	s3 =	sadd.s32 $0x88, s3;
	s6 =	simm.s32 @!p1 $0x1082;
	[sflag:s4] =	ssyncset.s32 $0xFFFFF086  }
0x25: {  	[simem:s6], [sflag:s4] =	dma.local [hbm:s3], $0xF7A  }
0x26: {  	[smem:$0x3F7D] =	sst s1;
	(tag) =	ssettag s2;
	_ =	strace s9  }
0x27: {  	s1 =	sld [smem:$0x3F8D]  }
0x28: {  	s2 =	sld [smem:$0x3F8E]  }
0x29: {  	s4 =	sld [smem:$0x3F90]  }
0x2a: {  	p0 =	seq.s32 s5, $0x0;
	s5 =	sld [smem:$0x3F91]  }
0x2b: {  	s6 =	sld [smem:$0x3F92]  }
0x2c: {  	s7 =	sld [smem:$0x3F93]  }
0x2d: {  	s3 =	simm.s32 $0x108;
	s8 =	sld [smem:$0x3F94]  }
0x2e: {  	s3 =	simm.s32 @!p0 $0x1082;
	s9 =	sld [smem:$0x3F95]  }
0x2f: {  	lr =	sadd.s32 s0, s3;
	s0 =	sld [smem:$0x3F8C]  }
0x30: {  	s3 =	sld [smem:$0x3F8F]  }
0x31: {  	[smem:$0x3F98] =	sst s10  }
0x32: {  	s10 =	sld [smem:$0x3F96];
	_ =	sdelay $0x3  }
0x33: {  	p0 =	seq.s32 s10, $0x1;
	s10 =	sld [smem:$0x3F98];
	_ =	sdelay $0x3  }
0x34: {  	[smem:$0x3F98] =	sst s10  }
0x35: {  	s10 =	sld [smem:$0x3F97];
	_ =	sdelay $0x3  }
0x36: {  	p1 =	seq.s32 s10, $0x1;
	s10 =	sld [smem:$0x3F98];
	_ =	sdelay $0x3  }
0x37: {  	[smem:$0x3F98] =	sst s10  }
0x38: {  	s10 =	sld [smem:$0x3F99]  }
0x39: {  	_ = 	snop;
	(pc) =	sbr.ind lr, $3  }
0x3a: {  	_ = 	snop  }
0x3b: {  	_ = 	snop  }
0x3c: {  	p2 =	seq.s32 s10, $0x1;
	s10 =	sld [smem:$0x3F98]  }
0x3d: {  	_ =	shalt  }
0x3e: {  	_ =	shalt  }
0x3f: {  	_ =	shalt  }
0x40: {  	_ =	shalt  }
0x41: {  	_ =	shalt  }
0x42: {  	_ =	shalt  }
0x43: {  	_ =	shalt  }
0x44: {  	_ =	shalt  }
0x45: {  	_ =	shalt  }
0x46: {  	_ =	shalt  }
0x47: {  	_ =	shalt  }
0x48: {  	_ =	shalt  }
0x49: {  	_ =	shalt  }
0x4a: {  	_ =	shalt  }
0x4b: {  	_ =	shalt  }
0x4c: {  	_ =	shalt  }
0x4d: {  	_ =	shalt  }
0x4e: {  	_ =	shalt  }
0x4f: {  	_ =	shalt  }
0x50: {  	_ =	shalt  }
0x51: {  	_ =	shalt  }
0x52: {  	_ =	shalt  }
0x53: {  	_ =	shalt  }
0x54: {  	_ =	shalt  }
0x55: {  	_ =	shalt  }
0x56: {  	_ =	shalt  }
0x57: {  	_ =	shalt  }
0x58: {  	_ =	shalt  }
0x59: {  	_ =	shalt  }
0x5a: {  	_ =	shalt  }
0x5b: {  	_ =	shalt  }
0x5c: {  	_ =	shalt  }
0x5d: {  	_ =	shalt  }
0x5e: {  	_ =	shalt  }
0x5f: {  	_ =	shalt  }
0x60: {  	_ =	shalt  }
0x61: {  	_ =	shalt  }
0x62: {  	_ =	shalt  }
0x63: {  	_ =	shalt  }
0x64: {  	_ =	shalt  }
0x65: {  	_ =	shalt  }
0x66: {  	_ =	shalt  }
0x67: {  	_ =	shalt  }
0x68: {  	_ =	shalt  }
0x69: {  	_ =	shalt  }
0x6a: {  	_ =	shalt  }
0x6b: {  	_ =	shalt  }
0x6c: {  	_ =	shalt  }
0x6d: {  	_ =	shalt  }
0x6e: {  	_ =	shalt  }
0x6f: {  	_ =	shalt  }
0x70: {  	_ =	shalt  }
0x71: {  	_ =	shalt  }
0x72: {  	_ =	shalt  }
0x73: {  	_ =	shalt  }
0x74: {  	_ =	shalt  }
0x75: {  	_ =	shalt  }
0x76: {  	_ =	shalt  }
0x77: {  	_ =	shalt  }
0x78: {  	_ =	shalt  }
0x79: {  	_ =	shalt  }
0x7a: {  	_ =	shalt  }
0x7b: {  	_ =	shalt  }
0x7c: {  	_ =	shalt  }
0x7d: {  	_ =	shalt  }
0x7e: {  	_ =	shalt  }
0x7f: {  	_ =	shalt  }
0x80: {  	_ =	shalt  }
0x81: {  	_ =	shalt  }
0x82: {  	_ =	shalt  }
0x83: {  	_ =	shalt  }
0x84: {  	_ =	shalt  }
0x85: {  	_ =	shalt  }
0x86: {  	_ =	shalt  }
0x87: {  	_ =	shalt  }
.Lfunc_end0:
.L_simem_size_0:
called_computation_lowered:
.L_overlay_start_0:
0x88: {  	s2 =	sld [smem:$0x3FD9]  }
0x89: {  	s3 =	sld [smem:$0x3FFE];
	_ =	sdelay $0x1  }
0x8a: {  	s1 =	srdreg.scid  }
0x8b: {  	s0 =	sand.u32 $0x1, s1  }
0x8c: {  	s16 =	sshll.u32 s0, $0xA;
	s2 =	sadd.s32 s3, s2  }
0x8d: {  	s2 =	sadd.s32 s2, s16  }
0x8e: {  	[smem:$0x3FA4] =	sst s2  }
0x8f: {  	_ = 	snop  }
0x90: {  	(tm) =	ssettm $0x1  }
0x91: {  	s17 =	sld [smem:$0x3FFB];
	_ =	sdelay $0x3  }
0x92: {  	_ =	strace s17  }
0x93: {  	s2 =	sld [smem:$0x3FFC];
	_ =	sdelay $0x3  }
0x94: {  	_ =	strace s2  }
0x95: {  	s2 =	sld [smem:$0x3FFD];
	_ =	sdelay $0x3  }
0x96: {  	_ =	strace s2  }
0x97: {  	_ =	strace $0x8FFFFFFF  }
0x98: {  	s18 =	sld [smem:$0x3FDB];
	_ =	sdelay $0x1  }
0x99: {  	s19 =	simm.s32 $_scs_section_size  }
0x9a: {  	s4 =	simm.s32 $_size__tile_overlayer_lowered;
	s5 =	simm.s32 $_tile_overlayer_lowered  }
0x9b: {  	s22 =	simm.s32 $0x1BFF;
	s21 =	sshll.u32 s5, $0x1;
	s2 =	sadd.s32 s19, s18  }
0x9c: {  	s6 =	simm.s32 $0x0;
	s20 =	sshll.u32 s4, $0x1;
	s4 =	sadd.s32 s21, s2  }
0x9d: {  	[timem:s6], [sflag:s22] =	dma.local [hbm:s4], s20  }
0x9e: {  	_ =	swait.ge [sflag:s22], s20  }
0x9f: {  	s3 =	ssub.s32 $0x0, s20;
	[sflag:s22] =	ssyncset.done $0x0  }
0xa0: {  	[sflag:s22] =	ssyncadd.s32 s3;
	_ =	sdelay $0x1  }
0xa1: {  	s23 =	simm.s32 $0x1B8B  }
0xa2: {  	_ =	swait.ge [sflag:s23], $0x1  }
0xa3: {  	[sflag:s23] =	ssyncset.done $0x0  }
0xa4: {  	s25 =	simm.s32 $0x1B8E;
	s24 =	sld [smem:$0x3FFE];
	[sflag:s23] =	ssyncadd.s32 $0xFFFFFFFF  }
0xa5: {  	s26 =	simm.s32 $execute0_lowered;
	[smem:$0x3FD2] =	sst s25  }
0xa6: {  	s4 =	sshll.u32 s26, $0x1;
	_ =	strace $0x80000046;
	[dreg:$0x1] =	wrdreg $0xFFFFFFFF  }
0xa7: {  	s28 =	simm.s32 $_size_execute0_lowered;
	s2 =	sadd.s32 s2, s4;
	[dreg:$0x0] =	wrdreg $0x0  }
0xa8: {  	s4 =	sshll.u32 s28, $0x1;
	[dreg:$0x2] =	wrdreg s2  }
0xa9: {  	[dreg:$0x3] =	wrdreg s4  }
0xaa: {  	[dreg:$0x4] =	wrdreg $0xC0  }
0xab: {  	_ =	task [dreg:s6], $0x5FFFF  }
0xac: {  	[dreg:$0x1] =	wrdreg $0xFFFFFFFF  }
0xad: {  	[dreg:$0x0] =	wrdreg $0x60  }
0xae: {  	[dreg:$0x2] =	wrdreg s24  }
0xaf: {  	[dreg:$0x3] =	wrdreg $0x9  }
0xb0: {  	_ =	task.clear_ibuf [dreg:s6], $0x4FFFF;
	_ =	strace $0x90000046  }
0xb1: {  	s29 =	simm.s32 $0x9;
	_ =	strace $0x80000048  }
0xb2: {  	_ =	swait.ge [sflag:s29], $0x1  }
0xb3: {  	[sflag:s29] =	ssyncadd.s32 $0xFFFFFFFF  }
0xb4: {  	_ =	strace $0x90000048  }
0xb5: {  	_ =	sfence  }
0xb6: {  	s30 =	sld [smem:$0x0];
	_ =	sdelay $0x2  }
0xb7: {  	s31 =	sshll.u32 s1, $0xD;
	s1 =	sshrl.u32 s1, $0x2  }
0xb8: {  	s3 =	sand.u32 $0x4000, s31;
	s1 =	sadd.s32 s1, s30  }
0xb9: {  	s0 =	sor.u32 s3, s0;
	s1 =	sshll.u32 s1, $0x11  }
0xba: {  	s0 =	sor.u32 s1, s0  }
0xbb: {  	s0 =	sadd.s32 $0x8F2B, s0  }
0xbc: {  	[sflag:s0] =	ssyncadd.remote.s32 $0x1  }
0xbd: {  	_ =	sfence.sel $0xFFFF  }
0xbe: {  	[dreg:$0x0] =	wrdreg $0xFFFFFFFF;
	(pc) =	sbr.abs _section_cstart, $3  }
0xbf: {  	[dreg:$0x1] =	wrdreg $0xFFFFFFFF  }
0xc0: {  	_ =	task.clear_ibuf [dreg:s6], $0x2FFFF;
	_ =	strace $0x9FFFFFFF  }
0xc1: {  	(tm) =	ssettm $0x7FFFFFFF  }
tec
execute0_lowered:
.L_overlay_start_1:
0x0: {  	(tag) =	ssettag $0x1  }
0x1: {  	s1 =	srdreg.scid;
	s0 =	stileid.u32  }
0x2: {  	s14 =	sand.u32 $0x1, s1;
	s28 =	sshll.u32 s0, $0x1  }
0x3: {  	s8 =	sor.u32 s14, s28  }
0x4: {  	s9 =	rddreg [dreg:$0x0];
	s13 =	smul.u32 $0x1400, s8  }
0x5: {  	s2 =	simm.s32 $0x0;
	s1 =	rddreg [dreg:$0x1]  }
0x6: {  	[smem:$0x7FF] =	sst s2;
	s15 =	sadd.s32 $0xC7000, s9;
	s3 =	sshrl.u32 s13, $0x3  }
0x7: {  	_ =	strace $0x80000047;
	s4 =	sadd.s32 s15, s3;
	s3 =	simm.s32 $0x2  }
0x8: {  	[tilespmem:s2], [sflag:$0x2] =	stream.linear.gather [hbm4b:s4+s2], $0x500, $0x38;
	[tilespmem:$0x14500] =	vst v63  }
0x9: {  	_ =	swait.ge [sflag:s3], $0x500  }
0xa: {  	s6 =	simm.s32 $0x500;
	[sflag:s3] =	ssyncset.done $0x0  }
0xb: {  	s7 =	simm.s32 $0x1;
	s5 =	sadd.s32 $0xCC000, s9;
	[sflag:s3] =	ssyncadd.s32 $0xFFFFFB00  }
0xc: {  	[tilespmem:s6], [sflag:$0x1] =	stream.indirect.gather [hbm4b:s5+s6], $0x40, s2, s6, $0xb8;
	[tilespmem:$0x14500] =	vst v63  }
0xd: {  	s8 =	smul.u32 $0xA000, s8;
	_ =	swait.ge [sflag:s7], $0x14000  }
0xe: {  	s16 =	sadd.s32 $0xDC000, s9;
	[sflag:s7] =	ssyncset.done $0x0  }
0xf: {  	s8 =	sadd.s32 s16, s8;
	[sflag:s7] =	ssyncadd.s32 $0xFFFEC000  }
0x10: {  	[hbm4b:s8+s2] =	stream.linear.scatter [tilespmem:s6], [sflag:$0x2], $0x14000, $0x38;
	[tilespmem:$0x14500] =	vst v63  }
0x11: {  	s10 =	sadd.s32 $0x500, s13;
	_ =	swait.ge [sflag:s3], $0x14000  }
0x12: {  	s29 =	sshrl.u32 s10, $0x3;
	[sflag:s3] =	ssyncset.done $0x0  }
0x13: {  	s9 =	sadd.s32 s15, s29;
	[sflag:s3] =	ssyncadd.s32 $0xFFFEC000  }
0x14: {  	[tilespmem:s2], [sflag:$0x2] =	stream.linear.gather [hbm4b:s9+s2], $0x500, $0x38;
	[tilespmem:$0x14500] =	vst v63  }
0x15: {  	_ =	swait.ge [sflag:s3], $0x500  }
0x16: {  	[sflag:s3] =	ssyncset.done $0x0  }
0x17: {  	[sflag:s3] =	ssyncadd.s32 $0xFFFFFB00  }
0x18: {  	[tilespmem:s6], [sflag:$0x1] =	stream.indirect.gather [hbm4b:s5+s6], $0x40, s2, s6, $0xb8;
	[tilespmem:$0x14500] =	vst v63  }
0x19: {  	_ =	swait.ge [sflag:s7], $0x14000  }
0x1a: {  	s10 =	sshll.u32 s10, $0x3;
	[sflag:s7] =	ssyncset.done $0x0  }
0x1b: {  	s10 =	sadd.s32 s16, s10;
	[sflag:s7] =	ssyncadd.s32 $0xFFFEC000  }
0x1c: {  	[hbm4b:s10+s2] =	stream.linear.scatter [tilespmem:s6], [sflag:$0x2], $0x14000, $0x38;
	[tilespmem:$0x14500] =	vst v63  }
0x1d: {  	s12 =	sadd.s32 $0xA00, s13;
	_ =	swait.ge [sflag:s3], $0x14000  }
0x1e: {  	s11 =	sshrl.u32 s12, $0x3;
	[sflag:s3] =	ssyncset.done $0x0  }
0x1f: {  	s11 =	sadd.s32 s15, s11;
	[sflag:s3] =	ssyncadd.s32 $0xFFFEC000  }
0x20: {  	[tilespmem:s2], [sflag:$0x2] =	stream.linear.gather [hbm4b:s11+s2], $0x500, $0x38;
	[tilespmem:$0x14500] =	vst v63  }
0x21: {  	_ =	swait.ge [sflag:s3], $0x500  }
0x22: {  	[sflag:s3] =	ssyncset.done $0x0  }
0x23: {  	[sflag:s3] =	ssyncadd.s32 $0xFFFFFB00  }
0x24: {  	[tilespmem:s6], [sflag:$0x1] =	stream.indirect.gather [hbm4b:s5+s6], $0x40, s2, s6, $0xb8;
	[tilespmem:$0x14500] =	vst v63  }
0x25: {  	_ =	swait.ge [sflag:s7], $0x14000  }
0x26: {  	s12 =	sshll.u32 s12, $0x3;
	[sflag:s7] =	ssyncset.done $0x0  }
0x27: {  	s12 =	sadd.s32 s16, s12;
	[sflag:s7] =	ssyncadd.s32 $0xFFFEC000  }
0x28: {  	[hbm4b:s12+s2] =	stream.linear.scatter [tilespmem:s6], [sflag:$0x2], $0x14000, $0x38;
	[tilespmem:$0x14500] =	vst v63  }
0x29: {  	s17 =	sadd.s32 $0xF00, s13;
	_ =	swait.ge [sflag:s3], $0x14000  }
0x2a: {  	s13 =	sshrl.u32 s17, $0x3;
	[sflag:s3] =	ssyncset.done $0x0  }
0x2b: {  	s14 =	ssub.s32 $0x2, s14;
	s13 =	sadd.s32 s15, s13;
	[sflag:s3] =	ssyncadd.s32 $0xFFFEC000  }
0x2c: {  	[tilespmem:s2], [sflag:$0x2] =	stream.linear.gather [hbm4b:s13+s2], $0x500, $0x38;
	[tilespmem:$0x14500] =	vst v63  }
0x2d: {  	s30 =	sshrl.u32 s14, $0x1;
	_ =	swait.ge [sflag:s3], $0x500  }
0x2e: {  	s15 =	ssub.s32 s14, s30;
	[sflag:s3] =	ssyncset.done $0x0  }
0x2f: {  	s15 =	smax.u32 s15, $0x1;
	[sflag:s3] =	ssyncadd.s32 $0xFFFFFB00  }
0x30: {  	[tilespmem:s6], [sflag:$0x1] =	stream.indirect.gather [hbm4b:s5+s6], $0x40, s2, s6, $0xb8;
	[tilespmem:$0x14500] =	vst v63  }
0x31: {  	p0 =	sne.s32 s15, $0x1;
	_ =	swait.ge [sflag:s7], $0x14000  }
.Ltmp0:
0x32: {  	s31 =	sshll.u32 s17, $0x3;
	[sflag:s7] =	ssyncset.done $0x0;
	(pc) =	sbr.rel @!p0 .LBB2_2-.Ltmp0, $4  }
0x33: {  	s14 =	sadd.s32 s16, s31;
	[sflag:s7] =	ssyncadd.s32 $0xFFFEC000  }
0x34: {  	[hbm4b:s14+s2] =	stream.linear.scatter [tilespmem:s6], [sflag:$0x2], $0x14000, $0x38;
	[tilespmem:$0x14500] =	vst v63  }
0x35: {  	_ =	swait.ge [sflag:s3], $0x14000  }
0x36: {  	s15 =	sadd.s32 $0xFFFFFFFF, s15;
	[sflag:s3] =	ssyncset.done $0x0  }
.LBB2_1:
0x37: {  	p0 =	sne.s32 s15, $0x1;
	s15 =	sadd.s32 $0xFFFFFFFF, s15;
	[sflag:s3] =	ssyncadd.s32 $0xFFFEC000  }
0x38: {  	[tilespmem:s2], [sflag:$0x2] =	stream.linear.gather [hbm4b:s4+s2], $0x500, $0x38;
	[tilespmem:$0x14500] =	vst v63  }
0x39: {  	_ =	swait.ge [sflag:s3], $0x500  }
0x3a: {  	[sflag:s3] =	ssyncset.done $0x0  }
0x3b: {  	[sflag:s3] =	ssyncadd.s32 $0xFFFFFB00  }
0x3c: {  	[tilespmem:s6], [sflag:$0x1] =	stream.indirect.gather [hbm4b:s5+s6], $0x40, s2, s6, $0xb8;
	[tilespmem:$0x14500] =	vst v63  }
0x3d: {  	_ =	swait.ge [sflag:s7], $0x14000  }
0x3e: {  	[sflag:s7] =	ssyncset.done $0x0  }
0x3f: {  	[sflag:s7] =	ssyncadd.s32 $0xFFFEC000  }
0x40: {  	[hbm4b:s8+s2] =	stream.linear.scatter [tilespmem:s6], [sflag:$0x2], $0x14000, $0x38;
	[tilespmem:$0x14500] =	vst v63  }
0x41: {  	_ =	swait.ge [sflag:s3], $0x14000  }
0x42: {  	[sflag:s3] =	ssyncset.done $0x0  }
0x43: {  	[sflag:s3] =	ssyncadd.s32 $0xFFFEC000  }
0x44: {  	[tilespmem:s2], [sflag:$0x2] =	stream.linear.gather [hbm4b:s9+s2], $0x500, $0x38;
	[tilespmem:$0x14500] =	vst v63  }
0x45: {  	_ =	swait.ge [sflag:s3], $0x500  }
0x46: {  	[sflag:s3] =	ssyncset.done $0x0  }
0x47: {  	[sflag:s3] =	ssyncadd.s32 $0xFFFFFB00  }
0x48: {  	[tilespmem:s6], [sflag:$0x1] =	stream.indirect.gather [hbm4b:s5+s6], $0x40, s2, s6, $0xb8;
	[tilespmem:$0x14500] =	vst v63  }
0x49: {  	_ =	swait.ge [sflag:s7], $0x14000  }
0x4a: {  	[sflag:s7] =	ssyncset.done $0x0  }
0x4b: {  	[sflag:s7] =	ssyncadd.s32 $0xFFFEC000  }
0x4c: {  	[hbm4b:s10+s2] =	stream.linear.scatter [tilespmem:s6], [sflag:$0x2], $0x14000, $0x38;
	[tilespmem:$0x14500] =	vst v63  }
0x4d: {  	_ =	swait.ge [sflag:s3], $0x14000  }
0x4e: {  	[sflag:s3] =	ssyncset.done $0x0  }
0x4f: {  	[sflag:s3] =	ssyncadd.s32 $0xFFFEC000  }
0x50: {  	[tilespmem:s2], [sflag:$0x2] =	stream.linear.gather [hbm4b:s11+s2], $0x500, $0x38;
	[tilespmem:$0x14500] =	vst v63  }
0x51: {  	_ =	swait.ge [sflag:s3], $0x500  }
0x52: {  	[sflag:s3] =	ssyncset.done $0x0  }
0x53: {  	[sflag:s3] =	ssyncadd.s32 $0xFFFFFB00  }
0x54: {  	[tilespmem:s6], [sflag:$0x1] =	stream.indirect.gather [hbm4b:s5+s6], $0x40, s2, s6, $0xb8;
	[tilespmem:$0x14500] =	vst v63  }
0x55: {  	_ =	swait.ge [sflag:s7], $0x14000  }
0x56: {  	[sflag:s7] =	ssyncset.done $0x0  }
0x57: {  	[sflag:s7] =	ssyncadd.s32 $0xFFFEC000  }
0x58: {  	[hbm4b:s12+s2] =	stream.linear.scatter [tilespmem:s6], [sflag:$0x2], $0x14000, $0x38;
	[tilespmem:$0x14500] =	vst v63  }
0x59: {  	_ =	swait.ge [sflag:s3], $0x14000  }
0x5a: {  	[sflag:s3] =	ssyncset.done $0x0  }
0x5b: {  	[sflag:s3] =	ssyncadd.s32 $0xFFFEC000  }
0x5c: {  	[tilespmem:s2], [sflag:$0x2] =	stream.linear.gather [hbm4b:s13+s2], $0x500, $0x38;
	[tilespmem:$0x14500] =	vst v63  }
0x5d: {  	_ =	swait.ge [sflag:s3], $0x500  }
0x5e: {  	[sflag:s3] =	ssyncset.done $0x0  }
0x5f: {  	[sflag:s3] =	ssyncadd.s32 $0xFFFFFB00  }
0x60: {  	[tilespmem:s6], [sflag:$0x1] =	stream.indirect.gather [hbm4b:s5+s6], $0x40, s2, s6, $0xb8;
	[tilespmem:$0x14500] =	vst v63  }
0x61: {  	_ =	swait.ge [sflag:s7], $0x14000  }
.Ltmp1:
0x62: {  	[sflag:s7] =	ssyncset.done $0x0;
	(pc) =	sbr.rel @p0 .LBB2_1-.Ltmp1, $4  }
0x63: {  	[sflag:s7] =	ssyncadd.s32 $0xFFFEC000  }
0x64: {  	[hbm4b:s14+s2] =	stream.linear.scatter [tilespmem:s6], [sflag:$0x2], $0x14000, $0x38;
	[tilespmem:$0x14500] =	vst v63  }
0x65: {  	_ =	swait.ge [sflag:s3], $0x14000  }
0x66: {  	[sflag:s3] =	ssyncset.done $0x0  }
.LBB2_2:
0x67: {  	[sflag:s3] =	ssyncadd.s32 $0xFFFEC000  }
0x68: {  	_ =	sfence.sel $0x180000  }
0x69: {  	[bflag:$0x0] =	sbarrier.arrive $0xFFFF  }
0x6a: {  	p0 =	sne.s32 s0, $0x0;
	_ =	strace $0x90000047  }
0x6b: {  	s0 =	sadd.s32 @!p0 $0x100000, s1;
	[bflag:$0x2] =	sbarrier.arrive $0xFFFF  }
0x6c: {  	[sflag:s0] =	ssyncadd.tile.s32 @!p0 $0x1;
	_ =	shalt  }
.Lfunc_end2:
_tile_overlayer_lowered:
.L_overlay_start_2:
0x6d: {  	(tag) =	ssettag $0x2  }
0x6e: {  	s0 =	rddreg [dreg:$0x0];
	s2 =	stileid.u32  }
0x6f: {  	s1 =	rddreg [dreg:$0x1];
	p0 =	sne.s32 s2, $0x0  }
0x70: {  	s3 =	rddreg [dreg:$0x2];
	[bflag:$0x3] =	sbarrier.arrive $0xFFFF;
	s2 =	simm.s32 @!p0 $0x1C02  }
0x71: {  	[timem:s3], [sflag:s2] =	dma.local @!p0 [hbm:s0], s1  }
0x72: {  	s0 =	simm.s32 @!p0 $0x2  }
0x73: {  	_ =	swait.ge @!p0 [sflag:s0], s1  }
0x74: {  	s1 =	ssub.s32 @!p0 $0x0, s1;
	[sflag:s0] =	ssyncset.done @!p0 $0x0  }
0x75: {  	[sflag:s0] =	ssyncadd.s32 @!p0 s1  }
0x76: {  	[bflag:$0x3] =	sbarrier.arrive $0xFFFF  }
0x77: {  	_ =	shalt  }

// kernel: kernel.13.cloned.1.call-start
scs
__scs_entry_jumppad:
0x0: {  	(pc) =	sbr.rel $0x88, $3  }
0x1: {  	(tag) =	ssettag $0x0;
	lr =	simm.s32 $0x1  }
0x2: {  	[smem:$0x3F7D] =	sst lr;
	_ =	strace $0xD0000000  }
0x3: {  	_ = 	snop  }
0x4: {  	_ = 	snop  }
0x5: {  	_ = 	snop  }
0x6: {  	_ = 	snop  }
0x7: {  	_ = 	snop  }
__scs_overlays_trampoline_lowered:
0x8: {  	[smem:$0x3F8C] =	sst s0  }
0x9: {  	[smem:$0x3F8D] =	sst s1  }
0xa: {  	[smem:$0x3F8E] =	sst s2  }
0xb: {  	[smem:$0x3F8F] =	sst s3  }
0xc: {  	[smem:$0x3F90] =	sst s4  }
0xd: {  	[smem:$0x3F91] =	sst s5  }
0xe: {  	[smem:$0x3F92] =	sst s6  }
0xf: {  	[smem:$0x3F93] =	sst s7  }
0x10: {  	[smem:$0x3F94] =	sst s8  }
0x11: {  	[smem:$0x3F95] =	sst s9;
	s0 =	simm.s32 @!p0 $0x0  }
0x12: {  	s1 =	sld [smem:$0x3F7B];
	s0 =	simm.s32 @p0 $0x1  }
0x13: {  	[smem:$0x3F96] =	sst s0;
	s0 =	simm.s32 @!p1 $0x0  }
0x14: {  	s2 =	sld [smem:$0x3F7A];
	s0 =	simm.s32 @p1 $0x1  }
0x15: {  	[smem:$0x3F97] =	sst s0;
	s0 =	simm.s32 @!p2 $0x0  }
0x16: {  	s3 =	sld [smem:$0x3FDB];
	s0 =	simm.s32 @p2 $0x1  }
0x17: {  	s4 =	simm.s32 $0x1BF5;
	[smem:$0x3F99] =	sst s0  }
0x18: {  	s0 =	sld [smem:$0x3F7C];
	_ =	swait.ge [sflag:s4], $0x0  }
0x19: {  	s7 =	sld [smem:$0x3F7D]  }
0x1a: {  	s8 =	sadd.s32 $0xFFFFE003, lr  }
0x1b: {  	s9 =	sadd.s32 $0xFFFFFEF7, lr;
	s5 =	simm.s32 $0xFFFFFFFF;
	p2 =	slt.u32 s8, $0xFFFFF086  }
0x1c: {  	p1 =	slt.u32 s9, $0xF7A;
	s5 =	simm.s32 @!p2 $0x0  }
0x1d: {  	s5 =	simm.s32 @p1 $0x1;
	p0 =	seq.s32 s7, s2  }
0x1e: {  	s7 =	smul.u32 @!p0 $0xF7A, s2;
	p2 =	seq.s32 @!p0 s5, $0x0  }
0x1f: {  	s9 =	smul.u32 $0xF7A, s1;
	s8 =	simm.s32 @!p0 $0x1BF5;
	p2 =	por !p2, p0  }
0x20: {  	[sflag:s8] =	ssyncset.s32 @!p0 $0xFFFFF086;
	s6 =	sadd.s32 @!p0 s3, s7;
	s7 =	simm.s32 @!p0 $0x108  }
0x21: {  	s3 =	sadd.s32 s3, s9;
	s6 =	sadd.s32 @!p0 $0x88, s6;
	s7 =	simm.s32 @p2 $0x1082  }
0x22: {  	[simem:s7], [sflag:s8] =	dma.local @!p0 [hbm:s6], $0xF7A  }
0x23: {  	s9 =	sor.u32 $0xD0000000, s2;
	s6 =	simm.s32 $0x108;
	_ =	swait.ge @!p0 [sflag:s8], $0x0  }
0x24: {  	s3 =	sadd.s32 $0x88, s3;
	s6 =	simm.s32 @!p1 $0x1082;
	[sflag:s4] =	ssyncset.s32 $0xFFFFF086  }
0x25: {  	[simem:s6], [sflag:s4] =	dma.local [hbm:s3], $0xF7A  }
0x26: {  	[smem:$0x3F7D] =	sst s1;
	(tag) =	ssettag s2;
	_ =	strace s9  }
0x27: {  	s1 =	sld [smem:$0x3F8D]  }
0x28: {  	s2 =	sld [smem:$0x3F8E]  }
0x29: {  	s4 =	sld [smem:$0x3F90]  }
0x2a: {  	p0 =	seq.s32 s5, $0x0;
	s5 =	sld [smem:$0x3F91]  }
0x2b: {  	s6 =	sld [smem:$0x3F92]  }
0x2c: {  	s7 =	sld [smem:$0x3F93]  }
0x2d: {  	s3 =	simm.s32 $0x108;
	s8 =	sld [smem:$0x3F94]  }
0x2e: {  	s3 =	simm.s32 @!p0 $0x1082;
	s9 =	sld [smem:$0x3F95]  }
0x2f: {  	lr =	sadd.s32 s0, s3;
	s0 =	sld [smem:$0x3F8C]  }
0x30: {  	s3 =	sld [smem:$0x3F8F]  }
0x31: {  	[smem:$0x3F98] =	sst s10  }
0x32: {  	s10 =	sld [smem:$0x3F96];
	_ =	sdelay $0x3  }
0x33: {  	p0 =	seq.s32 s10, $0x1;
	s10 =	sld [smem:$0x3F98];
	_ =	sdelay $0x3  }
0x34: {  	[smem:$0x3F98] =	sst s10  }
0x35: {  	s10 =	sld [smem:$0x3F97];
	_ =	sdelay $0x3  }
0x36: {  	p1 =	seq.s32 s10, $0x1;
	s10 =	sld [smem:$0x3F98];
	_ =	sdelay $0x3  }
0x37: {  	[smem:$0x3F98] =	sst s10  }
0x38: {  	s10 =	sld [smem:$0x3F99]  }
0x39: {  	_ = 	snop;
	(pc) =	sbr.ind lr, $3  }
0x3a: {  	_ = 	snop  }
0x3b: {  	_ = 	snop  }
0x3c: {  	p2 =	seq.s32 s10, $0x1;
	s10 =	sld [smem:$0x3F98]  }
0x3d: {  	_ =	shalt  }
0x3e: {  	_ =	shalt  }
0x3f: {  	_ =	shalt  }
0x40: {  	_ =	shalt  }
0x41: {  	_ =	shalt  }
0x42: {  	_ =	shalt  }
0x43: {  	_ =	shalt  }
0x44: {  	_ =	shalt  }
0x45: {  	_ =	shalt  }
0x46: {  	_ =	shalt  }
0x47: {  	_ =	shalt  }
0x48: {  	_ =	shalt  }
0x49: {  	_ =	shalt  }
0x4a: {  	_ =	shalt  }
0x4b: {  	_ =	shalt  }
0x4c: {  	_ =	shalt  }
0x4d: {  	_ =	shalt  }
0x4e: {  	_ =	shalt  }
0x4f: {  	_ =	shalt  }
0x50: {  	_ =	shalt  }
0x51: {  	_ =	shalt  }
0x52: {  	_ =	shalt  }
0x53: {  	_ =	shalt  }
0x54: {  	_ =	shalt  }
0x55: {  	_ =	shalt  }
0x56: {  	_ =	shalt  }
0x57: {  	_ =	shalt  }
0x58: {  	_ =	shalt  }
0x59: {  	_ =	shalt  }
0x5a: {  	_ =	shalt  }
0x5b: {  	_ =	shalt  }
0x5c: {  	_ =	shalt  }
0x5d: {  	_ =	shalt  }
0x5e: {  	_ =	shalt  }
0x5f: {  	_ =	shalt  }
0x60: {  	_ =	shalt  }
0x61: {  	_ =	shalt  }
0x62: {  	_ =	shalt  }
0x63: {  	_ =	shalt  }
0x64: {  	_ =	shalt  }
0x65: {  	_ =	shalt  }
0x66: {  	_ =	shalt  }
0x67: {  	_ =	shalt  }
0x68: {  	_ =	shalt  }
0x69: {  	_ =	shalt  }
0x6a: {  	_ =	shalt  }
0x6b: {  	_ =	shalt  }
0x6c: {  	_ =	shalt  }
0x6d: {  	_ =	shalt  }
0x6e: {  	_ =	shalt  }
0x6f: {  	_ =	shalt  }
0x70: {  	_ =	shalt  }
0x71: {  	_ =	shalt  }
0x72: {  	_ =	shalt  }
0x73: {  	_ =	shalt  }
0x74: {  	_ =	shalt  }
0x75: {  	_ =	shalt  }
0x76: {  	_ =	shalt  }
0x77: {  	_ =	shalt  }
0x78: {  	_ =	shalt  }
0x79: {  	_ =	shalt  }
0x7a: {  	_ =	shalt  }
0x7b: {  	_ =	shalt  }
0x7c: {  	_ =	shalt  }
0x7d: {  	_ =	shalt  }
0x7e: {  	_ =	shalt  }
0x7f: {  	_ =	shalt  }
0x80: {  	_ =	shalt  }
0x81: {  	_ =	shalt  }
0x82: {  	_ =	shalt  }
0x83: {  	_ =	shalt  }
0x84: {  	_ =	shalt  }
0x85: {  	_ =	shalt  }
0x86: {  	_ =	shalt  }
0x87: {  	_ =	shalt  }
.Lfunc_end0:
.L_simem_size_0:
called_computation.1_lowered:
.L_overlay_start_0:
0x88: {  	s2 =	sld [smem:$0x3FD9]  }
0x89: {  	s3 =	sld [smem:$0x3FFE];
	_ =	sdelay $0x1  }
0x8a: {  	s1 =	srdreg.scid  }
0x8b: {  	s0 =	sand.u32 $0x1, s1  }
0x8c: {  	s16 =	sshll.u32 s0, $0xA;
	s2 =	sadd.s32 s3, s2  }
0x8d: {  	s2 =	sadd.s32 s2, s16  }
0x8e: {  	[smem:$0x3FA4] =	sst s2  }
0x8f: {  	_ = 	snop  }
0x90: {  	(tm) =	ssettm $0x1  }
0x91: {  	s17 =	sld [smem:$0x3FFB];
	_ =	sdelay $0x3  }
0x92: {  	_ =	strace s17  }
0x93: {  	s2 =	sld [smem:$0x3FFC];
	_ =	sdelay $0x3  }
0x94: {  	_ =	strace s2  }
0x95: {  	s2 =	sld [smem:$0x3FFD];
	_ =	sdelay $0x3  }
0x96: {  	_ =	strace s2  }
0x97: {  	_ =	strace $0x8FFFFFFF  }
0x98: {  	s18 =	sld [smem:$0x3FDB];
	_ =	sdelay $0x1  }
0x99: {  	s19 =	simm.s32 $_scs_section_size  }
0x9a: {  	s4 =	simm.s32 $_size__tile_overlayer_lowered;
	s5 =	simm.s32 $_tile_overlayer_lowered  }
0x9b: {  	s22 =	simm.s32 $0x1BFF;
	s21 =	sshll.u32 s5, $0x1;
	s2 =	sadd.s32 s19, s18  }
0x9c: {  	s6 =	simm.s32 $0x0;
	s20 =	sshll.u32 s4, $0x1;
	s4 =	sadd.s32 s21, s2  }
0x9d: {  	[timem:s6], [sflag:s22] =	dma.local [hbm:s4], s20  }
0x9e: {  	_ =	swait.ge [sflag:s22], s20  }
0x9f: {  	s3 =	ssub.s32 $0x0, s20;
	[sflag:s22] =	ssyncset.done $0x0  }
0xa0: {  	[sflag:s22] =	ssyncadd.s32 s3;
	_ =	sdelay $0x1  }
0xa1: {  	s23 =	simm.s32 $0x1B8B  }
0xa2: {  	_ =	swait.ge [sflag:s23], $0x1  }
0xa3: {  	[sflag:s23] =	ssyncset.done $0x0  }
0xa4: {  	s25 =	simm.s32 $0x1B8E;
	s24 =	sld [smem:$0x3FFE];
	[sflag:s23] =	ssyncadd.s32 $0xFFFFFFFF  }
0xa5: {  	s26 =	simm.s32 $execute0_lowered;
	[smem:$0x3FD2] =	sst s25  }
0xa6: {  	s4 =	sshll.u32 s26, $0x1;
	_ =	strace $0x80000049;
	[dreg:$0x1] =	wrdreg $0xFFFFFFFF  }
0xa7: {  	s28 =	simm.s32 $_size_execute0_lowered;
	s2 =	sadd.s32 s2, s4;
	[dreg:$0x0] =	wrdreg $0x0  }
0xa8: {  	s4 =	sshll.u32 s28, $0x1;
	[dreg:$0x2] =	wrdreg s2  }
0xa9: {  	[dreg:$0x3] =	wrdreg s4  }
0xaa: {  	[dreg:$0x4] =	wrdreg $0xC0  }
0xab: {  	_ =	task [dreg:s6], $0x5FFFF  }
0xac: {  	[dreg:$0x1] =	wrdreg $0xFFFFFFFF  }
0xad: {  	[dreg:$0x0] =	wrdreg $0x60  }
0xae: {  	[dreg:$0x2] =	wrdreg s24  }
0xaf: {  	[dreg:$0x3] =	wrdreg $0x9  }
0xb0: {  	_ =	task.clear_ibuf [dreg:s6], $0x4FFFF;
	_ =	strace $0x90000049  }
0xb1: {  	s29 =	simm.s32 $0x9;
	_ =	strace $0x8000004B  }
0xb2: {  	_ =	swait.ge [sflag:s29], $0x1  }
0xb3: {  	[sflag:s29] =	ssyncadd.s32 $0xFFFFFFFF  }
0xb4: {  	_ =	strace $0x9000004B  }
0xb5: {  	_ =	sfence  }
0xb6: {  	s30 =	sld [smem:$0x0];
	_ =	sdelay $0x2  }
0xb7: {  	s31 =	sshll.u32 s1, $0xD;
	s1 =	sshrl.u32 s1, $0x2  }
0xb8: {  	s3 =	sand.u32 $0x4000, s31;
	s1 =	sadd.s32 s1, s30  }
0xb9: {  	s0 =	sor.u32 s3, s0;
	s1 =	sshll.u32 s1, $0x11  }
0xba: {  	s0 =	sor.u32 s1, s0  }
0xbb: {  	s0 =	sadd.s32 $0x8F2B, s0  }
0xbc: {  	[sflag:s0] =	ssyncadd.remote.s32 $0x1  }
0xbd: {  	_ =	sfence.sel $0xFFFF  }
0xbe: {  	[dreg:$0x0] =	wrdreg $0xFFFFFFFF;
	(pc) =	sbr.abs _section_cstart, $3  }
0xbf: {  	[dreg:$0x1] =	wrdreg $0xFFFFFFFF  }
0xc0: {  	_ =	task.clear_ibuf [dreg:s6], $0x2FFFF;
	_ =	strace $0x9FFFFFFF  }
0xc1: {  	(tm) =	ssettm $0x7FFFFFFF  }
tec
execute0_lowered:
.L_overlay_start_1:
0x0: {  	(tag) =	ssettag $0x1  }
0x1: {  	s1 =	srdreg.scid;
	s0 =	stileid.u32  }
0x2: {  	s14 =	sand.u32 $0x1, s1;
	s28 =	sshll.u32 s0, $0x1  }
0x3: {  	s8 =	sor.u32 s14, s28  }
0x4: {  	s9 =	rddreg [dreg:$0x0];
	s13 =	smul.u32 $0x1400, s8  }
0x5: {  	s2 =	simm.s32 $0x0;
	s1 =	rddreg [dreg:$0x1]  }
0x6: {  	[smem:$0x7FF] =	sst s2;
	s15 =	sadd.s32 $0xC7000, s9;
	s3 =	sshrl.u32 s13, $0x3  }
0x7: {  	_ =	strace $0x8000004A;
	s4 =	sadd.s32 s15, s3;
	s3 =	simm.s32 $0x2  }
0x8: {  	[tilespmem:s2], [sflag:$0x2] =	stream.linear.gather [hbm4b:s4+s2], $0x500, $0x38;
	[tilespmem:$0x14500] =	vst v63  }
0x9: {  	_ =	swait.ge [sflag:s3], $0x500  }
0xa: {  	s6 =	simm.s32 $0x500;
	[sflag:s3] =	ssyncset.done $0x0  }
0xb: {  	s7 =	simm.s32 $0x1;
	s5 =	sadd.s32 $0x7000, s9;
	[sflag:s3] =	ssyncadd.s32 $0xFFFFFB00  }
0xc: {  	[tilespmem:s6], [sflag:$0x1] =	stream.indirect.gather [hbm4b:s5+s6], $0x40, s2, s6, $0xb8;
	[tilespmem:$0x14500] =	vst v63  }
0xd: {  	s8 =	smul.u32 $0xA000, s8;
	_ =	swait.ge [sflag:s7], $0x14000  }
0xe: {  	s16 =	sadd.s32 $0xCC000, s9;
	[sflag:s7] =	ssyncset.done $0x0  }
0xf: {  	s8 =	sadd.s32 s16, s8;
	[sflag:s7] =	ssyncadd.s32 $0xFFFEC000  }
0x10: {  	[hbm4b:s8+s2] =	stream.linear.scatter [tilespmem:s6], [sflag:$0x2], $0x14000, $0x38;
	[tilespmem:$0x14500] =	vst v63  }
0x11: {  	s10 =	sadd.s32 $0x500, s13;
	_ =	swait.ge [sflag:s3], $0x14000  }
0x12: {  	s29 =	sshrl.u32 s10, $0x3;
	[sflag:s3] =	ssyncset.done $0x0  }
0x13: {  	s9 =	sadd.s32 s15, s29;
	[sflag:s3] =	ssyncadd.s32 $0xFFFEC000  }
0x14: {  	[tilespmem:s2], [sflag:$0x2] =	stream.linear.gather [hbm4b:s9+s2], $0x500, $0x38;
	[tilespmem:$0x14500] =	vst v63  }
0x15: {  	_ =	swait.ge [sflag:s3], $0x500  }
0x16: {  	[sflag:s3] =	ssyncset.done $0x0  }
0x17: {  	[sflag:s3] =	ssyncadd.s32 $0xFFFFFB00  }
0x18: {  	[tilespmem:s6], [sflag:$0x1] =	stream.indirect.gather [hbm4b:s5+s6], $0x40, s2, s6, $0xb8;
	[tilespmem:$0x14500] =	vst v63  }
0x19: {  	_ =	swait.ge [sflag:s7], $0x14000  }
0x1a: {  	s10 =	sshll.u32 s10, $0x3;
	[sflag:s7] =	ssyncset.done $0x0  }
0x1b: {  	s10 =	sadd.s32 s16, s10;
	[sflag:s7] =	ssyncadd.s32 $0xFFFEC000  }
0x1c: {  	[hbm4b:s10+s2] =	stream.linear.scatter [tilespmem:s6], [sflag:$0x2], $0x14000, $0x38;
	[tilespmem:$0x14500] =	vst v63  }
0x1d: {  	s12 =	sadd.s32 $0xA00, s13;
	_ =	swait.ge [sflag:s3], $0x14000  }
0x1e: {  	s11 =	sshrl.u32 s12, $0x3;
	[sflag:s3] =	ssyncset.done $0x0  }
0x1f: {  	s11 =	sadd.s32 s15, s11;
	[sflag:s3] =	ssyncadd.s32 $0xFFFEC000  }
0x20: {  	[tilespmem:s2], [sflag:$0x2] =	stream.linear.gather [hbm4b:s11+s2], $0x500, $0x38;
	[tilespmem:$0x14500] =	vst v63  }
0x21: {  	_ =	swait.ge [sflag:s3], $0x500  }
0x22: {  	[sflag:s3] =	ssyncset.done $0x0  }
0x23: {  	[sflag:s3] =	ssyncadd.s32 $0xFFFFFB00  }
0x24: {  	[tilespmem:s6], [sflag:$0x1] =	stream.indirect.gather [hbm4b:s5+s6], $0x40, s2, s6, $0xb8;
	[tilespmem:$0x14500] =	vst v63  }
0x25: {  	_ =	swait.ge [sflag:s7], $0x14000  }
0x26: {  	s12 =	sshll.u32 s12, $0x3;
	[sflag:s7] =	ssyncset.done $0x0  }
0x27: {  	s12 =	sadd.s32 s16, s12;
	[sflag:s7] =	ssyncadd.s32 $0xFFFEC000  }
0x28: {  	[hbm4b:s12+s2] =	stream.linear.scatter [tilespmem:s6], [sflag:$0x2], $0x14000, $0x38;
	[tilespmem:$0x14500] =	vst v63  }
0x29: {  	s17 =	sadd.s32 $0xF00, s13;
	_ =	swait.ge [sflag:s3], $0x14000  }
0x2a: {  	s13 =	sshrl.u32 s17, $0x3;
	[sflag:s3] =	ssyncset.done $0x0  }
0x2b: {  	s14 =	ssub.s32 $0x2, s14;
	s13 =	sadd.s32 s15, s13;
	[sflag:s3] =	ssyncadd.s32 $0xFFFEC000  }
0x2c: {  	[tilespmem:s2], [sflag:$0x2] =	stream.linear.gather [hbm4b:s13+s2], $0x500, $0x38;
	[tilespmem:$0x14500] =	vst v63  }
0x2d: {  	s30 =	sshrl.u32 s14, $0x1;
	_ =	swait.ge [sflag:s3], $0x500  }
0x2e: {  	s15 =	ssub.s32 s14, s30;
	[sflag:s3] =	ssyncset.done $0x0  }
0x2f: {  	s15 =	smax.u32 s15, $0x1;
	[sflag:s3] =	ssyncadd.s32 $0xFFFFFB00  }
0x30: {  	[tilespmem:s6], [sflag:$0x1] =	stream.indirect.gather [hbm4b:s5+s6], $0x40, s2, s6, $0xb8;
	[tilespmem:$0x14500] =	vst v63  }
0x31: {  	p0 =	sne.s32 s15, $0x1;
	_ =	swait.ge [sflag:s7], $0x14000  }
.Ltmp0:
0x32: {  	s31 =	sshll.u32 s17, $0x3;
	[sflag:s7] =	ssyncset.done $0x0;
	(pc) =	sbr.rel @!p0 .LBB2_2-.Ltmp0, $4  }
0x33: {  	s14 =	sadd.s32 s16, s31;
	[sflag:s7] =	ssyncadd.s32 $0xFFFEC000  }
0x34: {  	[hbm4b:s14+s2] =	stream.linear.scatter [tilespmem:s6], [sflag:$0x2], $0x14000, $0x38;
	[tilespmem:$0x14500] =	vst v63  }
0x35: {  	_ =	swait.ge [sflag:s3], $0x14000  }
0x36: {  	s15 =	sadd.s32 $0xFFFFFFFF, s15;
	[sflag:s3] =	ssyncset.done $0x0  }
.LBB2_1:
0x37: {  	p0 =	sne.s32 s15, $0x1;
	s15 =	sadd.s32 $0xFFFFFFFF, s15;
	[sflag:s3] =	ssyncadd.s32 $0xFFFEC000  }
0x38: {  	[tilespmem:s2], [sflag:$0x2] =	stream.linear.gather [hbm4b:s4+s2], $0x500, $0x38;
	[tilespmem:$0x14500] =	vst v63  }
0x39: {  	_ =	swait.ge [sflag:s3], $0x500  }
0x3a: {  	[sflag:s3] =	ssyncset.done $0x0  }
0x3b: {  	[sflag:s3] =	ssyncadd.s32 $0xFFFFFB00  }
0x3c: {  	[tilespmem:s6], [sflag:$0x1] =	stream.indirect.gather [hbm4b:s5+s6], $0x40, s2, s6, $0xb8;
	[tilespmem:$0x14500] =	vst v63  }
0x3d: {  	_ =	swait.ge [sflag:s7], $0x14000  }
0x3e: {  	[sflag:s7] =	ssyncset.done $0x0  }
0x3f: {  	[sflag:s7] =	ssyncadd.s32 $0xFFFEC000  }
0x40: {  	[hbm4b:s8+s2] =	stream.linear.scatter [tilespmem:s6], [sflag:$0x2], $0x14000, $0x38;
	[tilespmem:$0x14500] =	vst v63  }
0x41: {  	_ =	swait.ge [sflag:s3], $0x14000  }
0x42: {  	[sflag:s3] =	ssyncset.done $0x0  }
0x43: {  	[sflag:s3] =	ssyncadd.s32 $0xFFFEC000  }
0x44: {  	[tilespmem:s2], [sflag:$0x2] =	stream.linear.gather [hbm4b:s9+s2], $0x500, $0x38;
	[tilespmem:$0x14500] =	vst v63  }
0x45: {  	_ =	swait.ge [sflag:s3], $0x500  }
0x46: {  	[sflag:s3] =	ssyncset.done $0x0  }
0x47: {  	[sflag:s3] =	ssyncadd.s32 $0xFFFFFB00  }
0x48: {  	[tilespmem:s6], [sflag:$0x1] =	stream.indirect.gather [hbm4b:s5+s6], $0x40, s2, s6, $0xb8;
	[tilespmem:$0x14500] =	vst v63  }
0x49: {  	_ =	swait.ge [sflag:s7], $0x14000  }
0x4a: {  	[sflag:s7] =	ssyncset.done $0x0  }
0x4b: {  	[sflag:s7] =	ssyncadd.s32 $0xFFFEC000  }
0x4c: {  	[hbm4b:s10+s2] =	stream.linear.scatter [tilespmem:s6], [sflag:$0x2], $0x14000, $0x38;
	[tilespmem:$0x14500] =	vst v63  }
0x4d: {  	_ =	swait.ge [sflag:s3], $0x14000  }
0x4e: {  	[sflag:s3] =	ssyncset.done $0x0  }
0x4f: {  	[sflag:s3] =	ssyncadd.s32 $0xFFFEC000  }
0x50: {  	[tilespmem:s2], [sflag:$0x2] =	stream.linear.gather [hbm4b:s11+s2], $0x500, $0x38;
	[tilespmem:$0x14500] =	vst v63  }
0x51: {  	_ =	swait.ge [sflag:s3], $0x500  }
0x52: {  	[sflag:s3] =	ssyncset.done $0x0  }
0x53: {  	[sflag:s3] =	ssyncadd.s32 $0xFFFFFB00  }
0x54: {  	[tilespmem:s6], [sflag:$0x1] =	stream.indirect.gather [hbm4b:s5+s6], $0x40, s2, s6, $0xb8;
	[tilespmem:$0x14500] =	vst v63  }
0x55: {  	_ =	swait.ge [sflag:s7], $0x14000  }
0x56: {  	[sflag:s7] =	ssyncset.done $0x0  }
0x57: {  	[sflag:s7] =	ssyncadd.s32 $0xFFFEC000  }
0x58: {  	[hbm4b:s12+s2] =	stream.linear.scatter [tilespmem:s6], [sflag:$0x2], $0x14000, $0x38;
	[tilespmem:$0x14500] =	vst v63  }
0x59: {  	_ =	swait.ge [sflag:s3], $0x14000  }
0x5a: {  	[sflag:s3] =	ssyncset.done $0x0  }
0x5b: {  	[sflag:s3] =	ssyncadd.s32 $0xFFFEC000  }
0x5c: {  	[tilespmem:s2], [sflag:$0x2] =	stream.linear.gather [hbm4b:s13+s2], $0x500, $0x38;
	[tilespmem:$0x14500] =	vst v63  }
0x5d: {  	_ =	swait.ge [sflag:s3], $0x500  }
0x5e: {  	[sflag:s3] =	ssyncset.done $0x0  }
0x5f: {  	[sflag:s3] =	ssyncadd.s32 $0xFFFFFB00  }
0x60: {  	[tilespmem:s6], [sflag:$0x1] =	stream.indirect.gather [hbm4b:s5+s6], $0x40, s2, s6, $0xb8;
	[tilespmem:$0x14500] =	vst v63  }
0x61: {  	_ =	swait.ge [sflag:s7], $0x14000  }
.Ltmp1:
0x62: {  	[sflag:s7] =	ssyncset.done $0x0;
	(pc) =	sbr.rel @p0 .LBB2_1-.Ltmp1, $4  }
0x63: {  	[sflag:s7] =	ssyncadd.s32 $0xFFFEC000  }
0x64: {  	[hbm4b:s14+s2] =	stream.linear.scatter [tilespmem:s6], [sflag:$0x2], $0x14000, $0x38;
	[tilespmem:$0x14500] =	vst v63  }
0x65: {  	_ =	swait.ge [sflag:s3], $0x14000  }
0x66: {  	[sflag:s3] =	ssyncset.done $0x0  }
.LBB2_2:
0x67: {  	[sflag:s3] =	ssyncadd.s32 $0xFFFEC000  }
0x68: {  	_ =	sfence.sel $0x180000  }
0x69: {  	[bflag:$0x0] =	sbarrier.arrive $0xFFFF  }
0x6a: {  	p0 =	sne.s32 s0, $0x0;
	_ =	strace $0x9000004A  }
0x6b: {  	s0 =	sadd.s32 @!p0 $0x100000, s1;
	[bflag:$0x2] =	sbarrier.arrive $0xFFFF  }
0x6c: {  	[sflag:s0] =	ssyncadd.tile.s32 @!p0 $0x1;
	_ =	shalt  }
.Lfunc_end2:
_tile_overlayer_lowered:
.L_overlay_start_2:
0x6d: {  	(tag) =	ssettag $0x2  }
0x6e: {  	s0 =	rddreg [dreg:$0x0];
	s2 =	stileid.u32  }
0x6f: {  	s1 =	rddreg [dreg:$0x1];
	p0 =	sne.s32 s2, $0x0  }
0x70: {  	s3 =	rddreg [dreg:$0x2];
	[bflag:$0x3] =	sbarrier.arrive $0xFFFF;
	s2 =	simm.s32 @!p0 $0x1C02  }
0x71: {  	[timem:s3], [sflag:s2] =	dma.local @!p0 [hbm:s0], s1  }
0x72: {  	s0 =	simm.s32 @!p0 $0x2  }
0x73: {  	_ =	swait.ge @!p0 [sflag:s0], s1  }
0x74: {  	s1 =	ssub.s32 @!p0 $0x0, s1;
	[sflag:s0] =	ssyncset.done @!p0 $0x0  }
0x75: {  	[sflag:s0] =	ssyncadd.s32 @!p0 s1  }
0x76: {  	[bflag:$0x3] =	sbarrier.arrive $0xFFFF  }
0x77: {  	_ =	shalt  }

// kernel: kernel.16.cloned.1.call-start
scs
__scs_entry_jumppad:
0x0: {  	(pc) =	sbr.rel $0x88, $3  }
0x1: {  	(tag) =	ssettag $0x0;
	lr =	simm.s32 $0x1  }
0x2: {  	[smem:$0x3F7D] =	sst lr;
	_ =	strace $0xD0000000  }
0x3: {  	_ = 	snop  }
0x4: {  	_ = 	snop  }
0x5: {  	_ = 	snop  }
0x6: {  	_ = 	snop  }
0x7: {  	_ = 	snop  }
__scs_overlays_trampoline_lowered:
0x8: {  	[smem:$0x3F8C] =	sst s0  }
0x9: {  	[smem:$0x3F8D] =	sst s1  }
0xa: {  	[smem:$0x3F8E] =	sst s2  }
0xb: {  	[smem:$0x3F8F] =	sst s3  }
0xc: {  	[smem:$0x3F90] =	sst s4  }
0xd: {  	[smem:$0x3F91] =	sst s5  }
0xe: {  	[smem:$0x3F92] =	sst s6  }
0xf: {  	[smem:$0x3F93] =	sst s7  }
0x10: {  	[smem:$0x3F94] =	sst s8  }
0x11: {  	[smem:$0x3F95] =	sst s9;
	s0 =	simm.s32 @!p0 $0x0  }
0x12: {  	s1 =	sld [smem:$0x3F7B];
	s0 =	simm.s32 @p0 $0x1  }
0x13: {  	[smem:$0x3F96] =	sst s0;
	s0 =	simm.s32 @!p1 $0x0  }
0x14: {  	s2 =	sld [smem:$0x3F7A];
	s0 =	simm.s32 @p1 $0x1  }
0x15: {  	[smem:$0x3F97] =	sst s0;
	s0 =	simm.s32 @!p2 $0x0  }
0x16: {  	s3 =	sld [smem:$0x3FDB];
	s0 =	simm.s32 @p2 $0x1  }
0x17: {  	s4 =	simm.s32 $0x1BF5;
	[smem:$0x3F99] =	sst s0  }
0x18: {  	s0 =	sld [smem:$0x3F7C];
	_ =	swait.ge [sflag:s4], $0x0  }
0x19: {  	s7 =	sld [smem:$0x3F7D]  }
0x1a: {  	s8 =	sadd.s32 $0xFFFFE003, lr  }
0x1b: {  	s9 =	sadd.s32 $0xFFFFFEF7, lr;
	s5 =	simm.s32 $0xFFFFFFFF;
	p2 =	slt.u32 s8, $0xFFFFF086  }
0x1c: {  	p1 =	slt.u32 s9, $0xF7A;
	s5 =	simm.s32 @!p2 $0x0  }
0x1d: {  	s5 =	simm.s32 @p1 $0x1;
	p0 =	seq.s32 s7, s2  }
0x1e: {  	s7 =	smul.u32 @!p0 $0xF7A, s2;
	p2 =	seq.s32 @!p0 s5, $0x0  }
0x1f: {  	s9 =	smul.u32 $0xF7A, s1;
	s8 =	simm.s32 @!p0 $0x1BF5;
	p2 =	por !p2, p0  }
0x20: {  	[sflag:s8] =	ssyncset.s32 @!p0 $0xFFFFF086;
	s6 =	sadd.s32 @!p0 s3, s7;
	s7 =	simm.s32 @!p0 $0x108  }
0x21: {  	s3 =	sadd.s32 s3, s9;
	s6 =	sadd.s32 @!p0 $0x88, s6;
	s7 =	simm.s32 @p2 $0x1082  }
0x22: {  	[simem:s7], [sflag:s8] =	dma.local @!p0 [hbm:s6], $0xF7A  }
0x23: {  	s9 =	sor.u32 $0xD0000000, s2;
	s6 =	simm.s32 $0x108;
	_ =	swait.ge @!p0 [sflag:s8], $0x0  }
0x24: {  	s3 =	sadd.s32 $0x88, s3;
	s6 =	simm.s32 @!p1 $0x1082;
	[sflag:s4] =	ssyncset.s32 $0xFFFFF086  }
0x25: {  	[simem:s6], [sflag:s4] =	dma.local [hbm:s3], $0xF7A  }
0x26: {  	[smem:$0x3F7D] =	sst s1;
	(tag) =	ssettag s2;
	_ =	strace s9  }
0x27: {  	s1 =	sld [smem:$0x3F8D]  }
0x28: {  	s2 =	sld [smem:$0x3F8E]  }
0x29: {  	s4 =	sld [smem:$0x3F90]  }
0x2a: {  	p0 =	seq.s32 s5, $0x0;
	s5 =	sld [smem:$0x3F91]  }
0x2b: {  	s6 =	sld [smem:$0x3F92]  }
0x2c: {  	s7 =	sld [smem:$0x3F93]  }
0x2d: {  	s3 =	simm.s32 $0x108;
	s8 =	sld [smem:$0x3F94]  }
0x2e: {  	s3 =	simm.s32 @!p0 $0x1082;
	s9 =	sld [smem:$0x3F95]  }
0x2f: {  	lr =	sadd.s32 s0, s3;
	s0 =	sld [smem:$0x3F8C]  }
0x30: {  	s3 =	sld [smem:$0x3F8F]  }
0x31: {  	[smem:$0x3F98] =	sst s10  }
0x32: {  	s10 =	sld [smem:$0x3F96];
	_ =	sdelay $0x3  }
0x33: {  	p0 =	seq.s32 s10, $0x1;
	s10 =	sld [smem:$0x3F98];
	_ =	sdelay $0x3  }
0x34: {  	[smem:$0x3F98] =	sst s10  }
0x35: {  	s10 =	sld [smem:$0x3F97];
	_ =	sdelay $0x3  }
0x36: {  	p1 =	seq.s32 s10, $0x1;
	s10 =	sld [smem:$0x3F98];
	_ =	sdelay $0x3  }
0x37: {  	[smem:$0x3F98] =	sst s10  }
0x38: {  	s10 =	sld [smem:$0x3F99]  }
0x39: {  	_ = 	snop;
	(pc) =	sbr.ind lr, $3  }
0x3a: {  	_ = 	snop  }
0x3b: {  	_ = 	snop  }
0x3c: {  	p2 =	seq.s32 s10, $0x1;
	s10 =	sld [smem:$0x3F98]  }
0x3d: {  	_ =	shalt  }
0x3e: {  	_ =	shalt  }
0x3f: {  	_ =	shalt  }
0x40: {  	_ =	shalt  }
0x41: {  	_ =	shalt  }
0x42: {  	_ =	shalt  }
0x43: {  	_ =	shalt  }
0x44: {  	_ =	shalt  }
0x45: {  	_ =	shalt  }
0x46: {  	_ =	shalt  }
0x47: {  	_ =	shalt  }
0x48: {  	_ =	shalt  }
0x49: {  	_ =	shalt  }
0x4a: {  	_ =	shalt  }
0x4b: {  	_ =	shalt  }
0x4c: {  	_ =	shalt  }
0x4d: {  	_ =	shalt  }
0x4e: {  	_ =	shalt  }
0x4f: {  	_ =	shalt  }
0x50: {  	_ =	shalt  }
0x51: {  	_ =	shalt  }
0x52: {  	_ =	shalt  }
0x53: {  	_ =	shalt  }
0x54: {  	_ =	shalt  }
0x55: {  	_ =	shalt  }
0x56: {  	_ =	shalt  }
0x57: {  	_ =	shalt  }
0x58: {  	_ =	shalt  }
0x59: {  	_ =	shalt  }
0x5a: {  	_ =	shalt  }
0x5b: {  	_ =	shalt  }
0x5c: {  	_ =	shalt  }
0x5d: {  	_ =	shalt  }
0x5e: {  	_ =	shalt  }
0x5f: {  	_ =	shalt  }
0x60: {  	_ =	shalt  }
0x61: {  	_ =	shalt  }
0x62: {  	_ =	shalt  }
0x63: {  	_ =	shalt  }
0x64: {  	_ =	shalt  }
0x65: {  	_ =	shalt  }
0x66: {  	_ =	shalt  }
0x67: {  	_ =	shalt  }
0x68: {  	_ =	shalt  }
0x69: {  	_ =	shalt  }
0x6a: {  	_ =	shalt  }
0x6b: {  	_ =	shalt  }
0x6c: {  	_ =	shalt  }
0x6d: {  	_ =	shalt  }
0x6e: {  	_ =	shalt  }
0x6f: {  	_ =	shalt  }
0x70: {  	_ =	shalt  }
0x71: {  	_ =	shalt  }
0x72: {  	_ =	shalt  }
0x73: {  	_ =	shalt  }
0x74: {  	_ =	shalt  }
0x75: {  	_ =	shalt  }
0x76: {  	_ =	shalt  }
0x77: {  	_ =	shalt  }
0x78: {  	_ =	shalt  }
0x79: {  	_ =	shalt  }
0x7a: {  	_ =	shalt  }
0x7b: {  	_ =	shalt  }
0x7c: {  	_ =	shalt  }
0x7d: {  	_ =	shalt  }
0x7e: {  	_ =	shalt  }
0x7f: {  	_ =	shalt  }
0x80: {  	_ =	shalt  }
0x81: {  	_ =	shalt  }
0x82: {  	_ =	shalt  }
0x83: {  	_ =	shalt  }
0x84: {  	_ =	shalt  }
0x85: {  	_ =	shalt  }
0x86: {  	_ =	shalt  }
0x87: {  	_ =	shalt  }
.Lfunc_end0:
.L_simem_size_0:
called_computation.2_lowered:
.L_overlay_start_0:
0x88: {  	s2 =	sld [smem:$0x3FD9]  }
0x89: {  	s3 =	sld [smem:$0x3FFE];
	_ =	sdelay $0x1  }
0x8a: {  	s1 =	srdreg.scid  }
0x8b: {  	s0 =	sand.u32 $0x1, s1  }
0x8c: {  	s16 =	sshll.u32 s0, $0xA;
	s2 =	sadd.s32 s3, s2  }
0x8d: {  	s2 =	sadd.s32 s2, s16  }
0x8e: {  	[smem:$0x3FA4] =	sst s2  }
0x8f: {  	_ = 	snop  }
0x90: {  	(tm) =	ssettm $0x1  }
0x91: {  	s17 =	sld [smem:$0x3FFB];
	_ =	sdelay $0x3  }
0x92: {  	_ =	strace s17  }
0x93: {  	s2 =	sld [smem:$0x3FFC];
	_ =	sdelay $0x3  }
0x94: {  	_ =	strace s2  }
0x95: {  	s2 =	sld [smem:$0x3FFD];
	_ =	sdelay $0x3  }
0x96: {  	_ =	strace s2  }
0x97: {  	_ =	strace $0x8FFFFFFF  }
0x98: {  	s18 =	sld [smem:$0x3FDB];
	_ =	sdelay $0x1  }
0x99: {  	s19 =	simm.s32 $_scs_section_size  }
0x9a: {  	s4 =	simm.s32 $_size__tile_overlayer_lowered;
	s5 =	simm.s32 $_tile_overlayer_lowered  }
0x9b: {  	s22 =	simm.s32 $0x1BFF;
	s21 =	sshll.u32 s5, $0x1;
	s2 =	sadd.s32 s19, s18  }
0x9c: {  	s6 =	simm.s32 $0x0;
	s20 =	sshll.u32 s4, $0x1;
	s4 =	sadd.s32 s21, s2  }
0x9d: {  	[timem:s6], [sflag:s22] =	dma.local [hbm:s4], s20  }
0x9e: {  	_ =	swait.ge [sflag:s22], s20  }
0x9f: {  	s3 =	ssub.s32 $0x0, s20;
	[sflag:s22] =	ssyncset.done $0x0  }
0xa0: {  	[sflag:s22] =	ssyncadd.s32 s3;
	_ =	sdelay $0x1  }
0xa1: {  	s23 =	simm.s32 $0x1B8B  }
0xa2: {  	_ =	swait.ge [sflag:s23], $0x1  }
0xa3: {  	[sflag:s23] =	ssyncset.done $0x0  }
0xa4: {  	s25 =	simm.s32 $0x1B8E;
	s24 =	sld [smem:$0x3FFE];
	[sflag:s23] =	ssyncadd.s32 $0xFFFFFFFF  }
0xa5: {  	s26 =	simm.s32 $execute0_lowered;
	[smem:$0x3FD2] =	sst s25  }
0xa6: {  	s4 =	sshll.u32 s26, $0x1;
	_ =	strace $0x8000004C;
	[dreg:$0x1] =	wrdreg $0xFFFFFFFF  }
0xa7: {  	s28 =	simm.s32 $_size_execute0_lowered;
	s2 =	sadd.s32 s2, s4;
	[dreg:$0x0] =	wrdreg $0x0  }
0xa8: {  	s4 =	sshll.u32 s28, $0x1;
	[dreg:$0x2] =	wrdreg s2  }
0xa9: {  	[dreg:$0x3] =	wrdreg s4  }
0xaa: {  	[dreg:$0x4] =	wrdreg $0xC0  }
0xab: {  	_ =	task [dreg:s6], $0x5FFFF  }
0xac: {  	[dreg:$0x1] =	wrdreg $0xFFFFFFFF  }
0xad: {  	[dreg:$0x0] =	wrdreg $0x60  }
0xae: {  	[dreg:$0x2] =	wrdreg s24  }
0xaf: {  	[dreg:$0x3] =	wrdreg $0x9  }
0xb0: {  	_ =	task.clear_ibuf [dreg:s6], $0x4FFFF;
	_ =	strace $0x9000004C  }
0xb1: {  	s29 =	simm.s32 $0x9;
	_ =	strace $0x8000004E  }
0xb2: {  	_ =	swait.ge [sflag:s29], $0x1  }
0xb3: {  	[sflag:s29] =	ssyncadd.s32 $0xFFFFFFFF  }
0xb4: {  	_ =	strace $0x9000004E  }
0xb5: {  	_ =	sfence  }
0xb6: {  	s30 =	sld [smem:$0x0];
	_ =	sdelay $0x2  }
0xb7: {  	s31 =	sshll.u32 s1, $0xD;
	s1 =	sshrl.u32 s1, $0x2  }
0xb8: {  	s3 =	sand.u32 $0x4000, s31;
	s1 =	sadd.s32 s1, s30  }
0xb9: {  	s0 =	sor.u32 s3, s0;
	s1 =	sshll.u32 s1, $0x11  }
0xba: {  	s0 =	sor.u32 s1, s0  }
0xbb: {  	s0 =	sadd.s32 $0x8F2B, s0  }
0xbc: {  	[sflag:s0] =	ssyncadd.remote.s32 $0x1  }
0xbd: {  	_ =	sfence.sel $0xFFFF  }
0xbe: {  	[dreg:$0x0] =	wrdreg $0xFFFFFFFF;
	(pc) =	sbr.abs _section_cstart, $3  }
0xbf: {  	[dreg:$0x1] =	wrdreg $0xFFFFFFFF  }
0xc0: {  	_ =	task.clear_ibuf [dreg:s6], $0x2FFFF;
	_ =	strace $0x9FFFFFFF  }
0xc1: {  	(tm) =	ssettm $0x7FFFFFFF  }
tec
execute0_lowered:
.L_overlay_start_1:
0x0: {  	(tag) =	ssettag $0x1  }
0x1: {  	s1 =	srdreg.scid;
	s0 =	stileid.u32  }
0x2: {  	s14 =	sand.u32 $0x1, s1;
	s28 =	sshll.u32 s0, $0x1  }
0x3: {  	s8 =	sor.u32 s14, s28  }
0x4: {  	s9 =	rddreg [dreg:$0x0];
	s13 =	smul.u32 $0x1400, s8  }
0x5: {  	s2 =	simm.s32 $0x0;
	s1 =	rddreg [dreg:$0x1]  }
0x6: {  	[smem:$0x7FF] =	sst s2;
	s15 =	sadd.s32 $0xC7000, s9;
	s3 =	sshrl.u32 s13, $0x3  }
0x7: {  	_ =	strace $0x8000004D;
	s4 =	sadd.s32 s15, s3;
	s3 =	simm.s32 $0x2  }
0x8: {  	[tilespmem:s2], [sflag:$0x2] =	stream.linear.gather [hbm4b:s4+s2], $0x500, $0x38;
	[tilespmem:$0x14500] =	vst v63  }
0x9: {  	_ =	swait.ge [sflag:s3], $0x500  }
0xa: {  	s6 =	simm.s32 $0x500;
	[sflag:s3] =	ssyncset.done $0x0  }
0xb: {  	s7 =	simm.s32 $0x1;
	s5 =	sadd.s32 $0x7000, s9;
	[sflag:s3] =	ssyncadd.s32 $0xFFFFFB00  }
0xc: {  	[tilespmem:s6], [sflag:$0x1] =	stream.indirect.gather [hbm4b:s5+s6], $0x40, s2, s6, $0xb8;
	[tilespmem:$0x14500] =	vst v63  }
0xd: {  	s8 =	smul.u32 $0xA000, s8;
	_ =	swait.ge [sflag:s7], $0x14000  }
0xe: {  	s16 =	sadd.s32 $0xCC000, s9;
	[sflag:s7] =	ssyncset.done $0x0  }
0xf: {  	s8 =	sadd.s32 s16, s8;
	[sflag:s7] =	ssyncadd.s32 $0xFFFEC000  }
0x10: {  	[hbm4b:s8+s2] =	stream.linear.scatter [tilespmem:s6], [sflag:$0x2], $0x14000, $0x38;
	[tilespmem:$0x14500] =	vst v63  }
0x11: {  	s10 =	sadd.s32 $0x500, s13;
	_ =	swait.ge [sflag:s3], $0x14000  }
0x12: {  	s29 =	sshrl.u32 s10, $0x3;
	[sflag:s3] =	ssyncset.done $0x0  }
0x13: {  	s9 =	sadd.s32 s15, s29;
	[sflag:s3] =	ssyncadd.s32 $0xFFFEC000  }
0x14: {  	[tilespmem:s2], [sflag:$0x2] =	stream.linear.gather [hbm4b:s9+s2], $0x500, $0x38;
	[tilespmem:$0x14500] =	vst v63  }
0x15: {  	_ =	swait.ge [sflag:s3], $0x500  }
0x16: {  	[sflag:s3] =	ssyncset.done $0x0  }
0x17: {  	[sflag:s3] =	ssyncadd.s32 $0xFFFFFB00  }
0x18: {  	[tilespmem:s6], [sflag:$0x1] =	stream.indirect.gather [hbm4b:s5+s6], $0x40, s2, s6, $0xb8;
	[tilespmem:$0x14500] =	vst v63  }
0x19: {  	_ =	swait.ge [sflag:s7], $0x14000  }
0x1a: {  	s10 =	sshll.u32 s10, $0x3;
	[sflag:s7] =	ssyncset.done $0x0  }
0x1b: {  	s10 =	sadd.s32 s16, s10;
	[sflag:s7] =	ssyncadd.s32 $0xFFFEC000  }
0x1c: {  	[hbm4b:s10+s2] =	stream.linear.scatter [tilespmem:s6], [sflag:$0x2], $0x14000, $0x38;
	[tilespmem:$0x14500] =	vst v63  }
0x1d: {  	s12 =	sadd.s32 $0xA00, s13;
	_ =	swait.ge [sflag:s3], $0x14000  }
0x1e: {  	s11 =	sshrl.u32 s12, $0x3;
	[sflag:s3] =	ssyncset.done $0x0  }
0x1f: {  	s11 =	sadd.s32 s15, s11;
	[sflag:s3] =	ssyncadd.s32 $0xFFFEC000  }
0x20: {  	[tilespmem:s2], [sflag:$0x2] =	stream.linear.gather [hbm4b:s11+s2], $0x500, $0x38;
	[tilespmem:$0x14500] =	vst v63  }
0x21: {  	_ =	swait.ge [sflag:s3], $0x500  }
0x22: {  	[sflag:s3] =	ssyncset.done $0x0  }
0x23: {  	[sflag:s3] =	ssyncadd.s32 $0xFFFFFB00  }
0x24: {  	[tilespmem:s6], [sflag:$0x1] =	stream.indirect.gather [hbm4b:s5+s6], $0x40, s2, s6, $0xb8;
	[tilespmem:$0x14500] =	vst v63  }
0x25: {  	_ =	swait.ge [sflag:s7], $0x14000  }
0x26: {  	s12 =	sshll.u32 s12, $0x3;
	[sflag:s7] =	ssyncset.done $0x0  }
0x27: {  	s12 =	sadd.s32 s16, s12;
	[sflag:s7] =	ssyncadd.s32 $0xFFFEC000  }
0x28: {  	[hbm4b:s12+s2] =	stream.linear.scatter [tilespmem:s6], [sflag:$0x2], $0x14000, $0x38;
	[tilespmem:$0x14500] =	vst v63  }
0x29: {  	s17 =	sadd.s32 $0xF00, s13;
	_ =	swait.ge [sflag:s3], $0x14000  }
0x2a: {  	s13 =	sshrl.u32 s17, $0x3;
	[sflag:s3] =	ssyncset.done $0x0  }
0x2b: {  	s14 =	ssub.s32 $0x2, s14;
	s13 =	sadd.s32 s15, s13;
	[sflag:s3] =	ssyncadd.s32 $0xFFFEC000  }
0x2c: {  	[tilespmem:s2], [sflag:$0x2] =	stream.linear.gather [hbm4b:s13+s2], $0x500, $0x38;
	[tilespmem:$0x14500] =	vst v63  }
0x2d: {  	s30 =	sshrl.u32 s14, $0x1;
	_ =	swait.ge [sflag:s3], $0x500  }
0x2e: {  	s15 =	ssub.s32 s14, s30;
	[sflag:s3] =	ssyncset.done $0x0  }
0x2f: {  	s15 =	smax.u32 s15, $0x1;
	[sflag:s3] =	ssyncadd.s32 $0xFFFFFB00  }
0x30: {  	[tilespmem:s6], [sflag:$0x1] =	stream.indirect.gather [hbm4b:s5+s6], $0x40, s2, s6, $0xb8;
	[tilespmem:$0x14500] =	vst v63  }
0x31: {  	p0 =	sne.s32 s15, $0x1;
	_ =	swait.ge [sflag:s7], $0x14000  }
.Ltmp0:
0x32: {  	s31 =	sshll.u32 s17, $0x3;
	[sflag:s7] =	ssyncset.done $0x0;
	(pc) =	sbr.rel @!p0 .LBB2_2-.Ltmp0, $4  }
0x33: {  	s14 =	sadd.s32 s16, s31;
	[sflag:s7] =	ssyncadd.s32 $0xFFFEC000  }
0x34: {  	[hbm4b:s14+s2] =	stream.linear.scatter [tilespmem:s6], [sflag:$0x2], $0x14000, $0x38;
	[tilespmem:$0x14500] =	vst v63  }
0x35: {  	_ =	swait.ge [sflag:s3], $0x14000  }
0x36: {  	s15 =	sadd.s32 $0xFFFFFFFF, s15;
	[sflag:s3] =	ssyncset.done $0x0  }
.LBB2_1:
0x37: {  	p0 =	sne.s32 s15, $0x1;
	s15 =	sadd.s32 $0xFFFFFFFF, s15;
	[sflag:s3] =	ssyncadd.s32 $0xFFFEC000  }
0x38: {  	[tilespmem:s2], [sflag:$0x2] =	stream.linear.gather [hbm4b:s4+s2], $0x500, $0x38;
	[tilespmem:$0x14500] =	vst v63  }
0x39: {  	_ =	swait.ge [sflag:s3], $0x500  }
0x3a: {  	[sflag:s3] =	ssyncset.done $0x0  }
0x3b: {  	[sflag:s3] =	ssyncadd.s32 $0xFFFFFB00  }
0x3c: {  	[tilespmem:s6], [sflag:$0x1] =	stream.indirect.gather [hbm4b:s5+s6], $0x40, s2, s6, $0xb8;
	[tilespmem:$0x14500] =	vst v63  }
0x3d: {  	_ =	swait.ge [sflag:s7], $0x14000  }
0x3e: {  	[sflag:s7] =	ssyncset.done $0x0  }
0x3f: {  	[sflag:s7] =	ssyncadd.s32 $0xFFFEC000  }
0x40: {  	[hbm4b:s8+s2] =	stream.linear.scatter [tilespmem:s6], [sflag:$0x2], $0x14000, $0x38;
	[tilespmem:$0x14500] =	vst v63  }
0x41: {  	_ =	swait.ge [sflag:s3], $0x14000  }
0x42: {  	[sflag:s3] =	ssyncset.done $0x0  }
0x43: {  	[sflag:s3] =	ssyncadd.s32 $0xFFFEC000  }
0x44: {  	[tilespmem:s2], [sflag:$0x2] =	stream.linear.gather [hbm4b:s9+s2], $0x500, $0x38;
	[tilespmem:$0x14500] =	vst v63  }
0x45: {  	_ =	swait.ge [sflag:s3], $0x500  }
0x46: {  	[sflag:s3] =	ssyncset.done $0x0  }
0x47: {  	[sflag:s3] =	ssyncadd.s32 $0xFFFFFB00  }
0x48: {  	[tilespmem:s6], [sflag:$0x1] =	stream.indirect.gather [hbm4b:s5+s6], $0x40, s2, s6, $0xb8;
	[tilespmem:$0x14500] =	vst v63  }
0x49: {  	_ =	swait.ge [sflag:s7], $0x14000  }
0x4a: {  	[sflag:s7] =	ssyncset.done $0x0  }
0x4b: {  	[sflag:s7] =	ssyncadd.s32 $0xFFFEC000  }
0x4c: {  	[hbm4b:s10+s2] =	stream.linear.scatter [tilespmem:s6], [sflag:$0x2], $0x14000, $0x38;
	[tilespmem:$0x14500] =	vst v63  }
0x4d: {  	_ =	swait.ge [sflag:s3], $0x14000  }
0x4e: {  	[sflag:s3] =	ssyncset.done $0x0  }
0x4f: {  	[sflag:s3] =	ssyncadd.s32 $0xFFFEC000  }
0x50: {  	[tilespmem:s2], [sflag:$0x2] =	stream.linear.gather [hbm4b:s11+s2], $0x500, $0x38;
	[tilespmem:$0x14500] =	vst v63  }
0x51: {  	_ =	swait.ge [sflag:s3], $0x500  }
0x52: {  	[sflag:s3] =	ssyncset.done $0x0  }
0x53: {  	[sflag:s3] =	ssyncadd.s32 $0xFFFFFB00  }
0x54: {  	[tilespmem:s6], [sflag:$0x1] =	stream.indirect.gather [hbm4b:s5+s6], $0x40, s2, s6, $0xb8;
	[tilespmem:$0x14500] =	vst v63  }
0x55: {  	_ =	swait.ge [sflag:s7], $0x14000  }
0x56: {  	[sflag:s7] =	ssyncset.done $0x0  }
0x57: {  	[sflag:s7] =	ssyncadd.s32 $0xFFFEC000  }
0x58: {  	[hbm4b:s12+s2] =	stream.linear.scatter [tilespmem:s6], [sflag:$0x2], $0x14000, $0x38;
	[tilespmem:$0x14500] =	vst v63  }
0x59: {  	_ =	swait.ge [sflag:s3], $0x14000  }
0x5a: {  	[sflag:s3] =	ssyncset.done $0x0  }
0x5b: {  	[sflag:s3] =	ssyncadd.s32 $0xFFFEC000  }
0x5c: {  	[tilespmem:s2], [sflag:$0x2] =	stream.linear.gather [hbm4b:s13+s2], $0x500, $0x38;
	[tilespmem:$0x14500] =	vst v63  }
0x5d: {  	_ =	swait.ge [sflag:s3], $0x500  }
0x5e: {  	[sflag:s3] =	ssyncset.done $0x0  }
0x5f: {  	[sflag:s3] =	ssyncadd.s32 $0xFFFFFB00  }
0x60: {  	[tilespmem:s6], [sflag:$0x1] =	stream.indirect.gather [hbm4b:s5+s6], $0x40, s2, s6, $0xb8;
	[tilespmem:$0x14500] =	vst v63  }
0x61: {  	_ =	swait.ge [sflag:s7], $0x14000  }
.Ltmp1:
0x62: {  	[sflag:s7] =	ssyncset.done $0x0;
	(pc) =	sbr.rel @p0 .LBB2_1-.Ltmp1, $4  }
0x63: {  	[sflag:s7] =	ssyncadd.s32 $0xFFFEC000  }
0x64: {  	[hbm4b:s14+s2] =	stream.linear.scatter [tilespmem:s6], [sflag:$0x2], $0x14000, $0x38;
	[tilespmem:$0x14500] =	vst v63  }
0x65: {  	_ =	swait.ge [sflag:s3], $0x14000  }
0x66: {  	[sflag:s3] =	ssyncset.done $0x0  }
.LBB2_2:
0x67: {  	[sflag:s3] =	ssyncadd.s32 $0xFFFEC000  }
0x68: {  	_ =	sfence.sel $0x180000  }
0x69: {  	[bflag:$0x0] =	sbarrier.arrive $0xFFFF  }
0x6a: {  	p0 =	sne.s32 s0, $0x0;
	_ =	strace $0x9000004D  }
0x6b: {  	s0 =	sadd.s32 @!p0 $0x100000, s1;
	[bflag:$0x2] =	sbarrier.arrive $0xFFFF  }
0x6c: {  	[sflag:s0] =	ssyncadd.tile.s32 @!p0 $0x1;
	_ =	shalt  }
.Lfunc_end2:
_tile_overlayer_lowered:
.L_overlay_start_2:
0x6d: {  	(tag) =	ssettag $0x2  }
0x6e: {  	s0 =	rddreg [dreg:$0x0];
	s2 =	stileid.u32  }
0x6f: {  	s1 =	rddreg [dreg:$0x1];
	p0 =	sne.s32 s2, $0x0  }
0x70: {  	s3 =	rddreg [dreg:$0x2];
	[bflag:$0x3] =	sbarrier.arrive $0xFFFF;
	s2 =	simm.s32 @!p0 $0x1C02  }
0x71: {  	[timem:s3], [sflag:s2] =	dma.local @!p0 [hbm:s0], s1  }
0x72: {  	s0 =	simm.s32 @!p0 $0x2  }
0x73: {  	_ =	swait.ge @!p0 [sflag:s0], s1  }
0x74: {  	s1 =	ssub.s32 @!p0 $0x0, s1;
	[sflag:s0] =	ssyncset.done @!p0 $0x0  }
0x75: {  	[sflag:s0] =	ssyncadd.s32 @!p0 s1  }
0x76: {  	[bflag:$0x3] =	sbarrier.arrive $0xFFFF  }
0x77: {  	_ =	shalt  }

</sc_bundles>
